<compile_context>
chip_gen: v7x
topology: tpu7x:2x2x1
jax: 0.10.2.dev20260603
libtpu: 0.0.44.dev20260713+nightly
codegen_flags: <defaults>
</compile_context>

<pallas_src>
import functools

import jax
import jax.numpy as jnp
import numpy as np
from jax import lax
from jax.experimental import pallas as pl
from jax.experimental.pallas import tpu as pltpu
from jax.experimental.pallas import tpu_sc as plsc

NUM_BUCKETS = 32
MAX_DISTANCE = 128


def _bucket_ids(q_len, shape, iota_dim):
    t = lax.broadcasted_iota(jnp.int32, shape, iota_dim)
    n = (q_len - 1) - t
    num_buckets = NUM_BUCKETS // 2
    ret = jnp.where(n < 0, num_buckets, 0).astype(jnp.int32)
    n = jnp.abs(n)
    max_exact = num_buckets // 2
    is_small = n < max_exact
    val_if_large = max_exact + (
        jnp.log(n.astype(jnp.float32) / max_exact)
        / np.log(MAX_DISTANCE / max_exact)
        * (num_buckets - max_exact)
    ).astype(jnp.int32)
    val_if_large = jnp.minimum(val_if_large, num_buckets - 1)
    return ret + jnp.where(is_small, n, val_if_large)


def _table8_body(q_len, tw, dim, embT_ref, out_ref, full_ref):
    fw = full_ref.shape[1]
    bucket = _bucket_ids(q_len, (dim, fw), 1)
    acc = jnp.zeros((dim, fw), jnp.float32)
    for b in range(NUM_BUCKETS):
        acc = jnp.where(bucket == b, embT_ref[:, b : b + 1], acc)
    full_ref[...] = acc
    for rho in range(8):
        out_ref[rho] = full_ref[:, rho : rho + tw]


def _table8_call(embT, q_len, tw, dim):
    return pl.pallas_call(
        functools.partial(_table8_body, q_len, tw, dim),
        out_shape=jax.ShapeDtypeStruct((8, dim, tw), jnp.float32),
        scratch_shapes=[pltpu.VMEM((dim, tw + 128), jnp.float32)],
    )(embT)


def _sc_call(table8, q_len, v_len, dim):
    info = plsc.get_sparse_core_info()
    nw = info.num_cores * info.num_subcores
    rows_per_w = q_len // nw
    ntr = dim // 8
    ntc = v_len // 128

    span = v_len + 8 * rows_per_w

    @functools.partial(
        pl.kernel,
        out_type=jax.ShapeDtypeStruct((q_len, ntr, ntc, 8, 128), jnp.float32),
        mesh=plsc.VectorSubcoreMesh(core_axis_name="c", subcore_axis_name="s"),
        scratch_types=[
            pltpu.VMEM((dim, span), jnp.float32),
            pltpu.SemaphoreType.DMA,
        ],
        compiler_params=pltpu.CompilerParams(use_tc_tiling_on_sc=False),
    )
    def body(tbl_hbm, out_hbm, t2, sem):
        wid = lax.axis_index("s") * info.num_cores + lax.axis_index("c")
        r0 = wid % 8
        blk = wid // 8
        rho = (q_len - 1 - r0) % 8
        i_last = r0 + 8 * (blk * rows_per_w + rows_per_w - 1)
        cb_min = pl.multiple_of(((q_len - 1) - i_last) - rho, 8)
        pltpu.sync_copy(tbl_hbm.at[rho, :, pl.ds(cb_min, span)], t2)

        rg = 2

        def rowgrp(g, carry):
            handles = []
            for rr in range(rg):
                i = r0 + 8 * (blk * rows_per_w + g * rg + rr)
                s = (q_len - 1) - i
                cb = pl.multiple_of(s - rho - cb_min, 8)
                for tr in range(ntr):
                    for tc in range(ntc):
                        handles.append(pltpu.async_copy(
                            t2.at[pl.ds(tr * 8, 8), pl.ds(cb + tc * 128, 128)],
                            out_hbm.at[i, tr, tc],
                            sem,
                        ))
            for h in handles:
                h.wait()
            return carry

        lax.fori_loop(0, rows_per_w // rg, rowgrp, 0)

    return body(table8)


def kernel(q, v, embeddings):
    q_len = q.shape[1]
    v_len = v.shape[1]
    dim = embeddings.shape[1]
    tw = -(-(q_len + v_len) // 128) * 128 + 128
    table8 = _table8_call(embeddings.T, q_len, tw, dim)
    out5 = _sc_call(table8, q_len, v_len, dim)
    res = out5.transpose(0, 1, 3, 2, 4).reshape(q_len, dim, v_len)
    return res.transpose(0, 2, 1)

# --- scband reference (transcript-rebuilt; emitter-appended) ---
"""Pipeline reference for scband-relative-position-embedding-t5-6141803233462 (READ-ONLY COPY).

The authoritative reference and input builder live on the scoring server;
editing this copy changes nothing except your own understanding.
"""

import jax, jax.numpy as jnp
import numpy as np

NUM_BUCKETS = 32
OUTPUT_DIM = 16
MAX_DISTANCE = 128
BIDIRECTIONAL = True


def setup_inputs(seed: int = 0) -> dict:
    key = jax.random.key(seed)
    k1, k2, k3 = jax.random.split(key, 3)
    q = jax.random.normal(k1, (2, 2048, 1024), dtype=jnp.float32)
    v = jax.random.normal(k2, (2, 2048, 1024), dtype=jnp.float32)
    embeddings = jax.random.normal(k3, (NUM_BUCKETS, OUTPUT_DIM), dtype=jnp.float32) * 0.02
    return {"q": q, "v": v, "embeddings": embeddings}


def _compute_position_ids(q_len, v_len):
    # T5 relative position bucketing (faithful translation of the Keras layer)
    q_idxs = jnp.arange(0, q_len, dtype=jnp.int32)[:, None]
    v_idxs = jnp.arange(0, v_len, dtype=jnp.int32)[None, :]
    pos_ids = v_idxs - q_idxs
    num_buckets = NUM_BUCKETS
    max_distance = MAX_DISTANCE
    ret = jnp.zeros_like(pos_ids)
    n = -pos_ids
    if BIDIRECTIONAL:
        num_buckets //= 2
        ret = ret + (n < 0).astype(jnp.int32) * num_buckets
        n = jnp.abs(n)
    else:
        n = jnp.maximum(n, 0)
    max_exact = num_buckets // 2
    is_small = n < max_exact
    val_if_large = max_exact + (
        jnp.log(n.astype(jnp.float32) / max_exact)
        / np.log(max_distance / max_exact)
        * (num_buckets - max_exact)
    ).astype(jnp.int32)
    val_if_large = jnp.minimum(val_if_large, num_buckets - 1)
    ret = ret + jnp.where(is_small, n, val_if_large)
    return ret


def reference(q, v, embeddings):
    pos_ids = _compute_position_ids(q.shape[1], v.shape[1])
    return jnp.take(embeddings, pos_ids.astype(jnp.int32), axis=0)

if __name__ == "__main__":
    import jax
    _d = setup_inputs()
    print(jax.jit(kernel)(*tuple(_d.values())))

</pallas_src>

<mosaic_0001>
#map = affine_map<(d0, d1) -> (0, 0, 0)>
#map1 = affine_map<(d0, d1) -> (0, 0, 0, 0, 0)>
module attributes {stable_mosaic.version = 14 : i64} {
  func.func @body(%arg0: i32, %arg1: i32, %arg2: memref<8x16x4224xf32, #tpu.memory_space<hbm>>, %arg3: memref<2048x2x16x8x128xf32, #tpu.memory_space<hbm>>, %arg4: memref<16x2560xf32, #tpu.memory_space<vmem>>, %arg5: memref<!tpu.dma_semaphore, #tpu.memory_space<semaphore_mem>>) attributes {dimension_semantics = [#tpu.dimension_semantics<core_parallel>, #tpu.dimension_semantics<subcore_parallel>], iteration_bounds = array<i64: 2, 16>, scalar_prefetch = 0 : i64, scratch_operands = 2 : i64, tpu.core_type = #tpu.core_type<sc_vector_subcore>, window_params = [{transform_indices = #map}, {transform_indices = #map1}]} {
    %mul3A = arith.constant 2 : i32
    %mul3A_0 = arith.muli %arg1, %mul3A : i32
    %add3A = arith.addi %mul3A_0, %arg0 : i32
    %jit3A = arith.constant 8 : i32
    %eq3A = arith.constant 0 : i32
    %eq3A_1 = arith.cmpi eq, %jit3A, %eq3A : i32
    %jit3A_2 = arith.constant 1 : i32
    %select_n3A = arith.select %eq3A_1, %jit3A_2, %jit3A : i32
    %rem3A = arith.remsi %add3A, %select_n3A : i32
    %ne3A = arith.constant 0 : i32
    %ne3A_3 = arith.cmpi ne, %rem3A, %ne3A : i32
    %lt3A = arith.constant 0 : i32
    %lt3A_4 = arith.cmpi slt, %rem3A, %lt3A : i32
    %lt3A_5 = arith.constant 0 : i32
    %lt3A_6 = arith.cmpi slt, %select_n3A, %lt3A_5 : i32
    %ne3A_7 = arith.xori %lt3A_4, %lt3A_6 : i1
    %and3A = arith.andi %ne3A_7, %ne3A_3 : i1
    %add3A_8 = arith.addi %rem3A, %select_n3A : i32
    %select_n3A_9 = arith.select %and3A, %add3A_8, %rem3A : i32
    %jit3A_10 = arith.constant 8 : i32
    %div3A = arith.divsi %add3A, %jit3A_10 : i32
    %sign3A = arith.constant 0 : i32
    %sign3A_11 = arith.cmpi sgt, %add3A, %sign3A : i32
    %sign3A_12 = arith.extui %sign3A_11 : i1 to i32
    %sign3A_13 = arith.constant 0 : i32
    %sign3A_14 = arith.cmpi slt, %add3A, %sign3A_13 : i32
    %sign3A_15 = arith.extui %sign3A_14 : i1 to i32
    %sign3A_16 = arith.subi %sign3A_12, %sign3A_15 : i32
    %sign3A_17 = arith.constant 0 : i32
    %sign3A_18 = arith.cmpi sgt, %jit3A_10, %sign3A_17 : i32
    %sign3A_19 = arith.extui %sign3A_18 : i1 to i32
    %sign3A_20 = arith.constant 0 : i32
    %sign3A_21 = arith.cmpi slt, %jit3A_10, %sign3A_20 : i32
    %sign3A_22 = arith.extui %sign3A_21 : i1 to i32
    %sign3A_23 = arith.subi %sign3A_19, %sign3A_22 : i32
    %ne3A_24 = arith.cmpi ne, %sign3A_16, %sign3A_23 : i32
    %rem3A_25 = arith.remsi %add3A, %jit3A_10 : i32
    %ne3A_26 = arith.constant 0 : i32
    %ne3A_27 = arith.cmpi ne, %rem3A_25, %ne3A_26 : i32
    %and3A_28 = arith.andi %ne3A_24, %ne3A_27 : i1
    %sub3A = arith.constant 1 : i32
    %sub3A_29 = arith.subi %div3A, %sub3A : i32
    %select_n3A_30 = arith.select %and3A_28, %sub3A_29, %div3A : i32
    %sub3A_31 = arith.constant 2047 : i32
    %sub3A_32 = arith.subi %sub3A_31, %select_n3A_9 : i32
    %jit3A_33 = arith.constant 8 : i32
    %eq3A_34 = arith.constant 0 : i32
    %eq3A_35 = arith.cmpi eq, %jit3A_33, %eq3A_34 : i32
    %jit3A_36 = arith.constant 1 : i32
    %select_n3A_37 = arith.select %eq3A_35, %jit3A_36, %jit3A_33 : i32
    %rem3A_38 = arith.remsi %sub3A_32, %select_n3A_37 : i32
    %ne3A_39 = arith.constant 0 : i32
    %ne3A_40 = arith.cmpi ne, %rem3A_38, %ne3A_39 : i32
    %lt3A_41 = arith.constant 0 : i32
    %lt3A_42 = arith.cmpi slt, %rem3A_38, %lt3A_41 : i32
    %lt3A_43 = arith.constant 0 : i32
    %lt3A_44 = arith.cmpi slt, %select_n3A_37, %lt3A_43 : i32
    %ne3A_45 = arith.xori %lt3A_42, %lt3A_44 : i1
    %and3A_46 = arith.andi %ne3A_45, %ne3A_40 : i1
    %add3A_47 = arith.addi %rem3A_38, %select_n3A_37 : i32
    %select_n3A_48 = arith.select %and3A_46, %add3A_47, %rem3A_38 : i32
    %mul3A_49 = arith.constant 64 : i32
    %mul3A_50 = arith.muli %select_n3A_30, %mul3A_49 : i32
    %add3A_51 = arith.constant 64 : i32
    %add3A_52 = arith.addi %mul3A_50, %add3A_51 : i32
    %sub3A_53 = arith.constant 1 : i32
    %sub3A_54 = arith.subi %add3A_52, %sub3A_53 : i32
    %mul3A_55 = arith.constant 8 : i32
    %mul3A_56 = arith.muli %mul3A_55, %sub3A_54 : i32
    %add3A_57 = arith.addi %select_n3A_9, %mul3A_56 : i32
    %sub3A_58 = arith.constant 2047 : i32
    %sub3A_59 = arith.subi %sub3A_58, %add3A_57 : i32
    %sub3A_60 = arith.subi %sub3A_59, %select_n3A_48 : i32
    %multiple_of3A = tpu.assume_multiple %sub3A_60, 8 : i32
    "tpu.region"() ({
      %run_scoped3A = tpu.sem_alloc : memref<!tpu.dma_semaphore, #tpu.memory_space<semaphore_mem>>
      %dma_start3A = arith.constant 0 : i32
      %dma_start3A_66 = tpu.memref_slice %arg2[%select_n3A_48, %dma_start3A, %multiple_of3A] : memref<8x16x4224xf32, #tpu.memory_space<hbm>> -> memref<1x16x2560xf32, #tpu.memory_space<hbm>>
      %dma_start3A_67 = tpu.memref_squeeze %dma_start3A_66 : memref<1x16x2560xf32, #tpu.memory_space<hbm>> -> memref<16x2560xf32, #tpu.memory_space<hbm>>
      %dma_start3A_68 = arith.constant 0 : i32
      %dma_start3A_69 = tpu.memref_slice %arg2[%select_n3A_48, %dma_start3A_68, %multiple_of3A] : memref<8x16x4224xf32, #tpu.memory_space<hbm>> -> memref<1x16x2560xf32, #tpu.memory_space<hbm>>
      %dma_start3A_70 = tpu.memref_squeeze %dma_start3A_69 : memref<1x16x2560xf32, #tpu.memory_space<hbm>> -> memref<16x2560xf32, #tpu.memory_space<hbm>>
      tpu.enqueue_dma source(%dma_start3A_70 : memref<16x2560xf32, #tpu.memory_space<hbm>>) target(%arg4 : memref<16x2560xf32, #tpu.memory_space<vmem>>) target_semaphore(%run_scoped3A : memref<!tpu.dma_semaphore, #tpu.memory_space<semaphore_mem>>)
      %dma_wait3A = arith.constant 0 : i32
      %dma_wait3A_71 = tpu.memref_slice %arg2[%select_n3A_48, %dma_wait3A, %multiple_of3A] : memref<8x16x4224xf32, #tpu.memory_space<hbm>> -> memref<1x16x2560xf32, #tpu.memory_space<hbm>>
      %dma_wait3A_72 = tpu.memref_squeeze %dma_wait3A_71 : memref<1x16x2560xf32, #tpu.memory_space<hbm>> -> memref<16x2560xf32, #tpu.memory_space<hbm>>
      %dma_wait3A_73 = arith.constant 0 : i32
      %dma_wait3A_74 = tpu.memref_slice %arg2[%select_n3A_48, %dma_wait3A_73, %multiple_of3A] : memref<8x16x4224xf32, #tpu.memory_space<hbm>> -> memref<1x16x2560xf32, #tpu.memory_space<hbm>>
      %dma_wait3A_75 = tpu.memref_squeeze %dma_wait3A_74 : memref<1x16x2560xf32, #tpu.memory_space<hbm>> -> memref<16x2560xf32, #tpu.memory_space<hbm>>
      tpu.wait_dma2 semaphore(%run_scoped3A : memref<!tpu.dma_semaphore, #tpu.memory_space<semaphore_mem>>) src(%dma_wait3A_75 : memref<16x2560xf32, #tpu.memory_space<hbm>>) dst(%arg4 : memref<16x2560xf32, #tpu.memory_space<vmem>>)
      tpu.yield
    }) : () -> ()
    %scan3A = arith.constant 0 : i32
    %scan3A_61 = arith.constant 0 : i32
    %scan3A_62 = arith.constant 32 : i32
    %scan3A_63 = arith.addi %scan3A_61, %scan3A_62 : i32
    %scan3A_64 = arith.constant 1 : i32
    scf.for %scan3A_66 = %scan3A_61 to %scan3A_63 step %scan3A_64  : i32 {
      %mul3A_67 = arith.constant 64 : i32
      %mul3A_68 = arith.muli %select_n3A_30, %mul3A_67 : i32
      %mul3A_69 = arith.constant 2 : i32
      %mul3A_70 = arith.muli %scan3A_66, %mul3A_69 : i32
      %add3A_71 = arith.addi %mul3A_68, %mul3A_70 : i32
      %add3A_72 = arith.constant 0 : i32
      %add3A_73 = arith.addi %add3A_71, %add3A_72 : i32
      %mul3A_74 = arith.constant 8 : i32
      %mul3A_75 = arith.muli %mul3A_74, %add3A_73 : i32
      %add3A_76 = arith.addi %select_n3A_9, %mul3A_75 : i32
      %sub3A_77 = arith.constant 2047 : i32
      %sub3A_78 = arith.subi %sub3A_77, %add3A_76 : i32
      %sub3A_79 = arith.subi %sub3A_78, %select_n3A_48 : i32
      %sub3A_80 = arith.subi %sub3A_79, %multiple_of3A : i32
      %multiple_of3A_81 = tpu.assume_multiple %sub3A_80, 8 : i32
      %add3A_82 = arith.constant 0 : i32
      %add3A_83 = arith.addi %multiple_of3A_81, %add3A_82 : i32
      %dma_start3A = arith.constant 0 : i32
      %dma_start3A_84 = arith.constant 0 : i32
      %dma_start3A_85 = arith.constant 0 : i32
      %dma_start3A_86 = tpu.memref_slice %arg4[%dma_start3A_85, %add3A_83] : memref<16x2560xf32, #tpu.memory_space<vmem>> -> memref<8x128xf32, #tpu.memory_space<vmem>>
      %dma_start3A_87 = arith.constant 0 : i32
      %dma_start3A_88 = arith.constant 0 : i32
      %dma_start3A_89 = tpu.memref_slice %arg3[%add3A_76, %dma_start3A, %dma_start3A_84, %dma_start3A_87, %dma_start3A_88] : memref<2048x2x16x8x128xf32, #tpu.memory_space<hbm>> -> memref<1x1x1x8x128xf32, #tpu.memory_space<hbm>>
      %dma_start3A_90 = tpu.memref_squeeze %dma_start3A_89 : memref<1x1x1x8x128xf32, #tpu.memory_space<hbm>> -> memref<8x128xf32, #tpu.memory_space<hbm>>
      %dma_start3A_91 = arith.constant 0 : i32
      %dma_start3A_92 = arith.constant 0 : i32
      %dma_start3A_93 = tpu.memref_slice %arg3[%add3A_76, %dma_start3A, %dma_start3A_84, %dma_start3A_91, %dma_start3A_92] : memref<2048x2x16x8x128xf32, #tpu.memory_space<hbm>> -> memref<1x1x1x8x128xf32, #tpu.memory_space<hbm>>
      %dma_start3A_94 = tpu.memref_squeeze %dma_start3A_93 : memref<1x1x1x8x128xf32, #tpu.memory_space<hbm>> -> memref<8x128xf32, #tpu.memory_space<hbm>>
      %dma_start3A_95 = arith.constant 0 : i32
      %dma_start3A_96 = tpu.memref_slice %arg4[%dma_start3A_95, %add3A_83] : memref<16x2560xf32, #tpu.memory_space<vmem>> -> memref<8x128xf32, #tpu.memory_space<vmem>>
      tpu.enqueue_dma source(%dma_start3A_96 : memref<8x128xf32, #tpu.memory_space<vmem>>) target(%dma_start3A_94 : memref<8x128xf32, #tpu.memory_space<hbm>>) target_semaphore(%arg5 : memref<!tpu.dma_semaphore, #tpu.memory_space<semaphore_mem>>)
      %add3A_97 = arith.constant 128 : i32
      %add3A_98 = arith.addi %multiple_of3A_81, %add3A_97 : i32
      %dma_start3A_99 = arith.constant 0 : i32
      %dma_start3A_100 = arith.constant 1 : i32
      %dma_start3A_101 = arith.constant 0 : i32
      %dma_start3A_102 = tpu.memref_slice %arg4[%dma_start3A_101, %add3A_98] : memref<16x2560xf32, #tpu.memory_space<vmem>> -> memref<8x128xf32, #tpu.memory_space<vmem>>
      %dma_start3A_103 = arith.constant 0 : i32
      %dma_start3A_104 = arith.constant 0 : i32
      %dma_start3A_105 = tpu.memref_slice %arg3[%add3A_76, %dma_start3A_99, %dma_start3A_100, %dma_start3A_103, %dma_start3A_104] : memref<2048x2x16x8x128xf32, #tpu.memory_space<hbm>> -> memref<1x1x1x8x128xf32, #tpu.memory_space<hbm>>
      %dma_start3A_106 = tpu.memref_squeeze %dma_start3A_105 : memref<1x1x1x8x128xf32, #tpu.memory_space<hbm>> -> memref<8x128xf32, #tpu.memory_space<hbm>>
      %dma_start3A_107 = arith.constant 0 : i32
      %dma_start3A_108 = arith.constant 0 : i32
      %dma_start3A_109 = tpu.memref_slice %arg3[%add3A_76, %dma_start3A_99, %dma_start3A_100, %dma_start3A_107, %dma_start3A_108] : memref<2048x2x16x8x128xf32, #tpu.memory_space<hbm>> -> memref<1x1x1x8x128xf32, #tpu.memory_space<hbm>>
      %dma_start3A_110 = tpu.memref_squeeze %dma_start3A_109 : memref<1x1x1x8x128xf32, #tpu.memory_space<hbm>> -> memref<8x128xf32, #tpu.memory_space<hbm>>
      %dma_start3A_111 = arith.constant 0 : i32
      %dma_start3A_112 = tpu.memref_slice %arg4[%dma_start3A_111, %add3A_98] : memref<16x2560xf32, #tpu.memory_space<vmem>> -> memref<8x128xf32, #tpu.memory_space<vmem>>
      tpu.enqueue_dma source(%dma_start3A_112 : memref<8x128xf32, #tpu.memory_space<vmem>>) target(%dma_start3A_110 : memref<8x128xf32, #tpu.memory_space<hbm>>) target_semaphore(%arg5 : memref<!tpu.dma_semaphore, #tpu.memory_space<semaphore_mem>>)
      %add3A_113 = arith.constant 256 : i32
      %add3A_114 = arith.addi %multiple_of3A_81, %add3A_113 : i32
      %dma_start3A_115 = arith.constant 0 : i32
      %dma_start3A_116 = arith.constant 2 : i32
      %dma_start3A_117 = arith.constant 0 : i32
      %dma_start3A_118 = tpu.memref_slice %arg4[%dma_start3A_117, %add3A_114] : memref<16x2560xf32, #tpu.memory_space<vmem>> -> memref<8x128xf32, #tpu.memory_space<vmem>>
      %dma_start3A_119 = arith.constant 0 : i32
      %dma_start3A_120 = arith.constant 0 : i32
      %dma_start3A_121 = tpu.memref_slice %arg3[%add3A_76, %dma_start3A_115, %dma_start3A_116, %dma_start3A_119, %dma_start3A_120] : memref<2048x2x16x8x128xf32, #tpu.memory_space<hbm>> -> memref<1x1x1x8x128xf32, #tpu.memory_space<hbm>>
      %dma_start3A_122 = tpu.memref_squeeze %dma_start3A_121 : memref<1x1x1x8x128xf32, #tpu.memory_space<hbm>> -> memref<8x128xf32, #tpu.memory_space<hbm>>
      %dma_start3A_123 = arith.constant 0 : i32
      %dma_start3A_124 = arith.constant 0 : i32
      %dma_start3A_125 = tpu.memref_slice %arg3[%add3A_76, %dma_start3A_115, %dma_start3A_116, %dma_start3A_123, %dma_start3A_124] : memref<2048x2x16x8x128xf32, #tpu.memory_space<hbm>> -> memref<1x1x1x8x128xf32, #tpu.memory_space<hbm>>
      %dma_start3A_126 = tpu.memref_squeeze %dma_start3A_125 : memref<1x1x1x8x128xf32, #tpu.memory_space<hbm>> -> memref<8x128xf32, #tpu.memory_space<hbm>>
      %dma_start3A_127 = arith.constant 0 : i32
      %dma_start3A_128 = tpu.memref_slice %arg4[%dma_start3A_127, %add3A_114] : memref<16x2560xf32, #tpu.memory_space<vmem>> -> memref<8x128xf32, #tpu.memory_space<vmem>>
      tpu.enqueue_dma source(%dma_start3A_128 : memref<8x128xf32, #tpu.memory_space<vmem>>) target(%dma_start3A_126 : memref<8x128xf32, #tpu.memory_space<hbm>>) target_semaphore(%arg5 : memref<!tpu.dma_semaphore, #tpu.memory_space<semaphore_mem>>)
      %add3A_129 = arith.constant 384 : i32
      %add3A_130 = arith.addi %multiple_of3A_81, %add3A_129 : i32
      %dma_start3A_131 = arith.constant 0 : i32
      %dma_start3A_132 = arith.constant 3 : i32
      %dma_start3A_133 = arith.constant 0 : i32
      %dma_start3A_134 = tpu.memref_slice %arg4[%dma_start3A_133, %add3A_130] : memref<16x2560xf32, #tpu.memory_space<vmem>> -> memref<8x128xf32, #tpu.memory_space<vmem>>
      %dma_start3A_135 = arith.constant 0 : i32
      %dma_start3A_136 = arith.constant 0 : i32
      %dma_start3A_137 = tpu.memref_slice %arg3[%add3A_76, %dma_start3A_131, %dma_start3A_132, %dma_start3A_135, %dma_start3A_136] : memref<2048x2x16x8x128xf32, #tpu.memory_space<hbm>> -> memref<1x1x1x8x128xf32, #tpu.memory_space<hbm>>
      %dma_start3A_138 = tpu.memref_squeeze %dma_start3A_137 : memref<1x1x1x8x128xf32, #tpu.memory_space<hbm>> -> memref<8x128xf32, #tpu.memory_space<hbm>>
      %dma_start3A_139 = arith.constant 0 : i32
      %dma_start3A_140 = arith.constant 0 : i32
      %dma_start3A_141 = tpu.memref_slice %arg3[%add3A_76, %dma_start3A_131, %dma_start3A_132, %dma_start3A_139, %dma_start3A_140] : memref<2048x2x16x8x128xf32, #tpu.memory_space<hbm>> -> memref<1x1x1x8x128xf32, #tpu.memory_space<hbm>>
      %dma_start3A_142 = tpu.memref_squeeze %dma_start3A_141 : memref<1x1x1x8x128xf32, #tpu.memory_space<hbm>> -> memref<8x128xf32, #tpu.memory_space<hbm>>
      %dma_start3A_143 = arith.constant 0 : i32
      %dma_start3A_144 = tpu.memref_slice %arg4[%dma_start3A_143, %add3A_130] : memref<16x2560xf32, #tpu.memory_space<vmem>> -> memref<8x128xf32, #tpu.memory_space<vmem>>
      tpu.enqueue_dma source(%dma_start3A_144 : memref<8x128xf32, #tpu.memory_space<vmem>>) target(%dma_start3A_142 : memref<8x128xf32, #tpu.memory_space<hbm>>) target_semaphore(%arg5 : memref<!tpu.dma_semaphore, #tpu.memory_space<semaphore_mem>>)
      %add3A_145 = arith.constant 512 : i32
      %add3A_146 = arith.addi %multiple_of3A_81, %add3A_145 : i32
      %dma_start3A_147 = arith.constant 0 : i32
      %dma_start3A_148 = arith.constant 4 : i32
      %dma_start3A_149 = arith.constant 0 : i32
      %dma_start3A_150 = tpu.memref_slice %arg4[%dma_start3A_149, %add3A_146] : memref<16x2560xf32, #tpu.memory_space<vmem>> -> memref<8x128xf32, #tpu.memory_space<vmem>>
      %dma_start3A_151 = arith.constant 0 : i32
      %dma_start3A_152 = arith.constant 0 : i32
      %dma_start3A_153 = tpu.memref_slice %arg3[%add3A_76, %dma_start3A_147, %dma_start3A_148, %dma_start3A_151, %dma_start3A_152] : memref<2048x2x16x8x128xf32, #tpu.memory_space<hbm>> -> memref<1x1x1x8x128xf32, #tpu.memory_space<hbm>>
      %dma_start3A_154 = tpu.memref_squeeze %dma_start3A_153 : memref<1x1x1x8x128xf32, #tpu.memory_space<hbm>> -> memref<8x128xf32, #tpu.memory_space<hbm>>
      %dma_start3A_155 = arith.constant 0 : i32
      %dma_start3A_156 = arith.constant 0 : i32
      %dma_start3A_157 = tpu.memref_slice %arg3[%add3A_76, %dma_start3A_147, %dma_start3A_148, %dma_start3A_155, %dma_start3A_156] : memref<2048x2x16x8x128xf32, #tpu.memory_space<hbm>> -> memref<1x1x1x8x128xf32, #tpu.memory_space<hbm>>
      %dma_start3A_158 = tpu.memref_squeeze %dma_start3A_157 : memref<1x1x1x8x128xf32, #tpu.memory_space<hbm>> -> memref<8x128xf32, #tpu.memory_space<hbm>>
      %dma_start3A_159 = arith.constant 0 : i32
      %dma_start3A_160 = tpu.memref_slice %arg4[%dma_start3A_159, %add3A_146] : memref<16x2560xf32, #tpu.memory_space<vmem>> -> memref<8x128xf32, #tpu.memory_space<vmem>>
      tpu.enqueue_dma source(%dma_start3A_160 : memref<8x128xf32, #tpu.memory_space<vmem>>) target(%dma_start3A_158 : memref<8x128xf32, #tpu.memory_space<hbm>>) target_semaphore(%arg5 : memref<!tpu.dma_semaphore, #tpu.memory_space<semaphore_mem>>)
      %add3A_161 = arith.constant 640 : i32
      %add3A_162 = arith.addi %multiple_of3A_81, %add3A_161 : i32
      %dma_start3A_163 = arith.constant 0 : i32
      %dma_start3A_164 = arith.constant 5 : i32
      %dma_start3A_165 = arith.constant 0 : i32
      %dma_start3A_166 = tpu.memref_slice %arg4[%dma_start3A_165, %add3A_162] : memref<16x2560xf32, #tpu.memory_space<vmem>> -> memref<8x128xf32, #tpu.memory_space<vmem>>
      %dma_start3A_167 = arith.constant 0 : i32
      %dma_start3A_168 = arith.constant 0 : i32
      %dma_start3A_169 = tpu.memref_slice %arg3[%add3A_76, %dma_start3A_163, %dma_start3A_164, %dma_start3A_167, %dma_start3A_168] : memref<2048x2x16x8x128xf32, #tpu.memory_space<hbm>> -> memref<1x1x1x8x128xf32, #tpu.memory_space<hbm>>
      %dma_start3A_170 = tpu.memref_squeeze %dma_start3A_169 : memref<1x1x1x8x128xf32, #tpu.memory_space<hbm>> -> memref<8x128xf32, #tpu.memory_space<hbm>>
      %dma_start3A_171 = arith.constant 0 : i32
      %dma_start3A_172 = arith.constant 0 : i32
      %dma_start3A_173 = tpu.memref_slice %arg3[%add3A_76, %dma_start3A_163, %dma_start3A_164, %dma_start3A_171, %dma_start3A_172] : memref<2048x2x16x8x128xf32, #tpu.memory_space<hbm>> -> memref<1x1x1x8x128xf32, #tpu.memory_space<hbm>>
      %dma_start3A_174 = tpu.memref_squeeze %dma_start3A_173 : memref<1x1x1x8x128xf32, #tpu.memory_space<hbm>> -> memref<8x128xf32, #tpu.memory_space<hbm>>
      %dma_start3A_175 = arith.constant 0 : i32
      %dma_start3A_176 = tpu.memref_slice %arg4[%dma_start3A_175, %add3A_162] : memref<16x2560xf32, #tpu.memory_space<vmem>> -> memref<8x128xf32, #tpu.memory_space<vmem>>
      tpu.enqueue_dma source(%dma_start3A_176 : memref<8x128xf32, #tpu.memory_space<vmem>>) target(%dma_start3A_174 : memref<8x128xf32, #tpu.memory_space<hbm>>) target_semaphore(%arg5 : memref<!tpu.dma_semaphore, #tpu.memory_space<semaphore_mem>>)
      %add3A_177 = arith.constant 768 : i32
      %add3A_178 = arith.addi %multiple_of3A_81, %add3A_177 : i32
      %dma_start3A_179 = arith.constant 0 : i32
      %dma_start3A_180 = arith.constant 6 : i32
      %dma_start3A_181 = arith.constant 0 : i32
      %dma_start3A_182 = tpu.memref_slice %arg4[%dma_start3A_181, %add3A_178] : memref<16x2560xf32, #tpu.memory_space<vmem>> -> memref<8x128xf32, #tpu.memory_space<vmem>>
      %dma_start3A_183 = arith.constant 0 : i32
      %dma_start3A_184 = arith.constant 0 : i32
      %dma_start3A_185 = tpu.memref_slice %arg3[%add3A_76, %dma_start3A_179, %dma_start3A_180, %dma_start3A_183, %dma_start3A_184] : memref<2048x2x16x8x128xf32, #tpu.memory_space<hbm>> -> memref<1x1x1x8x128xf32, #tpu.memory_space<hbm>>
      %dma_start3A_186 = tpu.memref_squeeze %dma_start3A_185 : memref<1x1x1x8x128xf32, #tpu.memory_space<hbm>> -> memref<8x128xf32, #tpu.memory_space<hbm>>
      %dma_start3A_187 = arith.constant 0 : i32
      %dma_start3A_188 = arith.constant 0 : i32
      %dma_start3A_189 = tpu.memref_slice %arg3[%add3A_76, %dma_start3A_179, %dma_start3A_180, %dma_start3A_187, %dma_start3A_188] : memref<2048x2x16x8x128xf32, #tpu.memory_space<hbm>> -> memref<1x1x1x8x128xf32, #tpu.memory_space<hbm>>
      %dma_start3A_190 = tpu.memref_squeeze %dma_start3A_189 : memref<1x1x1x8x128xf32, #tpu.memory_space<hbm>> -> memref<8x128xf32, #tpu.memory_space<hbm>>
      %dma_start3A_191 = arith.constant 0 : i32
      %dma_start3A_192 = tpu.memref_slice %arg4[%dma_start3A_191, %add3A_178] : memref<16x2560xf32, #tpu.memory_space<vmem>> -> memref<8x128xf32, #tpu.memory_space<vmem>>
      tpu.enqueue_dma source(%dma_start3A_192 : memref<8x128xf32, #tpu.memory_space<vmem>>) target(%dma_start3A_190 : memref<8x128xf32, #tpu.memory_space<hbm>>) target_semaphore(%arg5 : memref<!tpu.dma_semaphore, #tpu.memory_space<semaphore_mem>>)
      %add3A_193 = arith.constant 896 : i32
      %add3A_194 = arith.addi %multiple_of3A_81, %add3A_193 : i32
      %dma_start3A_195 = arith.constant 0 : i32
      %dma_start3A_196 = arith.constant 7 : i32
      %dma_start3A_197 = arith.constant 0 : i32
      %dma_start3A_198 = tpu.memref_slice %arg4[%dma_start3A_197, %add3A_194] : memref<16x2560xf32, #tpu.memory_space<vmem>> -> memref<8x128xf32, #tpu.memory_space<vmem>>
      %dma_start3A_199 = arith.constant 0 : i32
      %dma_start3A_200 = arith.constant 0 : i32
      %dma_start3A_201 = tpu.memref_slice %arg3[%add3A_76, %dma_start3A_195, %dma_start3A_196, %dma_start3A_199, %dma_start3A_200] : memref<2048x2x16x8x128xf32, #tpu.memory_space<hbm>> -> memref<1x1x1x8x128xf32, #tpu.memory_space<hbm>>
      %dma_start3A_202 = tpu.memref_squeeze %dma_start3A_201 : memref<1x1x1x8x128xf32, #tpu.memory_space<hbm>> -> memref<8x128xf32, #tpu.memory_space<hbm>>
      %dma_start3A_203 = arith.constant 0 : i32
      %dma_start3A_204 = arith.constant 0 : i32
      %dma_start3A_205 = tpu.memref_slice %arg3[%add3A_76, %dma_start3A_195, %dma_start3A_196, %dma_start3A_203, %dma_start3A_204] : memref<2048x2x16x8x128xf32, #tpu.memory_space<hbm>> -> memref<1x1x1x8x128xf32, #tpu.memory_space<hbm>>
      %dma_start3A_206 = tpu.memref_squeeze %dma_start3A_205 : memref<1x1x1x8x128xf32, #tpu.memory_space<hbm>> -> memref<8x128xf32, #tpu.memory_space<hbm>>
      %dma_start3A_207 = arith.constant 0 : i32
      %dma_start3A_208 = tpu.memref_slice %arg4[%dma_start3A_207, %add3A_194] : memref<16x2560xf32, #tpu.memory_space<vmem>> -> memref<8x128xf32, #tpu.memory_space<vmem>>
      tpu.enqueue_dma source(%dma_start3A_208 : memref<8x128xf32, #tpu.memory_space<vmem>>) target(%dma_start3A_206 : memref<8x128xf32, #tpu.memory_space<hbm>>) target_semaphore(%arg5 : memref<!tpu.dma_semaphore, #tpu.memory_space<semaphore_mem>>)
      %add3A_209 = arith.constant 1024 : i32
      %add3A_210 = arith.addi %multiple_of3A_81, %add3A_209 : i32
      %dma_start3A_211 = arith.constant 0 : i32
      %dma_start3A_212 = arith.constant 8 : i32
      %dma_start3A_213 = arith.constant 0 : i32
      %dma_start3A_214 = tpu.memref_slice %arg4[%dma_start3A_213, %add3A_210] : memref<16x2560xf32, #tpu.memory_space<vmem>> -> memref<8x128xf32, #tpu.memory_space<vmem>>
      %dma_start3A_215 = arith.constant 0 : i32
      %dma_start3A_216 = arith.constant 0 : i32
      %dma_start3A_217 = tpu.memref_slice %arg3[%add3A_76, %dma_start3A_211, %dma_start3A_212, %dma_start3A_215, %dma_start3A_216] : memref<2048x2x16x8x128xf32, #tpu.memory_space<hbm>> -> memref<1x1x1x8x128xf32, #tpu.memory_space<hbm>>
      %dma_start3A_218 = tpu.memref_squeeze %dma_start3A_217 : memref<1x1x1x8x128xf32, #tpu.memory_space<hbm>> -> memref<8x128xf32, #tpu.memory_space<hbm>>
      %dma_start3A_219 = arith.constant 0 : i32
      %dma_start3A_220 = arith.constant 0 : i32
      %dma_start3A_221 = tpu.memref_slice %arg3[%add3A_76, %dma_start3A_211, %dma_start3A_212, %dma_start3A_219, %dma_start3A_220] : memref<2048x2x16x8x128xf32, #tpu.memory_space<hbm>> -> memref<1x1x1x8x128xf32, #tpu.memory_space<hbm>>
      %dma_start3A_222 = tpu.memref_squeeze %dma_start3A_221 : memref<1x1x1x8x128xf32, #tpu.memory_space<hbm>> -> memref<8x128xf32, #tpu.memory_space<hbm>>
      %dma_start3A_223 = arith.constant 0 : i32
      %dma_start3A_224 = tpu.memref_slice %arg4[%dma_start3A_223, %add3A_210] : memref<16x2560xf32, #tpu.memory_space<vmem>> -> memref<8x128xf32, #tpu.memory_space<vmem>>
      tpu.enqueue_dma source(%dma_start3A_224 : memref<8x128xf32, #tpu.memory_space<vmem>>) target(%dma_start3A_222 : memref<8x128xf32, #tpu.memory_space<hbm>>) target_semaphore(%arg5 : memref<!tpu.dma_semaphore, #tpu.memory_space<semaphore_mem>>)
      %add3A_225 = arith.constant 1152 : i32
      %add3A_226 = arith.addi %multiple_of3A_81, %add3A_225 : i32
      %dma_start3A_227 = arith.constant 0 : i32
      %dma_start3A_228 = arith.constant 9 : i32
      %dma_start3A_229 = arith.constant 0 : i32
      %dma_start3A_230 = tpu.memref_slice %arg4[%dma_start3A_229, %add3A_226] : memref<16x2560xf32, #tpu.memory_space<vmem>> -> memref<8x128xf32, #tpu.memory_space<vmem>>
      %dma_start3A_231 = arith.constant 0 : i32
      %dma_start3A_232 = arith.constant 0 : i32
      %dma_start3A_233 = tpu.memref_slice %arg3[%add3A_76, %dma_start3A_227, %dma_start3A_228, %dma_start3A_231, %dma_start3A_232] : memref<2048x2x16x8x128xf32, #tpu.memory_space<hbm>> -> memref<1x1x1x8x128xf32, #tpu.memory_space<hbm>>
      %dma_start3A_234 = tpu.memref_squeeze %dma_start3A_233 : memref<1x1x1x8x128xf32, #tpu.memory_space<hbm>> -> memref<8x128xf32, #tpu.memory_space<hbm>>
      %dma_start3A_235 = arith.constant 0 : i32
      %dma_start3A_236 = arith.constant 0 : i32
      %dma_start3A_237 = tpu.memref_slice %arg3[%add3A_76, %dma_start3A_227, %dma_start3A_228, %dma_start3A_235, %dma_start3A_236] : memref<2048x2x16x8x128xf32, #tpu.memory_space<hbm>> -> memref<1x1x1x8x128xf32, #tpu.memory_space<hbm>>
      %dma_start3A_238 = tpu.memref_squeeze %dma_start3A_237 : memref<1x1x1x8x128xf32, #tpu.memory_space<hbm>> -> memref<8x128xf32, #tpu.memory_space<hbm>>
      %dma_start3A_239 = arith.constant 0 : i32
      %dma_start3A_240 = tpu.memref_slice %arg4[%dma_start3A_239, %add3A_226] : memref<16x2560xf32, #tpu.memory_space<vmem>> -> memref<8x128xf32, #tpu.memory_space<vmem>>
      tpu.enqueue_dma source(%dma_start3A_240 : memref<8x128xf32, #tpu.memory_space<vmem>>) target(%dma_start3A_238 : memref<8x128xf32, #tpu.memory_space<hbm>>) target_semaphore(%arg5 : memref<!tpu.dma_semaphore, #tpu.memory_space<semaphore_mem>>)
      %add3A_241 = arith.constant 1280 : i32
      %add3A_242 = arith.addi %multiple_of3A_81, %add3A_241 : i32
      %dma_start3A_243 = arith.constant 0 : i32
      %dma_start3A_244 = arith.constant 10 : i32
      %dma_start3A_245 = arith.constant 0 : i32
      %dma_start3A_246 = tpu.memref_slice %arg4[%dma_start3A_245, %add3A_242] : memref<16x2560xf32, #tpu.memory_space<vmem>> -> memref<8x128xf32, #tpu.memory_space<vmem>>
      %dma_start3A_247 = arith.constant 0 : i32
      %dma_start3A_248 = arith.constant 0 : i32
      %dma_start3A_249 = tpu.memref_slice %arg3[%add3A_76, %dma_start3A_243, %dma_start3A_244, %dma_start3A_247, %dma_start3A_248] : memref<2048x2x16x8x128xf32, #tpu.memory_space<hbm>> -> memref<1x1x1x8x128xf32, #tpu.memory_space<hbm>>
      %dma_start3A_250 = tpu.memref_squeeze %dma_start3A_249 : memref<1x1x1x8x128xf32, #tpu.memory_space<hbm>> -> memref<8x128xf32, #tpu.memory_space<hbm>>
      %dma_start3A_251 = arith.constant 0 : i32
      %dma_start3A_252 = arith.constant 0 : i32
      %dma_start3A_253 = tpu.memref_slice %arg3[%add3A_76, %dma_start3A_243, %dma_start3A_244, %dma_start3A_251, %dma_start3A_252] : memref<2048x2x16x8x128xf32, #tpu.memory_space<hbm>> -> memref<1x1x1x8x128xf32, #tpu.memory_space<hbm>>
      %dma_start3A_254 = tpu.memref_squeeze %dma_start3A_253 : memref<1x1x1x8x128xf32, #tpu.memory_space<hbm>> -> memref<8x128xf32, #tpu.memory_space<hbm>>
      %dma_start3A_255 = arith.constant 0 : i32
      %dma_start3A_256 = tpu.memref_slice %arg4[%dma_start3A_255, %add3A_242] : memref<16x2560xf32, #tpu.memory_space<vmem>> -> memref<8x128xf32, #tpu.memory_space<vmem>>
      tpu.enqueue_dma source(%dma_start3A_256 : memref<8x128xf32, #tpu.memory_space<vmem>>) target(%dma_start3A_254 : memref<8x128xf32, #tpu.memory_space<hbm>>) target_semaphore(%arg5 : memref<!tpu.dma_semaphore, #tpu.memory_space<semaphore_mem>>)
      %add3A_257 = arith.constant 1408 : i32
      %add3A_258 = arith.addi %multiple_of3A_81, %add3A_257 : i32
      %dma_start3A_259 = arith.constant 0 : i32
      %dma_start3A_260 = arith.constant 11 : i32
      %dma_start3A_261 = arith.constant 0 : i32
      %dma_start3A_262 = tpu.memref_slice %arg4[%dma_start3A_261, %add3A_258] : memref<16x2560xf32, #tpu.memory_space<vmem>> -> memref<8x128xf32, #tpu.memory_space<vmem>>
      %dma_start3A_263 = arith.constant 0 : i32
      %dma_start3A_264 = arith.constant 0 : i32
      %dma_start3A_265 = tpu.memref_slice %arg3[%add3A_76, %dma_start3A_259, %dma_start3A_260, %dma_start3A_263, %dma_start3A_264] : memref<2048x2x16x8x128xf32, #tpu.memory_space<hbm>> -> memref<1x1x1x8x128xf32, #tpu.memory_space<hbm>>
      %dma_start3A_266 = tpu.memref_squeeze %dma_start3A_265 : memref<1x1x1x8x128xf32, #tpu.memory_space<hbm>> -> memref<8x128xf32, #tpu.memory_space<hbm>>
      %dma_start3A_267 = arith.constant 0 : i32
      %dma_start3A_268 = arith.constant 0 : i32
      %dma_start3A_269 = tpu.memref_slice %arg3[%add3A_76, %dma_start3A_259, %dma_start3A_260, %dma_start3A_267, %dma_start3A_268] : memref<2048x2x16x8x128xf32, #tpu.memory_space<hbm>> -> memref<1x1x1x8x128xf32, #tpu.memory_space<hbm>>
      %dma_start3A_270 = tpu.memref_squeeze %dma_start3A_269 : memref<1x1x1x8x128xf32, #tpu.memory_space<hbm>> -> memref<8x128xf32, #tpu.memory_space<hbm>>
      %dma_start3A_271 = arith.constant 0 : i32
      %dma_start3A_272 = tpu.memref_slice %arg4[%dma_start3A_271, %add3A_258] : memref<16x2560xf32, #tpu.memory_space<vmem>> -> memref<8x128xf32, #tpu.memory_space<vmem>>
      tpu.enqueue_dma source(%dma_start3A_272 : memref<8x128xf32, #tpu.memory_space<vmem>>) target(%dma_start3A_270 : memref<8x128xf32, #tpu.memory_space<hbm>>) target_semaphore(%arg5 : memref<!tpu.dma_semaphore, #tpu.memory_space<semaphore_mem>>)
      %add3A_273 = arith.constant 1536 : i32
      %add3A_274 = arith.addi %multiple_of3A_81, %add3A_273 : i32
      %dma_start3A_275 = arith.constant 0 : i32
      %dma_start3A_276 = arith.constant 12 : i32
      %dma_start3A_277 = arith.constant 0 : i32
      %dma_start3A_278 = tpu.memref_slice %arg4[%dma_start3A_277, %add3A_274] : memref<16x2560xf32, #tpu.memory_space<vmem>> -> memref<8x128xf32, #tpu.memory_space<vmem>>
      %dma_start3A_279 = arith.constant 0 : i32
      %dma_start3A_280 = arith.constant 0 : i32
      %dma_start3A_281 = tpu.memref_slice %arg3[%add3A_76, %dma_start3A_275, %dma_start3A_276, %dma_start3A_279, %dma_start3A_280] : memref<2048x2x16x8x128xf32, #tpu.memory_space<hbm>> -> memref<1x1x1x8x128xf32, #tpu.memory_space<hbm>>
      %dma_start3A_282 = tpu.memref_squeeze %dma_start3A_281 : memref<1x1x1x8x128xf32, #tpu.memory_space<hbm>> -> memref<8x128xf32, #tpu.memory_space<hbm>>
      %dma_start3A_283 = arith.constant 0 : i32
      %dma_start3A_284 = arith.constant 0 : i32
      %dma_start3A_285 = tpu.memref_slice %arg3[%add3A_76, %dma_start3A_275, %dma_start3A_276, %dma_start3A_283, %dma_start3A_284] : memref<2048x2x16x8x128xf32, #tpu.memory_space<hbm>> -> memref<1x1x1x8x128xf32, #tpu.memory_space<hbm>>
      %dma_start3A_286 = tpu.memref_squeeze %dma_start3A_285 : memref<1x1x1x8x128xf32, #tpu.memory_space<hbm>> -> memref<8x128xf32, #tpu.memory_space<hbm>>
      %dma_start3A_287 = arith.constant 0 : i32
      %dma_start3A_288 = tpu.memref_slice %arg4[%dma_start3A_287, %add3A_274] : memref<16x2560xf32, #tpu.memory_space<vmem>> -> memref<8x128xf32, #tpu.memory_space<vmem>>
      tpu.enqueue_dma source(%dma_start3A_288 : memref<8x128xf32, #tpu.memory_space<vmem>>) target(%dma_start3A_286 : memref<8x128xf32, #tpu.memory_space<hbm>>) target_semaphore(%arg5 : memref<!tpu.dma_semaphore, #tpu.memory_space<semaphore_mem>>)
      %add3A_289 = arith.constant 1664 : i32
      %add3A_290 = arith.addi %multiple_of3A_81, %add3A_289 : i32
      %dma_start3A_291 = arith.constant 0 : i32
      %dma_start3A_292 = arith.constant 13 : i32
      %dma_start3A_293 = arith.constant 0 : i32
      %dma_start3A_294 = tpu.memref_slice %arg4[%dma_start3A_293, %add3A_290] : memref<16x2560xf32, #tpu.memory_space<vmem>> -> memref<8x128xf32, #tpu.memory_space<vmem>>
      %dma_start3A_295 = arith.constant 0 : i32
      %dma_start3A_296 = arith.constant 0 : i32
      %dma_start3A_297 = tpu.memref_slice %arg3[%add3A_76, %dma_start3A_291, %dma_start3A_292, %dma_start3A_295, %dma_start3A_296] : memref<2048x2x16x8x128xf32, #tpu.memory_space<hbm>> -> memref<1x1x1x8x128xf32, #tpu.memory_space<hbm>>
      %dma_start3A_298 = tpu.memref_squeeze %dma_start3A_297 : memref<1x1x1x8x128xf32, #tpu.memory_space<hbm>> -> memref<8x128xf32, #tpu.memory_space<hbm>>
      %dma_start3A_299 = arith.constant 0 : i32
      %dma_start3A_300 = arith.constant 0 : i32
      %dma_start3A_301 = tpu.memref_slice %arg3[%add3A_76, %dma_start3A_291, %dma_start3A_292, %dma_start3A_299, %dma_start3A_300] : memref<2048x2x16x8x128xf32, #tpu.memory_space<hbm>> -> memref<1x1x1x8x128xf32, #tpu.memory_space<hbm>>
      %dma_start3A_302 = tpu.memref_squeeze %dma_start3A_301 : memref<1x1x1x8x128xf32, #tpu.memory_space<hbm>> -> memref<8x128xf32, #tpu.memory_space<hbm>>
      %dma_start3A_303 = arith.constant 0 : i32
      %dma_start3A_304 = tpu.memref_slice %arg4[%dma_start3A_303, %add3A_290] : memref<16x2560xf32, #tpu.memory_space<vmem>> -> memref<8x128xf32, #tpu.memory_space<vmem>>
      tpu.enqueue_dma source(%dma_start3A_304 : memref<8x128xf32, #tpu.memory_space<vmem>>) target(%dma_start3A_302 : memref<8x128xf32, #tpu.memory_space<hbm>>) target_semaphore(%arg5 : memref<!tpu.dma_semaphore, #tpu.memory_space<semaphore_mem>>)
      %add3A_305 = arith.constant 1792 : i32
      %add3A_306 = arith.addi %multiple_of3A_81, %add3A_305 : i32
      %dma_start3A_307 = arith.constant 0 : i32
      %dma_start3A_308 = arith.constant 14 : i32
      %dma_start3A_309 = arith.constant 0 : i32
      %dma_start3A_310 = tpu.memref_slice %arg4[%dma_start3A_309, %add3A_306] : memref<16x2560xf32, #tpu.memory_space<vmem>> -> memref<8x128xf32, #tpu.memory_space<vmem>>
      %dma_start3A_311 = arith.constant 0 : i32
      %dma_start3A_312 = arith.constant 0 : i32
      %dma_start3A_313 = tpu.memref_slice %arg3[%add3A_76, %dma_start3A_307, %dma_start3A_308, %dma_start3A_311, %dma_start3A_312] : memref<2048x2x16x8x128xf32, #tpu.memory_space<hbm>> -> memref<1x1x1x8x128xf32, #tpu.memory_space<hbm>>
      %dma_start3A_314 = tpu.memref_squeeze %dma_start3A_313 : memref<1x1x1x8x128xf32, #tpu.memory_space<hbm>> -> memref<8x128xf32, #tpu.memory_space<hbm>>
      %dma_start3A_315 = arith.constant 0 : i32
      %dma_start3A_316 = arith.constant 0 : i32
      %dma_start3A_317 = tpu.memref_slice %arg3[%add3A_76, %dma_start3A_307, %dma_start3A_308, %dma_start3A_315, %dma_start3A_316] : memref<2048x2x16x8x128xf32, #tpu.memory_space<hbm>> -> memref<1x1x1x8x128xf32, #tpu.memory_space<hbm>>
      %dma_start3A_318 = tpu.memref_squeeze %dma_start3A_317 : memref<1x1x1x8x128xf32, #tpu.memory_space<hbm>> -> memref<8x128xf32, #tpu.memory_space<hbm>>
      %dma_start3A_319 = arith.constant 0 : i32
      %dma_start3A_320 = tpu.memref_slice %arg4[%dma_start3A_319, %add3A_306] : memref<16x2560xf32, #tpu.memory_space<vmem>> -> memref<8x128xf32, #tpu.memory_space<vmem>>
      tpu.enqueue_dma source(%dma_start3A_320 : memref<8x128xf32, #tpu.memory_space<vmem>>) target(%dma_start3A_318 : memref<8x128xf32, #tpu.memory_space<hbm>>) target_semaphore(%arg5 : memref<!tpu.dma_semaphore, #tpu.memory_space<semaphore_mem>>)
      %add3A_321 = arith.constant 1920 : i32
      %add3A_322 = arith.addi %multiple_of3A_81, %add3A_321 : i32
      %dma_start3A_323 = arith.constant 0 : i32
      %dma_start3A_324 = arith.constant 15 : i32
      %dma_start3A_325 = arith.constant 0 : i32
      %dma_start3A_326 = tpu.memref_slice %arg4[%dma_start3A_325, %add3A_322] : memref<16x2560xf32, #tpu.memory_space<vmem>> -> memref<8x128xf32, #tpu.memory_space<vmem>>
      %dma_start3A_327 = arith.constant 0 : i32
      %dma_start3A_328 = arith.constant 0 : i32
      %dma_start3A_329 = tpu.memref_slice %arg3[%add3A_76, %dma_start3A_323, %dma_start3A_324, %dma_start3A_327, %dma_start3A_328] : memref<2048x2x16x8x128xf32, #tpu.memory_space<hbm>> -> memref<1x1x1x8x128xf32, #tpu.memory_space<hbm>>
      %dma_start3A_330 = tpu.memref_squeeze %dma_start3A_329 : memref<1x1x1x8x128xf32, #tpu.memory_space<hbm>> -> memref<8x128xf32, #tpu.memory_space<hbm>>
      %dma_start3A_331 = arith.constant 0 : i32
      %dma_start3A_332 = arith.constant 0 : i32
      %dma_start3A_333 = tpu.memref_slice %arg3[%add3A_76, %dma_start3A_323, %dma_start3A_324, %dma_start3A_331, %dma_start3A_332] : memref<2048x2x16x8x128xf32, #tpu.memory_space<hbm>> -> memref<1x1x1x8x128xf32, #tpu.memory_space<hbm>>
      %dma_start3A_334 = tpu.memref_squeeze %dma_start3A_333 : memref<1x1x1x8x128xf32, #tpu.memory_space<hbm>> -> memref<8x128xf32, #tpu.memory_space<hbm>>
      %dma_start3A_335 = arith.constant 0 : i32
      %dma_start3A_336 = tpu.memref_slice %arg4[%dma_start3A_335, %add3A_322] : memref<16x2560xf32, #tpu.memory_space<vmem>> -> memref<8x128xf32, #tpu.memory_space<vmem>>
      tpu.enqueue_dma source(%dma_start3A_336 : memref<8x128xf32, #tpu.memory_space<vmem>>) target(%dma_start3A_334 : memref<8x128xf32, #tpu.memory_space<hbm>>) target_semaphore(%arg5 : memref<!tpu.dma_semaphore, #tpu.memory_space<semaphore_mem>>)
      %add3A_337 = arith.constant 0 : i32
      %add3A_338 = arith.addi %multiple_of3A_81, %add3A_337 : i32
      %dma_start3A_339 = arith.constant 1 : i32
      %dma_start3A_340 = arith.constant 0 : i32
      %dma_start3A_341 = arith.constant 8 : i32
      %dma_start3A_342 = tpu.memref_slice %arg4[%dma_start3A_341, %add3A_338] : memref<16x2560xf32, #tpu.memory_space<vmem>> -> memref<8x128xf32, #tpu.memory_space<vmem>>
      %dma_start3A_343 = arith.constant 0 : i32
      %dma_start3A_344 = arith.constant 0 : i32
      %dma_start3A_345 = tpu.memref_slice %arg3[%add3A_76, %dma_start3A_339, %dma_start3A_340, %dma_start3A_343, %dma_start3A_344] : memref<2048x2x16x8x128xf32, #tpu.memory_space<hbm>> -> memref<1x1x1x8x128xf32, #tpu.memory_space<hbm>>
      %dma_start3A_346 = tpu.memref_squeeze %dma_start3A_345 : memref<1x1x1x8x128xf32, #tpu.memory_space<hbm>> -> memref<8x128xf32, #tpu.memory_space<hbm>>
      %dma_start3A_347 = arith.constant 0 : i32
      %dma_start3A_348 = arith.constant 0 : i32
      %dma_start3A_349 = tpu.memref_slice %arg3[%add3A_76, %dma_start3A_339, %dma_start3A_340, %dma_start3A_347, %dma_start3A_348] : memref<2048x2x16x8x128xf32, #tpu.memory_space<hbm>> -> memref<1x1x1x8x128xf32, #tpu.memory_space<hbm>>
      %dma_start3A_350 = tpu.memref_squeeze %dma_start3A_349 : memref<1x1x1x8x128xf32, #tpu.memory_space<hbm>> -> memref<8x128xf32, #tpu.memory_space<hbm>>
      %dma_start3A_351 = arith.constant 8 : i32
      %dma_start3A_352 = tpu.memref_slice %arg4[%dma_start3A_351, %add3A_338] : memref<16x2560xf32, #tpu.memory_space<vmem>> -> memref<8x128xf32, #tpu.memory_space<vmem>>
      tpu.enqueue_dma source(%dma_start3A_352 : memref<8x128xf32, #tpu.memory_space<vmem>>) target(%dma_start3A_350 : memref<8x128xf32, #tpu.memory_space<hbm>>) target_semaphore(%arg5 : memref<!tpu.dma_semaphore, #tpu.memory_space<semaphore_mem>>)
      %add3A_353 = arith.constant 128 : i32
      %add3A_354 = arith.addi %multiple_of3A_81, %add3A_353 : i32
      %dma_start3A_355 = arith.constant 1 : i32
      %dma_start3A_356 = arith.constant 1 : i32
      %dma_start3A_357 = arith.constant 8 : i32
      %dma_start3A_358 = tpu.memref_slice %arg4[%dma_start3A_357, %add3A_354] : memref<16x2560xf32, #tpu.memory_space<vmem>> -> memref<8x128xf32, #tpu.memory_space<vmem>>
      %dma_start3A_359 = arith.constant 0 : i32
      %dma_start3A_360 = arith.constant 0 : i32
      %dma_start3A_361 = tpu.memref_slice %arg3[%add3A_76, %dma_start3A_355, %dma_start3A_356, %dma_start3A_359, %dma_start3A_360] : memref<2048x2x16x8x128xf32, #tpu.memory_space<hbm>> -> memref<1x1x1x8x128xf32, #tpu.memory_space<hbm>>
      %dma_start3A_362 = tpu.memref_squeeze %dma_start3A_361 : memref<1x1x1x8x128xf32, #tpu.memory_space<hbm>> -> memref<8x128xf32, #tpu.memory_space<hbm>>
      %dma_start3A_363 = arith.constant 0 : i32
      %dma_start3A_364 = arith.constant 0 : i32
      %dma_start3A_365 = tpu.memref_slice %arg3[%add3A_76, %dma_start3A_355, %dma_start3A_356, %dma_start3A_363, %dma_start3A_364] : memref<2048x2x16x8x128xf32, #tpu.memory_space<hbm>> -> memref<1x1x1x8x128xf32, #tpu.memory_space<hbm>>
      %dma_start3A_366 = tpu.memref_squeeze %dma_start3A_365 : memref<1x1x1x8x128xf32, #tpu.memory_space<hbm>> -> memref<8x128xf32, #tpu.memory_space<hbm>>
      %dma_start3A_367 = arith.constant 8 : i32
      %dma_start3A_368 = tpu.memref_slice %arg4[%dma_start3A_367, %add3A_354] : memref<16x2560xf32, #tpu.memory_space<vmem>> -> memref<8x128xf32, #tpu.memory_space<vmem>>
      tpu.enqueue_dma source(%dma_start3A_368 : memref<8x128xf32, #tpu.memory_space<vmem>>) target(%dma_start3A_366 : memref<8x128xf32, #tpu.memory_space<hbm>>) target_semaphore(%arg5 : memref<!tpu.dma_semaphore, #tpu.memory_space<semaphore_mem>>)
      %add3A_369 = arith.constant 256 : i32
      %add3A_370 = arith.addi %multiple_of3A_81, %add3A_369 : i32
      %dma_start3A_371 = arith.constant 1 : i32
      %dma_start3A_372 = arith.constant 2 : i32
      %dma_start3A_373 = arith.constant 8 : i32
      %dma_start3A_374 = tpu.memref_slice %arg4[%dma_start3A_373, %add3A_370] : memref<16x2560xf32, #tpu.memory_space<vmem>> -> memref<8x128xf32, #tpu.memory_space<vmem>>
      %dma_start3A_375 = arith.constant 0 : i32
      %dma_start3A_376 = arith.constant 0 : i32
      %dma_start3A_377 = tpu.memref_slice %arg3[%add3A_76, %dma_start3A_371, %dma_start3A_372, %dma_start3A_375, %dma_start3A_376] : memref<2048x2x16x8x128xf32, #tpu.memory_space<hbm>> -> memref<1x1x1x8x128xf32, #tpu.memory_space<hbm>>
      %dma_start3A_378 = tpu.memref_squeeze %dma_start3A_377 : memref<1x1x1x8x128xf32, #tpu.memory_space<hbm>> -> memref<8x128xf32, #tpu.memory_space<hbm>>
      %dma_start3A_379 = arith.constant 0 : i32
      %dma_start3A_380 = arith.constant 0 : i32
      %dma_start3A_381 = tpu.memref_slice %arg3[%add3A_76, %dma_start3A_371, %dma_start3A_372, %dma_start3A_379, %dma_start3A_380] : memref<2048x2x16x8x128xf32, #tpu.memory_space<hbm>> -> memref<1x1x1x8x128xf32, #tpu.memory_space<hbm>>
      %dma_start3A_382 = tpu.memref_squeeze %dma_start3A_381 : memref<1x1x1x8x128xf32, #tpu.memory_space<hbm>> -> memref<8x128xf32, #tpu.memory_space<hbm>>
      %dma_start3A_383 = arith.constant 8 : i32
      %dma_start3A_384 = tpu.memref_slice %arg4[%dma_start3A_383, %add3A_370] : memref<16x2560xf32, #tpu.memory_space<vmem>> -> memref<8x128xf32, #tpu.memory_space<vmem>>
      tpu.enqueue_dma source(%dma_start3A_384 : memref<8x128xf32, #tpu.memory_space<vmem>>) target(%dma_start3A_382 : memref<8x128xf32, #tpu.memory_space<hbm>>) target_semaphore(%arg5 : memref<!tpu.dma_semaphore, #tpu.memory_space<semaphore_mem>>)
      %add3A_385 = arith.constant 384 : i32
      %add3A_386 = arith.addi %multiple_of3A_81, %add3A_385 : i32
      %dma_start3A_387 = arith.constant 1 : i32
      %dma_start3A_388 = arith.constant 3 : i32
      %dma_start3A_389 = arith.constant 8 : i32
      %dma_start3A_390 = tpu.memref_slice %arg4[%dma_start3A_389, %add3A_386] : memref<16x2560xf32, #tpu.memory_space<vmem>> -> memref<8x128xf32, #tpu.memory_space<vmem>>
      %dma_start3A_391 = arith.constant 0 : i32
      %dma_start3A_392 = arith.constant 0 : i32
      %dma_start3A_393 = tpu.memref_slice %arg3[%add3A_76, %dma_start3A_387, %dma_start3A_388, %dma_start3A_391, %dma_start3A_392] : memref<2048x2x16x8x128xf32, #tpu.memory_space<hbm>> -> memref<1x1x1x8x128xf32, #tpu.memory_space<hbm>>
      %dma_start3A_394 = tpu.memref_squeeze %dma_start3A_393 : memref<1x1x1x8x128xf32, #tpu.memory_space<hbm>> -> memref<8x128xf32, #tpu.memory_space<hbm>>
      %dma_start3A_395 = arith.constant 0 : i32
      %dma_start3A_396 = arith.constant 0 : i32
      %dma_start3A_397 = tpu.memref_slice %arg3[%add3A_76, %dma_start3A_387, %dma_start3A_388, %dma_start3A_395, %dma_start3A_396] : memref<2048x2x16x8x128xf32, #tpu.memory_space<hbm>> -> memref<1x1x1x8x128xf32, #tpu.memory_space<hbm>>
      %dma_start3A_398 = tpu.memref_squeeze %dma_start3A_397 : memref<1x1x1x8x128xf32, #tpu.memory_space<hbm>> -> memref<8x128xf32, #tpu.memory_space<hbm>>
      %dma_start3A_399 = arith.constant 8 : i32
      %dma_start3A_400 = tpu.memref_slice %arg4[%dma_start3A_399, %add3A_386] : memref<16x2560xf32, #tpu.memory_space<vmem>> -> memref<8x128xf32, #tpu.memory_space<vmem>>
      tpu.enqueue_dma source(%dma_start3A_400 : memref<8x128xf32, #tpu.memory_space<vmem>>) target(%dma_start3A_398 : memref<8x128xf32, #tpu.memory_space<hbm>>) target_semaphore(%arg5 : memref<!tpu.dma_semaphore, #tpu.memory_space<semaphore_mem>>)
      %add3A_401 = arith.constant 512 : i32
      %add3A_402 = arith.addi %multiple_of3A_81, %add3A_401 : i32
      %dma_start3A_403 = arith.constant 1 : i32
      %dma_start3A_404 = arith.constant 4 : i32
      %dma_start3A_405 = arith.constant 8 : i32
      %dma_start3A_406 = tpu.memref_slice %arg4[%dma_start3A_405, %add3A_402] : memref<16x2560xf32, #tpu.memory_space<vmem>> -> memref<8x128xf32, #tpu.memory_space<vmem>>
      %dma_start3A_407 = arith.constant 0 : i32
      %dma_start3A_408 = arith.constant 0 : i32
      %dma_start3A_409 = tpu.memref_slice %arg3[%add3A_76, %dma_start3A_403, %dma_start3A_404, %dma_start3A_407, %dma_start3A_408] : memref<2048x2x16x8x128xf32, #tpu.memory_space<hbm>> -> memref<1x1x1x8x128xf32, #tpu.memory_space<hbm>>
      %dma_start3A_410 = tpu.memref_squeeze %dma_start3A_409 : memref<1x1x1x8x128xf32, #tpu.memory_space<hbm>> -> memref<8x128xf32, #tpu.memory_space<hbm>>
      %dma_start3A_411 = arith.constant 0 : i32
      %dma_start3A_412 = arith.constant 0 : i32
      %dma_start3A_413 = tpu.memref_slice %arg3[%add3A_76, %dma_start3A_403, %dma_start3A_404, %dma_start3A_411, %dma_start3A_412] : memref<2048x2x16x8x128xf32, #tpu.memory_space<hbm>> -> memref<1x1x1x8x128xf32, #tpu.memory_space<hbm>>
      %dma_start3A_414 = tpu.memref_squeeze %dma_start3A_413 : memref<1x1x1x8x128xf32, #tpu.memory_space<hbm>> -> memref<8x128xf32, #tpu.memory_space<hbm>>
      %dma_start3A_415 = arith.constant 8 : i32
      %dma_start3A_416 = tpu.memref_slice %arg4[%dma_start3A_415, %add3A_402] : memref<16x2560xf32, #tpu.memory_space<vmem>> -> memref<8x128xf32, #tpu.memory_space<vmem>>
      tpu.enqueue_dma source(%dma_start3A_416 : memref<8x128xf32, #tpu.memory_space<vmem>>) target(%dma_start3A_414 : memref<8x128xf32, #tpu.memory_space<hbm>>) target_semaphore(%arg5 : memref<!tpu.dma_semaphore, #tpu.memory_space<semaphore_mem>>)
      %add3A_417 = arith.constant 640 : i32
      %add3A_418 = arith.addi %multiple_of3A_81, %add3A_417 : i32
      %dma_start3A_419 = arith.constant 1 : i32
      %dma_start3A_420 = arith.constant 5 : i32
      %dma_start3A_421 = arith.constant 8 : i32
      %dma_start3A_422 = tpu.memref_slice %arg4[%dma_start3A_421, %add3A_418] : memref<16x2560xf32, #tpu.memory_space<vmem>> -> memref<8x128xf32, #tpu.memory_space<vmem>>
      %dma_start3A_423 = arith.constant 0 : i32
      %dma_start3A_424 = arith.constant 0 : i32
      %dma_start3A_425 = tpu.memref_slice %arg3[%add3A_76, %dma_start3A_419, %dma_start3A_420, %dma_start3A_423, %dma_start3A_424] : memref<2048x2x16x8x128xf32, #tpu.memory_space<hbm>> -> memref<1x1x1x8x128xf32, #tpu.memory_space<hbm>>
      %dma_start3A_426 = tpu.memref_squeeze %dma_start3A_425 : memref<1x1x1x8x128xf32, #tpu.memory_space<hbm>> -> memref<8x128xf32, #tpu.memory_space<hbm>>
      %dma_start3A_427 = arith.constant 0 : i32
      %dma_start3A_428 = arith.constant 0 : i32
      %dma_start3A_429 = tpu.memref_slice %arg3[%add3A_76, %dma_start3A_419, %dma_start3A_420, %dma_start3A_427, %dma_start3A_428] : memref<2048x2x16x8x128xf32, #tpu.memory_space<hbm>> -> memref<1x1x1x8x128xf32, #tpu.memory_space<hbm>>
      %dma_start3A_430 = tpu.memref_squeeze %dma_start3A_429 : memref<1x1x1x8x128xf32, #tpu.memory_space<hbm>> -> memref<8x128xf32, #tpu.memory_space<hbm>>
      %dma_start3A_431 = arith.constant 8 : i32
      %dma_start3A_432 = tpu.memref_slice %arg4[%dma_start3A_431, %add3A_418] : memref<16x2560xf32, #tpu.memory_space<vmem>> -> memref<8x128xf32, #tpu.memory_space<vmem>>
      tpu.enqueue_dma source(%dma_start3A_432 : memref<8x128xf32, #tpu.memory_space<vmem>>) target(%dma_start3A_430 : memref<8x128xf32, #tpu.memory_space<hbm>>) target_semaphore(%arg5 : memref<!tpu.dma_semaphore, #tpu.memory_space<semaphore_mem>>)
      %add3A_433 = arith.constant 768 : i32
      %add3A_434 = arith.addi %multiple_of3A_81, %add3A_433 : i32
      %dma_start3A_435 = arith.constant 1 : i32
      %dma_start3A_436 = arith.constant 6 : i32
      %dma_start3A_437 = arith.constant 8 : i32
      %dma_start3A_438 = tpu.memref_slice %arg4[%dma_start3A_437, %add3A_434] : memref<16x2560xf32, #tpu.memory_space<vmem>> -> memref<8x128xf32, #tpu.memory_space<vmem>>
      %dma_start3A_439 = arith.constant 0 : i32
      %dma_start3A_440 = arith.constant 0 : i32
      %dma_start3A_441 = tpu.memref_slice %arg3[%add3A_76, %dma_start3A_435, %dma_start3A_436, %dma_start3A_439, %dma_start3A_440] : memref<2048x2x16x8x128xf32, #tpu.memory_space<hbm>> -> memref<1x1x1x8x128xf32, #tpu.memory_space<hbm>>
      %dma_start3A_442 = tpu.memref_squeeze %dma_start3A_441 : memref<1x1x1x8x128xf32, #tpu.memory_space<hbm>> -> memref<8x128xf32, #tpu.memory_space<hbm>>
      %dma_start3A_443 = arith.constant 0 : i32
      %dma_start3A_444 = arith.constant 0 : i32
      %dma_start3A_445 = tpu.memref_slice %arg3[%add3A_76, %dma_start3A_435, %dma_start3A_436, %dma_start3A_443, %dma_start3A_444] : memref<2048x2x16x8x128xf32, #tpu.memory_space<hbm>> -> memref<1x1x1x8x128xf32, #tpu.memory_space<hbm>>
      %dma_start3A_446 = tpu.memref_squeeze %dma_start3A_445 : memref<1x1x1x8x128xf32, #tpu.memory_space<hbm>> -> memref<8x128xf32, #tpu.memory_space<hbm>>
      %dma_start3A_447 = arith.constant 8 : i32
      %dma_start3A_448 = tpu.memref_slice %arg4[%dma_start3A_447, %add3A_434] : memref<16x2560xf32, #tpu.memory_space<vmem>> -> memref<8x128xf32, #tpu.memory_space<vmem>>
      tpu.enqueue_dma source(%dma_start3A_448 : memref<8x128xf32, #tpu.memory_space<vmem>>) target(%dma_start3A_446 : memref<8x128xf32, #tpu.memory_space<hbm>>) target_semaphore(%arg5 : memref<!tpu.dma_semaphore, #tpu.memory_space<semaphore_mem>>)
      %add3A_449 = arith.constant 896 : i32
      %add3A_450 = arith.addi %multiple_of3A_81, %add3A_449 : i32
      %dma_start3A_451 = arith.constant 1 : i32
      %dma_start3A_452 = arith.constant 7 : i32
      %dma_start3A_453 = arith.constant 8 : i32
      %dma_start3A_454 = tpu.memref_slice %arg4[%dma_start3A_453, %add3A_450] : memref<16x2560xf32, #tpu.memory_space<vmem>> -> memref<8x128xf32, #tpu.memory_space<vmem>>
      %dma_start3A_455 = arith.constant 0 : i32
      %dma_start3A_456 = arith.constant 0 : i32
      %dma_start3A_457 = tpu.memref_slice %arg3[%add3A_76, %dma_start3A_451, %dma_start3A_452, %dma_start3A_455, %dma_start3A_456] : memref<2048x2x16x8x128xf32, #tpu.memory_space<hbm>> -> memref<1x1x1x8x128xf32, #tpu.memory_space<hbm>>
      %dma_start3A_458 = tpu.memref_squeeze %dma_start3A_457 : memref<1x1x1x8x128xf32, #tpu.memory_space<hbm>> -> memref<8x128xf32, #tpu.memory_space<hbm>>
      %dma_start3A_459 = arith.constant 0 : i32
      %dma_start3A_460 = arith.constant 0 : i32
      %dma_start3A_461 = tpu.memref_slice %arg3[%add3A_76, %dma_start3A_451, %dma_start3A_452, %dma_start3A_459, %dma_start3A_460] : memref<2048x2x16x8x128xf32, #tpu.memory_space<hbm>> -> memref<1x1x1x8x128xf32, #tpu.memory_space<hbm>>
      %dma_start3A_462 = tpu.memref_squeeze %dma_start3A_461 : memref<1x1x1x8x128xf32, #tpu.memory_space<hbm>> -> memref<8x128xf32, #tpu.memory_space<hbm>>
      %dma_start3A_463 = arith.constant 8 : i32
      %dma_start3A_464 = tpu.memref_slice %arg4[%dma_start3A_463, %add3A_450] : memref<16x2560xf32, #tpu.memory_space<vmem>> -> memref<8x128xf32, #tpu.memory_space<vmem>>
      tpu.enqueue_dma source(%dma_start3A_464 : memref<8x128xf32, #tpu.memory_space<vmem>>) target(%dma_start3A_462 : memref<8x128xf32, #tpu.memory_space<hbm>>) target_semaphore(%arg5 : memref<!tpu.dma_semaphore, #tpu.memory_space<semaphore_mem>>)
      %add3A_465 = arith.constant 1024 : i32
      %add3A_466 = arith.addi %multiple_of3A_81, %add3A_465 : i32
      %dma_start3A_467 = arith.constant 1 : i32
      %dma_start3A_468 = arith.constant 8 : i32
      %dma_start3A_469 = arith.constant 8 : i32
      %dma_start3A_470 = tpu.memref_slice %arg4[%dma_start3A_469, %add3A_466] : memref<16x2560xf32, #tpu.memory_space<vmem>> -> memref<8x128xf32, #tpu.memory_space<vmem>>
      %dma_start3A_471 = arith.constant 0 : i32
      %dma_start3A_472 = arith.constant 0 : i32
      %dma_start3A_473 = tpu.memref_slice %arg3[%add3A_76, %dma_start3A_467, %dma_start3A_468, %dma_start3A_471, %dma_start3A_472] : memref<2048x2x16x8x128xf32, #tpu.memory_space<hbm>> -> memref<1x1x1x8x128xf32, #tpu.memory_space<hbm>>
      %dma_start3A_474 = tpu.memref_squeeze %dma_start3A_473 : memref<1x1x1x8x128xf32, #tpu.memory_space<hbm>> -> memref<8x128xf32, #tpu.memory_space<hbm>>
      %dma_start3A_475 = arith.constant 0 : i32
      %dma_start3A_476 = arith.constant 0 : i32
      %dma_start3A_477 = tpu.memref_slice %arg3[%add3A_76, %dma_start3A_467, %dma_start3A_468, %dma_start3A_475, %dma_start3A_476] : memref<2048x2x16x8x128xf32, #tpu.memory_space<hbm>> -> memref<1x1x1x8x128xf32, #tpu.memory_space<hbm>>
      %dma_start3A_478 = tpu.memref_squeeze %dma_start3A_477 : memref<1x1x1x8x128xf32, #tpu.memory_space<hbm>> -> memref<8x128xf32, #tpu.memory_space<hbm>>
      %dma_start3A_479 = arith.constant 8 : i32
      %dma_start3A_480 = tpu.memref_slice %arg4[%dma_start3A_479, %add3A_466] : memref<16x2560xf32, #tpu.memory_space<vmem>> -> memref<8x128xf32, #tpu.memory_space<vmem>>
      tpu.enqueue_dma source(%dma_start3A_480 : memref<8x128xf32, #tpu.memory_space<vmem>>) target(%dma_start3A_478 : memref<8x128xf32, #tpu.memory_space<hbm>>) target_semaphore(%arg5 : memref<!tpu.dma_semaphore, #tpu.memory_space<semaphore_mem>>)
      %add3A_481 = arith.constant 1152 : i32
      %add3A_482 = arith.addi %multiple_of3A_81, %add3A_481 : i32
      %dma_start3A_483 = arith.constant 1 : i32
      %dma_start3A_484 = arith.constant 9 : i32
      %dma_start3A_485 = arith.constant 8 : i32
      %dma_start3A_486 = tpu.memref_slice %arg4[%dma_start3A_485, %add3A_482] : memref<16x2560xf32, #tpu.memory_space<vmem>> -> memref<8x128xf32, #tpu.memory_space<vmem>>
      %dma_start3A_487 = arith.constant 0 : i32
      %dma_start3A_488 = arith.constant 0 : i32
      %dma_start3A_489 = tpu.memref_slice %arg3[%add3A_76, %dma_start3A_483, %dma_start3A_484, %dma_start3A_487, %dma_start3A_488] : memref<2048x2x16x8x128xf32, #tpu.memory_space<hbm>> -> memref<1x1x1x8x128xf32, #tpu.memory_space<hbm>>
      %dma_start3A_490 = tpu.memref_squeeze %dma_start3A_489 : memref<1x1x1x8x128xf32, #tpu.memory_space<hbm>> -> memref<8x128xf32, #tpu.memory_space<hbm>>
      %dma_start3A_491 = arith.constant 0 : i32
      %dma_start3A_492 = arith.constant 0 : i32
      %dma_start3A_493 = tpu.memref_slice %arg3[%add3A_76, %dma_start3A_483, %dma_start3A_484, %dma_start3A_491, %dma_start3A_492] : memref<2048x2x16x8x128xf32, #tpu.memory_space<hbm>> -> memref<1x1x1x8x128xf32, #tpu.memory_space<hbm>>
      %dma_start3A_494 = tpu.memref_squeeze %dma_start3A_493 : memref<1x1x1x8x128xf32, #tpu.memory_space<hbm>> -> memref<8x128xf32, #tpu.memory_space<hbm>>
      %dma_start3A_495 = arith.constant 8 : i32
      %dma_start3A_496 = tpu.memref_slice %arg4[%dma_start3A_495, %add3A_482] : memref<16x2560xf32, #tpu.memory_space<vmem>> -> memref<8x128xf32, #tpu.memory_space<vmem>>
      tpu.enqueue_dma source(%dma_start3A_496 : memref<8x128xf32, #tpu.memory_space<vmem>>) target(%dma_start3A_494 : memref<8x128xf32, #tpu.memory_space<hbm>>) target_semaphore(%arg5 : memref<!tpu.dma_semaphore, #tpu.memory_space<semaphore_mem>>)
      %add3A_497 = arith.constant 1280 : i32
      %add3A_498 = arith.addi %multiple_of3A_81, %add3A_497 : i32
      %dma_start3A_499 = arith.constant 1 : i32
      %dma_start3A_500 = arith.constant 10 : i32
      %dma_start3A_501 = arith.constant 8 : i32
      %dma_start3A_502 = tpu.memref_slice %arg4[%dma_start3A_501, %add3A_498] : memref<16x2560xf32, #tpu.memory_space<vmem>> -> memref<8x128xf32, #tpu.memory_space<vmem>>
      %dma_start3A_503 = arith.constant 0 : i32
      %dma_start3A_504 = arith.constant 0 : i32
      %dma_start3A_505 = tpu.memref_slice %arg3[%add3A_76, %dma_start3A_499, %dma_start3A_500, %dma_start3A_503, %dma_start3A_504] : memref<2048x2x16x8x128xf32, #tpu.memory_space<hbm>> -> memref<1x1x1x8x128xf32, #tpu.memory_space<hbm>>
      %dma_start3A_506 = tpu.memref_squeeze %dma_start3A_505 : memref<1x1x1x8x128xf32, #tpu.memory_space<hbm>> -> memref<8x128xf32, #tpu.memory_space<hbm>>
      %dma_start3A_507 = arith.constant 0 : i32
      %dma_start3A_508 = arith.constant 0 : i32
      %dma_start3A_509 = tpu.memref_slice %arg3[%add3A_76, %dma_start3A_499, %dma_start3A_500, %dma_start3A_507, %dma_start3A_508] : memref<2048x2x16x8x128xf32, #tpu.memory_space<hbm>> -> memref<1x1x1x8x128xf32, #tpu.memory_space<hbm>>
      %dma_start3A_510 = tpu.memref_squeeze %dma_start3A_509 : memref<1x1x1x8x128xf32, #tpu.memory_space<hbm>> -> memref<8x128xf32, #tpu.memory_space<hbm>>
      %dma_start3A_511 = arith.constant 8 : i32
      %dma_start3A_512 = tpu.memref_slice %arg4[%dma_start3A_511, %add3A_498] : memref<16x2560xf32, #tpu.memory_space<vmem>> -> memref<8x128xf32, #tpu.memory_space<vmem>>
      tpu.enqueue_dma source(%dma_start3A_512 : memref<8x128xf32, #tpu.memory_space<vmem>>) target(%dma_start3A_510 : memref<8x128xf32, #tpu.memory_space<hbm>>) target_semaphore(%arg5 : memref<!tpu.dma_semaphore, #tpu.memory_space<semaphore_mem>>)
      %add3A_513 = arith.constant 1408 : i32
      %add3A_514 = arith.addi %multiple_of3A_81, %add3A_513 : i32
      %dma_start3A_515 = arith.constant 1 : i32
      %dma_start3A_516 = arith.constant 11 : i32
      %dma_start3A_517 = arith.constant 8 : i32
      %dma_start3A_518 = tpu.memref_slice %arg4[%dma_start3A_517, %add3A_514] : memref<16x2560xf32, #tpu.memory_space<vmem>> -> memref<8x128xf32, #tpu.memory_space<vmem>>
      %dma_start3A_519 = arith.constant 0 : i32
      %dma_start3A_520 = arith.constant 0 : i32
      %dma_start3A_521 = tpu.memref_slice %arg3[%add3A_76, %dma_start3A_515, %dma_start3A_516, %dma_start3A_519, %dma_start3A_520] : memref<2048x2x16x8x128xf32, #tpu.memory_space<hbm>> -> memref<1x1x1x8x128xf32, #tpu.memory_space<hbm>>
      %dma_start3A_522 = tpu.memref_squeeze %dma_start3A_521 : memref<1x1x1x8x128xf32, #tpu.memory_space<hbm>> -> memref<8x128xf32, #tpu.memory_space<hbm>>
      %dma_start3A_523 = arith.constant 0 : i32
      %dma_start3A_524 = arith.constant 0 : i32
      %dma_start3A_525 = tpu.memref_slice %arg3[%add3A_76, %dma_start3A_515, %dma_start3A_516, %dma_start3A_523, %dma_start3A_524] : memref<2048x2x16x8x128xf32, #tpu.memory_space<hbm>> -> memref<1x1x1x8x128xf32, #tpu.memory_space<hbm>>
      %dma_start3A_526 = tpu.memref_squeeze %dma_start3A_525 : memref<1x1x1x8x128xf32, #tpu.memory_space<hbm>> -> memref<8x128xf32, #tpu.memory_space<hbm>>
      %dma_start3A_527 = arith.constant 8 : i32
      %dma_start3A_528 = tpu.memref_slice %arg4[%dma_start3A_527, %add3A_514] : memref<16x2560xf32, #tpu.memory_space<vmem>> -> memref<8x128xf32, #tpu.memory_space<vmem>>
      tpu.enqueue_dma source(%dma_start3A_528 : memref<8x128xf32, #tpu.memory_space<vmem>>) target(%dma_start3A_526 : memref<8x128xf32, #tpu.memory_space<hbm>>) target_semaphore(%arg5 : memref<!tpu.dma_semaphore, #tpu.memory_space<semaphore_mem>>)
      %add3A_529 = arith.constant 1536 : i32
      %add3A_530 = arith.addi %multiple_of3A_81, %add3A_529 : i32
      %dma_start3A_531 = arith.constant 1 : i32
      %dma_start3A_532 = arith.constant 12 : i32
      %dma_start3A_533 = arith.constant 8 : i32
      %dma_start3A_534 = tpu.memref_slice %arg4[%dma_start3A_533, %add3A_530] : memref<16x2560xf32, #tpu.memory_space<vmem>> -> memref<8x128xf32, #tpu.memory_space<vmem>>
      %dma_start3A_535 = arith.constant 0 : i32
      %dma_start3A_536 = arith.constant 0 : i32
      %dma_start3A_537 = tpu.memref_slice %arg3[%add3A_76, %dma_start3A_531, %dma_start3A_532, %dma_start3A_535, %dma_start3A_536] : memref<2048x2x16x8x128xf32, #tpu.memory_space<hbm>> -> memref<1x1x1x8x128xf32, #tpu.memory_space<hbm>>
      %dma_start3A_538 = tpu.memref_squeeze %dma_start3A_537 : memref<1x1x1x8x128xf32, #tpu.memory_space<hbm>> -> memref<8x128xf32, #tpu.memory_space<hbm>>
      %dma_start3A_539 = arith.constant 0 : i32
      %dma_start3A_540 = arith.constant 0 : i32
      %dma_start3A_541 = tpu.memref_slice %arg3[%add3A_76, %dma_start3A_531, %dma_start3A_532, %dma_start3A_539, %dma_start3A_540] : memref<2048x2x16x8x128xf32, #tpu.memory_space<hbm>> -> memref<1x1x1x8x128xf32, #tpu.memory_space<hbm>>
      %dma_start3A_542 = tpu.memref_squeeze %dma_start3A_541 : memref<1x1x1x8x128xf32, #tpu.memory_space<hbm>> -> memref<8x128xf32, #tpu.memory_space<hbm>>
      %dma_start3A_543 = arith.constant 8 : i32
      %dma_start3A_544 = tpu.memref_slice %arg4[%dma_start3A_543, %add3A_530] : memref<16x2560xf32, #tpu.memory_space<vmem>> -> memref<8x128xf32, #tpu.memory_space<vmem>>
      tpu.enqueue_dma source(%dma_start3A_544 : memref<8x128xf32, #tpu.memory_space<vmem>>) target(%dma_start3A_542 : memref<8x128xf32, #tpu.memory_space<hbm>>) target_semaphore(%arg5 : memref<!tpu.dma_semaphore, #tpu.memory_space<semaphore_mem>>)
      %add3A_545 = arith.constant 1664 : i32
      %add3A_546 = arith.addi %multiple_of3A_81, %add3A_545 : i32
      %dma_start3A_547 = arith.constant 1 : i32
      %dma_start3A_548 = arith.constant 13 : i32
      %dma_start3A_549 = arith.constant 8 : i32
      %dma_start3A_550 = tpu.memref_slice %arg4[%dma_start3A_549, %add3A_546] : memref<16x2560xf32, #tpu.memory_space<vmem>> -> memref<8x128xf32, #tpu.memory_space<vmem>>
      %dma_start3A_551 = arith.constant 0 : i32
      %dma_start3A_552 = arith.constant 0 : i32
      %dma_start3A_553 = tpu.memref_slice %arg3[%add3A_76, %dma_start3A_547, %dma_start3A_548, %dma_start3A_551, %dma_start3A_552] : memref<2048x2x16x8x128xf32, #tpu.memory_space<hbm>> -> memref<1x1x1x8x128xf32, #tpu.memory_space<hbm>>
      %dma_start3A_554 = tpu.memref_squeeze %dma_start3A_553 : memref<1x1x1x8x128xf32, #tpu.memory_space<hbm>> -> memref<8x128xf32, #tpu.memory_space<hbm>>
      %dma_start3A_555 = arith.constant 0 : i32
      %dma_start3A_556 = arith.constant 0 : i32
      %dma_start3A_557 = tpu.memref_slice %arg3[%add3A_76, %dma_start3A_547, %dma_start3A_548, %dma_start3A_555, %dma_start3A_556] : memref<2048x2x16x8x128xf32, #tpu.memory_space<hbm>> -> memref<1x1x1x8x128xf32, #tpu.memory_space<hbm>>
      %dma_start3A_558 = tpu.memref_squeeze %dma_start3A_557 : memref<1x1x1x8x128xf32, #tpu.memory_space<hbm>> -> memref<8x128xf32, #tpu.memory_space<hbm>>
      %dma_start3A_559 = arith.constant 8 : i32
      %dma_start3A_560 = tpu.memref_slice %arg4[%dma_start3A_559, %add3A_546] : memref<16x2560xf32, #tpu.memory_space<vmem>> -> memref<8x128xf32, #tpu.memory_space<vmem>>
      tpu.enqueue_dma source(%dma_start3A_560 : memref<8x128xf32, #tpu.memory_space<vmem>>) target(%dma_start3A_558 : memref<8x128xf32, #tpu.memory_space<hbm>>) target_semaphore(%arg5 : memref<!tpu.dma_semaphore, #tpu.memory_space<semaphore_mem>>)
      %add3A_561 = arith.constant 1792 : i32
      %add3A_562 = arith.addi %multiple_of3A_81, %add3A_561 : i32
      %dma_start3A_563 = arith.constant 1 : i32
      %dma_start3A_564 = arith.constant 14 : i32
      %dma_start3A_565 = arith.constant 8 : i32
      %dma_start3A_566 = tpu.memref_slice %arg4[%dma_start3A_565, %add3A_562] : memref<16x2560xf32, #tpu.memory_space<vmem>> -> memref<8x128xf32, #tpu.memory_space<vmem>>
      %dma_start3A_567 = arith.constant 0 : i32
      %dma_start3A_568 = arith.constant 0 : i32
      %dma_start3A_569 = tpu.memref_slice %arg3[%add3A_76, %dma_start3A_563, %dma_start3A_564, %dma_start3A_567, %dma_start3A_568] : memref<2048x2x16x8x128xf32, #tpu.memory_space<hbm>> -> memref<1x1x1x8x128xf32, #tpu.memory_space<hbm>>
      %dma_start3A_570 = tpu.memref_squeeze %dma_start3A_569 : memref<1x1x1x8x128xf32, #tpu.memory_space<hbm>> -> memref<8x128xf32, #tpu.memory_space<hbm>>
      %dma_start3A_571 = arith.constant 0 : i32
      %dma_start3A_572 = arith.constant 0 : i32
      %dma_start3A_573 = tpu.memref_slice %arg3[%add3A_76, %dma_start3A_563, %dma_start3A_564, %dma_start3A_571, %dma_start3A_572] : memref<2048x2x16x8x128xf32, #tpu.memory_space<hbm>> -> memref<1x1x1x8x128xf32, #tpu.memory_space<hbm>>
      %dma_start3A_574 = tpu.memref_squeeze %dma_start3A_573 : memref<1x1x1x8x128xf32, #tpu.memory_space<hbm>> -> memref<8x128xf32, #tpu.memory_space<hbm>>
      %dma_start3A_575 = arith.constant 8 : i32
      %dma_start3A_576 = tpu.memref_slice %arg4[%dma_start3A_575, %add3A_562] : memref<16x2560xf32, #tpu.memory_space<vmem>> -> memref<8x128xf32, #tpu.memory_space<vmem>>
      tpu.enqueue_dma source(%dma_start3A_576 : memref<8x128xf32, #tpu.memory_space<vmem>>) target(%dma_start3A_574 : memref<8x128xf32, #tpu.memory_space<hbm>>) target_semaphore(%arg5 : memref<!tpu.dma_semaphore, #tpu.memory_space<semaphore_mem>>)
      %add3A_577 = arith.constant 1920 : i32
      %add3A_578 = arith.addi %multiple_of3A_81, %add3A_577 : i32
      %dma_start3A_579 = arith.constant 1 : i32
      %dma_start3A_580 = arith.constant 15 : i32
      %dma_start3A_581 = arith.constant 8 : i32
      %dma_start3A_582 = tpu.memref_slice %arg4[%dma_start3A_581, %add3A_578] : memref<16x2560xf32, #tpu.memory_space<vmem>> -> memref<8x128xf32, #tpu.memory_space<vmem>>
      %dma_start3A_583 = arith.constant 0 : i32
      %dma_start3A_584 = arith.constant 0 : i32
      %dma_start3A_585 = tpu.memref_slice %arg3[%add3A_76, %dma_start3A_579, %dma_start3A_580, %dma_start3A_583, %dma_start3A_584] : memref<2048x2x16x8x128xf32, #tpu.memory_space<hbm>> -> memref<1x1x1x8x128xf32, #tpu.memory_space<hbm>>
      %dma_start3A_586 = tpu.memref_squeeze %dma_start3A_585 : memref<1x1x1x8x128xf32, #tpu.memory_space<hbm>> -> memref<8x128xf32, #tpu.memory_space<hbm>>
      %dma_start3A_587 = arith.constant 0 : i32
      %dma_start3A_588 = arith.constant 0 : i32
      %dma_start3A_589 = tpu.memref_slice %arg3[%add3A_76, %dma_start3A_579, %dma_start3A_580, %dma_start3A_587, %dma_start3A_588] : memref<2048x2x16x8x128xf32, #tpu.memory_space<hbm>> -> memref<1x1x1x8x128xf32, #tpu.memory_space<hbm>>
      %dma_start3A_590 = tpu.memref_squeeze %dma_start3A_589 : memref<1x1x1x8x128xf32, #tpu.memory_space<hbm>> -> memref<8x128xf32, #tpu.memory_space<hbm>>
      %dma_start3A_591 = arith.constant 8 : i32
      %dma_start3A_592 = tpu.memref_slice %arg4[%dma_start3A_591, %add3A_578] : memref<16x2560xf32, #tpu.memory_space<vmem>> -> memref<8x128xf32, #tpu.memory_space<vmem>>
      tpu.enqueue_dma source(%dma_start3A_592 : memref<8x128xf32, #tpu.memory_space<vmem>>) target(%dma_start3A_590 : memref<8x128xf32, #tpu.memory_space<hbm>>) target_semaphore(%arg5 : memref<!tpu.dma_semaphore, #tpu.memory_space<semaphore_mem>>)
      %mul3A_593 = arith.constant 64 : i32
      %mul3A_594 = arith.muli %select_n3A_30, %mul3A_593 : i32
      %mul3A_595 = arith.constant 2 : i32
      %mul3A_596 = arith.muli %scan3A_66, %mul3A_595 : i32
      %add3A_597 = arith.addi %mul3A_594, %mul3A_596 : i32
      %add3A_598 = arith.constant 1 : i32
      %add3A_599 = arith.addi %add3A_597, %add3A_598 : i32
      %mul3A_600 = arith.constant 8 : i32
      %mul3A_601 = arith.muli %mul3A_600, %add3A_599 : i32
      %add3A_602 = arith.addi %select_n3A_9, %mul3A_601 : i32
      %sub3A_603 = arith.constant 2047 : i32
      %sub3A_604 = arith.subi %sub3A_603, %add3A_602 : i32
      %sub3A_605 = arith.subi %sub3A_604, %select_n3A_48 : i32
      %sub3A_606 = arith.subi %sub3A_605, %multiple_of3A : i32
      %multiple_of3A_607 = tpu.assume_multiple %sub3A_606, 8 : i32
      %add3A_608 = arith.constant 0 : i32
      %add3A_609 = arith.addi %multiple_of3A_607, %add3A_608 : i32
      %dma_start3A_610 = arith.constant 0 : i32
      %dma_start3A_611 = arith.constant 0 : i32
      %dma_start3A_612 = arith.constant 0 : i32
      %dma_start3A_613 = tpu.memref_slice %arg4[%dma_start3A_612, %add3A_609] : memref<16x2560xf32, #tpu.memory_space<vmem>> -> memref<8x128xf32, #tpu.memory_space<vmem>>
      %dma_start3A_614 = arith.constant 0 : i32
      %dma_start3A_615 = arith.constant 0 : i32
      %dma_start3A_616 = tpu.memref_slice %arg3[%add3A_602, %dma_start3A_610, %dma_start3A_611, %dma_start3A_614, %dma_start3A_615] : memref<2048x2x16x8x128xf32, #tpu.memory_space<hbm>> -> memref<1x1x1x8x128xf32, #tpu.memory_space<hbm>>
      %dma_start3A_617 = tpu.memref_squeeze %dma_start3A_616 : memref<1x1x1x8x128xf32, #tpu.memory_space<hbm>> -> memref<8x128xf32, #tpu.memory_space<hbm>>
      %dma_start3A_618 = arith.constant 0 : i32
      %dma_start3A_619 = arith.constant 0 : i32
      %dma_start3A_620 = tpu.memref_slice %arg3[%add3A_602, %dma_start3A_610, %dma_start3A_611, %dma_start3A_618, %dma_start3A_619] : memref<2048x2x16x8x128xf32, #tpu.memory_space<hbm>> -> memref<1x1x1x8x128xf32, #tpu.memory_space<hbm>>
      %dma_start3A_621 = tpu.memref_squeeze %dma_start3A_620 : memref<1x1x1x8x128xf32, #tpu.memory_space<hbm>> -> memref<8x128xf32, #tpu.memory_space<hbm>>
      %dma_start3A_622 = arith.constant 0 : i32
      %dma_start3A_623 = tpu.memref_slice %arg4[%dma_start3A_622, %add3A_609] : memref<16x2560xf32, #tpu.memory_space<vmem>> -> memref<8x128xf32, #tpu.memory_space<vmem>>
      tpu.enqueue_dma source(%dma_start3A_623 : memref<8x128xf32, #tpu.memory_space<vmem>>) target(%dma_start3A_621 : memref<8x128xf32, #tpu.memory_space<hbm>>) target_semaphore(%arg5 : memref<!tpu.dma_semaphore, #tpu.memory_space<semaphore_mem>>)
      %add3A_624 = arith.constant 128 : i32
      %add3A_625 = arith.addi %multiple_of3A_607, %add3A_624 : i32
      %dma_start3A_626 = arith.constant 0 : i32
      %dma_start3A_627 = arith.constant 1 : i32
      %dma_start3A_628 = arith.constant 0 : i32
      %dma_start3A_629 = tpu.memref_slice %arg4[%dma_start3A_628, %add3A_625] : memref<16x2560xf32, #tpu.memory_space<vmem>> -> memref<8x128xf32, #tpu.memory_space<vmem>>
      %dma_start3A_630 = arith.constant 0 : i32
      %dma_start3A_631 = arith.constant 0 : i32
      %dma_start3A_632 = tpu.memref_slice %arg3[%add3A_602, %dma_start3A_626, %dma_start3A_627, %dma_start3A_630, %dma_start3A_631] : memref<2048x2x16x8x128xf32, #tpu.memory_space<hbm>> -> memref<1x1x1x8x128xf32, #tpu.memory_space<hbm>>
      %dma_start3A_633 = tpu.memref_squeeze %dma_start3A_632 : memref<1x1x1x8x128xf32, #tpu.memory_space<hbm>> -> memref<8x128xf32, #tpu.memory_space<hbm>>
      %dma_start3A_634 = arith.constant 0 : i32
      %dma_start3A_635 = arith.constant 0 : i32
      %dma_start3A_636 = tpu.memref_slice %arg3[%add3A_602, %dma_start3A_626, %dma_start3A_627, %dma_start3A_634, %dma_start3A_635] : memref<2048x2x16x8x128xf32, #tpu.memory_space<hbm>> -> memref<1x1x1x8x128xf32, #tpu.memory_space<hbm>>
      %dma_start3A_637 = tpu.memref_squeeze %dma_start3A_636 : memref<1x1x1x8x128xf32, #tpu.memory_space<hbm>> -> memref<8x128xf32, #tpu.memory_space<hbm>>
      %dma_start3A_638 = arith.constant 0 : i32
      %dma_start3A_639 = tpu.memref_slice %arg4[%dma_start3A_638, %add3A_625] : memref<16x2560xf32, #tpu.memory_space<vmem>> -> memref<8x128xf32, #tpu.memory_space<vmem>>
      tpu.enqueue_dma source(%dma_start3A_639 : memref<8x128xf32, #tpu.memory_space<vmem>>) target(%dma_start3A_637 : memref<8x128xf32, #tpu.memory_space<hbm>>) target_semaphore(%arg5 : memref<!tpu.dma_semaphore, #tpu.memory_space<semaphore_mem>>)
      %add3A_640 = arith.constant 256 : i32
      %add3A_641 = arith.addi %multiple_of3A_607, %add3A_640 : i32
      %dma_start3A_642 = arith.constant 0 : i32
      %dma_start3A_643 = arith.constant 2 : i32
      %dma_start3A_644 = arith.constant 0 : i32
      %dma_start3A_645 = tpu.memref_slice %arg4[%dma_start3A_644, %add3A_641] : memref<16x2560xf32, #tpu.memory_space<vmem>> -> memref<8x128xf32, #tpu.memory_space<vmem>>
      %dma_start3A_646 = arith.constant 0 : i32
      %dma_start3A_647 = arith.constant 0 : i32
      %dma_start3A_648 = tpu.memref_slice %arg3[%add3A_602, %dma_start3A_642, %dma_start3A_643, %dma_start3A_646, %dma_start3A_647] : memref<2048x2x16x8x128xf32, #tpu.memory_space<hbm>> -> memref<1x1x1x8x128xf32, #tpu.memory_space<hbm>>
      %dma_start3A_649 = tpu.memref_squeeze %dma_start3A_648 : memref<1x1x1x8x128xf32, #tpu.memory_space<hbm>> -> memref<8x128xf32, #tpu.memory_space<hbm>>
      %dma_start3A_650 = arith.constant 0 : i32
      %dma_start3A_651 = arith.constant 0 : i32
      %dma_start3A_652 = tpu.memref_slice %arg3[%add3A_602, %dma_start3A_642, %dma_start3A_643, %dma_start3A_650, %dma_start3A_651] : memref<2048x2x16x8x128xf32, #tpu.memory_space<hbm>> -> memref<1x1x1x8x128xf32, #tpu.memory_space<hbm>>
      %dma_start3A_653 = tpu.memref_squeeze %dma_start3A_652 : memref<1x1x1x8x128xf32, #tpu.memory_space<hbm>> -> memref<8x128xf32, #tpu.memory_space<hbm>>
      %dma_start3A_654 = arith.constant 0 : i32
      %dma_start3A_655 = tpu.memref_slice %arg4[%dma_start3A_654, %add3A_641] : memref<16x2560xf32, #tpu.memory_space<vmem>> -> memref<8x128xf32, #tpu.memory_space<vmem>>
      tpu.enqueue_dma source(%dma_start3A_655 : memref<8x128xf32, #tpu.memory_space<vmem>>) target(%dma_start3A_653 : memref<8x128xf32, #tpu.memory_space<hbm>>) target_semaphore(%arg5 : memref<!tpu.dma_semaphore, #tpu.memory_space<semaphore_mem>>)
      %add3A_656 = arith.constant 384 : i32
      %add3A_657 = arith.addi %multiple_of3A_607, %add3A_656 : i32
      %dma_start3A_658 = arith.constant 0 : i32
      %dma_start3A_659 = arith.constant 3 : i32
      %dma_start3A_660 = arith.constant 0 : i32
      %dma_start3A_661 = tpu.memref_slice %arg4[%dma_start3A_660, %add3A_657] : memref<16x2560xf32, #tpu.memory_space<vmem>> -> memref<8x128xf32, #tpu.memory_space<vmem>>
      %dma_start3A_662 = arith.constant 0 : i32
      %dma_start3A_663 = arith.constant 0 : i32
      %dma_start3A_664 = tpu.memref_slice %arg3[%add3A_602, %dma_start3A_658, %dma_start3A_659, %dma_start3A_662, %dma_start3A_663] : memref<2048x2x16x8x128xf32, #tpu.memory_space<hbm>> -> memref<1x1x1x8x128xf32, #tpu.memory_space<hbm>>
      %dma_start3A_665 = tpu.memref_squeeze %dma_start3A_664 : memref<1x1x1x8x128xf32, #tpu.memory_space<hbm>> -> memref<8x128xf32, #tpu.memory_space<hbm>>
      %dma_start3A_666 = arith.constant 0 : i32
      %dma_start3A_667 = arith.constant 0 : i32
      %dma_start3A_668 = tpu.memref_slice %arg3[%add3A_602, %dma_start3A_658, %dma_start3A_659, %dma_start3A_666, %dma_start3A_667] : memref<2048x2x16x8x128xf32, #tpu.memory_space<hbm>> -> memref<1x1x1x8x128xf32, #tpu.memory_space<hbm>>
      %dma_start3A_669 = tpu.memref_squeeze %dma_start3A_668 : memref<1x1x1x8x128xf32, #tpu.memory_space<hbm>> -> memref<8x128xf32, #tpu.memory_space<hbm>>
      %dma_start3A_670 = arith.constant 0 : i32
      %dma_start3A_671 = tpu.memref_slice %arg4[%dma_start3A_670, %add3A_657] : memref<16x2560xf32, #tpu.memory_space<vmem>> -> memref<8x128xf32, #tpu.memory_space<vmem>>
      tpu.enqueue_dma source(%dma_start3A_671 : memref<8x128xf32, #tpu.memory_space<vmem>>) target(%dma_start3A_669 : memref<8x128xf32, #tpu.memory_space<hbm>>) target_semaphore(%arg5 : memref<!tpu.dma_semaphore, #tpu.memory_space<semaphore_mem>>)
      %add3A_672 = arith.constant 512 : i32
      %add3A_673 = arith.addi %multiple_of3A_607, %add3A_672 : i32
      %dma_start3A_674 = arith.constant 0 : i32
      %dma_start3A_675 = arith.constant 4 : i32
      %dma_start3A_676 = arith.constant 0 : i32
      %dma_start3A_677 = tpu.memref_slice %arg4[%dma_start3A_676, %add3A_673] : memref<16x2560xf32, #tpu.memory_space<vmem>> -> memref<8x128xf32, #tpu.memory_space<vmem>>
      %dma_start3A_678 = arith.constant 0 : i32
      %dma_start3A_679 = arith.constant 0 : i32
      %dma_start3A_680 = tpu.memref_slice %arg3[%add3A_602, %dma_start3A_674, %dma_start3A_675, %dma_start3A_678, %dma_start3A_679] : memref<2048x2x16x8x128xf32, #tpu.memory_space<hbm>> -> memref<1x1x1x8x128xf32, #tpu.memory_space<hbm>>
      %dma_start3A_681 = tpu.memref_squeeze %dma_start3A_680 : memref<1x1x1x8x128xf32, #tpu.memory_space<hbm>> -> memref<8x128xf32, #tpu.memory_space<hbm>>
      %dma_start3A_682 = arith.constant 0 : i32
      %dma_start3A_683 = arith.constant 0 : i32
      %dma_start3A_684 = tpu.memref_slice %arg3[%add3A_602, %dma_start3A_674, %dma_start3A_675, %dma_start3A_682, %dma_start3A_683] : memref<2048x2x16x8x128xf32, #tpu.memory_space<hbm>> -> memref<1x1x1x8x128xf32, #tpu.memory_space<hbm>>
      %dma_start3A_685 = tpu.memref_squeeze %dma_start3A_684 : memref<1x1x1x8x128xf32, #tpu.memory_space<hbm>> -> memref<8x128xf32, #tpu.memory_space<hbm>>
      %dma_start3A_686 = arith.constant 0 : i32
      %dma_start3A_687 = tpu.memref_slice %arg4[%dma_start3A_686, %add3A_673] : memref<16x2560xf32, #tpu.memory_space<vmem>> -> memref<8x128xf32, #tpu.memory_space<vmem>>
      tpu.enqueue_dma source(%dma_start3A_687 : memref<8x128xf32, #tpu.memory_space<vmem>>) target(%dma_start3A_685 : memref<8x128xf32, #tpu.memory_space<hbm>>) target_semaphore(%arg5 : memref<!tpu.dma_semaphore, #tpu.memory_space<semaphore_mem>>)
      %add3A_688 = arith.constant 640 : i32
      %add3A_689 = arith.addi %multiple_of3A_607, %add3A_688 : i32
      %dma_start3A_690 = arith.constant 0 : i32
      %dma_start3A_691 = arith.constant 5 : i32
      %dma_start3A_692 = arith.constant 0 : i32
      %dma_start3A_693 = tpu.memref_slice %arg4[%dma_start3A_692, %add3A_689] : memref<16x2560xf32, #tpu.memory_space<vmem>> -> memref<8x128xf32, #tpu.memory_space<vmem>>
      %dma_start3A_694 = arith.constant 0 : i32
      %dma_start3A_695 = arith.constant 0 : i32
      %dma_start3A_696 = tpu.memref_slice %arg3[%add3A_602, %dma_start3A_690, %dma_start3A_691, %dma_start3A_694, %dma_start3A_695] : memref<2048x2x16x8x128xf32, #tpu.memory_space<hbm>> -> memref<1x1x1x8x128xf32, #tpu.memory_space<hbm>>
      %dma_start3A_697 = tpu.memref_squeeze %dma_start3A_696 : memref<1x1x1x8x128xf32, #tpu.memory_space<hbm>> -> memref<8x128xf32, #tpu.memory_space<hbm>>
      %dma_start3A_698 = arith.constant 0 : i32
      %dma_start3A_699 = arith.constant 0 : i32
      %dma_start3A_700 = tpu.memref_slice %arg3[%add3A_602, %dma_start3A_690, %dma_start3A_691, %dma_start3A_698, %dma_start3A_699] : memref<2048x2x16x8x128xf32, #tpu.memory_space<hbm>> -> memref<1x1x1x8x128xf32, #tpu.memory_space<hbm>>
      %dma_start3A_701 = tpu.memref_squeeze %dma_start3A_700 : memref<1x1x1x8x128xf32, #tpu.memory_space<hbm>> -> memref<8x128xf32, #tpu.memory_space<hbm>>
      %dma_start3A_702 = arith.constant 0 : i32
      %dma_start3A_703 = tpu.memref_slice %arg4[%dma_start3A_702, %add3A_689] : memref<16x2560xf32, #tpu.memory_space<vmem>> -> memref<8x128xf32, #tpu.memory_space<vmem>>
      tpu.enqueue_dma source(%dma_start3A_703 : memref<8x128xf32, #tpu.memory_space<vmem>>) target(%dma_start3A_701 : memref<8x128xf32, #tpu.memory_space<hbm>>) target_semaphore(%arg5 : memref<!tpu.dma_semaphore, #tpu.memory_space<semaphore_mem>>)
      %add3A_704 = arith.constant 768 : i32
      %add3A_705 = arith.addi %multiple_of3A_607, %add3A_704 : i32
      %dma_start3A_706 = arith.constant 0 : i32
      %dma_start3A_707 = arith.constant 6 : i32
      %dma_start3A_708 = arith.constant 0 : i32
      %dma_start3A_709 = tpu.memref_slice %arg4[%dma_start3A_708, %add3A_705] : memref<16x2560xf32, #tpu.memory_space<vmem>> -> memref<8x128xf32, #tpu.memory_space<vmem>>
      %dma_start3A_710 = arith.constant 0 : i32
      %dma_start3A_711 = arith.constant 0 : i32
      %dma_start3A_712 = tpu.memref_slice %arg3[%add3A_602, %dma_start3A_706, %dma_start3A_707, %dma_start3A_710, %dma_start3A_711] : memref<2048x2x16x8x128xf32, #tpu.memory_space<hbm>> -> memref<1x1x1x8x128xf32, #tpu.memory_space<hbm>>
      %dma_start3A_713 = tpu.memref_squeeze %dma_start3A_712 : memref<1x1x1x8x128xf32, #tpu.memory_space<hbm>> -> memref<8x128xf32, #tpu.memory_space<hbm>>
      %dma_start3A_714 = arith.constant 0 : i32
      %dma_start3A_715 = arith.constant 0 : i32
      %dma_start3A_716 = tpu.memref_slice %arg3[%add3A_602, %dma_start3A_706, %dma_start3A_707, %dma_start3A_714, %dma_start3A_715] : memref<2048x2x16x8x128xf32, #tpu.memory_space<hbm>> -> memref<1x1x1x8x128xf32, #tpu.memory_space<hbm>>
      %dma_start3A_717 = tpu.memref_squeeze %dma_start3A_716 : memref<1x1x1x8x128xf32, #tpu.memory_space<hbm>> -> memref<8x128xf32, #tpu.memory_space<hbm>>
      %dma_start3A_718 = arith.constant 0 : i32
      %dma_start3A_719 = tpu.memref_slice %arg4[%dma_start3A_718, %add3A_705] : memref<16x2560xf32, #tpu.memory_space<vmem>> -> memref<8x128xf32, #tpu.memory_space<vmem>>
      tpu.enqueue_dma source(%dma_start3A_719 : memref<8x128xf32, #tpu.memory_space<vmem>>) target(%dma_start3A_717 : memref<8x128xf32, #tpu.memory_space<hbm>>) target_semaphore(%arg5 : memref<!tpu.dma_semaphore, #tpu.memory_space<semaphore_mem>>)
      %add3A_720 = arith.constant 896 : i32
      %add3A_721 = arith.addi %multiple_of3A_607, %add3A_720 : i32
      %dma_start3A_722 = arith.constant 0 : i32
      %dma_start3A_723 = arith.constant 7 : i32
      %dma_start3A_724 = arith.constant 0 : i32
      %dma_start3A_725 = tpu.memref_slice %arg4[%dma_start3A_724, %add3A_721] : memref<16x2560xf32, #tpu.memory_space<vmem>> -> memref<8x128xf32, #tpu.memory_space<vmem>>
      %dma_start3A_726 = arith.constant 0 : i32
      %dma_start3A_727 = arith.constant 0 : i32
      %dma_start3A_728 = tpu.memref_slice %arg3[%add3A_602, %dma_start3A_722, %dma_start3A_723, %dma_start3A_726, %dma_start3A_727] : memref<2048x2x16x8x128xf32, #tpu.memory_space<hbm>> -> memref<1x1x1x8x128xf32, #tpu.memory_space<hbm>>
      %dma_start3A_729 = tpu.memref_squeeze %dma_start3A_728 : memref<1x1x1x8x128xf32, #tpu.memory_space<hbm>> -> memref<8x128xf32, #tpu.memory_space<hbm>>
      %dma_start3A_730 = arith.constant 0 : i32
      %dma_start3A_731 = arith.constant 0 : i32
      %dma_start3A_732 = tpu.memref_slice %arg3[%add3A_602, %dma_start3A_722, %dma_start3A_723, %dma_start3A_730, %dma_start3A_731] : memref<2048x2x16x8x128xf32, #tpu.memory_space<hbm>> -> memref<1x1x1x8x128xf32, #tpu.memory_space<hbm>>
      %dma_start3A_733 = tpu.memref_squeeze %dma_start3A_732 : memref<1x1x1x8x128xf32, #tpu.memory_space<hbm>> -> memref<8x128xf32, #tpu.memory_space<hbm>>
      %dma_start3A_734 = arith.constant 0 : i32
      %dma_start3A_735 = tpu.memref_slice %arg4[%dma_start3A_734, %add3A_721] : memref<16x2560xf32, #tpu.memory_space<vmem>> -> memref<8x128xf32, #tpu.memory_space<vmem>>
      tpu.enqueue_dma source(%dma_start3A_735 : memref<8x128xf32, #tpu.memory_space<vmem>>) target(%dma_start3A_733 : memref<8x128xf32, #tpu.memory_space<hbm>>) target_semaphore(%arg5 : memref<!tpu.dma_semaphore, #tpu.memory_space<semaphore_mem>>)
      %add3A_736 = arith.constant 1024 : i32
      %add3A_737 = arith.addi %multiple_of3A_607, %add3A_736 : i32
      %dma_start3A_738 = arith.constant 0 : i32
      %dma_start3A_739 = arith.constant 8 : i32
      %dma_start3A_740 = arith.constant 0 : i32
      %dma_start3A_741 = tpu.memref_slice %arg4[%dma_start3A_740, %add3A_737] : memref<16x2560xf32, #tpu.memory_space<vmem>> -> memref<8x128xf32, #tpu.memory_space<vmem>>
      %dma_start3A_742 = arith.constant 0 : i32
      %dma_start3A_743 = arith.constant 0 : i32
      %dma_start3A_744 = tpu.memref_slice %arg3[%add3A_602, %dma_start3A_738, %dma_start3A_739, %dma_start3A_742, %dma_start3A_743] : memref<2048x2x16x8x128xf32, #tpu.memory_space<hbm>> -> memref<1x1x1x8x128xf32, #tpu.memory_space<hbm>>
      %dma_start3A_745 = tpu.memref_squeeze %dma_start3A_744 : memref<1x1x1x8x128xf32, #tpu.memory_space<hbm>> -> memref<8x128xf32, #tpu.memory_space<hbm>>
      %dma_start3A_746 = arith.constant 0 : i32
      %dma_start3A_747 = arith.constant 0 : i32
      %dma_start3A_748 = tpu.memref_slice %arg3[%add3A_602, %dma_start3A_738, %dma_start3A_739, %dma_start3A_746, %dma_start3A_747] : memref<2048x2x16x8x128xf32, #tpu.memory_space<hbm>> -> memref<1x1x1x8x128xf32, #tpu.memory_space<hbm>>
      %dma_start3A_749 = tpu.memref_squeeze %dma_start3A_748 : memref<1x1x1x8x128xf32, #tpu.memory_space<hbm>> -> memref<8x128xf32, #tpu.memory_space<hbm>>
      %dma_start3A_750 = arith.constant 0 : i32
      %dma_start3A_751 = tpu.memref_slice %arg4[%dma_start3A_750, %add3A_737] : memref<16x2560xf32, #tpu.memory_space<vmem>> -> memref<8x128xf32, #tpu.memory_space<vmem>>
      tpu.enqueue_dma source(%dma_start3A_751 : memref<8x128xf32, #tpu.memory_space<vmem>>) target(%dma_start3A_749 : memref<8x128xf32, #tpu.memory_space<hbm>>) target_semaphore(%arg5 : memref<!tpu.dma_semaphore, #tpu.memory_space<semaphore_mem>>)
      %add3A_752 = arith.constant 1152 : i32
      %add3A_753 = arith.addi %multiple_of3A_607, %add3A_752 : i32
      %dma_start3A_754 = arith.constant 0 : i32
      %dma_start3A_755 = arith.constant 9 : i32
      %dma_start3A_756 = arith.constant 0 : i32
      %dma_start3A_757 = tpu.memref_slice %arg4[%dma_start3A_756, %add3A_753] : memref<16x2560xf32, #tpu.memory_space<vmem>> -> memref<8x128xf32, #tpu.memory_space<vmem>>
      %dma_start3A_758 = arith.constant 0 : i32
      %dma_start3A_759 = arith.constant 0 : i32
      %dma_start3A_760 = tpu.memref_slice %arg3[%add3A_602, %dma_start3A_754, %dma_start3A_755, %dma_start3A_758, %dma_start3A_759] : memref<2048x2x16x8x128xf32, #tpu.memory_space<hbm>> -> memref<1x1x1x8x128xf32, #tpu.memory_space<hbm>>
      %dma_start3A_761 = tpu.memref_squeeze %dma_start3A_760 : memref<1x1x1x8x128xf32, #tpu.memory_space<hbm>> -> memref<8x128xf32, #tpu.memory_space<hbm>>
      %dma_start3A_762 = arith.constant 0 : i32
      %dma_start3A_763 = arith.constant 0 : i32
      %dma_start3A_764 = tpu.memref_slice %arg3[%add3A_602, %dma_start3A_754, %dma_start3A_755, %dma_start3A_762, %dma_start3A_763] : memref<2048x2x16x8x128xf32, #tpu.memory_space<hbm>> -> memref<1x1x1x8x128xf32, #tpu.memory_space<hbm>>
      %dma_start3A_765 = tpu.memref_squeeze %dma_start3A_764 : memref<1x1x1x8x128xf32, #tpu.memory_space<hbm>> -> memref<8x128xf32, #tpu.memory_space<hbm>>
      %dma_start3A_766 = arith.constant 0 : i32
      %dma_start3A_767 = tpu.memref_slice %arg4[%dma_start3A_766, %add3A_753] : memref<16x2560xf32, #tpu.memory_space<vmem>> -> memref<8x128xf32, #tpu.memory_space<vmem>>
      tpu.enqueue_dma source(%dma_start3A_767 : memref<8x128xf32, #tpu.memory_space<vmem>>) target(%dma_start3A_765 : memref<8x128xf32, #tpu.memory_space<hbm>>) target_semaphore(%arg5 : memref<!tpu.dma_semaphore, #tpu.memory_space<semaphore_mem>>)
      %add3A_768 = arith.constant 1280 : i32
      %add3A_769 = arith.addi %multiple_of3A_607, %add3A_768 : i32
      %dma_start3A_770 = arith.constant 0 : i32
      %dma_start3A_771 = arith.constant 10 : i32
      %dma_start3A_772 = arith.constant 0 : i32
      %dma_start3A_773 = tpu.memref_slice %arg4[%dma_start3A_772, %add3A_769] : memref<16x2560xf32, #tpu.memory_space<vmem>> -> memref<8x128xf32, #tpu.memory_space<vmem>>
      %dma_start3A_774 = arith.constant 0 : i32
      %dma_start3A_775 = arith.constant 0 : i32
      %dma_start3A_776 = tpu.memref_slice %arg3[%add3A_602, %dma_start3A_770, %dma_start3A_771, %dma_start3A_774, %dma_start3A_775] : memref<2048x2x16x8x128xf32, #tpu.memory_space<hbm>> -> memref<1x1x1x8x128xf32, #tpu.memory_space<hbm>>
      %dma_start3A_777 = tpu.memref_squeeze %dma_start3A_776 : memref<1x1x1x8x128xf32, #tpu.memory_space<hbm>> -> memref<8x128xf32, #tpu.memory_space<hbm>>
      %dma_start3A_778 = arith.constant 0 : i32
      %dma_start3A_779 = arith.constant 0 : i32
      %dma_start3A_780 = tpu.memref_slice %arg3[%add3A_602, %dma_start3A_770, %dma_start3A_771, %dma_start3A_778, %dma_start3A_779] : memref<2048x2x16x8x128xf32, #tpu.memory_space<hbm>> -> memref<1x1x1x8x128xf32, #tpu.memory_space<hbm>>
      %dma_start3A_781 = tpu.memref_squeeze %dma_start3A_780 : memref<1x1x1x8x128xf32, #tpu.memory_space<hbm>> -> memref<8x128xf32, #tpu.memory_space<hbm>>
      %dma_start3A_782 = arith.constant 0 : i32
      %dma_start3A_783 = tpu.memref_slice %arg4[%dma_start3A_782, %add3A_769] : memref<16x2560xf32, #tpu.memory_space<vmem>> -> memref<8x128xf32, #tpu.memory_space<vmem>>
      tpu.enqueue_dma source(%dma_start3A_783 : memref<8x128xf32, #tpu.memory_space<vmem>>) target(%dma_start3A_781 : memref<8x128xf32, #tpu.memory_space<hbm>>) target_semaphore(%arg5 : memref<!tpu.dma_semaphore, #tpu.memory_space<semaphore_mem>>)
      %add3A_784 = arith.constant 1408 : i32
      %add3A_785 = arith.addi %multiple_of3A_607, %add3A_784 : i32
      %dma_start3A_786 = arith.constant 0 : i32
      %dma_start3A_787 = arith.constant 11 : i32
      %dma_start3A_788 = arith.constant 0 : i32
      %dma_start3A_789 = tpu.memref_slice %arg4[%dma_start3A_788, %add3A_785] : memref<16x2560xf32, #tpu.memory_space<vmem>> -> memref<8x128xf32, #tpu.memory_space<vmem>>
      %dma_start3A_790 = arith.constant 0 : i32
      %dma_start3A_791 = arith.constant 0 : i32
      %dma_start3A_792 = tpu.memref_slice %arg3[%add3A_602, %dma_start3A_786, %dma_start3A_787, %dma_start3A_790, %dma_start3A_791] : memref<2048x2x16x8x128xf32, #tpu.memory_space<hbm>> -> memref<1x1x1x8x128xf32, #tpu.memory_space<hbm>>
      %dma_start3A_793 = tpu.memref_squeeze %dma_start3A_792 : memref<1x1x1x8x128xf32, #tpu.memory_space<hbm>> -> memref<8x128xf32, #tpu.memory_space<hbm>>
      %dma_start3A_794 = arith.constant 0 : i32
      %dma_start3A_795 = arith.constant 0 : i32
      %dma_start3A_796 = tpu.memref_slice %arg3[%add3A_602, %dma_start3A_786, %dma_start3A_787, %dma_start3A_794, %dma_start3A_795] : memref<2048x2x16x8x128xf32, #tpu.memory_space<hbm>> -> memref<1x1x1x8x128xf32, #tpu.memory_space<hbm>>
      %dma_start3A_797 = tpu.memref_squeeze %dma_start3A_796 : memref<1x1x1x8x128xf32, #tpu.memory_space<hbm>> -> memref<8x128xf32, #tpu.memory_space<hbm>>
      %dma_start3A_798 = arith.constant 0 : i32
      %dma_start3A_799 = tpu.memref_slice %arg4[%dma_start3A_798, %add3A_785] : memref<16x2560xf32, #tpu.memory_space<vmem>> -> memref<8x128xf32, #tpu.memory_space<vmem>>
      tpu.enqueue_dma source(%dma_start3A_799 : memref<8x128xf32, #tpu.memory_space<vmem>>) target(%dma_start3A_797 : memref<8x128xf32, #tpu.memory_space<hbm>>) target_semaphore(%arg5 : memref<!tpu.dma_semaphore, #tpu.memory_space<semaphore_mem>>)
      %add3A_800 = arith.constant 1536 : i32
      %add3A_801 = arith.addi %multiple_of3A_607, %add3A_800 : i32
      %dma_start3A_802 = arith.constant 0 : i32
      %dma_start3A_803 = arith.constant 12 : i32
      %dma_start3A_804 = arith.constant 0 : i32
      %dma_start3A_805 = tpu.memref_slice %arg4[%dma_start3A_804, %add3A_801] : memref<16x2560xf32, #tpu.memory_space<vmem>> -> memref<8x128xf32, #tpu.memory_space<vmem>>
      %dma_start3A_806 = arith.constant 0 : i32
      %dma_start3A_807 = arith.constant 0 : i32
      %dma_start3A_808 = tpu.memref_slice %arg3[%add3A_602, %dma_start3A_802, %dma_start3A_803, %dma_start3A_806, %dma_start3A_807] : memref<2048x2x16x8x128xf32, #tpu.memory_space<hbm>> -> memref<1x1x1x8x128xf32, #tpu.memory_space<hbm>>
      %dma_start3A_809 = tpu.memref_squeeze %dma_start3A_808 : memref<1x1x1x8x128xf32, #tpu.memory_space<hbm>> -> memref<8x128xf32, #tpu.memory_space<hbm>>
      %dma_start3A_810 = arith.constant 0 : i32
      %dma_start3A_811 = arith.constant 0 : i32
      %dma_start3A_812 = tpu.memref_slice %arg3[%add3A_602, %dma_start3A_802, %dma_start3A_803, %dma_start3A_810, %dma_start3A_811] : memref<2048x2x16x8x128xf32, #tpu.memory_space<hbm>> -> memref<1x1x1x8x128xf32, #tpu.memory_space<hbm>>
      %dma_start3A_813 = tpu.memref_squeeze %dma_start3A_812 : memref<1x1x1x8x128xf32, #tpu.memory_space<hbm>> -> memref<8x128xf32, #tpu.memory_space<hbm>>
      %dma_start3A_814 = arith.constant 0 : i32
      %dma_start3A_815 = tpu.memref_slice %arg4[%dma_start3A_814, %add3A_801] : memref<16x2560xf32, #tpu.memory_space<vmem>> -> memref<8x128xf32, #tpu.memory_space<vmem>>
      tpu.enqueue_dma source(%dma_start3A_815 : memref<8x128xf32, #tpu.memory_space<vmem>>) target(%dma_start3A_813 : memref<8x128xf32, #tpu.memory_space<hbm>>) target_semaphore(%arg5 : memref<!tpu.dma_semaphore, #tpu.memory_space<semaphore_mem>>)
      %add3A_816 = arith.constant 1664 : i32
      %add3A_817 = arith.addi %multiple_of3A_607, %add3A_816 : i32
      %dma_start3A_818 = arith.constant 0 : i32
      %dma_start3A_819 = arith.constant 13 : i32
      %dma_start3A_820 = arith.constant 0 : i32
      %dma_start3A_821 = tpu.memref_slice %arg4[%dma_start3A_820, %add3A_817] : memref<16x2560xf32, #tpu.memory_space<vmem>> -> memref<8x128xf32, #tpu.memory_space<vmem>>
      %dma_start3A_822 = arith.constant 0 : i32
      %dma_start3A_823 = arith.constant 0 : i32
      %dma_start3A_824 = tpu.memref_slice %arg3[%add3A_602, %dma_start3A_818, %dma_start3A_819, %dma_start3A_822, %dma_start3A_823] : memref<2048x2x16x8x128xf32, #tpu.memory_space<hbm>> -> memref<1x1x1x8x128xf32, #tpu.memory_space<hbm>>
      %dma_start3A_825 = tpu.memref_squeeze %dma_start3A_824 : memref<1x1x1x8x128xf32, #tpu.memory_space<hbm>> -> memref<8x128xf32, #tpu.memory_space<hbm>>
      %dma_start3A_826 = arith.constant 0 : i32
      %dma_start3A_827 = arith.constant 0 : i32
      %dma_start3A_828 = tpu.memref_slice %arg3[%add3A_602, %dma_start3A_818, %dma_start3A_819, %dma_start3A_826, %dma_start3A_827] : memref<2048x2x16x8x128xf32, #tpu.memory_space<hbm>> -> memref<1x1x1x8x128xf32, #tpu.memory_space<hbm>>
      %dma_start3A_829 = tpu.memref_squeeze %dma_start3A_828 : memref<1x1x1x8x128xf32, #tpu.memory_space<hbm>> -> memref<8x128xf32, #tpu.memory_space<hbm>>
      %dma_start3A_830 = arith.constant 0 : i32
      %dma_start3A_831 = tpu.memref_slice %arg4[%dma_start3A_830, %add3A_817] : memref<16x2560xf32, #tpu.memory_space<vmem>> -> memref<8x128xf32, #tpu.memory_space<vmem>>
      tpu.enqueue_dma source(%dma_start3A_831 : memref<8x128xf32, #tpu.memory_space<vmem>>) target(%dma_start3A_829 : memref<8x128xf32, #tpu.memory_space<hbm>>) target_semaphore(%arg5 : memref<!tpu.dma_semaphore, #tpu.memory_space<semaphore_mem>>)
      %add3A_832 = arith.constant 1792 : i32
      %add3A_833 = arith.addi %multiple_of3A_607, %add3A_832 : i32
      %dma_start3A_834 = arith.constant 0 : i32
      %dma_start3A_835 = arith.constant 14 : i32
      %dma_start3A_836 = arith.constant 0 : i32
      %dma_start3A_837 = tpu.memref_slice %arg4[%dma_start3A_836, %add3A_833] : memref<16x2560xf32, #tpu.memory_space<vmem>> -> memref<8x128xf32, #tpu.memory_space<vmem>>
      %dma_start3A_838 = arith.constant 0 : i32
      %dma_start3A_839 = arith.constant 0 : i32
      %dma_start3A_840 = tpu.memref_slice %arg3[%add3A_602, %dma_start3A_834, %dma_start3A_835, %dma_start3A_838, %dma_start3A_839] : memref<2048x2x16x8x128xf32, #tpu.memory_space<hbm>> -> memref<1x1x1x8x128xf32, #tpu.memory_space<hbm>>
      %dma_start3A_841 = tpu.memref_squeeze %dma_start3A_840 : memref<1x1x1x8x128xf32, #tpu.memory_space<hbm>> -> memref<8x128xf32, #tpu.memory_space<hbm>>
      %dma_start3A_842 = arith.constant 0 : i32
      %dma_start3A_843 = arith.constant 0 : i32
      %dma_start3A_844 = tpu.memref_slice %arg3[%add3A_602, %dma_start3A_834, %dma_start3A_835, %dma_start3A_842, %dma_start3A_843] : memref<2048x2x16x8x128xf32, #tpu.memory_space<hbm>> -> memref<1x1x1x8x128xf32, #tpu.memory_space<hbm>>
      %dma_start3A_845 = tpu.memref_squeeze %dma_start3A_844 : memref<1x1x1x8x128xf32, #tpu.memory_space<hbm>> -> memref<8x128xf32, #tpu.memory_space<hbm>>
      %dma_start3A_846 = arith.constant 0 : i32
      %dma_start3A_847 = tpu.memref_slice %arg4[%dma_start3A_846, %add3A_833] : memref<16x2560xf32, #tpu.memory_space<vmem>> -> memref<8x128xf32, #tpu.memory_space<vmem>>
      tpu.enqueue_dma source(%dma_start3A_847 : memref<8x128xf32, #tpu.memory_space<vmem>>) target(%dma_start3A_845 : memref<8x128xf32, #tpu.memory_space<hbm>>) target_semaphore(%arg5 : memref<!tpu.dma_semaphore, #tpu.memory_space<semaphore_mem>>)
      %add3A_848 = arith.constant 1920 : i32
      %add3A_849 = arith.addi %multiple_of3A_607, %add3A_848 : i32
      %dma_start3A_850 = arith.constant 0 : i32
      %dma_start3A_851 = arith.constant 15 : i32
      %dma_start3A_852 = arith.constant 0 : i32
      %dma_start3A_853 = tpu.memref_slice %arg4[%dma_start3A_852, %add3A_849] : memref<16x2560xf32, #tpu.memory_space<vmem>> -> memref<8x128xf32, #tpu.memory_space<vmem>>
      %dma_start3A_854 = arith.constant 0 : i32
      %dma_start3A_855 = arith.constant 0 : i32
      %dma_start3A_856 = tpu.memref_slice %arg3[%add3A_602, %dma_start3A_850, %dma_start3A_851, %dma_start3A_854, %dma_start3A_855] : memref<2048x2x16x8x128xf32, #tpu.memory_space<hbm>> -> memref<1x1x1x8x128xf32, #tpu.memory_space<hbm>>
      %dma_start3A_857 = tpu.memref_squeeze %dma_start3A_856 : memref<1x1x1x8x128xf32, #tpu.memory_space<hbm>> -> memref<8x128xf32, #tpu.memory_space<hbm>>
      %dma_start3A_858 = arith.constant 0 : i32
      %dma_start3A_859 = arith.constant 0 : i32
      %dma_start3A_860 = tpu.memref_slice %arg3[%add3A_602, %dma_start3A_850, %dma_start3A_851, %dma_start3A_858, %dma_start3A_859] : memref<2048x2x16x8x128xf32, #tpu.memory_space<hbm>> -> memref<1x1x1x8x128xf32, #tpu.memory_space<hbm>>
      %dma_start3A_861 = tpu.memref_squeeze %dma_start3A_860 : memref<1x1x1x8x128xf32, #tpu.memory_space<hbm>> -> memref<8x128xf32, #tpu.memory_space<hbm>>
      %dma_start3A_862 = arith.constant 0 : i32
      %dma_start3A_863 = tpu.memref_slice %arg4[%dma_start3A_862, %add3A_849] : memref<16x2560xf32, #tpu.memory_space<vmem>> -> memref<8x128xf32, #tpu.memory_space<vmem>>
      tpu.enqueue_dma source(%dma_start3A_863 : memref<8x128xf32, #tpu.memory_space<vmem>>) target(%dma_start3A_861 : memref<8x128xf32, #tpu.memory_space<hbm>>) target_semaphore(%arg5 : memref<!tpu.dma_semaphore, #tpu.memory_space<semaphore_mem>>)
      %add3A_864 = arith.constant 0 : i32
      %add3A_865 = arith.addi %multiple_of3A_607, %add3A_864 : i32
      %dma_start3A_866 = arith.constant 1 : i32
      %dma_start3A_867 = arith.constant 0 : i32
      %dma_start3A_868 = arith.constant 8 : i32
      %dma_start3A_869 = tpu.memref_slice %arg4[%dma_start3A_868, %add3A_865] : memref<16x2560xf32, #tpu.memory_space<vmem>> -> memref<8x128xf32, #tpu.memory_space<vmem>>
      %dma_start3A_870 = arith.constant 0 : i32
      %dma_start3A_871 = arith.constant 0 : i32
      %dma_start3A_872 = tpu.memref_slice %arg3[%add3A_602, %dma_start3A_866, %dma_start3A_867, %dma_start3A_870, %dma_start3A_871] : memref<2048x2x16x8x128xf32, #tpu.memory_space<hbm>> -> memref<1x1x1x8x128xf32, #tpu.memory_space<hbm>>
      %dma_start3A_873 = tpu.memref_squeeze %dma_start3A_872 : memref<1x1x1x8x128xf32, #tpu.memory_space<hbm>> -> memref<8x128xf32, #tpu.memory_space<hbm>>
      %dma_start3A_874 = arith.constant 0 : i32
      %dma_start3A_875 = arith.constant 0 : i32
      %dma_start3A_876 = tpu.memref_slice %arg3[%add3A_602, %dma_start3A_866, %dma_start3A_867, %dma_start3A_874, %dma_start3A_875] : memref<2048x2x16x8x128xf32, #tpu.memory_space<hbm>> -> memref<1x1x1x8x128xf32, #tpu.memory_space<hbm>>
      %dma_start3A_877 = tpu.memref_squeeze %dma_start3A_876 : memref<1x1x1x8x128xf32, #tpu.memory_space<hbm>> -> memref<8x128xf32, #tpu.memory_space<hbm>>
      %dma_start3A_878 = arith.constant 8 : i32
      %dma_start3A_879 = tpu.memref_slice %arg4[%dma_start3A_878, %add3A_865] : memref<16x2560xf32, #tpu.memory_space<vmem>> -> memref<8x128xf32, #tpu.memory_space<vmem>>
      tpu.enqueue_dma source(%dma_start3A_879 : memref<8x128xf32, #tpu.memory_space<vmem>>) target(%dma_start3A_877 : memref<8x128xf32, #tpu.memory_space<hbm>>) target_semaphore(%arg5 : memref<!tpu.dma_semaphore, #tpu.memory_space<semaphore_mem>>)
      %add3A_880 = arith.constant 128 : i32
      %add3A_881 = arith.addi %multiple_of3A_607, %add3A_880 : i32
      %dma_start3A_882 = arith.constant 1 : i32
      %dma_start3A_883 = arith.constant 1 : i32
      %dma_start3A_884 = arith.constant 8 : i32
      %dma_start3A_885 = tpu.memref_slice %arg4[%dma_start3A_884, %add3A_881] : memref<16x2560xf32, #tpu.memory_space<vmem>> -> memref<8x128xf32, #tpu.memory_space<vmem>>
      %dma_start3A_886 = arith.constant 0 : i32
      %dma_start3A_887 = arith.constant 0 : i32
      %dma_start3A_888 = tpu.memref_slice %arg3[%add3A_602, %dma_start3A_882, %dma_start3A_883, %dma_start3A_886, %dma_start3A_887] : memref<2048x2x16x8x128xf32, #tpu.memory_space<hbm>> -> memref<1x1x1x8x128xf32, #tpu.memory_space<hbm>>
      %dma_start3A_889 = tpu.memref_squeeze %dma_start3A_888 : memref<1x1x1x8x128xf32, #tpu.memory_space<hbm>> -> memref<8x128xf32, #tpu.memory_space<hbm>>
      %dma_start3A_890 = arith.constant 0 : i32
      %dma_start3A_891 = arith.constant 0 : i32
      %dma_start3A_892 = tpu.memref_slice %arg3[%add3A_602, %dma_start3A_882, %dma_start3A_883, %dma_start3A_890, %dma_start3A_891] : memref<2048x2x16x8x128xf32, #tpu.memory_space<hbm>> -> memref<1x1x1x8x128xf32, #tpu.memory_space<hbm>>
      %dma_start3A_893 = tpu.memref_squeeze %dma_start3A_892 : memref<1x1x1x8x128xf32, #tpu.memory_space<hbm>> -> memref<8x128xf32, #tpu.memory_space<hbm>>
      %dma_start3A_894 = arith.constant 8 : i32
      %dma_start3A_895 = tpu.memref_slice %arg4[%dma_start3A_894, %add3A_881] : memref<16x2560xf32, #tpu.memory_space<vmem>> -> memref<8x128xf32, #tpu.memory_space<vmem>>
      tpu.enqueue_dma source(%dma_start3A_895 : memref<8x128xf32, #tpu.memory_space<vmem>>) target(%dma_start3A_893 : memref<8x128xf32, #tpu.memory_space<hbm>>) target_semaphore(%arg5 : memref<!tpu.dma_semaphore, #tpu.memory_space<semaphore_mem>>)
      %add3A_896 = arith.constant 256 : i32
      %add3A_897 = arith.addi %multiple_of3A_607, %add3A_896 : i32
      %dma_start3A_898 = arith.constant 1 : i32
      %dma_start3A_899 = arith.constant 2 : i32
      %dma_start3A_900 = arith.constant 8 : i32
      %dma_start3A_901 = tpu.memref_slice %arg4[%dma_start3A_900, %add3A_897] : memref<16x2560xf32, #tpu.memory_space<vmem>> -> memref<8x128xf32, #tpu.memory_space<vmem>>
      %dma_start3A_902 = arith.constant 0 : i32
      %dma_start3A_903 = arith.constant 0 : i32
      %dma_start3A_904 = tpu.memref_slice %arg3[%add3A_602, %dma_start3A_898, %dma_start3A_899, %dma_start3A_902, %dma_start3A_903] : memref<2048x2x16x8x128xf32, #tpu.memory_space<hbm>> -> memref<1x1x1x8x128xf32, #tpu.memory_space<hbm>>
      %dma_start3A_905 = tpu.memref_squeeze %dma_start3A_904 : memref<1x1x1x8x128xf32, #tpu.memory_space<hbm>> -> memref<8x128xf32, #tpu.memory_space<hbm>>
      %dma_start3A_906 = arith.constant 0 : i32
      %dma_start3A_907 = arith.constant 0 : i32
      %dma_start3A_908 = tpu.memref_slice %arg3[%add3A_602, %dma_start3A_898, %dma_start3A_899, %dma_start3A_906, %dma_start3A_907] : memref<2048x2x16x8x128xf32, #tpu.memory_space<hbm>> -> memref<1x1x1x8x128xf32, #tpu.memory_space<hbm>>
      %dma_start3A_909 = tpu.memref_squeeze %dma_start3A_908 : memref<1x1x1x8x128xf32, #tpu.memory_space<hbm>> -> memref<8x128xf32, #tpu.memory_space<hbm>>
      %dma_start3A_910 = arith.constant 8 : i32
      %dma_start3A_911 = tpu.memref_slice %arg4[%dma_start3A_910, %add3A_897] : memref<16x2560xf32, #tpu.memory_space<vmem>> -> memref<8x128xf32, #tpu.memory_space<vmem>>
      tpu.enqueue_dma source(%dma_start3A_911 : memref<8x128xf32, #tpu.memory_space<vmem>>) target(%dma_start3A_909 : memref<8x128xf32, #tpu.memory_space<hbm>>) target_semaphore(%arg5 : memref<!tpu.dma_semaphore, #tpu.memory_space<semaphore_mem>>)
      %add3A_912 = arith.constant 384 : i32
      %add3A_913 = arith.addi %multiple_of3A_607, %add3A_912 : i32
      %dma_start3A_914 = arith.constant 1 : i32
      %dma_start3A_915 = arith.constant 3 : i32
      %dma_start3A_916 = arith.constant 8 : i32
      %dma_start3A_917 = tpu.memref_slice %arg4[%dma_start3A_916, %add3A_913] : memref<16x2560xf32, #tpu.memory_space<vmem>> -> memref<8x128xf32, #tpu.memory_space<vmem>>
      %dma_start3A_918 = arith.constant 0 : i32
      %dma_start3A_919 = arith.constant 0 : i32
      %dma_start3A_920 = tpu.memref_slice %arg3[%add3A_602, %dma_start3A_914, %dma_start3A_915, %dma_start3A_918, %dma_start3A_919] : memref<2048x2x16x8x128xf32, #tpu.memory_space<hbm>> -> memref<1x1x1x8x128xf32, #tpu.memory_space<hbm>>
      %dma_start3A_921 = tpu.memref_squeeze %dma_start3A_920 : memref<1x1x1x8x128xf32, #tpu.memory_space<hbm>> -> memref<8x128xf32, #tpu.memory_space<hbm>>
      %dma_start3A_922 = arith.constant 0 : i32
      %dma_start3A_923 = arith.constant 0 : i32
      %dma_start3A_924 = tpu.memref_slice %arg3[%add3A_602, %dma_start3A_914, %dma_start3A_915, %dma_start3A_922, %dma_start3A_923] : memref<2048x2x16x8x128xf32, #tpu.memory_space<hbm>> -> memref<1x1x1x8x128xf32, #tpu.memory_space<hbm>>
      %dma_start3A_925 = tpu.memref_squeeze %dma_start3A_924 : memref<1x1x1x8x128xf32, #tpu.memory_space<hbm>> -> memref<8x128xf32, #tpu.memory_space<hbm>>
      %dma_start3A_926 = arith.constant 8 : i32
      %dma_start3A_927 = tpu.memref_slice %arg4[%dma_start3A_926, %add3A_913] : memref<16x2560xf32, #tpu.memory_space<vmem>> -> memref<8x128xf32, #tpu.memory_space<vmem>>
      tpu.enqueue_dma source(%dma_start3A_927 : memref<8x128xf32, #tpu.memory_space<vmem>>) target(%dma_start3A_925 : memref<8x128xf32, #tpu.memory_space<hbm>>) target_semaphore(%arg5 : memref<!tpu.dma_semaphore, #tpu.memory_space<semaphore_mem>>)
      %add3A_928 = arith.constant 512 : i32
      %add3A_929 = arith.addi %multiple_of3A_607, %add3A_928 : i32
      %dma_start3A_930 = arith.constant 1 : i32
      %dma_start3A_931 = arith.constant 4 : i32
      %dma_start3A_932 = arith.constant 8 : i32
      %dma_start3A_933 = tpu.memref_slice %arg4[%dma_start3A_932, %add3A_929] : memref<16x2560xf32, #tpu.memory_space<vmem>> -> memref<8x128xf32, #tpu.memory_space<vmem>>
      %dma_start3A_934 = arith.constant 0 : i32
      %dma_start3A_935 = arith.constant 0 : i32
      %dma_start3A_936 = tpu.memref_slice %arg3[%add3A_602, %dma_start3A_930, %dma_start3A_931, %dma_start3A_934, %dma_start3A_935] : memref<2048x2x16x8x128xf32, #tpu.memory_space<hbm>> -> memref<1x1x1x8x128xf32, #tpu.memory_space<hbm>>
      %dma_start3A_937 = tpu.memref_squeeze %dma_start3A_936 : memref<1x1x1x8x128xf32, #tpu.memory_space<hbm>> -> memref<8x128xf32, #tpu.memory_space<hbm>>
      %dma_start3A_938 = arith.constant 0 : i32
      %dma_start3A_939 = arith.constant 0 : i32
      %dma_start3A_940 = tpu.memref_slice %arg3[%add3A_602, %dma_start3A_930, %dma_start3A_931, %dma_start3A_938, %dma_start3A_939] : memref<2048x2x16x8x128xf32, #tpu.memory_space<hbm>> -> memref<1x1x1x8x128xf32, #tpu.memory_space<hbm>>
      %dma_start3A_941 = tpu.memref_squeeze %dma_start3A_940 : memref<1x1x1x8x128xf32, #tpu.memory_space<hbm>> -> memref<8x128xf32, #tpu.memory_space<hbm>>
      %dma_start3A_942 = arith.constant 8 : i32
      %dma_start3A_943 = tpu.memref_slice %arg4[%dma_start3A_942, %add3A_929] : memref<16x2560xf32, #tpu.memory_space<vmem>> -> memref<8x128xf32, #tpu.memory_space<vmem>>
      tpu.enqueue_dma source(%dma_start3A_943 : memref<8x128xf32, #tpu.memory_space<vmem>>) target(%dma_start3A_941 : memref<8x128xf32, #tpu.memory_space<hbm>>) target_semaphore(%arg5 : memref<!tpu.dma_semaphore, #tpu.memory_space<semaphore_mem>>)
      %add3A_944 = arith.constant 640 : i32
      %add3A_945 = arith.addi %multiple_of3A_607, %add3A_944 : i32
      %dma_start3A_946 = arith.constant 1 : i32
      %dma_start3A_947 = arith.constant 5 : i32
      %dma_start3A_948 = arith.constant 8 : i32
      %dma_start3A_949 = tpu.memref_slice %arg4[%dma_start3A_948, %add3A_945] : memref<16x2560xf32, #tpu.memory_space<vmem>> -> memref<8x128xf32, #tpu.memory_space<vmem>>
      %dma_start3A_950 = arith.constant 0 : i32
      %dma_start3A_951 = arith.constant 0 : i32
      %dma_start3A_952 = tpu.memref_slice %arg3[%add3A_602, %dma_start3A_946, %dma_start3A_947, %dma_start3A_950, %dma_start3A_951] : memref<2048x2x16x8x128xf32, #tpu.memory_space<hbm>> -> memref<1x1x1x8x128xf32, #tpu.memory_space<hbm>>
      %dma_start3A_953 = tpu.memref_squeeze %dma_start3A_952 : memref<1x1x1x8x128xf32, #tpu.memory_space<hbm>> -> memref<8x128xf32, #tpu.memory_space<hbm>>
      %dma_start3A_954 = arith.constant 0 : i32
      %dma_start3A_955 = arith.constant 0 : i32
      %dma_start3A_956 = tpu.memref_slice %arg3[%add3A_602, %dma_start3A_946, %dma_start3A_947, %dma_start3A_954, %dma_start3A_955] : memref<2048x2x16x8x128xf32, #tpu.memory_space<hbm>> -> memref<1x1x1x8x128xf32, #tpu.memory_space<hbm>>
      %dma_start3A_957 = tpu.memref_squeeze %dma_start3A_956 : memref<1x1x1x8x128xf32, #tpu.memory_space<hbm>> -> memref<8x128xf32, #tpu.memory_space<hbm>>
      %dma_start3A_958 = arith.constant 8 : i32
      %dma_start3A_959 = tpu.memref_slice %arg4[%dma_start3A_958, %add3A_945] : memref<16x2560xf32, #tpu.memory_space<vmem>> -> memref<8x128xf32, #tpu.memory_space<vmem>>
      tpu.enqueue_dma source(%dma_start3A_959 : memref<8x128xf32, #tpu.memory_space<vmem>>) target(%dma_start3A_957 : memref<8x128xf32, #tpu.memory_space<hbm>>) target_semaphore(%arg5 : memref<!tpu.dma_semaphore, #tpu.memory_space<semaphore_mem>>)
      %add3A_960 = arith.constant 768 : i32
      %add3A_961 = arith.addi %multiple_of3A_607, %add3A_960 : i32
      %dma_start3A_962 = arith.constant 1 : i32
      %dma_start3A_963 = arith.constant 6 : i32
      %dma_start3A_964 = arith.constant 8 : i32
      %dma_start3A_965 = tpu.memref_slice %arg4[%dma_start3A_964, %add3A_961] : memref<16x2560xf32, #tpu.memory_space<vmem>> -> memref<8x128xf32, #tpu.memory_space<vmem>>
      %dma_start3A_966 = arith.constant 0 : i32
      %dma_start3A_967 = arith.constant 0 : i32
      %dma_start3A_968 = tpu.memref_slice %arg3[%add3A_602, %dma_start3A_962, %dma_start3A_963, %dma_start3A_966, %dma_start3A_967] : memref<2048x2x16x8x128xf32, #tpu.memory_space<hbm>> -> memref<1x1x1x8x128xf32, #tpu.memory_space<hbm>>
      %dma_start3A_969 = tpu.memref_squeeze %dma_start3A_968 : memref<1x1x1x8x128xf32, #tpu.memory_space<hbm>> -> memref<8x128xf32, #tpu.memory_space<hbm>>
      %dma_start3A_970 = arith.constant 0 : i32
      %dma_start3A_971 = arith.constant 0 : i32
      %dma_start3A_972 = tpu.memref_slice %arg3[%add3A_602, %dma_start3A_962, %dma_start3A_963, %dma_start3A_970, %dma_start3A_971] : memref<2048x2x16x8x128xf32, #tpu.memory_space<hbm>> -> memref<1x1x1x8x128xf32, #tpu.memory_space<hbm>>
      %dma_start3A_973 = tpu.memref_squeeze %dma_start3A_972 : memref<1x1x1x8x128xf32, #tpu.memory_space<hbm>> -> memref<8x128xf32, #tpu.memory_space<hbm>>
      %dma_start3A_974 = arith.constant 8 : i32
      %dma_start3A_975 = tpu.memref_slice %arg4[%dma_start3A_974, %add3A_961] : memref<16x2560xf32, #tpu.memory_space<vmem>> -> memref<8x128xf32, #tpu.memory_space<vmem>>
      tpu.enqueue_dma source(%dma_start3A_975 : memref<8x128xf32, #tpu.memory_space<vmem>>) target(%dma_start3A_973 : memref<8x128xf32, #tpu.memory_space<hbm>>) target_semaphore(%arg5 : memref<!tpu.dma_semaphore, #tpu.memory_space<semaphore_mem>>)
      %add3A_976 = arith.constant 896 : i32
      %add3A_977 = arith.addi %multiple_of3A_607, %add3A_976 : i32
      %dma_start3A_978 = arith.constant 1 : i32
      %dma_start3A_979 = arith.constant 7 : i32
      %dma_start3A_980 = arith.constant 8 : i32
      %dma_start3A_981 = tpu.memref_slice %arg4[%dma_start3A_980, %add3A_977] : memref<16x2560xf32, #tpu.memory_space<vmem>> -> memref<8x128xf32, #tpu.memory_space<vmem>>
      %dma_start3A_982 = arith.constant 0 : i32
      %dma_start3A_983 = arith.constant 0 : i32
      %dma_start3A_984 = tpu.memref_slice %arg3[%add3A_602, %dma_start3A_978, %dma_start3A_979, %dma_start3A_982, %dma_start3A_983] : memref<2048x2x16x8x128xf32, #tpu.memory_space<hbm>> -> memref<1x1x1x8x128xf32, #tpu.memory_space<hbm>>
      %dma_start3A_985 = tpu.memref_squeeze %dma_start3A_984 : memref<1x1x1x8x128xf32, #tpu.memory_space<hbm>> -> memref<8x128xf32, #tpu.memory_space<hbm>>
      %dma_start3A_986 = arith.constant 0 : i32
      %dma_start3A_987 = arith.constant 0 : i32
      %dma_start3A_988 = tpu.memref_slice %arg3[%add3A_602, %dma_start3A_978, %dma_start3A_979, %dma_start3A_986, %dma_start3A_987] : memref<2048x2x16x8x128xf32, #tpu.memory_space<hbm>> -> memref<1x1x1x8x128xf32, #tpu.memory_space<hbm>>
      %dma_start3A_989 = tpu.memref_squeeze %dma_start3A_988 : memref<1x1x1x8x128xf32, #tpu.memory_space<hbm>> -> memref<8x128xf32, #tpu.memory_space<hbm>>
      %dma_start3A_990 = arith.constant 8 : i32
      %dma_start3A_991 = tpu.memref_slice %arg4[%dma_start3A_990, %add3A_977] : memref<16x2560xf32, #tpu.memory_space<vmem>> -> memref<8x128xf32, #tpu.memory_space<vmem>>
      tpu.enqueue_dma source(%dma_start3A_991 : memref<8x128xf32, #tpu.memory_space<vmem>>) target(%dma_start3A_989 : memref<8x128xf32, #tpu.memory_space<hbm>>) target_semaphore(%arg5 : memref<!tpu.dma_semaphore, #tpu.memory_space<semaphore_mem>>)
      %add3A_992 = arith.constant 1024 : i32
      %add3A_993 = arith.addi %multiple_of3A_607, %add3A_992 : i32
      %dma_start3A_994 = arith.constant 1 : i32
      %dma_start3A_995 = arith.constant 8 : i32
      %dma_start3A_996 = arith.constant 8 : i32
      %dma_start3A_997 = tpu.memref_slice %arg4[%dma_start3A_996, %add3A_993] : memref<16x2560xf32, #tpu.memory_space<vmem>> -> memref<8x128xf32, #tpu.memory_space<vmem>>
      %dma_start3A_998 = arith.constant 0 : i32
      %dma_start3A_999 = arith.constant 0 : i32
      %dma_start3A_1000 = tpu.memref_slice %arg3[%add3A_602, %dma_start3A_994, %dma_start3A_995, %dma_start3A_998, %dma_start3A_999] : memref<2048x2x16x8x128xf32, #tpu.memory_space<hbm>> -> memref<1x1x1x8x128xf32, #tpu.memory_space<hbm>>
      %dma_start3A_1001 = tpu.memref_squeeze %dma_start3A_1000 : memref<1x1x1x8x128xf32, #tpu.memory_space<hbm>> -> memref<8x128xf32, #tpu.memory_space<hbm>>
      %dma_start3A_1002 = arith.constant 0 : i32
      %dma_start3A_1003 = arith.constant 0 : i32
      %dma_start3A_1004 = tpu.memref_slice %arg3[%add3A_602, %dma_start3A_994, %dma_start3A_995, %dma_start3A_1002, %dma_start3A_1003] : memref<2048x2x16x8x128xf32, #tpu.memory_space<hbm>> -> memref<1x1x1x8x128xf32, #tpu.memory_space<hbm>>
      %dma_start3A_1005 = tpu.memref_squeeze %dma_start3A_1004 : memref<1x1x1x8x128xf32, #tpu.memory_space<hbm>> -> memref<8x128xf32, #tpu.memory_space<hbm>>
      %dma_start3A_1006 = arith.constant 8 : i32
      %dma_start3A_1007 = tpu.memref_slice %arg4[%dma_start3A_1006, %add3A_993] : memref<16x2560xf32, #tpu.memory_space<vmem>> -> memref<8x128xf32, #tpu.memory_space<vmem>>
      tpu.enqueue_dma source(%dma_start3A_1007 : memref<8x128xf32, #tpu.memory_space<vmem>>) target(%dma_start3A_1005 : memref<8x128xf32, #tpu.memory_space<hbm>>) target_semaphore(%arg5 : memref<!tpu.dma_semaphore, #tpu.memory_space<semaphore_mem>>)
      %add3A_1008 = arith.constant 1152 : i32
      %add3A_1009 = arith.addi %multiple_of3A_607, %add3A_1008 : i32
      %dma_start3A_1010 = arith.constant 1 : i32
      %dma_start3A_1011 = arith.constant 9 : i32
      %dma_start3A_1012 = arith.constant 8 : i32
      %dma_start3A_1013 = tpu.memref_slice %arg4[%dma_start3A_1012, %add3A_1009] : memref<16x2560xf32, #tpu.memory_space<vmem>> -> memref<8x128xf32, #tpu.memory_space<vmem>>
      %dma_start3A_1014 = arith.constant 0 : i32
      %dma_start3A_1015 = arith.constant 0 : i32
      %dma_start3A_1016 = tpu.memref_slice %arg3[%add3A_602, %dma_start3A_1010, %dma_start3A_1011, %dma_start3A_1014, %dma_start3A_1015] : memref<2048x2x16x8x128xf32, #tpu.memory_space<hbm>> -> memref<1x1x1x8x128xf32, #tpu.memory_space<hbm>>
      %dma_start3A_1017 = tpu.memref_squeeze %dma_start3A_1016 : memref<1x1x1x8x128xf32, #tpu.memory_space<hbm>> -> memref<8x128xf32, #tpu.memory_space<hbm>>
      %dma_start3A_1018 = arith.constant 0 : i32
      %dma_start3A_1019 = arith.constant 0 : i32
      %dma_start3A_1020 = tpu.memref_slice %arg3[%add3A_602, %dma_start3A_1010, %dma_start3A_1011, %dma_start3A_1018, %dma_start3A_1019] : memref<2048x2x16x8x128xf32, #tpu.memory_space<hbm>> -> memref<1x1x1x8x128xf32, #tpu.memory_space<hbm>>
      %dma_start3A_1021 = tpu.memref_squeeze %dma_start3A_1020 : memref<1x1x1x8x128xf32, #tpu.memory_space<hbm>> -> memref<8x128xf32, #tpu.memory_space<hbm>>
      %dma_start3A_1022 = arith.constant 8 : i32
      %dma_start3A_1023 = tpu.memref_slice %arg4[%dma_start3A_1022, %add3A_1009] : memref<16x2560xf32, #tpu.memory_space<vmem>> -> memref<8x128xf32, #tpu.memory_space<vmem>>
      tpu.enqueue_dma source(%dma_start3A_1023 : memref<8x128xf32, #tpu.memory_space<vmem>>) target(%dma_start3A_1021 : memref<8x128xf32, #tpu.memory_space<hbm>>) target_semaphore(%arg5 : memref<!tpu.dma_semaphore, #tpu.memory_space<semaphore_mem>>)
      %add3A_1024 = arith.constant 1280 : i32
      %add3A_1025 = arith.addi %multiple_of3A_607, %add3A_1024 : i32
      %dma_start3A_1026 = arith.constant 1 : i32
      %dma_start3A_1027 = arith.constant 10 : i32
      %dma_start3A_1028 = arith.constant 8 : i32
      %dma_start3A_1029 = tpu.memref_slice %arg4[%dma_start3A_1028, %add3A_1025] : memref<16x2560xf32, #tpu.memory_space<vmem>> -> memref<8x128xf32, #tpu.memory_space<vmem>>
      %dma_start3A_1030 = arith.constant 0 : i32
      %dma_start3A_1031 = arith.constant 0 : i32
      %dma_start3A_1032 = tpu.memref_slice %arg3[%add3A_602, %dma_start3A_1026, %dma_start3A_1027, %dma_start3A_1030, %dma_start3A_1031] : memref<2048x2x16x8x128xf32, #tpu.memory_space<hbm>> -> memref<1x1x1x8x128xf32, #tpu.memory_space<hbm>>
      %dma_start3A_1033 = tpu.memref_squeeze %dma_start3A_1032 : memref<1x1x1x8x128xf32, #tpu.memory_space<hbm>> -> memref<8x128xf32, #tpu.memory_space<hbm>>
      %dma_start3A_1034 = arith.constant 0 : i32
      %dma_start3A_1035 = arith.constant 0 : i32
      %dma_start3A_1036 = tpu.memref_slice %arg3[%add3A_602, %dma_start3A_1026, %dma_start3A_1027, %dma_start3A_1034, %dma_start3A_1035] : memref<2048x2x16x8x128xf32, #tpu.memory_space<hbm>> -> memref<1x1x1x8x128xf32, #tpu.memory_space<hbm>>
      %dma_start3A_1037 = tpu.memref_squeeze %dma_start3A_1036 : memref<1x1x1x8x128xf32, #tpu.memory_space<hbm>> -> memref<8x128xf32, #tpu.memory_space<hbm>>
      %dma_start3A_1038 = arith.constant 8 : i32
      %dma_start3A_1039 = tpu.memref_slice %arg4[%dma_start3A_1038, %add3A_1025] : memref<16x2560xf32, #tpu.memory_space<vmem>> -> memref<8x128xf32, #tpu.memory_space<vmem>>
      tpu.enqueue_dma source(%dma_start3A_1039 : memref<8x128xf32, #tpu.memory_space<vmem>>) target(%dma_start3A_1037 : memref<8x128xf32, #tpu.memory_space<hbm>>) target_semaphore(%arg5 : memref<!tpu.dma_semaphore, #tpu.memory_space<semaphore_mem>>)
      %add3A_1040 = arith.constant 1408 : i32
      %add3A_1041 = arith.addi %multiple_of3A_607, %add3A_1040 : i32
      %dma_start3A_1042 = arith.constant 1 : i32
      %dma_start3A_1043 = arith.constant 11 : i32
      %dma_start3A_1044 = arith.constant 8 : i32
      %dma_start3A_1045 = tpu.memref_slice %arg4[%dma_start3A_1044, %add3A_1041] : memref<16x2560xf32, #tpu.memory_space<vmem>> -> memref<8x128xf32, #tpu.memory_space<vmem>>
      %dma_start3A_1046 = arith.constant 0 : i32
      %dma_start3A_1047 = arith.constant 0 : i32
      %dma_start3A_1048 = tpu.memref_slice %arg3[%add3A_602, %dma_start3A_1042, %dma_start3A_1043, %dma_start3A_1046, %dma_start3A_1047] : memref<2048x2x16x8x128xf32, #tpu.memory_space<hbm>> -> memref<1x1x1x8x128xf32, #tpu.memory_space<hbm>>
      %dma_start3A_1049 = tpu.memref_squeeze %dma_start3A_1048 : memref<1x1x1x8x128xf32, #tpu.memory_space<hbm>> -> memref<8x128xf32, #tpu.memory_space<hbm>>
      %dma_start3A_1050 = arith.constant 0 : i32
      %dma_start3A_1051 = arith.constant 0 : i32
      %dma_start3A_1052 = tpu.memref_slice %arg3[%add3A_602, %dma_start3A_1042, %dma_start3A_1043, %dma_start3A_1050, %dma_start3A_1051] : memref<2048x2x16x8x128xf32, #tpu.memory_space<hbm>> -> memref<1x1x1x8x128xf32, #tpu.memory_space<hbm>>
      %dma_start3A_1053 = tpu.memref_squeeze %dma_start3A_1052 : memref<1x1x1x8x128xf32, #tpu.memory_space<hbm>> -> memref<8x128xf32, #tpu.memory_space<hbm>>
      %dma_start3A_1054 = arith.constant 8 : i32
      %dma_start3A_1055 = tpu.memref_slice %arg4[%dma_start3A_1054, %add3A_1041] : memref<16x2560xf32, #tpu.memory_space<vmem>> -> memref<8x128xf32, #tpu.memory_space<vmem>>
      tpu.enqueue_dma source(%dma_start3A_1055 : memref<8x128xf32, #tpu.memory_space<vmem>>) target(%dma_start3A_1053 : memref<8x128xf32, #tpu.memory_space<hbm>>) target_semaphore(%arg5 : memref<!tpu.dma_semaphore, #tpu.memory_space<semaphore_mem>>)
      %add3A_1056 = arith.constant 1536 : i32
      %add3A_1057 = arith.addi %multiple_of3A_607, %add3A_1056 : i32
      %dma_start3A_1058 = arith.constant 1 : i32
      %dma_start3A_1059 = arith.constant 12 : i32
      %dma_start3A_1060 = arith.constant 8 : i32
      %dma_start3A_1061 = tpu.memref_slice %arg4[%dma_start3A_1060, %add3A_1057] : memref<16x2560xf32, #tpu.memory_space<vmem>> -> memref<8x128xf32, #tpu.memory_space<vmem>>
      %dma_start3A_1062 = arith.constant 0 : i32
      %dma_start3A_1063 = arith.constant 0 : i32
      %dma_start3A_1064 = tpu.memref_slice %arg3[%add3A_602, %dma_start3A_1058, %dma_start3A_1059, %dma_start3A_1062, %dma_start3A_1063] : memref<2048x2x16x8x128xf32, #tpu.memory_space<hbm>> -> memref<1x1x1x8x128xf32, #tpu.memory_space<hbm>>
      %dma_start3A_1065 = tpu.memref_squeeze %dma_start3A_1064 : memref<1x1x1x8x128xf32, #tpu.memory_space<hbm>> -> memref<8x128xf32, #tpu.memory_space<hbm>>
      %dma_start3A_1066 = arith.constant 0 : i32
      %dma_start3A_1067 = arith.constant 0 : i32
      %dma_start3A_1068 = tpu.memref_slice %arg3[%add3A_602, %dma_start3A_1058, %dma_start3A_1059, %dma_start3A_1066, %dma_start3A_1067] : memref<2048x2x16x8x128xf32, #tpu.memory_space<hbm>> -> memref<1x1x1x8x128xf32, #tpu.memory_space<hbm>>
      %dma_start3A_1069 = tpu.memref_squeeze %dma_start3A_1068 : memref<1x1x1x8x128xf32, #tpu.memory_space<hbm>> -> memref<8x128xf32, #tpu.memory_space<hbm>>
      %dma_start3A_1070 = arith.constant 8 : i32
      %dma_start3A_1071 = tpu.memref_slice %arg4[%dma_start3A_1070, %add3A_1057] : memref<16x2560xf32, #tpu.memory_space<vmem>> -> memref<8x128xf32, #tpu.memory_space<vmem>>
      tpu.enqueue_dma source(%dma_start3A_1071 : memref<8x128xf32, #tpu.memory_space<vmem>>) target(%dma_start3A_1069 : memref<8x128xf32, #tpu.memory_space<hbm>>) target_semaphore(%arg5 : memref<!tpu.dma_semaphore, #tpu.memory_space<semaphore_mem>>)
      %add3A_1072 = arith.constant 1664 : i32
      %add3A_1073 = arith.addi %multiple_of3A_607, %add3A_1072 : i32
      %dma_start3A_1074 = arith.constant 1 : i32
      %dma_start3A_1075 = arith.constant 13 : i32
      %dma_start3A_1076 = arith.constant 8 : i32
      %dma_start3A_1077 = tpu.memref_slice %arg4[%dma_start3A_1076, %add3A_1073] : memref<16x2560xf32, #tpu.memory_space<vmem>> -> memref<8x128xf32, #tpu.memory_space<vmem>>
      %dma_start3A_1078 = arith.constant 0 : i32
      %dma_start3A_1079 = arith.constant 0 : i32
      %dma_start3A_1080 = tpu.memref_slice %arg3[%add3A_602, %dma_start3A_1074, %dma_start3A_1075, %dma_start3A_1078, %dma_start3A_1079] : memref<2048x2x16x8x128xf32, #tpu.memory_space<hbm>> -> memref<1x1x1x8x128xf32, #tpu.memory_space<hbm>>
      %dma_start3A_1081 = tpu.memref_squeeze %dma_start3A_1080 : memref<1x1x1x8x128xf32, #tpu.memory_space<hbm>> -> memref<8x128xf32, #tpu.memory_space<hbm>>
      %dma_start3A_1082 = arith.constant 0 : i32
      %dma_start3A_1083 = arith.constant 0 : i32
      %dma_start3A_1084 = tpu.memref_slice %arg3[%add3A_602, %dma_start3A_1074, %dma_start3A_1075, %dma_start3A_1082, %dma_start3A_1083] : memref<2048x2x16x8x128xf32, #tpu.memory_space<hbm>> -> memref<1x1x1x8x128xf32, #tpu.memory_space<hbm>>
      %dma_start3A_1085 = tpu.memref_squeeze %dma_start3A_1084 : memref<1x1x1x8x128xf32, #tpu.memory_space<hbm>> -> memref<8x128xf32, #tpu.memory_space<hbm>>
      %dma_start3A_1086 = arith.constant 8 : i32
      %dma_start3A_1087 = tpu.memref_slice %arg4[%dma_start3A_1086, %add3A_1073] : memref<16x2560xf32, #tpu.memory_space<vmem>> -> memref<8x128xf32, #tpu.memory_space<vmem>>
      tpu.enqueue_dma source(%dma_start3A_1087 : memref<8x128xf32, #tpu.memory_space<vmem>>) target(%dma_start3A_1085 : memref<8x128xf32, #tpu.memory_space<hbm>>) target_semaphore(%arg5 : memref<!tpu.dma_semaphore, #tpu.memory_space<semaphore_mem>>)
      %add3A_1088 = arith.constant 1792 : i32
      %add3A_1089 = arith.addi %multiple_of3A_607, %add3A_1088 : i32
      %dma_start3A_1090 = arith.constant 1 : i32
      %dma_start3A_1091 = arith.constant 14 : i32
      %dma_start3A_1092 = arith.constant 8 : i32
      %dma_start3A_1093 = tpu.memref_slice %arg4[%dma_start3A_1092, %add3A_1089] : memref<16x2560xf32, #tpu.memory_space<vmem>> -> memref<8x128xf32, #tpu.memory_space<vmem>>
      %dma_start3A_1094 = arith.constant 0 : i32
      %dma_start3A_1095 = arith.constant 0 : i32
      %dma_start3A_1096 = tpu.memref_slice %arg3[%add3A_602, %dma_start3A_1090, %dma_start3A_1091, %dma_start3A_1094, %dma_start3A_1095] : memref<2048x2x16x8x128xf32, #tpu.memory_space<hbm>> -> memref<1x1x1x8x128xf32, #tpu.memory_space<hbm>>
      %dma_start3A_1097 = tpu.memref_squeeze %dma_start3A_1096 : memref<1x1x1x8x128xf32, #tpu.memory_space<hbm>> -> memref<8x128xf32, #tpu.memory_space<hbm>>
      %dma_start3A_1098 = arith.constant 0 : i32
      %dma_start3A_1099 = arith.constant 0 : i32
      %dma_start3A_1100 = tpu.memref_slice %arg3[%add3A_602, %dma_start3A_1090, %dma_start3A_1091, %dma_start3A_1098, %dma_start3A_1099] : memref<2048x2x16x8x128xf32, #tpu.memory_space<hbm>> -> memref<1x1x1x8x128xf32, #tpu.memory_space<hbm>>
      %dma_start3A_1101 = tpu.memref_squeeze %dma_start3A_1100 : memref<1x1x1x8x128xf32, #tpu.memory_space<hbm>> -> memref<8x128xf32, #tpu.memory_space<hbm>>
      %dma_start3A_1102 = arith.constant 8 : i32
      %dma_start3A_1103 = tpu.memref_slice %arg4[%dma_start3A_1102, %add3A_1089] : memref<16x2560xf32, #tpu.memory_space<vmem>> -> memref<8x128xf32, #tpu.memory_space<vmem>>
      tpu.enqueue_dma source(%dma_start3A_1103 : memref<8x128xf32, #tpu.memory_space<vmem>>) target(%dma_start3A_1101 : memref<8x128xf32, #tpu.memory_space<hbm>>) target_semaphore(%arg5 : memref<!tpu.dma_semaphore, #tpu.memory_space<semaphore_mem>>)
      %add3A_1104 = arith.constant 1920 : i32
      %add3A_1105 = arith.addi %multiple_of3A_607, %add3A_1104 : i32
      %dma_start3A_1106 = arith.constant 1 : i32
      %dma_start3A_1107 = arith.constant 15 : i32
      %dma_start3A_1108 = arith.constant 8 : i32
      %dma_start3A_1109 = tpu.memref_slice %arg4[%dma_start3A_1108, %add3A_1105] : memref<16x2560xf32, #tpu.memory_space<vmem>> -> memref<8x128xf32, #tpu.memory_space<vmem>>
      %dma_start3A_1110 = arith.constant 0 : i32
      %dma_start3A_1111 = arith.constant 0 : i32
      %dma_start3A_1112 = tpu.memref_slice %arg3[%add3A_602, %dma_start3A_1106, %dma_start3A_1107, %dma_start3A_1110, %dma_start3A_1111] : memref<2048x2x16x8x128xf32, #tpu.memory_space<hbm>> -> memref<1x1x1x8x128xf32, #tpu.memory_space<hbm>>
      %dma_start3A_1113 = tpu.memref_squeeze %dma_start3A_1112 : memref<1x1x1x8x128xf32, #tpu.memory_space<hbm>> -> memref<8x128xf32, #tpu.memory_space<hbm>>
      %dma_start3A_1114 = arith.constant 0 : i32
      %dma_start3A_1115 = arith.constant 0 : i32
      %dma_start3A_1116 = tpu.memref_slice %arg3[%add3A_602, %dma_start3A_1106, %dma_start3A_1107, %dma_start3A_1114, %dma_start3A_1115] : memref<2048x2x16x8x128xf32, #tpu.memory_space<hbm>> -> memref<1x1x1x8x128xf32, #tpu.memory_space<hbm>>
      %dma_start3A_1117 = tpu.memref_squeeze %dma_start3A_1116 : memref<1x1x1x8x128xf32, #tpu.memory_space<hbm>> -> memref<8x128xf32, #tpu.memory_space<hbm>>
      %dma_start3A_1118 = arith.constant 8 : i32
      %dma_start3A_1119 = tpu.memref_slice %arg4[%dma_start3A_1118, %add3A_1105] : memref<16x2560xf32, #tpu.memory_space<vmem>> -> memref<8x128xf32, #tpu.memory_space<vmem>>
      tpu.enqueue_dma source(%dma_start3A_1119 : memref<8x128xf32, #tpu.memory_space<vmem>>) target(%dma_start3A_1117 : memref<8x128xf32, #tpu.memory_space<hbm>>) target_semaphore(%arg5 : memref<!tpu.dma_semaphore, #tpu.memory_space<semaphore_mem>>)
      %dma_wait3A = arith.constant 0 : i32
      %dma_wait3A_1120 = arith.constant 0 : i32
      %dma_wait3A_1121 = arith.constant 0 : i32
      %dma_wait3A_1122 = tpu.memref_slice %arg4[%dma_wait3A_1121, %add3A_83] : memref<16x2560xf32, #tpu.memory_space<vmem>> -> memref<8x128xf32, #tpu.memory_space<vmem>>
      %dma_wait3A_1123 = arith.constant 0 : i32
      %dma_wait3A_1124 = arith.constant 0 : i32
      %dma_wait3A_1125 = tpu.memref_slice %arg3[%add3A_76, %dma_wait3A, %dma_wait3A_1120, %dma_wait3A_1123, %dma_wait3A_1124] : memref<2048x2x16x8x128xf32, #tpu.memory_space<hbm>> -> memref<1x1x1x8x128xf32, #tpu.memory_space<hbm>>
      %dma_wait3A_1126 = tpu.memref_squeeze %dma_wait3A_1125 : memref<1x1x1x8x128xf32, #tpu.memory_space<hbm>> -> memref<8x128xf32, #tpu.memory_space<hbm>>
      %dma_wait3A_1127 = arith.constant 0 : i32
      %dma_wait3A_1128 = arith.constant 0 : i32
      %dma_wait3A_1129 = tpu.memref_slice %arg3[%add3A_76, %dma_wait3A, %dma_wait3A_1120, %dma_wait3A_1127, %dma_wait3A_1128] : memref<2048x2x16x8x128xf32, #tpu.memory_space<hbm>> -> memref<1x1x1x8x128xf32, #tpu.memory_space<hbm>>
      %dma_wait3A_1130 = tpu.memref_squeeze %dma_wait3A_1129 : memref<1x1x1x8x128xf32, #tpu.memory_space<hbm>> -> memref<8x128xf32, #tpu.memory_space<hbm>>
      %dma_wait3A_1131 = arith.constant 0 : i32
      %dma_wait3A_1132 = tpu.memref_slice %arg4[%dma_wait3A_1131, %add3A_83] : memref<16x2560xf32, #tpu.memory_space<vmem>> -> memref<8x128xf32, #tpu.memory_space<vmem>>
      tpu.wait_dma2 semaphore(%arg5 : memref<!tpu.dma_semaphore, #tpu.memory_space<semaphore_mem>>) src(%dma_wait3A_1132 : memref<8x128xf32, #tpu.memory_space<vmem>>) dst(%dma_wait3A_1130 : memref<8x128xf32, #tpu.memory_space<hbm>>)
      %dma_wait3A_1133 = arith.constant 0 : i32
      %dma_wait3A_1134 = arith.constant 1 : i32
      %dma_wait3A_1135 = arith.constant 0 : i32
      %dma_wait3A_1136 = tpu.memref_slice %arg4[%dma_wait3A_1135, %add3A_98] : memref<16x2560xf32, #tpu.memory_space<vmem>> -> memref<8x128xf32, #tpu.memory_space<vmem>>
      %dma_wait3A_1137 = arith.constant 0 : i32
      %dma_wait3A_1138 = arith.constant 0 : i32
      %dma_wait3A_1139 = tpu.memref_slice %arg3[%add3A_76, %dma_wait3A_1133, %dma_wait3A_1134, %dma_wait3A_1137, %dma_wait3A_1138] : memref<2048x2x16x8x128xf32, #tpu.memory_space<hbm>> -> memref<1x1x1x8x128xf32, #tpu.memory_space<hbm>>
      %dma_wait3A_1140 = tpu.memref_squeeze %dma_wait3A_1139 : memref<1x1x1x8x128xf32, #tpu.memory_space<hbm>> -> memref<8x128xf32, #tpu.memory_space<hbm>>
      %dma_wait3A_1141 = arith.constant 0 : i32
      %dma_wait3A_1142 = arith.constant 0 : i32
      %dma_wait3A_1143 = tpu.memref_slice %arg3[%add3A_76, %dma_wait3A_1133, %dma_wait3A_1134, %dma_wait3A_1141, %dma_wait3A_1142] : memref<2048x2x16x8x128xf32, #tpu.memory_space<hbm>> -> memref<1x1x1x8x128xf32, #tpu.memory_space<hbm>>
      %dma_wait3A_1144 = tpu.memref_squeeze %dma_wait3A_1143 : memref<1x1x1x8x128xf32, #tpu.memory_space<hbm>> -> memref<8x128xf32, #tpu.memory_space<hbm>>
      %dma_wait3A_1145 = arith.constant 0 : i32
      %dma_wait3A_1146 = tpu.memref_slice %arg4[%dma_wait3A_1145, %add3A_98] : memref<16x2560xf32, #tpu.memory_space<vmem>> -> memref<8x128xf32, #tpu.memory_space<vmem>>
      tpu.wait_dma2 semaphore(%arg5 : memref<!tpu.dma_semaphore, #tpu.memory_space<semaphore_mem>>) src(%dma_wait3A_1146 : memref<8x128xf32, #tpu.memory_space<vmem>>) dst(%dma_wait3A_1144 : memref<8x128xf32, #tpu.memory_space<hbm>>)
      %dma_wait3A_1147 = arith.constant 0 : i32
      %dma_wait3A_1148 = arith.constant 2 : i32
      %dma_wait3A_1149 = arith.constant 0 : i32
      %dma_wait3A_1150 = tpu.memref_slice %arg4[%dma_wait3A_1149, %add3A_114] : memref<16x2560xf32, #tpu.memory_space<vmem>> -> memref<8x128xf32, #tpu.memory_space<vmem>>
      %dma_wait3A_1151 = arith.constant 0 : i32
      %dma_wait3A_1152 = arith.constant 0 : i32
      %dma_wait3A_1153 = tpu.memref_slice %arg3[%add3A_76, %dma_wait3A_1147, %dma_wait3A_1148, %dma_wait3A_1151, %dma_wait3A_1152] : memref<2048x2x16x8x128xf32, #tpu.memory_space<hbm>> -> memref<1x1x1x8x128xf32, #tpu.memory_space<hbm>>
      %dma_wait3A_1154 = tpu.memref_squeeze %dma_wait3A_1153 : memref<1x1x1x8x128xf32, #tpu.memory_space<hbm>> -> memref<8x128xf32, #tpu.memory_space<hbm>>
      %dma_wait3A_1155 = arith.constant 0 : i32
      %dma_wait3A_1156 = arith.constant 0 : i32
      %dma_wait3A_1157 = tpu.memref_slice %arg3[%add3A_76, %dma_wait3A_1147, %dma_wait3A_1148, %dma_wait3A_1155, %dma_wait3A_1156] : memref<2048x2x16x8x128xf32, #tpu.memory_space<hbm>> -> memref<1x1x1x8x128xf32, #tpu.memory_space<hbm>>
      %dma_wait3A_1158 = tpu.memref_squeeze %dma_wait3A_1157 : memref<1x1x1x8x128xf32, #tpu.memory_space<hbm>> -> memref<8x128xf32, #tpu.memory_space<hbm>>
      %dma_wait3A_1159 = arith.constant 0 : i32
      %dma_wait3A_1160 = tpu.memref_slice %arg4[%dma_wait3A_1159, %add3A_114] : memref<16x2560xf32, #tpu.memory_space<vmem>> -> memref<8x128xf32, #tpu.memory_space<vmem>>
      tpu.wait_dma2 semaphore(%arg5 : memref<!tpu.dma_semaphore, #tpu.memory_space<semaphore_mem>>) src(%dma_wait3A_1160 : memref<8x128xf32, #tpu.memory_space<vmem>>) dst(%dma_wait3A_1158 : memref<8x128xf32, #tpu.memory_space<hbm>>)
      %dma_wait3A_1161 = arith.constant 0 : i32
      %dma_wait3A_1162 = arith.constant 3 : i32
      %dma_wait3A_1163 = arith.constant 0 : i32
      %dma_wait3A_1164 = tpu.memref_slice %arg4[%dma_wait3A_1163, %add3A_130] : memref<16x2560xf32, #tpu.memory_space<vmem>> -> memref<8x128xf32, #tpu.memory_space<vmem>>
      %dma_wait3A_1165 = arith.constant 0 : i32
      %dma_wait3A_1166 = arith.constant 0 : i32
      %dma_wait3A_1167 = tpu.memref_slice %arg3[%add3A_76, %dma_wait3A_1161, %dma_wait3A_1162, %dma_wait3A_1165, %dma_wait3A_1166] : memref<2048x2x16x8x128xf32, #tpu.memory_space<hbm>> -> memref<1x1x1x8x128xf32, #tpu.memory_space<hbm>>
      %dma_wait3A_1168 = tpu.memref_squeeze %dma_wait3A_1167 : memref<1x1x1x8x128xf32, #tpu.memory_space<hbm>> -> memref<8x128xf32, #tpu.memory_space<hbm>>
      %dma_wait3A_1169 = arith.constant 0 : i32
      %dma_wait3A_1170 = arith.constant 0 : i32
      %dma_wait3A_1171 = tpu.memref_slice %arg3[%add3A_76, %dma_wait3A_1161, %dma_wait3A_1162, %dma_wait3A_1169, %dma_wait3A_1170] : memref<2048x2x16x8x128xf32, #tpu.memory_space<hbm>> -> memref<1x1x1x8x128xf32, #tpu.memory_space<hbm>>
      %dma_wait3A_1172 = tpu.memref_squeeze %dma_wait3A_1171 : memref<1x1x1x8x128xf32, #tpu.memory_space<hbm>> -> memref<8x128xf32, #tpu.memory_space<hbm>>
      %dma_wait3A_1173 = arith.constant 0 : i32
      %dma_wait3A_1174 = tpu.memref_slice %arg4[%dma_wait3A_1173, %add3A_130] : memref<16x2560xf32, #tpu.memory_space<vmem>> -> memref<8x128xf32, #tpu.memory_space<vmem>>
      tpu.wait_dma2 semaphore(%arg5 : memref<!tpu.dma_semaphore, #tpu.memory_space<semaphore_mem>>) src(%dma_wait3A_1174 : memref<8x128xf32, #tpu.memory_space<vmem>>) dst(%dma_wait3A_1172 : memref<8x128xf32, #tpu.memory_space<hbm>>)
      %dma_wait3A_1175 = arith.constant 0 : i32
      %dma_wait3A_1176 = arith.constant 4 : i32
      %dma_wait3A_1177 = arith.constant 0 : i32
      %dma_wait3A_1178 = tpu.memref_slice %arg4[%dma_wait3A_1177, %add3A_146] : memref<16x2560xf32, #tpu.memory_space<vmem>> -> memref<8x128xf32, #tpu.memory_space<vmem>>
      %dma_wait3A_1179 = arith.constant 0 : i32
      %dma_wait3A_1180 = arith.constant 0 : i32
      %dma_wait3A_1181 = tpu.memref_slice %arg3[%add3A_76, %dma_wait3A_1175, %dma_wait3A_1176, %dma_wait3A_1179, %dma_wait3A_1180] : memref<2048x2x16x8x128xf32, #tpu.memory_space<hbm>> -> memref<1x1x1x8x128xf32, #tpu.memory_space<hbm>>
      %dma_wait3A_1182 = tpu.memref_squeeze %dma_wait3A_1181 : memref<1x1x1x8x128xf32, #tpu.memory_space<hbm>> -> memref<8x128xf32, #tpu.memory_space<hbm>>
      %dma_wait3A_1183 = arith.constant 0 : i32
      %dma_wait3A_1184 = arith.constant 0 : i32
      %dma_wait3A_1185 = tpu.memref_slice %arg3[%add3A_76, %dma_wait3A_1175, %dma_wait3A_1176, %dma_wait3A_1183, %dma_wait3A_1184] : memref<2048x2x16x8x128xf32, #tpu.memory_space<hbm>> -> memref<1x1x1x8x128xf32, #tpu.memory_space<hbm>>
      %dma_wait3A_1186 = tpu.memref_squeeze %dma_wait3A_1185 : memref<1x1x1x8x128xf32, #tpu.memory_space<hbm>> -> memref<8x128xf32, #tpu.memory_space<hbm>>
      %dma_wait3A_1187 = arith.constant 0 : i32
      %dma_wait3A_1188 = tpu.memref_slice %arg4[%dma_wait3A_1187, %add3A_146] : memref<16x2560xf32, #tpu.memory_space<vmem>> -> memref<8x128xf32, #tpu.memory_space<vmem>>
      tpu.wait_dma2 semaphore(%arg5 : memref<!tpu.dma_semaphore, #tpu.memory_space<semaphore_mem>>) src(%dma_wait3A_1188 : memref<8x128xf32, #tpu.memory_space<vmem>>) dst(%dma_wait3A_1186 : memref<8x128xf32, #tpu.memory_space<hbm>>)
      %dma_wait3A_1189 = arith.constant 0 : i32
      %dma_wait3A_1190 = arith.constant 5 : i32
      %dma_wait3A_1191 = arith.constant 0 : i32
      %dma_wait3A_1192 = tpu.memref_slice %arg4[%dma_wait3A_1191, %add3A_162] : memref<16x2560xf32, #tpu.memory_space<vmem>> -> memref<8x128xf32, #tpu.memory_space<vmem>>
      %dma_wait3A_1193 = arith.constant 0 : i32
      %dma_wait3A_1194 = arith.constant 0 : i32
      %dma_wait3A_1195 = tpu.memref_slice %arg3[%add3A_76, %dma_wait3A_1189, %dma_wait3A_1190, %dma_wait3A_1193, %dma_wait3A_1194] : memref<2048x2x16x8x128xf32, #tpu.memory_space<hbm>> -> memref<1x1x1x8x128xf32, #tpu.memory_space<hbm>>
      %dma_wait3A_1196 = tpu.memref_squeeze %dma_wait3A_1195 : memref<1x1x1x8x128xf32, #tpu.memory_space<hbm>> -> memref<8x128xf32, #tpu.memory_space<hbm>>
      %dma_wait3A_1197 = arith.constant 0 : i32
      %dma_wait3A_1198 = arith.constant 0 : i32
      %dma_wait3A_1199 = tpu.memref_slice %arg3[%add3A_76, %dma_wait3A_1189, %dma_wait3A_1190, %dma_wait3A_1197, %dma_wait3A_1198] : memref<2048x2x16x8x128xf32, #tpu.memory_space<hbm>> -> memref<1x1x1x8x128xf32, #tpu.memory_space<hbm>>
      %dma_wait3A_1200 = tpu.memref_squeeze %dma_wait3A_1199 : memref<1x1x1x8x128xf32, #tpu.memory_space<hbm>> -> memref<8x128xf32, #tpu.memory_space<hbm>>
      %dma_wait3A_1201 = arith.constant 0 : i32
      %dma_wait3A_1202 = tpu.memref_slice %arg4[%dma_wait3A_1201, %add3A_162] : memref<16x2560xf32, #tpu.memory_space<vmem>> -> memref<8x128xf32, #tpu.memory_space<vmem>>
      tpu.wait_dma2 semaphore(%arg5 : memref<!tpu.dma_semaphore, #tpu.memory_space<semaphore_mem>>) src(%dma_wait3A_1202 : memref<8x128xf32, #tpu.memory_space<vmem>>) dst(%dma_wait3A_1200 : memref<8x128xf32, #tpu.memory_space<hbm>>)
      %dma_wait3A_1203 = arith.constant 0 : i32
      %dma_wait3A_1204 = arith.constant 6 : i32
      %dma_wait3A_1205 = arith.constant 0 : i32
      %dma_wait3A_1206 = tpu.memref_slice %arg4[%dma_wait3A_1205, %add3A_178] : memref<16x2560xf32, #tpu.memory_space<vmem>> -> memref<8x128xf32, #tpu.memory_space<vmem>>
      %dma_wait3A_1207 = arith.constant 0 : i32
      %dma_wait3A_1208 = arith.constant 0 : i32
      %dma_wait3A_1209 = tpu.memref_slice %arg3[%add3A_76, %dma_wait3A_1203, %dma_wait3A_1204, %dma_wait3A_1207, %dma_wait3A_1208] : memref<2048x2x16x8x128xf32, #tpu.memory_space<hbm>> -> memref<1x1x1x8x128xf32, #tpu.memory_space<hbm>>
      %dma_wait3A_1210 = tpu.memref_squeeze %dma_wait3A_1209 : memref<1x1x1x8x128xf32, #tpu.memory_space<hbm>> -> memref<8x128xf32, #tpu.memory_space<hbm>>
      %dma_wait3A_1211 = arith.constant 0 : i32
      %dma_wait3A_1212 = arith.constant 0 : i32
      %dma_wait3A_1213 = tpu.memref_slice %arg3[%add3A_76, %dma_wait3A_1203, %dma_wait3A_1204, %dma_wait3A_1211, %dma_wait3A_1212] : memref<2048x2x16x8x128xf32, #tpu.memory_space<hbm>> -> memref<1x1x1x8x128xf32, #tpu.memory_space<hbm>>
      %dma_wait3A_1214 = tpu.memref_squeeze %dma_wait3A_1213 : memref<1x1x1x8x128xf32, #tpu.memory_space<hbm>> -> memref<8x128xf32, #tpu.memory_space<hbm>>
      %dma_wait3A_1215 = arith.constant 0 : i32
      %dma_wait3A_1216 = tpu.memref_slice %arg4[%dma_wait3A_1215, %add3A_178] : memref<16x2560xf32, #tpu.memory_space<vmem>> -> memref<8x128xf32, #tpu.memory_space<vmem>>
      tpu.wait_dma2 semaphore(%arg5 : memref<!tpu.dma_semaphore, #tpu.memory_space<semaphore_mem>>) src(%dma_wait3A_1216 : memref<8x128xf32, #tpu.memory_space<vmem>>) dst(%dma_wait3A_1214 : memref<8x128xf32, #tpu.memory_space<hbm>>)
      %dma_wait3A_1217 = arith.constant 0 : i32
      %dma_wait3A_1218 = arith.constant 7 : i32
      %dma_wait3A_1219 = arith.constant 0 : i32
      %dma_wait3A_1220 = tpu.memref_slice %arg4[%dma_wait3A_1219, %add3A_194] : memref<16x2560xf32, #tpu.memory_space<vmem>> -> memref<8x128xf32, #tpu.memory_space<vmem>>
      %dma_wait3A_1221 = arith.constant 0 : i32
      %dma_wait3A_1222 = arith.constant 0 : i32
      %dma_wait3A_1223 = tpu.memref_slice %arg3[%add3A_76, %dma_wait3A_1217, %dma_wait3A_1218, %dma_wait3A_1221, %dma_wait3A_1222] : memref<2048x2x16x8x128xf32, #tpu.memory_space<hbm>> -> memref<1x1x1x8x128xf32, #tpu.memory_space<hbm>>
      %dma_wait3A_1224 = tpu.memref_squeeze %dma_wait3A_1223 : memref<1x1x1x8x128xf32, #tpu.memory_space<hbm>> -> memref<8x128xf32, #tpu.memory_space<hbm>>
      %dma_wait3A_1225 = arith.constant 0 : i32
      %dma_wait3A_1226 = arith.constant 0 : i32
      %dma_wait3A_1227 = tpu.memref_slice %arg3[%add3A_76, %dma_wait3A_1217, %dma_wait3A_1218, %dma_wait3A_1225, %dma_wait3A_1226] : memref<2048x2x16x8x128xf32, #tpu.memory_space<hbm>> -> memref<1x1x1x8x128xf32, #tpu.memory_space<hbm>>
      %dma_wait3A_1228 = tpu.memref_squeeze %dma_wait3A_1227 : memref<1x1x1x8x128xf32, #tpu.memory_space<hbm>> -> memref<8x128xf32, #tpu.memory_space<hbm>>
      %dma_wait3A_1229 = arith.constant 0 : i32
      %dma_wait3A_1230 = tpu.memref_slice %arg4[%dma_wait3A_1229, %add3A_194] : memref<16x2560xf32, #tpu.memory_space<vmem>> -> memref<8x128xf32, #tpu.memory_space<vmem>>
      tpu.wait_dma2 semaphore(%arg5 : memref<!tpu.dma_semaphore, #tpu.memory_space<semaphore_mem>>) src(%dma_wait3A_1230 : memref<8x128xf32, #tpu.memory_space<vmem>>) dst(%dma_wait3A_1228 : memref<8x128xf32, #tpu.memory_space<hbm>>)
      %dma_wait3A_1231 = arith.constant 0 : i32
      %dma_wait3A_1232 = arith.constant 8 : i32
      %dma_wait3A_1233 = arith.constant 0 : i32
      %dma_wait3A_1234 = tpu.memref_slice %arg4[%dma_wait3A_1233, %add3A_210] : memref<16x2560xf32, #tpu.memory_space<vmem>> -> memref<8x128xf32, #tpu.memory_space<vmem>>
      %dma_wait3A_1235 = arith.constant 0 : i32
      %dma_wait3A_1236 = arith.constant 0 : i32
      %dma_wait3A_1237 = tpu.memref_slice %arg3[%add3A_76, %dma_wait3A_1231, %dma_wait3A_1232, %dma_wait3A_1235, %dma_wait3A_1236] : memref<2048x2x16x8x128xf32, #tpu.memory_space<hbm>> -> memref<1x1x1x8x128xf32, #tpu.memory_space<hbm>>
      %dma_wait3A_1238 = tpu.memref_squeeze %dma_wait3A_1237 : memref<1x1x1x8x128xf32, #tpu.memory_space<hbm>> -> memref<8x128xf32, #tpu.memory_space<hbm>>
      %dma_wait3A_1239 = arith.constant 0 : i32
      %dma_wait3A_1240 = arith.constant 0 : i32
      %dma_wait3A_1241 = tpu.memref_slice %arg3[%add3A_76, %dma_wait3A_1231, %dma_wait3A_1232, %dma_wait3A_1239, %dma_wait3A_1240] : memref<2048x2x16x8x128xf32, #tpu.memory_space<hbm>> -> memref<1x1x1x8x128xf32, #tpu.memory_space<hbm>>
      %dma_wait3A_1242 = tpu.memref_squeeze %dma_wait3A_1241 : memref<1x1x1x8x128xf32, #tpu.memory_space<hbm>> -> memref<8x128xf32, #tpu.memory_space<hbm>>
      %dma_wait3A_1243 = arith.constant 0 : i32
      %dma_wait3A_1244 = tpu.memref_slice %arg4[%dma_wait3A_1243, %add3A_210] : memref<16x2560xf32, #tpu.memory_space<vmem>> -> memref<8x128xf32, #tpu.memory_space<vmem>>
      tpu.wait_dma2 semaphore(%arg5 : memref<!tpu.dma_semaphore, #tpu.memory_space<semaphore_mem>>) src(%dma_wait3A_1244 : memref<8x128xf32, #tpu.memory_space<vmem>>) dst(%dma_wait3A_1242 : memref<8x128xf32, #tpu.memory_space<hbm>>)
      %dma_wait3A_1245 = arith.constant 0 : i32
      %dma_wait3A_1246 = arith.constant 9 : i32
      %dma_wait3A_1247 = arith.constant 0 : i32
      %dma_wait3A_1248 = tpu.memref_slice %arg4[%dma_wait3A_1247, %add3A_226] : memref<16x2560xf32, #tpu.memory_space<vmem>> -> memref<8x128xf32, #tpu.memory_space<vmem>>
      %dma_wait3A_1249 = arith.constant 0 : i32
      %dma_wait3A_1250 = arith.constant 0 : i32
      %dma_wait3A_1251 = tpu.memref_slice %arg3[%add3A_76, %dma_wait3A_1245, %dma_wait3A_1246, %dma_wait3A_1249, %dma_wait3A_1250] : memref<2048x2x16x8x128xf32, #tpu.memory_space<hbm>> -> memref<1x1x1x8x128xf32, #tpu.memory_space<hbm>>
      %dma_wait3A_1252 = tpu.memref_squeeze %dma_wait3A_1251 : memref<1x1x1x8x128xf32, #tpu.memory_space<hbm>> -> memref<8x128xf32, #tpu.memory_space<hbm>>
      %dma_wait3A_1253 = arith.constant 0 : i32
      %dma_wait3A_1254 = arith.constant 0 : i32
      %dma_wait3A_1255 = tpu.memref_slice %arg3[%add3A_76, %dma_wait3A_1245, %dma_wait3A_1246, %dma_wait3A_1253, %dma_wait3A_1254] : memref<2048x2x16x8x128xf32, #tpu.memory_space<hbm>> -> memref<1x1x1x8x128xf32, #tpu.memory_space<hbm>>
      %dma_wait3A_1256 = tpu.memref_squeeze %dma_wait3A_1255 : memref<1x1x1x8x128xf32, #tpu.memory_space<hbm>> -> memref<8x128xf32, #tpu.memory_space<hbm>>
      %dma_wait3A_1257 = arith.constant 0 : i32
      %dma_wait3A_1258 = tpu.memref_slice %arg4[%dma_wait3A_1257, %add3A_226] : memref<16x2560xf32, #tpu.memory_space<vmem>> -> memref<8x128xf32, #tpu.memory_space<vmem>>
      tpu.wait_dma2 semaphore(%arg5 : memref<!tpu.dma_semaphore, #tpu.memory_space<semaphore_mem>>) src(%dma_wait3A_1258 : memref<8x128xf32, #tpu.memory_space<vmem>>) dst(%dma_wait3A_1256 : memref<8x128xf32, #tpu.memory_space<hbm>>)
      %dma_wait3A_1259 = arith.constant 0 : i32
      %dma_wait3A_1260 = arith.constant 10 : i32
      %dma_wait3A_1261 = arith.constant 0 : i32
      %dma_wait3A_1262 = tpu.memref_slice %arg4[%dma_wait3A_1261, %add3A_242] : memref<16x2560xf32, #tpu.memory_space<vmem>> -> memref<8x128xf32, #tpu.memory_space<vmem>>
      %dma_wait3A_1263 = arith.constant 0 : i32
      %dma_wait3A_1264 = arith.constant 0 : i32
      %dma_wait3A_1265 = tpu.memref_slice %arg3[%add3A_76, %dma_wait3A_1259, %dma_wait3A_1260, %dma_wait3A_1263, %dma_wait3A_1264] : memref<2048x2x16x8x128xf32, #tpu.memory_space<hbm>> -> memref<1x1x1x8x128xf32, #tpu.memory_space<hbm>>
      %dma_wait3A_1266 = tpu.memref_squeeze %dma_wait3A_1265 : memref<1x1x1x8x128xf32, #tpu.memory_space<hbm>> -> memref<8x128xf32, #tpu.memory_space<hbm>>
      %dma_wait3A_1267 = arith.constant 0 : i32
      %dma_wait3A_1268 = arith.constant 0 : i32
      %dma_wait3A_1269 = tpu.memref_slice %arg3[%add3A_76, %dma_wait3A_1259, %dma_wait3A_1260, %dma_wait3A_1267, %dma_wait3A_1268] : memref<2048x2x16x8x128xf32, #tpu.memory_space<hbm>> -> memref<1x1x1x8x128xf32, #tpu.memory_space<hbm>>
      %dma_wait3A_1270 = tpu.memref_squeeze %dma_wait3A_1269 : memref<1x1x1x8x128xf32, #tpu.memory_space<hbm>> -> memref<8x128xf32, #tpu.memory_space<hbm>>
      %dma_wait3A_1271 = arith.constant 0 : i32
      %dma_wait3A_1272 = tpu.memref_slice %arg4[%dma_wait3A_1271, %add3A_242] : memref<16x2560xf32, #tpu.memory_space<vmem>> -> memref<8x128xf32, #tpu.memory_space<vmem>>
      tpu.wait_dma2 semaphore(%arg5 : memref<!tpu.dma_semaphore, #tpu.memory_space<semaphore_mem>>) src(%dma_wait3A_1272 : memref<8x128xf32, #tpu.memory_space<vmem>>) dst(%dma_wait3A_1270 : memref<8x128xf32, #tpu.memory_space<hbm>>)
      %dma_wait3A_1273 = arith.constant 0 : i32
      %dma_wait3A_1274 = arith.constant 11 : i32
      %dma_wait3A_1275 = arith.constant 0 : i32
      %dma_wait3A_1276 = tpu.memref_slice %arg4[%dma_wait3A_1275, %add3A_258] : memref<16x2560xf32, #tpu.memory_space<vmem>> -> memref<8x128xf32, #tpu.memory_space<vmem>>
      %dma_wait3A_1277 = arith.constant 0 : i32
      %dma_wait3A_1278 = arith.constant 0 : i32
      %dma_wait3A_1279 = tpu.memref_slice %arg3[%add3A_76, %dma_wait3A_1273, %dma_wait3A_1274, %dma_wait3A_1277, %dma_wait3A_1278] : memref<2048x2x16x8x128xf32, #tpu.memory_space<hbm>> -> memref<1x1x1x8x128xf32, #tpu.memory_space<hbm>>
      %dma_wait3A_1280 = tpu.memref_squeeze %dma_wait3A_1279 : memref<1x1x1x8x128xf32, #tpu.memory_space<hbm>> -> memref<8x128xf32, #tpu.memory_space<hbm>>
      %dma_wait3A_1281 = arith.constant 0 : i32
      %dma_wait3A_1282 = arith.constant 0 : i32
      %dma_wait3A_1283 = tpu.memref_slice %arg3[%add3A_76, %dma_wait3A_1273, %dma_wait3A_1274, %dma_wait3A_1281, %dma_wait3A_1282] : memref<2048x2x16x8x128xf32, #tpu.memory_space<hbm>> -> memref<1x1x1x8x128xf32, #tpu.memory_space<hbm>>
      %dma_wait3A_1284 = tpu.memref_squeeze %dma_wait3A_1283 : memref<1x1x1x8x128xf32, #tpu.memory_space<hbm>> -> memref<8x128xf32, #tpu.memory_space<hbm>>
      %dma_wait3A_1285 = arith.constant 0 : i32
      %dma_wait3A_1286 = tpu.memref_slice %arg4[%dma_wait3A_1285, %add3A_258] : memref<16x2560xf32, #tpu.memory_space<vmem>> -> memref<8x128xf32, #tpu.memory_space<vmem>>
      tpu.wait_dma2 semaphore(%arg5 : memref<!tpu.dma_semaphore, #tpu.memory_space<semaphore_mem>>) src(%dma_wait3A_1286 : memref<8x128xf32, #tpu.memory_space<vmem>>) dst(%dma_wait3A_1284 : memref<8x128xf32, #tpu.memory_space<hbm>>)
      %dma_wait3A_1287 = arith.constant 0 : i32
      %dma_wait3A_1288 = arith.constant 12 : i32
      %dma_wait3A_1289 = arith.constant 0 : i32
      %dma_wait3A_1290 = tpu.memref_slice %arg4[%dma_wait3A_1289, %add3A_274] : memref<16x2560xf32, #tpu.memory_space<vmem>> -> memref<8x128xf32, #tpu.memory_space<vmem>>
      %dma_wait3A_1291 = arith.constant 0 : i32
      %dma_wait3A_1292 = arith.constant 0 : i32
      %dma_wait3A_1293 = tpu.memref_slice %arg3[%add3A_76, %dma_wait3A_1287, %dma_wait3A_1288, %dma_wait3A_1291, %dma_wait3A_1292] : memref<2048x2x16x8x128xf32, #tpu.memory_space<hbm>> -> memref<1x1x1x8x128xf32, #tpu.memory_space<hbm>>
      %dma_wait3A_1294 = tpu.memref_squeeze %dma_wait3A_1293 : memref<1x1x1x8x128xf32, #tpu.memory_space<hbm>> -> memref<8x128xf32, #tpu.memory_space<hbm>>
      %dma_wait3A_1295 = arith.constant 0 : i32
      %dma_wait3A_1296 = arith.constant 0 : i32
      %dma_wait3A_1297 = tpu.memref_slice %arg3[%add3A_76, %dma_wait3A_1287, %dma_wait3A_1288, %dma_wait3A_1295, %dma_wait3A_1296] : memref<2048x2x16x8x128xf32, #tpu.memory_space<hbm>> -> memref<1x1x1x8x128xf32, #tpu.memory_space<hbm>>
      %dma_wait3A_1298 = tpu.memref_squeeze %dma_wait3A_1297 : memref<1x1x1x8x128xf32, #tpu.memory_space<hbm>> -> memref<8x128xf32, #tpu.memory_space<hbm>>
      %dma_wait3A_1299 = arith.constant 0 : i32
      %dma_wait3A_1300 = tpu.memref_slice %arg4[%dma_wait3A_1299, %add3A_274] : memref<16x2560xf32, #tpu.memory_space<vmem>> -> memref<8x128xf32, #tpu.memory_space<vmem>>
      tpu.wait_dma2 semaphore(%arg5 : memref<!tpu.dma_semaphore, #tpu.memory_space<semaphore_mem>>) src(%dma_wait3A_1300 : memref<8x128xf32, #tpu.memory_space<vmem>>) dst(%dma_wait3A_1298 : memref<8x128xf32, #tpu.memory_space<hbm>>)
      %dma_wait3A_1301 = arith.constant 0 : i32
      %dma_wait3A_1302 = arith.constant 13 : i32
      %dma_wait3A_1303 = arith.constant 0 : i32
      %dma_wait3A_1304 = tpu.memref_slice %arg4[%dma_wait3A_1303, %add3A_290] : memref<16x2560xf32, #tpu.memory_space<vmem>> -> memref<8x128xf32, #tpu.memory_space<vmem>>
      %dma_wait3A_1305 = arith.constant 0 : i32
      %dma_wait3A_1306 = arith.constant 0 : i32
      %dma_wait3A_1307 = tpu.memref_slice %arg3[%add3A_76, %dma_wait3A_1301, %dma_wait3A_1302, %dma_wait3A_1305, %dma_wait3A_1306] : memref<2048x2x16x8x128xf32, #tpu.memory_space<hbm>> -> memref<1x1x1x8x128xf32, #tpu.memory_space<hbm>>
      %dma_wait3A_1308 = tpu.memref_squeeze %dma_wait3A_1307 : memref<1x1x1x8x128xf32, #tpu.memory_space<hbm>> -> memref<8x128xf32, #tpu.memory_space<hbm>>
      %dma_wait3A_1309 = arith.constant 0 : i32
      %dma_wait3A_1310 = arith.constant 0 : i32
      %dma_wait3A_1311 = tpu.memref_slice %arg3[%add3A_76, %dma_wait3A_1301, %dma_wait3A_1302, %dma_wait3A_1309, %dma_wait3A_1310] : memref<2048x2x16x8x128xf32, #tpu.memory_space<hbm>> -> memref<1x1x1x8x128xf32, #tpu.memory_space<hbm>>
      %dma_wait3A_1312 = tpu.memref_squeeze %dma_wait3A_1311 : memref<1x1x1x8x128xf32, #tpu.memory_space<hbm>> -> memref<8x128xf32, #tpu.memory_space<hbm>>
      %dma_wait3A_1313 = arith.constant 0 : i32
      %dma_wait3A_1314 = tpu.memref_slice %arg4[%dma_wait3A_1313, %add3A_290] : memref<16x2560xf32, #tpu.memory_space<vmem>> -> memref<8x128xf32, #tpu.memory_space<vmem>>
      tpu.wait_dma2 semaphore(%arg5 : memref<!tpu.dma_semaphore, #tpu.memory_space<semaphore_mem>>) src(%dma_wait3A_1314 : memref<8x128xf32, #tpu.memory_space<vmem>>) dst(%dma_wait3A_1312 : memref<8x128xf32, #tpu.memory_space<hbm>>)
      %dma_wait3A_1315 = arith.constant 0 : i32
      %dma_wait3A_1316 = arith.constant 14 : i32
      %dma_wait3A_1317 = arith.constant 0 : i32
      %dma_wait3A_1318 = tpu.memref_slice %arg4[%dma_wait3A_1317, %add3A_306] : memref<16x2560xf32, #tpu.memory_space<vmem>> -> memref<8x128xf32, #tpu.memory_space<vmem>>
      %dma_wait3A_1319 = arith.constant 0 : i32
      %dma_wait3A_1320 = arith.constant 0 : i32
      %dma_wait3A_1321 = tpu.memref_slice %arg3[%add3A_76, %dma_wait3A_1315, %dma_wait3A_1316, %dma_wait3A_1319, %dma_wait3A_1320] : memref<2048x2x16x8x128xf32, #tpu.memory_space<hbm>> -> memref<1x1x1x8x128xf32, #tpu.memory_space<hbm>>
      %dma_wait3A_1322 = tpu.memref_squeeze %dma_wait3A_1321 : memref<1x1x1x8x128xf32, #tpu.memory_space<hbm>> -> memref<8x128xf32, #tpu.memory_space<hbm>>
      %dma_wait3A_1323 = arith.constant 0 : i32
      %dma_wait3A_1324 = arith.constant 0 : i32
      %dma_wait3A_1325 = tpu.memref_slice %arg3[%add3A_76, %dma_wait3A_1315, %dma_wait3A_1316, %dma_wait3A_1323, %dma_wait3A_1324] : memref<2048x2x16x8x128xf32, #tpu.memory_space<hbm>> -> memref<1x1x1x8x128xf32, #tpu.memory_space<hbm>>
      %dma_wait3A_1326 = tpu.memref_squeeze %dma_wait3A_1325 : memref<1x1x1x8x128xf32, #tpu.memory_space<hbm>> -> memref<8x128xf32, #tpu.memory_space<hbm>>
      %dma_wait3A_1327 = arith.constant 0 : i32
      %dma_wait3A_1328 = tpu.memref_slice %arg4[%dma_wait3A_1327, %add3A_306] : memref<16x2560xf32, #tpu.memory_space<vmem>> -> memref<8x128xf32, #tpu.memory_space<vmem>>
      tpu.wait_dma2 semaphore(%arg5 : memref<!tpu.dma_semaphore, #tpu.memory_space<semaphore_mem>>) src(%dma_wait3A_1328 : memref<8x128xf32, #tpu.memory_space<vmem>>) dst(%dma_wait3A_1326 : memref<8x128xf32, #tpu.memory_space<hbm>>)
      %dma_wait3A_1329 = arith.constant 0 : i32
      %dma_wait3A_1330 = arith.constant 15 : i32
      %dma_wait3A_1331 = arith.constant 0 : i32
      %dma_wait3A_1332 = tpu.memref_slice %arg4[%dma_wait3A_1331, %add3A_322] : memref<16x2560xf32, #tpu.memory_space<vmem>> -> memref<8x128xf32, #tpu.memory_space<vmem>>
      %dma_wait3A_1333 = arith.constant 0 : i32
      %dma_wait3A_1334 = arith.constant 0 : i32
      %dma_wait3A_1335 = tpu.memref_slice %arg3[%add3A_76, %dma_wait3A_1329, %dma_wait3A_1330, %dma_wait3A_1333, %dma_wait3A_1334] : memref<2048x2x16x8x128xf32, #tpu.memory_space<hbm>> -> memref<1x1x1x8x128xf32, #tpu.memory_space<hbm>>
      %dma_wait3A_1336 = tpu.memref_squeeze %dma_wait3A_1335 : memref<1x1x1x8x128xf32, #tpu.memory_space<hbm>> -> memref<8x128xf32, #tpu.memory_space<hbm>>
      %dma_wait3A_1337 = arith.constant 0 : i32
      %dma_wait3A_1338 = arith.constant 0 : i32
      %dma_wait3A_1339 = tpu.memref_slice %arg3[%add3A_76, %dma_wait3A_1329, %dma_wait3A_1330, %dma_wait3A_1337, %dma_wait3A_1338] : memref<2048x2x16x8x128xf32, #tpu.memory_space<hbm>> -> memref<1x1x1x8x128xf32, #tpu.memory_space<hbm>>
      %dma_wait3A_1340 = tpu.memref_squeeze %dma_wait3A_1339 : memref<1x1x1x8x128xf32, #tpu.memory_space<hbm>> -> memref<8x128xf32, #tpu.memory_space<hbm>>
      %dma_wait3A_1341 = arith.constant 0 : i32
      %dma_wait3A_1342 = tpu.memref_slice %arg4[%dma_wait3A_1341, %add3A_322] : memref<16x2560xf32, #tpu.memory_space<vmem>> -> memref<8x128xf32, #tpu.memory_space<vmem>>
      tpu.wait_dma2 semaphore(%arg5 : memref<!tpu.dma_semaphore, #tpu.memory_space<semaphore_mem>>) src(%dma_wait3A_1342 : memref<8x128xf32, #tpu.memory_space<vmem>>) dst(%dma_wait3A_1340 : memref<8x128xf32, #tpu.memory_space<hbm>>)
      %dma_wait3A_1343 = arith.constant 1 : i32
      %dma_wait3A_1344 = arith.constant 0 : i32
      %dma_wait3A_1345 = arith.constant 8 : i32
      %dma_wait3A_1346 = tpu.memref_slice %arg4[%dma_wait3A_1345, %add3A_338] : memref<16x2560xf32, #tpu.memory_space<vmem>> -> memref<8x128xf32, #tpu.memory_space<vmem>>
      %dma_wait3A_1347 = arith.constant 0 : i32
      %dma_wait3A_1348 = arith.constant 0 : i32
      %dma_wait3A_1349 = tpu.memref_slice %arg3[%add3A_76, %dma_wait3A_1343, %dma_wait3A_1344, %dma_wait3A_1347, %dma_wait3A_1348] : memref<2048x2x16x8x128xf32, #tpu.memory_space<hbm>> -> memref<1x1x1x8x128xf32, #tpu.memory_space<hbm>>
      %dma_wait3A_1350 = tpu.memref_squeeze %dma_wait3A_1349 : memref<1x1x1x8x128xf32, #tpu.memory_space<hbm>> -> memref<8x128xf32, #tpu.memory_space<hbm>>
      %dma_wait3A_1351 = arith.constant 0 : i32
      %dma_wait3A_1352 = arith.constant 0 : i32
      %dma_wait3A_1353 = tpu.memref_slice %arg3[%add3A_76, %dma_wait3A_1343, %dma_wait3A_1344, %dma_wait3A_1351, %dma_wait3A_1352] : memref<2048x2x16x8x128xf32, #tpu.memory_space<hbm>> -> memref<1x1x1x8x128xf32, #tpu.memory_space<hbm>>
      %dma_wait3A_1354 = tpu.memref_squeeze %dma_wait3A_1353 : memref<1x1x1x8x128xf32, #tpu.memory_space<hbm>> -> memref<8x128xf32, #tpu.memory_space<hbm>>
      %dma_wait3A_1355 = arith.constant 8 : i32
      %dma_wait3A_1356 = tpu.memref_slice %arg4[%dma_wait3A_1355, %add3A_338] : memref<16x2560xf32, #tpu.memory_space<vmem>> -> memref<8x128xf32, #tpu.memory_space<vmem>>
      tpu.wait_dma2 semaphore(%arg5 : memref<!tpu.dma_semaphore, #tpu.memory_space<semaphore_mem>>) src(%dma_wait3A_1356 : memref<8x128xf32, #tpu.memory_space<vmem>>) dst(%dma_wait3A_1354 : memref<8x128xf32, #tpu.memory_space<hbm>>)
      %dma_wait3A_1357 = arith.constant 1 : i32
      %dma_wait3A_1358 = arith.constant 1 : i32
      %dma_wait3A_1359 = arith.constant 8 : i32
      %dma_wait3A_1360 = tpu.memref_slice %arg4[%dma_wait3A_1359, %add3A_354] : memref<16x2560xf32, #tpu.memory_space<vmem>> -> memref<8x128xf32, #tpu.memory_space<vmem>>
      %dma_wait3A_1361 = arith.constant 0 : i32
      %dma_wait3A_1362 = arith.constant 0 : i32
      %dma_wait3A_1363 = tpu.memref_slice %arg3[%add3A_76, %dma_wait3A_1357, %dma_wait3A_1358, %dma_wait3A_1361, %dma_wait3A_1362] : memref<2048x2x16x8x128xf32, #tpu.memory_space<hbm>> -> memref<1x1x1x8x128xf32, #tpu.memory_space<hbm>>
      %dma_wait3A_1364 = tpu.memref_squeeze %dma_wait3A_1363 : memref<1x1x1x8x128xf32, #tpu.memory_space<hbm>> -> memref<8x128xf32, #tpu.memory_space<hbm>>
      %dma_wait3A_1365 = arith.constant 0 : i32
      %dma_wait3A_1366 = arith.constant 0 : i32
      %dma_wait3A_1367 = tpu.memref_slice %arg3[%add3A_76, %dma_wait3A_1357, %dma_wait3A_1358, %dma_wait3A_1365, %dma_wait3A_1366] : memref<2048x2x16x8x128xf32, #tpu.memory_space<hbm>> -> memref<1x1x1x8x128xf32, #tpu.memory_space<hbm>>
      %dma_wait3A_1368 = tpu.memref_squeeze %dma_wait3A_1367 : memref<1x1x1x8x128xf32, #tpu.memory_space<hbm>> -> memref<8x128xf32, #tpu.memory_space<hbm>>
      %dma_wait3A_1369 = arith.constant 8 : i32
      %dma_wait3A_1370 = tpu.memref_slice %arg4[%dma_wait3A_1369, %add3A_354] : memref<16x2560xf32, #tpu.memory_space<vmem>> -> memref<8x128xf32, #tpu.memory_space<vmem>>
      tpu.wait_dma2 semaphore(%arg5 : memref<!tpu.dma_semaphore, #tpu.memory_space<semaphore_mem>>) src(%dma_wait3A_1370 : memref<8x128xf32, #tpu.memory_space<vmem>>) dst(%dma_wait3A_1368 : memref<8x128xf32, #tpu.memory_space<hbm>>)
      %dma_wait3A_1371 = arith.constant 1 : i32
      %dma_wait3A_1372 = arith.constant 2 : i32
      %dma_wait3A_1373 = arith.constant 8 : i32
      %dma_wait3A_1374 = tpu.memref_slice %arg4[%dma_wait3A_1373, %add3A_370] : memref<16x2560xf32, #tpu.memory_space<vmem>> -> memref<8x128xf32, #tpu.memory_space<vmem>>
      %dma_wait3A_1375 = arith.constant 0 : i32
      %dma_wait3A_1376 = arith.constant 0 : i32
      %dma_wait3A_1377 = tpu.memref_slice %arg3[%add3A_76, %dma_wait3A_1371, %dma_wait3A_1372, %dma_wait3A_1375, %dma_wait3A_1376] : memref<2048x2x16x8x128xf32, #tpu.memory_space<hbm>> -> memref<1x1x1x8x128xf32, #tpu.memory_space<hbm>>
      %dma_wait3A_1378 = tpu.memref_squeeze %dma_wait3A_1377 : memref<1x1x1x8x128xf32, #tpu.memory_space<hbm>> -> memref<8x128xf32, #tpu.memory_space<hbm>>
      %dma_wait3A_1379 = arith.constant 0 : i32
      %dma_wait3A_1380 = arith.constant 0 : i32
      %dma_wait3A_1381 = tpu.memref_slice %arg3[%add3A_76, %dma_wait3A_1371, %dma_wait3A_1372, %dma_wait3A_1379, %dma_wait3A_1380] : memref<2048x2x16x8x128xf32, #tpu.memory_space<hbm>> -> memref<1x1x1x8x128xf32, #tpu.memory_space<hbm>>
      %dma_wait3A_1382 = tpu.memref_squeeze %dma_wait3A_1381 : memref<1x1x1x8x128xf32, #tpu.memory_space<hbm>> -> memref<8x128xf32, #tpu.memory_space<hbm>>
      %dma_wait3A_1383 = arith.constant 8 : i32
      %dma_wait3A_1384 = tpu.memref_slice %arg4[%dma_wait3A_1383, %add3A_370] : memref<16x2560xf32, #tpu.memory_space<vmem>> -> memref<8x128xf32, #tpu.memory_space<vmem>>
      tpu.wait_dma2 semaphore(%arg5 : memref<!tpu.dma_semaphore, #tpu.memory_space<semaphore_mem>>) src(%dma_wait3A_1384 : memref<8x128xf32, #tpu.memory_space<vmem>>) dst(%dma_wait3A_1382 : memref<8x128xf32, #tpu.memory_space<hbm>>)
      %dma_wait3A_1385 = arith.constant 1 : i32
      %dma_wait3A_1386 = arith.constant 3 : i32
      %dma_wait3A_1387 = arith.constant 8 : i32
      %dma_wait3A_1388 = tpu.memref_slice %arg4[%dma_wait3A_1387, %add3A_386] : memref<16x2560xf32, #tpu.memory_space<vmem>> -> memref<8x128xf32, #tpu.memory_space<vmem>>
      %dma_wait3A_1389 = arith.constant 0 : i32
      %dma_wait3A_1390 = arith.constant 0 : i32
      %dma_wait3A_1391 = tpu.memref_slice %arg3[%add3A_76, %dma_wait3A_1385, %dma_wait3A_1386, %dma_wait3A_1389, %dma_wait3A_1390] : memref<2048x2x16x8x128xf32, #tpu.memory_space<hbm>> -> memref<1x1x1x8x128xf32, #tpu.memory_space<hbm>>
      %dma_wait3A_1392 = tpu.memref_squeeze %dma_wait3A_1391 : memref<1x1x1x8x128xf32, #tpu.memory_space<hbm>> -> memref<8x128xf32, #tpu.memory_space<hbm>>
      %dma_wait3A_1393 = arith.constant 0 : i32
      %dma_wait3A_1394 = arith.constant 0 : i32
      %dma_wait3A_1395 = tpu.memref_slice %arg3[%add3A_76, %dma_wait3A_1385, %dma_wait3A_1386, %dma_wait3A_1393, %dma_wait3A_1394] : memref<2048x2x16x8x128xf32, #tpu.memory_space<hbm>> -> memref<1x1x1x8x128xf32, #tpu.memory_space<hbm>>
      %dma_wait3A_1396 = tpu.memref_squeeze %dma_wait3A_1395 : memref<1x1x1x8x128xf32, #tpu.memory_space<hbm>> -> memref<8x128xf32, #tpu.memory_space<hbm>>
      %dma_wait3A_1397 = arith.constant 8 : i32
      %dma_wait3A_1398 = tpu.memref_slice %arg4[%dma_wait3A_1397, %add3A_386] : memref<16x2560xf32, #tpu.memory_space<vmem>> -> memref<8x128xf32, #tpu.memory_space<vmem>>
      tpu.wait_dma2 semaphore(%arg5 : memref<!tpu.dma_semaphore, #tpu.memory_space<semaphore_mem>>) src(%dma_wait3A_1398 : memref<8x128xf32, #tpu.memory_space<vmem>>) dst(%dma_wait3A_1396 : memref<8x128xf32, #tpu.memory_space<hbm>>)
      %dma_wait3A_1399 = arith.constant 1 : i32
      %dma_wait3A_1400 = arith.constant 4 : i32
      %dma_wait3A_1401 = arith.constant 8 : i32
      %dma_wait3A_1402 = tpu.memref_slice %arg4[%dma_wait3A_1401, %add3A_402] : memref<16x2560xf32, #tpu.memory_space<vmem>> -> memref<8x128xf32, #tpu.memory_space<vmem>>
      %dma_wait3A_1403 = arith.constant 0 : i32
      %dma_wait3A_1404 = arith.constant 0 : i32
      %dma_wait3A_1405 = tpu.memref_slice %arg3[%add3A_76, %dma_wait3A_1399, %dma_wait3A_1400, %dma_wait3A_1403, %dma_wait3A_1404] : memref<2048x2x16x8x128xf32, #tpu.memory_space<hbm>> -> memref<1x1x1x8x128xf32, #tpu.memory_space<hbm>>
      %dma_wait3A_1406 = tpu.memref_squeeze %dma_wait3A_1405 : memref<1x1x1x8x128xf32, #tpu.memory_space<hbm>> -> memref<8x128xf32, #tpu.memory_space<hbm>>
      %dma_wait3A_1407 = arith.constant 0 : i32
      %dma_wait3A_1408 = arith.constant 0 : i32
      %dma_wait3A_1409 = tpu.memref_slice %arg3[%add3A_76, %dma_wait3A_1399, %dma_wait3A_1400, %dma_wait3A_1407, %dma_wait3A_1408] : memref<2048x2x16x8x128xf32, #tpu.memory_space<hbm>> -> memref<1x1x1x8x128xf32, #tpu.memory_space<hbm>>
      %dma_wait3A_1410 = tpu.memref_squeeze %dma_wait3A_1409 : memref<1x1x1x8x128xf32, #tpu.memory_space<hbm>> -> memref<8x128xf32, #tpu.memory_space<hbm>>
      %dma_wait3A_1411 = arith.constant 8 : i32
      %dma_wait3A_1412 = tpu.memref_slice %arg4[%dma_wait3A_1411, %add3A_402] : memref<16x2560xf32, #tpu.memory_space<vmem>> -> memref<8x128xf32, #tpu.memory_space<vmem>>
      tpu.wait_dma2 semaphore(%arg5 : memref<!tpu.dma_semaphore, #tpu.memory_space<semaphore_mem>>) src(%dma_wait3A_1412 : memref<8x128xf32, #tpu.memory_space<vmem>>) dst(%dma_wait3A_1410 : memref<8x128xf32, #tpu.memory_space<hbm>>)
      %dma_wait3A_1413 = arith.constant 1 : i32
      %dma_wait3A_1414 = arith.constant 5 : i32
      %dma_wait3A_1415 = arith.constant 8 : i32
      %dma_wait3A_1416 = tpu.memref_slice %arg4[%dma_wait3A_1415, %add3A_418] : memref<16x2560xf32, #tpu.memory_space<vmem>> -> memref<8x128xf32, #tpu.memory_space<vmem>>
      %dma_wait3A_1417 = arith.constant 0 : i32
      %dma_wait3A_1418 = arith.constant 0 : i32
      %dma_wait3A_1419 = tpu.memref_slice %arg3[%add3A_76, %dma_wait3A_1413, %dma_wait3A_1414, %dma_wait3A_1417, %dma_wait3A_1418] : memref<2048x2x16x8x128xf32, #tpu.memory_space<hbm>> -> memref<1x1x1x8x128xf32, #tpu.memory_space<hbm>>
      %dma_wait3A_1420 = tpu.memref_squeeze %dma_wait3A_1419 : memref<1x1x1x8x128xf32, #tpu.memory_space<hbm>> -> memref<8x128xf32, #tpu.memory_space<hbm>>
      %dma_wait3A_1421 = arith.constant 0 : i32
      %dma_wait3A_1422 = arith.constant 0 : i32
      %dma_wait3A_1423 = tpu.memref_slice %arg3[%add3A_76, %dma_wait3A_1413, %dma_wait3A_1414, %dma_wait3A_1421, %dma_wait3A_1422] : memref<2048x2x16x8x128xf32, #tpu.memory_space<hbm>> -> memref<1x1x1x8x128xf32, #tpu.memory_space<hbm>>
      %dma_wait3A_1424 = tpu.memref_squeeze %dma_wait3A_1423 : memref<1x1x1x8x128xf32, #tpu.memory_space<hbm>> -> memref<8x128xf32, #tpu.memory_space<hbm>>
      %dma_wait3A_1425 = arith.constant 8 : i32
      %dma_wait3A_1426 = tpu.memref_slice %arg4[%dma_wait3A_1425, %add3A_418] : memref<16x2560xf32, #tpu.memory_space<vmem>> -> memref<8x128xf32, #tpu.memory_space<vmem>>
      tpu.wait_dma2 semaphore(%arg5 : memref<!tpu.dma_semaphore, #tpu.memory_space<semaphore_mem>>) src(%dma_wait3A_1426 : memref<8x128xf32, #tpu.memory_space<vmem>>) dst(%dma_wait3A_1424 : memref<8x128xf32, #tpu.memory_space<hbm>>)
      %dma_wait3A_1427 = arith.constant 1 : i32
      %dma_wait3A_1428 = arith.constant 6 : i32
      %dma_wait3A_1429 = arith.constant 8 : i32
      %dma_wait3A_1430 = tpu.memref_slice %arg4[%dma_wait3A_1429, %add3A_434] : memref<16x2560xf32, #tpu.memory_space<vmem>> -> memref<8x128xf32, #tpu.memory_space<vmem>>
      %dma_wait3A_1431 = arith.constant 0 : i32
      %dma_wait3A_1432 = arith.constant 0 : i32
      %dma_wait3A_1433 = tpu.memref_slice %arg3[%add3A_76, %dma_wait3A_1427, %dma_wait3A_1428, %dma_wait3A_1431, %dma_wait3A_1432] : memref<2048x2x16x8x128xf32, #tpu.memory_space<hbm>> -> memref<1x1x1x8x128xf32, #tpu.memory_space<hbm>>
      %dma_wait3A_1434 = tpu.memref_squeeze %dma_wait3A_1433 : memref<1x1x1x8x128xf32, #tpu.memory_space<hbm>> -> memref<8x128xf32, #tpu.memory_space<hbm>>
      %dma_wait3A_1435 = arith.constant 0 : i32
      %dma_wait3A_1436 = arith.constant 0 : i32
      %dma_wait3A_1437 = tpu.memref_slice %arg3[%add3A_76, %dma_wait3A_1427, %dma_wait3A_1428, %dma_wait3A_1435, %dma_wait3A_1436] : memref<2048x2x16x8x128xf32, #tpu.memory_space<hbm>> -> memref<1x1x1x8x128xf32, #tpu.memory_space<hbm>>
      %dma_wait3A_1438 = tpu.memref_squeeze %dma_wait3A_1437 : memref<1x1x1x8x128xf32, #tpu.memory_space<hbm>> -> memref<8x128xf32, #tpu.memory_space<hbm>>
      %dma_wait3A_1439 = arith.constant 8 : i32
      %dma_wait3A_1440 = tpu.memref_slice %arg4[%dma_wait3A_1439, %add3A_434] : memref<16x2560xf32, #tpu.memory_space<vmem>> -> memref<8x128xf32, #tpu.memory_space<vmem>>
      tpu.wait_dma2 semaphore(%arg5 : memref<!tpu.dma_semaphore, #tpu.memory_space<semaphore_mem>>) src(%dma_wait3A_1440 : memref<8x128xf32, #tpu.memory_space<vmem>>) dst(%dma_wait3A_1438 : memref<8x128xf32, #tpu.memory_space<hbm>>)
      %dma_wait3A_1441 = arith.constant 1 : i32
      %dma_wait3A_1442 = arith.constant 7 : i32
      %dma_wait3A_1443 = arith.constant 8 : i32
      %dma_wait3A_1444 = tpu.memref_slice %arg4[%dma_wait3A_1443, %add3A_450] : memref<16x2560xf32, #tpu.memory_space<vmem>> -> memref<8x128xf32, #tpu.memory_space<vmem>>
      %dma_wait3A_1445 = arith.constant 0 : i32
      %dma_wait3A_1446 = arith.constant 0 : i32
      %dma_wait3A_1447 = tpu.memref_slice %arg3[%add3A_76, %dma_wait3A_1441, %dma_wait3A_1442, %dma_wait3A_1445, %dma_wait3A_1446] : memref<2048x2x16x8x128xf32, #tpu.memory_space<hbm>> -> memref<1x1x1x8x128xf32, #tpu.memory_space<hbm>>
      %dma_wait3A_1448 = tpu.memref_squeeze %dma_wait3A_1447 : memref<1x1x1x8x128xf32, #tpu.memory_space<hbm>> -> memref<8x128xf32, #tpu.memory_space<hbm>>
      %dma_wait3A_1449 = arith.constant 0 : i32
      %dma_wait3A_1450 = arith.constant 0 : i32
      %dma_wait3A_1451 = tpu.memref_slice %arg3[%add3A_76, %dma_wait3A_1441, %dma_wait3A_1442, %dma_wait3A_1449, %dma_wait3A_1450] : memref<2048x2x16x8x128xf32, #tpu.memory_space<hbm>> -> memref<1x1x1x8x128xf32, #tpu.memory_space<hbm>>
      %dma_wait3A_1452 = tpu.memref_squeeze %dma_wait3A_1451 : memref<1x1x1x8x128xf32, #tpu.memory_space<hbm>> -> memref<8x128xf32, #tpu.memory_space<hbm>>
      %dma_wait3A_1453 = arith.constant 8 : i32
      %dma_wait3A_1454 = tpu.memref_slice %arg4[%dma_wait3A_1453, %add3A_450] : memref<16x2560xf32, #tpu.memory_space<vmem>> -> memref<8x128xf32, #tpu.memory_space<vmem>>
      tpu.wait_dma2 semaphore(%arg5 : memref<!tpu.dma_semaphore, #tpu.memory_space<semaphore_mem>>) src(%dma_wait3A_1454 : memref<8x128xf32, #tpu.memory_space<vmem>>) dst(%dma_wait3A_1452 : memref<8x128xf32, #tpu.memory_space<hbm>>)
      %dma_wait3A_1455 = arith.constant 1 : i32
      %dma_wait3A_1456 = arith.constant 8 : i32
      %dma_wait3A_1457 = arith.constant 8 : i32
      %dma_wait3A_1458 = tpu.memref_slice %arg4[%dma_wait3A_1457, %add3A_466] : memref<16x2560xf32, #tpu.memory_space<vmem>> -> memref<8x128xf32, #tpu.memory_space<vmem>>
      %dma_wait3A_1459 = arith.constant 0 : i32
      %dma_wait3A_1460 = arith.constant 0 : i32
      %dma_wait3A_1461 = tpu.memref_slice %arg3[%add3A_76, %dma_wait3A_1455, %dma_wait3A_1456, %dma_wait3A_1459, %dma_wait3A_1460] : memref<2048x2x16x8x128xf32, #tpu.memory_space<hbm>> -> memref<1x1x1x8x128xf32, #tpu.memory_space<hbm>>
      %dma_wait3A_1462 = tpu.memref_squeeze %dma_wait3A_1461 : memref<1x1x1x8x128xf32, #tpu.memory_space<hbm>> -> memref<8x128xf32, #tpu.memory_space<hbm>>
      %dma_wait3A_1463 = arith.constant 0 : i32
      %dma_wait3A_1464 = arith.constant 0 : i32
      %dma_wait3A_1465 = tpu.memref_slice %arg3[%add3A_76, %dma_wait3A_1455, %dma_wait3A_1456, %dma_wait3A_1463, %dma_wait3A_1464] : memref<2048x2x16x8x128xf32, #tpu.memory_space<hbm>> -> memref<1x1x1x8x128xf32, #tpu.memory_space<hbm>>
      %dma_wait3A_1466 = tpu.memref_squeeze %dma_wait3A_1465 : memref<1x1x1x8x128xf32, #tpu.memory_space<hbm>> -> memref<8x128xf32, #tpu.memory_space<hbm>>
      %dma_wait3A_1467 = arith.constant 8 : i32
      %dma_wait3A_1468 = tpu.memref_slice %arg4[%dma_wait3A_1467, %add3A_466] : memref<16x2560xf32, #tpu.memory_space<vmem>> -> memref<8x128xf32, #tpu.memory_space<vmem>>
      tpu.wait_dma2 semaphore(%arg5 : memref<!tpu.dma_semaphore, #tpu.memory_space<semaphore_mem>>) src(%dma_wait3A_1468 : memref<8x128xf32, #tpu.memory_space<vmem>>) dst(%dma_wait3A_1466 : memref<8x128xf32, #tpu.memory_space<hbm>>)
      %dma_wait3A_1469 = arith.constant 1 : i32
      %dma_wait3A_1470 = arith.constant 9 : i32
      %dma_wait3A_1471 = arith.constant 8 : i32
      %dma_wait3A_1472 = tpu.memref_slice %arg4[%dma_wait3A_1471, %add3A_482] : memref<16x2560xf32, #tpu.memory_space<vmem>> -> memref<8x128xf32, #tpu.memory_space<vmem>>
      %dma_wait3A_1473 = arith.constant 0 : i32
      %dma_wait3A_1474 = arith.constant 0 : i32
      %dma_wait3A_1475 = tpu.memref_slice %arg3[%add3A_76, %dma_wait3A_1469, %dma_wait3A_1470, %dma_wait3A_1473, %dma_wait3A_1474] : memref<2048x2x16x8x128xf32, #tpu.memory_space<hbm>> -> memref<1x1x1x8x128xf32, #tpu.memory_space<hbm>>
      %dma_wait3A_1476 = tpu.memref_squeeze %dma_wait3A_1475 : memref<1x1x1x8x128xf32, #tpu.memory_space<hbm>> -> memref<8x128xf32, #tpu.memory_space<hbm>>
      %dma_wait3A_1477 = arith.constant 0 : i32
      %dma_wait3A_1478 = arith.constant 0 : i32
      %dma_wait3A_1479 = tpu.memref_slice %arg3[%add3A_76, %dma_wait3A_1469, %dma_wait3A_1470, %dma_wait3A_1477, %dma_wait3A_1478] : memref<2048x2x16x8x128xf32, #tpu.memory_space<hbm>> -> memref<1x1x1x8x128xf32, #tpu.memory_space<hbm>>
      %dma_wait3A_1480 = tpu.memref_squeeze %dma_wait3A_1479 : memref<1x1x1x8x128xf32, #tpu.memory_space<hbm>> -> memref<8x128xf32, #tpu.memory_space<hbm>>
      %dma_wait3A_1481 = arith.constant 8 : i32
      %dma_wait3A_1482 = tpu.memref_slice %arg4[%dma_wait3A_1481, %add3A_482] : memref<16x2560xf32, #tpu.memory_space<vmem>> -> memref<8x128xf32, #tpu.memory_space<vmem>>
      tpu.wait_dma2 semaphore(%arg5 : memref<!tpu.dma_semaphore, #tpu.memory_space<semaphore_mem>>) src(%dma_wait3A_1482 : memref<8x128xf32, #tpu.memory_space<vmem>>) dst(%dma_wait3A_1480 : memref<8x128xf32, #tpu.memory_space<hbm>>)
      %dma_wait3A_1483 = arith.constant 1 : i32
      %dma_wait3A_1484 = arith.constant 10 : i32
      %dma_wait3A_1485 = arith.constant 8 : i32
      %dma_wait3A_1486 = tpu.memref_slice %arg4[%dma_wait3A_1485, %add3A_498] : memref<16x2560xf32, #tpu.memory_space<vmem>> -> memref<8x128xf32, #tpu.memory_space<vmem>>
      %dma_wait3A_1487 = arith.constant 0 : i32
      %dma_wait3A_1488 = arith.constant 0 : i32
      %dma_wait3A_1489 = tpu.memref_slice %arg3[%add3A_76, %dma_wait3A_1483, %dma_wait3A_1484, %dma_wait3A_1487, %dma_wait3A_1488] : memref<2048x2x16x8x128xf32, #tpu.memory_space<hbm>> -> memref<1x1x1x8x128xf32, #tpu.memory_space<hbm>>
      %dma_wait3A_1490 = tpu.memref_squeeze %dma_wait3A_1489 : memref<1x1x1x8x128xf32, #tpu.memory_space<hbm>> -> memref<8x128xf32, #tpu.memory_space<hbm>>
      %dma_wait3A_1491 = arith.constant 0 : i32
      %dma_wait3A_1492 = arith.constant 0 : i32
      %dma_wait3A_1493 = tpu.memref_slice %arg3[%add3A_76, %dma_wait3A_1483, %dma_wait3A_1484, %dma_wait3A_1491, %dma_wait3A_1492] : memref<2048x2x16x8x128xf32, #tpu.memory_space<hbm>> -> memref<1x1x1x8x128xf32, #tpu.memory_space<hbm>>
      %dma_wait3A_1494 = tpu.memref_squeeze %dma_wait3A_1493 : memref<1x1x1x8x128xf32, #tpu.memory_space<hbm>> -> memref<8x128xf32, #tpu.memory_space<hbm>>
      %dma_wait3A_1495 = arith.constant 8 : i32
      %dma_wait3A_1496 = tpu.memref_slice %arg4[%dma_wait3A_1495, %add3A_498] : memref<16x2560xf32, #tpu.memory_space<vmem>> -> memref<8x128xf32, #tpu.memory_space<vmem>>
      tpu.wait_dma2 semaphore(%arg5 : memref<!tpu.dma_semaphore, #tpu.memory_space<semaphore_mem>>) src(%dma_wait3A_1496 : memref<8x128xf32, #tpu.memory_space<vmem>>) dst(%dma_wait3A_1494 : memref<8x128xf32, #tpu.memory_space<hbm>>)
      %dma_wait3A_1497 = arith.constant 1 : i32
      %dma_wait3A_1498 = arith.constant 11 : i32
      %dma_wait3A_1499 = arith.constant 8 : i32
      %dma_wait3A_1500 = tpu.memref_slice %arg4[%dma_wait3A_1499, %add3A_514] : memref<16x2560xf32, #tpu.memory_space<vmem>> -> memref<8x128xf32, #tpu.memory_space<vmem>>
      %dma_wait3A_1501 = arith.constant 0 : i32
      %dma_wait3A_1502 = arith.constant 0 : i32
      %dma_wait3A_1503 = tpu.memref_slice %arg3[%add3A_76, %dma_wait3A_1497, %dma_wait3A_1498, %dma_wait3A_1501, %dma_wait3A_1502] : memref<2048x2x16x8x128xf32, #tpu.memory_space<hbm>> -> memref<1x1x1x8x128xf32, #tpu.memory_space<hbm>>
      %dma_wait3A_1504 = tpu.memref_squeeze %dma_wait3A_1503 : memref<1x1x1x8x128xf32, #tpu.memory_space<hbm>> -> memref<8x128xf32, #tpu.memory_space<hbm>>
      %dma_wait3A_1505 = arith.constant 0 : i32
      %dma_wait3A_1506 = arith.constant 0 : i32
      %dma_wait3A_1507 = tpu.memref_slice %arg3[%add3A_76, %dma_wait3A_1497, %dma_wait3A_1498, %dma_wait3A_1505, %dma_wait3A_1506] : memref<2048x2x16x8x128xf32, #tpu.memory_space<hbm>> -> memref<1x1x1x8x128xf32, #tpu.memory_space<hbm>>
      %dma_wait3A_1508 = tpu.memref_squeeze %dma_wait3A_1507 : memref<1x1x1x8x128xf32, #tpu.memory_space<hbm>> -> memref<8x128xf32, #tpu.memory_space<hbm>>
      %dma_wait3A_1509 = arith.constant 8 : i32
      %dma_wait3A_1510 = tpu.memref_slice %arg4[%dma_wait3A_1509, %add3A_514] : memref<16x2560xf32, #tpu.memory_space<vmem>> -> memref<8x128xf32, #tpu.memory_space<vmem>>
      tpu.wait_dma2 semaphore(%arg5 : memref<!tpu.dma_semaphore, #tpu.memory_space<semaphore_mem>>) src(%dma_wait3A_1510 : memref<8x128xf32, #tpu.memory_space<vmem>>) dst(%dma_wait3A_1508 : memref<8x128xf32, #tpu.memory_space<hbm>>)
      %dma_wait3A_1511 = arith.constant 1 : i32
      %dma_wait3A_1512 = arith.constant 12 : i32
      %dma_wait3A_1513 = arith.constant 8 : i32
      %dma_wait3A_1514 = tpu.memref_slice %arg4[%dma_wait3A_1513, %add3A_530] : memref<16x2560xf32, #tpu.memory_space<vmem>> -> memref<8x128xf32, #tpu.memory_space<vmem>>
      %dma_wait3A_1515 = arith.constant 0 : i32
      %dma_wait3A_1516 = arith.constant 0 : i32
      %dma_wait3A_1517 = tpu.memref_slice %arg3[%add3A_76, %dma_wait3A_1511, %dma_wait3A_1512, %dma_wait3A_1515, %dma_wait3A_1516] : memref<2048x2x16x8x128xf32, #tpu.memory_space<hbm>> -> memref<1x1x1x8x128xf32, #tpu.memory_space<hbm>>
      %dma_wait3A_1518 = tpu.memref_squeeze %dma_wait3A_1517 : memref<1x1x1x8x128xf32, #tpu.memory_space<hbm>> -> memref<8x128xf32, #tpu.memory_space<hbm>>
      %dma_wait3A_1519 = arith.constant 0 : i32
      %dma_wait3A_1520 = arith.constant 0 : i32
      %dma_wait3A_1521 = tpu.memref_slice %arg3[%add3A_76, %dma_wait3A_1511, %dma_wait3A_1512, %dma_wait3A_1519, %dma_wait3A_1520] : memref<2048x2x16x8x128xf32, #tpu.memory_space<hbm>> -> memref<1x1x1x8x128xf32, #tpu.memory_space<hbm>>
      %dma_wait3A_1522 = tpu.memref_squeeze %dma_wait3A_1521 : memref<1x1x1x8x128xf32, #tpu.memory_space<hbm>> -> memref<8x128xf32, #tpu.memory_space<hbm>>
      %dma_wait3A_1523 = arith.constant 8 : i32
      %dma_wait3A_1524 = tpu.memref_slice %arg4[%dma_wait3A_1523, %add3A_530] : memref<16x2560xf32, #tpu.memory_space<vmem>> -> memref<8x128xf32, #tpu.memory_space<vmem>>
      tpu.wait_dma2 semaphore(%arg5 : memref<!tpu.dma_semaphore, #tpu.memory_space<semaphore_mem>>) src(%dma_wait3A_1524 : memref<8x128xf32, #tpu.memory_space<vmem>>) dst(%dma_wait3A_1522 : memref<8x128xf32, #tpu.memory_space<hbm>>)
      %dma_wait3A_1525 = arith.constant 1 : i32
      %dma_wait3A_1526 = arith.constant 13 : i32
      %dma_wait3A_1527 = arith.constant 8 : i32
      %dma_wait3A_1528 = tpu.memref_slice %arg4[%dma_wait3A_1527, %add3A_546] : memref<16x2560xf32, #tpu.memory_space<vmem>> -> memref<8x128xf32, #tpu.memory_space<vmem>>
      %dma_wait3A_1529 = arith.constant 0 : i32
      %dma_wait3A_1530 = arith.constant 0 : i32
      %dma_wait3A_1531 = tpu.memref_slice %arg3[%add3A_76, %dma_wait3A_1525, %dma_wait3A_1526, %dma_wait3A_1529, %dma_wait3A_1530] : memref<2048x2x16x8x128xf32, #tpu.memory_space<hbm>> -> memref<1x1x1x8x128xf32, #tpu.memory_space<hbm>>
      %dma_wait3A_1532 = tpu.memref_squeeze %dma_wait3A_1531 : memref<1x1x1x8x128xf32, #tpu.memory_space<hbm>> -> memref<8x128xf32, #tpu.memory_space<hbm>>
      %dma_wait3A_1533 = arith.constant 0 : i32
      %dma_wait3A_1534 = arith.constant 0 : i32
      %dma_wait3A_1535 = tpu.memref_slice %arg3[%add3A_76, %dma_wait3A_1525, %dma_wait3A_1526, %dma_wait3A_1533, %dma_wait3A_1534] : memref<2048x2x16x8x128xf32, #tpu.memory_space<hbm>> -> memref<1x1x1x8x128xf32, #tpu.memory_space<hbm>>
      %dma_wait3A_1536 = tpu.memref_squeeze %dma_wait3A_1535 : memref<1x1x1x8x128xf32, #tpu.memory_space<hbm>> -> memref<8x128xf32, #tpu.memory_space<hbm>>
      %dma_wait3A_1537 = arith.constant 8 : i32
      %dma_wait3A_1538 = tpu.memref_slice %arg4[%dma_wait3A_1537, %add3A_546] : memref<16x2560xf32, #tpu.memory_space<vmem>> -> memref<8x128xf32, #tpu.memory_space<vmem>>
      tpu.wait_dma2 semaphore(%arg5 : memref<!tpu.dma_semaphore, #tpu.memory_space<semaphore_mem>>) src(%dma_wait3A_1538 : memref<8x128xf32, #tpu.memory_space<vmem>>) dst(%dma_wait3A_1536 : memref<8x128xf32, #tpu.memory_space<hbm>>)
      %dma_wait3A_1539 = arith.constant 1 : i32
      %dma_wait3A_1540 = arith.constant 14 : i32
      %dma_wait3A_1541 = arith.constant 8 : i32
      %dma_wait3A_1542 = tpu.memref_slice %arg4[%dma_wait3A_1541, %add3A_562] : memref<16x2560xf32, #tpu.memory_space<vmem>> -> memref<8x128xf32, #tpu.memory_space<vmem>>
      %dma_wait3A_1543 = arith.constant 0 : i32
      %dma_wait3A_1544 = arith.constant 0 : i32
      %dma_wait3A_1545 = tpu.memref_slice %arg3[%add3A_76, %dma_wait3A_1539, %dma_wait3A_1540, %dma_wait3A_1543, %dma_wait3A_1544] : memref<2048x2x16x8x128xf32, #tpu.memory_space<hbm>> -> memref<1x1x1x8x128xf32, #tpu.memory_space<hbm>>
      %dma_wait3A_1546 = tpu.memref_squeeze %dma_wait3A_1545 : memref<1x1x1x8x128xf32, #tpu.memory_space<hbm>> -> memref<8x128xf32, #tpu.memory_space<hbm>>
      %dma_wait3A_1547 = arith.constant 0 : i32
      %dma_wait3A_1548 = arith.constant 0 : i32
      %dma_wait3A_1549 = tpu.memref_slice %arg3[%add3A_76, %dma_wait3A_1539, %dma_wait3A_1540, %dma_wait3A_1547, %dma_wait3A_1548] : memref<2048x2x16x8x128xf32, #tpu.memory_space<hbm>> -> memref<1x1x1x8x128xf32, #tpu.memory_space<hbm>>
      %dma_wait3A_1550 = tpu.memref_squeeze %dma_wait3A_1549 : memref<1x1x1x8x128xf32, #tpu.memory_space<hbm>> -> memref<8x128xf32, #tpu.memory_space<hbm>>
      %dma_wait3A_1551 = arith.constant 8 : i32
      %dma_wait3A_1552 = tpu.memref_slice %arg4[%dma_wait3A_1551, %add3A_562] : memref<16x2560xf32, #tpu.memory_space<vmem>> -> memref<8x128xf32, #tpu.memory_space<vmem>>
      tpu.wait_dma2 semaphore(%arg5 : memref<!tpu.dma_semaphore, #tpu.memory_space<semaphore_mem>>) src(%dma_wait3A_1552 : memref<8x128xf32, #tpu.memory_space<vmem>>) dst(%dma_wait3A_1550 : memref<8x128xf32, #tpu.memory_space<hbm>>)
      %dma_wait3A_1553 = arith.constant 1 : i32
      %dma_wait3A_1554 = arith.constant 15 : i32
      %dma_wait3A_1555 = arith.constant 8 : i32
      %dma_wait3A_1556 = tpu.memref_slice %arg4[%dma_wait3A_1555, %add3A_578] : memref<16x2560xf32, #tpu.memory_space<vmem>> -> memref<8x128xf32, #tpu.memory_space<vmem>>
      %dma_wait3A_1557 = arith.constant 0 : i32
      %dma_wait3A_1558 = arith.constant 0 : i32
      %dma_wait3A_1559 = tpu.memref_slice %arg3[%add3A_76, %dma_wait3A_1553, %dma_wait3A_1554, %dma_wait3A_1557, %dma_wait3A_1558] : memref<2048x2x16x8x128xf32, #tpu.memory_space<hbm>> -> memref<1x1x1x8x128xf32, #tpu.memory_space<hbm>>
      %dma_wait3A_1560 = tpu.memref_squeeze %dma_wait3A_1559 : memref<1x1x1x8x128xf32, #tpu.memory_space<hbm>> -> memref<8x128xf32, #tpu.memory_space<hbm>>
      %dma_wait3A_1561 = arith.constant 0 : i32
      %dma_wait3A_1562 = arith.constant 0 : i32
      %dma_wait3A_1563 = tpu.memref_slice %arg3[%add3A_76, %dma_wait3A_1553, %dma_wait3A_1554, %dma_wait3A_1561, %dma_wait3A_1562] : memref<2048x2x16x8x128xf32, #tpu.memory_space<hbm>> -> memref<1x1x1x8x128xf32, #tpu.memory_space<hbm>>
      %dma_wait3A_1564 = tpu.memref_squeeze %dma_wait3A_1563 : memref<1x1x1x8x128xf32, #tpu.memory_space<hbm>> -> memref<8x128xf32, #tpu.memory_space<hbm>>
      %dma_wait3A_1565 = arith.constant 8 : i32
      %dma_wait3A_1566 = tpu.memref_slice %arg4[%dma_wait3A_1565, %add3A_578] : memref<16x2560xf32, #tpu.memory_space<vmem>> -> memref<8x128xf32, #tpu.memory_space<vmem>>
      tpu.wait_dma2 semaphore(%arg5 : memref<!tpu.dma_semaphore, #tpu.memory_space<semaphore_mem>>) src(%dma_wait3A_1566 : memref<8x128xf32, #tpu.memory_space<vmem>>) dst(%dma_wait3A_1564 : memref<8x128xf32, #tpu.memory_space<hbm>>)
      %dma_wait3A_1567 = arith.constant 0 : i32
      %dma_wait3A_1568 = arith.constant 0 : i32
      %dma_wait3A_1569 = arith.constant 0 : i32
      %dma_wait3A_1570 = tpu.memref_slice %arg4[%dma_wait3A_1569, %add3A_609] : memref<16x2560xf32, #tpu.memory_space<vmem>> -> memref<8x128xf32, #tpu.memory_space<vmem>>
      %dma_wait3A_1571 = arith.constant 0 : i32
      %dma_wait3A_1572 = arith.constant 0 : i32
      %dma_wait3A_1573 = tpu.memref_slice %arg3[%add3A_602, %dma_wait3A_1567, %dma_wait3A_1568, %dma_wait3A_1571, %dma_wait3A_1572] : memref<2048x2x16x8x128xf32, #tpu.memory_space<hbm>> -> memref<1x1x1x8x128xf32, #tpu.memory_space<hbm>>
      %dma_wait3A_1574 = tpu.memref_squeeze %dma_wait3A_1573 : memref<1x1x1x8x128xf32, #tpu.memory_space<hbm>> -> memref<8x128xf32, #tpu.memory_space<hbm>>
      %dma_wait3A_1575 = arith.constant 0 : i32
      %dma_wait3A_1576 = arith.constant 0 : i32
      %dma_wait3A_1577 = tpu.memref_slice %arg3[%add3A_602, %dma_wait3A_1567, %dma_wait3A_1568, %dma_wait3A_1575, %dma_wait3A_1576] : memref<2048x2x16x8x128xf32, #tpu.memory_space<hbm>> -> memref<1x1x1x8x128xf32, #tpu.memory_space<hbm>>
      %dma_wait3A_1578 = tpu.memref_squeeze %dma_wait3A_1577 : memref<1x1x1x8x128xf32, #tpu.memory_space<hbm>> -> memref<8x128xf32, #tpu.memory_space<hbm>>
      %dma_wait3A_1579 = arith.constant 0 : i32
      %dma_wait3A_1580 = tpu.memref_slice %arg4[%dma_wait3A_1579, %add3A_609] : memref<16x2560xf32, #tpu.memory_space<vmem>> -> memref<8x128xf32, #tpu.memory_space<vmem>>
      tpu.wait_dma2 semaphore(%arg5 : memref<!tpu.dma_semaphore, #tpu.memory_space<semaphore_mem>>) src(%dma_wait3A_1580 : memref<8x128xf32, #tpu.memory_space<vmem>>) dst(%dma_wait3A_1578 : memref<8x128xf32, #tpu.memory_space<hbm>>)
      %dma_wait3A_1581 = arith.constant 0 : i32
      %dma_wait3A_1582 = arith.constant 1 : i32
      %dma_wait3A_1583 = arith.constant 0 : i32
      %dma_wait3A_1584 = tpu.memref_slice %arg4[%dma_wait3A_1583, %add3A_625] : memref<16x2560xf32, #tpu.memory_space<vmem>> -> memref<8x128xf32, #tpu.memory_space<vmem>>
      %dma_wait3A_1585 = arith.constant 0 : i32
      %dma_wait3A_1586 = arith.constant 0 : i32
      %dma_wait3A_1587 = tpu.memref_slice %arg3[%add3A_602, %dma_wait3A_1581, %dma_wait3A_1582, %dma_wait3A_1585, %dma_wait3A_1586] : memref<2048x2x16x8x128xf32, #tpu.memory_space<hbm>> -> memref<1x1x1x8x128xf32, #tpu.memory_space<hbm>>
      %dma_wait3A_1588 = tpu.memref_squeeze %dma_wait3A_1587 : memref<1x1x1x8x128xf32, #tpu.memory_space<hbm>> -> memref<8x128xf32, #tpu.memory_space<hbm>>
      %dma_wait3A_1589 = arith.constant 0 : i32
      %dma_wait3A_1590 = arith.constant 0 : i32
      %dma_wait3A_1591 = tpu.memref_slice %arg3[%add3A_602, %dma_wait3A_1581, %dma_wait3A_1582, %dma_wait3A_1589, %dma_wait3A_1590] : memref<2048x2x16x8x128xf32, #tpu.memory_space<hbm>> -> memref<1x1x1x8x128xf32, #tpu.memory_space<hbm>>
      %dma_wait3A_1592 = tpu.memref_squeeze %dma_wait3A_1591 : memref<1x1x1x8x128xf32, #tpu.memory_space<hbm>> -> memref<8x128xf32, #tpu.memory_space<hbm>>
      %dma_wait3A_1593 = arith.constant 0 : i32
      %dma_wait3A_1594 = tpu.memref_slice %arg4[%dma_wait3A_1593, %add3A_625] : memref<16x2560xf32, #tpu.memory_space<vmem>> -> memref<8x128xf32, #tpu.memory_space<vmem>>
      tpu.wait_dma2 semaphore(%arg5 : memref<!tpu.dma_semaphore, #tpu.memory_space<semaphore_mem>>) src(%dma_wait3A_1594 : memref<8x128xf32, #tpu.memory_space<vmem>>) dst(%dma_wait3A_1592 : memref<8x128xf32, #tpu.memory_space<hbm>>)
      %dma_wait3A_1595 = arith.constant 0 : i32
      %dma_wait3A_1596 = arith.constant 2 : i32
      %dma_wait3A_1597 = arith.constant 0 : i32
      %dma_wait3A_1598 = tpu.memref_slice %arg4[%dma_wait3A_1597, %add3A_641] : memref<16x2560xf32, #tpu.memory_space<vmem>> -> memref<8x128xf32, #tpu.memory_space<vmem>>
      %dma_wait3A_1599 = arith.constant 0 : i32
      %dma_wait3A_1600 = arith.constant 0 : i32
      %dma_wait3A_1601 = tpu.memref_slice %arg3[%add3A_602, %dma_wait3A_1595, %dma_wait3A_1596, %dma_wait3A_1599, %dma_wait3A_1600] : memref<2048x2x16x8x128xf32, #tpu.memory_space<hbm>> -> memref<1x1x1x8x128xf32, #tpu.memory_space<hbm>>
      %dma_wait3A_1602 = tpu.memref_squeeze %dma_wait3A_1601 : memref<1x1x1x8x128xf32, #tpu.memory_space<hbm>> -> memref<8x128xf32, #tpu.memory_space<hbm>>
      %dma_wait3A_1603 = arith.constant 0 : i32
      %dma_wait3A_1604 = arith.constant 0 : i32
      %dma_wait3A_1605 = tpu.memref_slice %arg3[%add3A_602, %dma_wait3A_1595, %dma_wait3A_1596, %dma_wait3A_1603, %dma_wait3A_1604] : memref<2048x2x16x8x128xf32, #tpu.memory_space<hbm>> -> memref<1x1x1x8x128xf32, #tpu.memory_space<hbm>>
      %dma_wait3A_1606 = tpu.memref_squeeze %dma_wait3A_1605 : memref<1x1x1x8x128xf32, #tpu.memory_space<hbm>> -> memref<8x128xf32, #tpu.memory_space<hbm>>
      %dma_wait3A_1607 = arith.constant 0 : i32
      %dma_wait3A_1608 = tpu.memref_slice %arg4[%dma_wait3A_1607, %add3A_641] : memref<16x2560xf32, #tpu.memory_space<vmem>> -> memref<8x128xf32, #tpu.memory_space<vmem>>
      tpu.wait_dma2 semaphore(%arg5 : memref<!tpu.dma_semaphore, #tpu.memory_space<semaphore_mem>>) src(%dma_wait3A_1608 : memref<8x128xf32, #tpu.memory_space<vmem>>) dst(%dma_wait3A_1606 : memref<8x128xf32, #tpu.memory_space<hbm>>)
      %dma_wait3A_1609 = arith.constant 0 : i32
      %dma_wait3A_1610 = arith.constant 3 : i32
      %dma_wait3A_1611 = arith.constant 0 : i32
      %dma_wait3A_1612 = tpu.memref_slice %arg4[%dma_wait3A_1611, %add3A_657] : memref<16x2560xf32, #tpu.memory_space<vmem>> -> memref<8x128xf32, #tpu.memory_space<vmem>>
      %dma_wait3A_1613 = arith.constant 0 : i32
      %dma_wait3A_1614 = arith.constant 0 : i32
      %dma_wait3A_1615 = tpu.memref_slice %arg3[%add3A_602, %dma_wait3A_1609, %dma_wait3A_1610, %dma_wait3A_1613, %dma_wait3A_1614] : memref<2048x2x16x8x128xf32, #tpu.memory_space<hbm>> -> memref<1x1x1x8x128xf32, #tpu.memory_space<hbm>>
      %dma_wait3A_1616 = tpu.memref_squeeze %dma_wait3A_1615 : memref<1x1x1x8x128xf32, #tpu.memory_space<hbm>> -> memref<8x128xf32, #tpu.memory_space<hbm>>
      %dma_wait3A_1617 = arith.constant 0 : i32
      %dma_wait3A_1618 = arith.constant 0 : i32
      %dma_wait3A_1619 = tpu.memref_slice %arg3[%add3A_602, %dma_wait3A_1609, %dma_wait3A_1610, %dma_wait3A_1617, %dma_wait3A_1618] : memref<2048x2x16x8x128xf32, #tpu.memory_space<hbm>> -> memref<1x1x1x8x128xf32, #tpu.memory_space<hbm>>
      %dma_wait3A_1620 = tpu.memref_squeeze %dma_wait3A_1619 : memref<1x1x1x8x128xf32, #tpu.memory_space<hbm>> -> memref<8x128xf32, #tpu.memory_space<hbm>>
      %dma_wait3A_1621 = arith.constant 0 : i32
      %dma_wait3A_1622 = tpu.memref_slice %arg4[%dma_wait3A_1621, %add3A_657] : memref<16x2560xf32, #tpu.memory_space<vmem>> -> memref<8x128xf32, #tpu.memory_space<vmem>>
      tpu.wait_dma2 semaphore(%arg5 : memref<!tpu.dma_semaphore, #tpu.memory_space<semaphore_mem>>) src(%dma_wait3A_1622 : memref<8x128xf32, #tpu.memory_space<vmem>>) dst(%dma_wait3A_1620 : memref<8x128xf32, #tpu.memory_space<hbm>>)
      %dma_wait3A_1623 = arith.constant 0 : i32
      %dma_wait3A_1624 = arith.constant 4 : i32
      %dma_wait3A_1625 = arith.constant 0 : i32
      %dma_wait3A_1626 = tpu.memref_slice %arg4[%dma_wait3A_1625, %add3A_673] : memref<16x2560xf32, #tpu.memory_space<vmem>> -> memref<8x128xf32, #tpu.memory_space<vmem>>
      %dma_wait3A_1627 = arith.constant 0 : i32
      %dma_wait3A_1628 = arith.constant 0 : i32
      %dma_wait3A_1629 = tpu.memref_slice %arg3[%add3A_602, %dma_wait3A_1623, %dma_wait3A_1624, %dma_wait3A_1627, %dma_wait3A_1628] : memref<2048x2x16x8x128xf32, #tpu.memory_space<hbm>> -> memref<1x1x1x8x128xf32, #tpu.memory_space<hbm>>
      %dma_wait3A_1630 = tpu.memref_squeeze %dma_wait3A_1629 : memref<1x1x1x8x128xf32, #tpu.memory_space<hbm>> -> memref<8x128xf32, #tpu.memory_space<hbm>>
      %dma_wait3A_1631 = arith.constant 0 : i32
      %dma_wait3A_1632 = arith.constant 0 : i32
      %dma_wait3A_1633 = tpu.memref_slice %arg3[%add3A_602, %dma_wait3A_1623, %dma_wait3A_1624, %dma_wait3A_1631, %dma_wait3A_1632] : memref<2048x2x16x8x128xf32, #tpu.memory_space<hbm>> -> memref<1x1x1x8x128xf32, #tpu.memory_space<hbm>>
      %dma_wait3A_1634 = tpu.memref_squeeze %dma_wait3A_1633 : memref<1x1x1x8x128xf32, #tpu.memory_space<hbm>> -> memref<8x128xf32, #tpu.memory_space<hbm>>
      %dma_wait3A_1635 = arith.constant 0 : i32
      %dma_wait3A_1636 = tpu.memref_slice %arg4[%dma_wait3A_1635, %add3A_673] : memref<16x2560xf32, #tpu.memory_space<vmem>> -> memref<8x128xf32, #tpu.memory_space<vmem>>
      tpu.wait_dma2 semaphore(%arg5 : memref<!tpu.dma_semaphore, #tpu.memory_space<semaphore_mem>>) src(%dma_wait3A_1636 : memref<8x128xf32, #tpu.memory_space<vmem>>) dst(%dma_wait3A_1634 : memref<8x128xf32, #tpu.memory_space<hbm>>)
      %dma_wait3A_1637 = arith.constant 0 : i32
      %dma_wait3A_1638 = arith.constant 5 : i32
      %dma_wait3A_1639 = arith.constant 0 : i32
      %dma_wait3A_1640 = tpu.memref_slice %arg4[%dma_wait3A_1639, %add3A_689] : memref<16x2560xf32, #tpu.memory_space<vmem>> -> memref<8x128xf32, #tpu.memory_space<vmem>>
      %dma_wait3A_1641 = arith.constant 0 : i32
      %dma_wait3A_1642 = arith.constant 0 : i32
      %dma_wait3A_1643 = tpu.memref_slice %arg3[%add3A_602, %dma_wait3A_1637, %dma_wait3A_1638, %dma_wait3A_1641, %dma_wait3A_1642] : memref<2048x2x16x8x128xf32, #tpu.memory_space<hbm>> -> memref<1x1x1x8x128xf32, #tpu.memory_space<hbm>>
      %dma_wait3A_1644 = tpu.memref_squeeze %dma_wait3A_1643 : memref<1x1x1x8x128xf32, #tpu.memory_space<hbm>> -> memref<8x128xf32, #tpu.memory_space<hbm>>
      %dma_wait3A_1645 = arith.constant 0 : i32
      %dma_wait3A_1646 = arith.constant 0 : i32
      %dma_wait3A_1647 = tpu.memref_slice %arg3[%add3A_602, %dma_wait3A_1637, %dma_wait3A_1638, %dma_wait3A_1645, %dma_wait3A_1646] : memref<2048x2x16x8x128xf32, #tpu.memory_space<hbm>> -> memref<1x1x1x8x128xf32, #tpu.memory_space<hbm>>
      %dma_wait3A_1648 = tpu.memref_squeeze %dma_wait3A_1647 : memref<1x1x1x8x128xf32, #tpu.memory_space<hbm>> -> memref<8x128xf32, #tpu.memory_space<hbm>>
      %dma_wait3A_1649 = arith.constant 0 : i32
      %dma_wait3A_1650 = tpu.memref_slice %arg4[%dma_wait3A_1649, %add3A_689] : memref<16x2560xf32, #tpu.memory_space<vmem>> -> memref<8x128xf32, #tpu.memory_space<vmem>>
      tpu.wait_dma2 semaphore(%arg5 : memref<!tpu.dma_semaphore, #tpu.memory_space<semaphore_mem>>) src(%dma_wait3A_1650 : memref<8x128xf32, #tpu.memory_space<vmem>>) dst(%dma_wait3A_1648 : memref<8x128xf32, #tpu.memory_space<hbm>>)
      %dma_wait3A_1651 = arith.constant 0 : i32
      %dma_wait3A_1652 = arith.constant 6 : i32
      %dma_wait3A_1653 = arith.constant 0 : i32
      %dma_wait3A_1654 = tpu.memref_slice %arg4[%dma_wait3A_1653, %add3A_705] : memref<16x2560xf32, #tpu.memory_space<vmem>> -> memref<8x128xf32, #tpu.memory_space<vmem>>
      %dma_wait3A_1655 = arith.constant 0 : i32
      %dma_wait3A_1656 = arith.constant 0 : i32
      %dma_wait3A_1657 = tpu.memref_slice %arg3[%add3A_602, %dma_wait3A_1651, %dma_wait3A_1652, %dma_wait3A_1655, %dma_wait3A_1656] : memref<2048x2x16x8x128xf32, #tpu.memory_space<hbm>> -> memref<1x1x1x8x128xf32, #tpu.memory_space<hbm>>
      %dma_wait3A_1658 = tpu.memref_squeeze %dma_wait3A_1657 : memref<1x1x1x8x128xf32, #tpu.memory_space<hbm>> -> memref<8x128xf32, #tpu.memory_space<hbm>>
      %dma_wait3A_1659 = arith.constant 0 : i32
      %dma_wait3A_1660 = arith.constant 0 : i32
      %dma_wait3A_1661 = tpu.memref_slice %arg3[%add3A_602, %dma_wait3A_1651, %dma_wait3A_1652, %dma_wait3A_1659, %dma_wait3A_1660] : memref<2048x2x16x8x128xf32, #tpu.memory_space<hbm>> -> memref<1x1x1x8x128xf32, #tpu.memory_space<hbm>>
      %dma_wait3A_1662 = tpu.memref_squeeze %dma_wait3A_1661 : memref<1x1x1x8x128xf32, #tpu.memory_space<hbm>> -> memref<8x128xf32, #tpu.memory_space<hbm>>
      %dma_wait3A_1663 = arith.constant 0 : i32
      %dma_wait3A_1664 = tpu.memref_slice %arg4[%dma_wait3A_1663, %add3A_705] : memref<16x2560xf32, #tpu.memory_space<vmem>> -> memref<8x128xf32, #tpu.memory_space<vmem>>
      tpu.wait_dma2 semaphore(%arg5 : memref<!tpu.dma_semaphore, #tpu.memory_space<semaphore_mem>>) src(%dma_wait3A_1664 : memref<8x128xf32, #tpu.memory_space<vmem>>) dst(%dma_wait3A_1662 : memref<8x128xf32, #tpu.memory_space<hbm>>)
      %dma_wait3A_1665 = arith.constant 0 : i32
      %dma_wait3A_1666 = arith.constant 7 : i32
      %dma_wait3A_1667 = arith.constant 0 : i32
      %dma_wait3A_1668 = tpu.memref_slice %arg4[%dma_wait3A_1667, %add3A_721] : memref<16x2560xf32, #tpu.memory_space<vmem>> -> memref<8x128xf32, #tpu.memory_space<vmem>>
      %dma_wait3A_1669 = arith.constant 0 : i32
      %dma_wait3A_1670 = arith.constant 0 : i32
      %dma_wait3A_1671 = tpu.memref_slice %arg3[%add3A_602, %dma_wait3A_1665, %dma_wait3A_1666, %dma_wait3A_1669, %dma_wait3A_1670] : memref<2048x2x16x8x128xf32, #tpu.memory_space<hbm>> -> memref<1x1x1x8x128xf32, #tpu.memory_space<hbm>>
      %dma_wait3A_1672 = tpu.memref_squeeze %dma_wait3A_1671 : memref<1x1x1x8x128xf32, #tpu.memory_space<hbm>> -> memref<8x128xf32, #tpu.memory_space<hbm>>
      %dma_wait3A_1673 = arith.constant 0 : i32
      %dma_wait3A_1674 = arith.constant 0 : i32
      %dma_wait3A_1675 = tpu.memref_slice %arg3[%add3A_602, %dma_wait3A_1665, %dma_wait3A_1666, %dma_wait3A_1673, %dma_wait3A_1674] : memref<2048x2x16x8x128xf32, #tpu.memory_space<hbm>> -> memref<1x1x1x8x128xf32, #tpu.memory_space<hbm>>
      %dma_wait3A_1676 = tpu.memref_squeeze %dma_wait3A_1675 : memref<1x1x1x8x128xf32, #tpu.memory_space<hbm>> -> memref<8x128xf32, #tpu.memory_space<hbm>>
      %dma_wait3A_1677 = arith.constant 0 : i32
      %dma_wait3A_1678 = tpu.memref_slice %arg4[%dma_wait3A_1677, %add3A_721] : memref<16x2560xf32, #tpu.memory_space<vmem>> -> memref<8x128xf32, #tpu.memory_space<vmem>>
      tpu.wait_dma2 semaphore(%arg5 : memref<!tpu.dma_semaphore, #tpu.memory_space<semaphore_mem>>) src(%dma_wait3A_1678 : memref<8x128xf32, #tpu.memory_space<vmem>>) dst(%dma_wait3A_1676 : memref<8x128xf32, #tpu.memory_space<hbm>>)
      %dma_wait3A_1679 = arith.constant 0 : i32
      %dma_wait3A_1680 = arith.constant 8 : i32
      %dma_wait3A_1681 = arith.constant 0 : i32
      %dma_wait3A_1682 = tpu.memref_slice %arg4[%dma_wait3A_1681, %add3A_737] : memref<16x2560xf32, #tpu.memory_space<vmem>> -> memref<8x128xf32, #tpu.memory_space<vmem>>
      %dma_wait3A_1683 = arith.constant 0 : i32
      %dma_wait3A_1684 = arith.constant 0 : i32
      %dma_wait3A_1685 = tpu.memref_slice %arg3[%add3A_602, %dma_wait3A_1679, %dma_wait3A_1680, %dma_wait3A_1683, %dma_wait3A_1684] : memref<2048x2x16x8x128xf32, #tpu.memory_space<hbm>> -> memref<1x1x1x8x128xf32, #tpu.memory_space<hbm>>
      %dma_wait3A_1686 = tpu.memref_squeeze %dma_wait3A_1685 : memref<1x1x1x8x128xf32, #tpu.memory_space<hbm>> -> memref<8x128xf32, #tpu.memory_space<hbm>>
      %dma_wait3A_1687 = arith.constant 0 : i32
      %dma_wait3A_1688 = arith.constant 0 : i32
      %dma_wait3A_1689 = tpu.memref_slice %arg3[%add3A_602, %dma_wait3A_1679, %dma_wait3A_1680, %dma_wait3A_1687, %dma_wait3A_1688] : memref<2048x2x16x8x128xf32, #tpu.memory_space<hbm>> -> memref<1x1x1x8x128xf32, #tpu.memory_space<hbm>>
      %dma_wait3A_1690 = tpu.memref_squeeze %dma_wait3A_1689 : memref<1x1x1x8x128xf32, #tpu.memory_space<hbm>> -> memref<8x128xf32, #tpu.memory_space<hbm>>
      %dma_wait3A_1691 = arith.constant 0 : i32
      %dma_wait3A_1692 = tpu.memref_slice %arg4[%dma_wait3A_1691, %add3A_737] : memref<16x2560xf32, #tpu.memory_space<vmem>> -> memref<8x128xf32, #tpu.memory_space<vmem>>
      tpu.wait_dma2 semaphore(%arg5 : memref<!tpu.dma_semaphore, #tpu.memory_space<semaphore_mem>>) src(%dma_wait3A_1692 : memref<8x128xf32, #tpu.memory_space<vmem>>) dst(%dma_wait3A_1690 : memref<8x128xf32, #tpu.memory_space<hbm>>)
      %dma_wait3A_1693 = arith.constant 0 : i32
      %dma_wait3A_1694 = arith.constant 9 : i32
      %dma_wait3A_1695 = arith.constant 0 : i32
      %dma_wait3A_1696 = tpu.memref_slice %arg4[%dma_wait3A_1695, %add3A_753] : memref<16x2560xf32, #tpu.memory_space<vmem>> -> memref<8x128xf32, #tpu.memory_space<vmem>>
      %dma_wait3A_1697 = arith.constant 0 : i32
      %dma_wait3A_1698 = arith.constant 0 : i32
      %dma_wait3A_1699 = tpu.memref_slice %arg3[%add3A_602, %dma_wait3A_1693, %dma_wait3A_1694, %dma_wait3A_1697, %dma_wait3A_1698] : memref<2048x2x16x8x128xf32, #tpu.memory_space<hbm>> -> memref<1x1x1x8x128xf32, #tpu.memory_space<hbm>>
      %dma_wait3A_1700 = tpu.memref_squeeze %dma_wait3A_1699 : memref<1x1x1x8x128xf32, #tpu.memory_space<hbm>> -> memref<8x128xf32, #tpu.memory_space<hbm>>
      %dma_wait3A_1701 = arith.constant 0 : i32
      %dma_wait3A_1702 = arith.constant 0 : i32
      %dma_wait3A_1703 = tpu.memref_slice %arg3[%add3A_602, %dma_wait3A_1693, %dma_wait3A_1694, %dma_wait3A_1701, %dma_wait3A_1702] : memref<2048x2x16x8x128xf32, #tpu.memory_space<hbm>> -> memref<1x1x1x8x128xf32, #tpu.memory_space<hbm>>
      %dma_wait3A_1704 = tpu.memref_squeeze %dma_wait3A_1703 : memref<1x1x1x8x128xf32, #tpu.memory_space<hbm>> -> memref<8x128xf32, #tpu.memory_space<hbm>>
      %dma_wait3A_1705 = arith.constant 0 : i32
      %dma_wait3A_1706 = tpu.memref_slice %arg4[%dma_wait3A_1705, %add3A_753] : memref<16x2560xf32, #tpu.memory_space<vmem>> -> memref<8x128xf32, #tpu.memory_space<vmem>>
      tpu.wait_dma2 semaphore(%arg5 : memref<!tpu.dma_semaphore, #tpu.memory_space<semaphore_mem>>) src(%dma_wait3A_1706 : memref<8x128xf32, #tpu.memory_space<vmem>>) dst(%dma_wait3A_1704 : memref<8x128xf32, #tpu.memory_space<hbm>>)
      %dma_wait3A_1707 = arith.constant 0 : i32
      %dma_wait3A_1708 = arith.constant 10 : i32
      %dma_wait3A_1709 = arith.constant 0 : i32
      %dma_wait3A_1710 = tpu.memref_slice %arg4[%dma_wait3A_1709, %add3A_769] : memref<16x2560xf32, #tpu.memory_space<vmem>> -> memref<8x128xf32, #tpu.memory_space<vmem>>
      %dma_wait3A_1711 = arith.constant 0 : i32
      %dma_wait3A_1712 = arith.constant 0 : i32
      %dma_wait3A_1713 = tpu.memref_slice %arg3[%add3A_602, %dma_wait3A_1707, %dma_wait3A_1708, %dma_wait3A_1711, %dma_wait3A_1712] : memref<2048x2x16x8x128xf32, #tpu.memory_space<hbm>> -> memref<1x1x1x8x128xf32, #tpu.memory_space<hbm>>
      %dma_wait3A_1714 = tpu.memref_squeeze %dma_wait3A_1713 : memref<1x1x1x8x128xf32, #tpu.memory_space<hbm>> -> memref<8x128xf32, #tpu.memory_space<hbm>>
      %dma_wait3A_1715 = arith.constant 0 : i32
      %dma_wait3A_1716 = arith.constant 0 : i32
      %dma_wait3A_1717 = tpu.memref_slice %arg3[%add3A_602, %dma_wait3A_1707, %dma_wait3A_1708, %dma_wait3A_1715, %dma_wait3A_1716] : memref<2048x2x16x8x128xf32, #tpu.memory_space<hbm>> -> memref<1x1x1x8x128xf32, #tpu.memory_space<hbm>>
      %dma_wait3A_1718 = tpu.memref_squeeze %dma_wait3A_1717 : memref<1x1x1x8x128xf32, #tpu.memory_space<hbm>> -> memref<8x128xf32, #tpu.memory_space<hbm>>
      %dma_wait3A_1719 = arith.constant 0 : i32
      %dma_wait3A_1720 = tpu.memref_slice %arg4[%dma_wait3A_1719, %add3A_769] : memref<16x2560xf32, #tpu.memory_space<vmem>> -> memref<8x128xf32, #tpu.memory_space<vmem>>
      tpu.wait_dma2 semaphore(%arg5 : memref<!tpu.dma_semaphore, #tpu.memory_space<semaphore_mem>>) src(%dma_wait3A_1720 : memref<8x128xf32, #tpu.memory_space<vmem>>) dst(%dma_wait3A_1718 : memref<8x128xf32, #tpu.memory_space<hbm>>)
      %dma_wait3A_1721 = arith.constant 0 : i32
      %dma_wait3A_1722 = arith.constant 11 : i32
      %dma_wait3A_1723 = arith.constant 0 : i32
      %dma_wait3A_1724 = tpu.memref_slice %arg4[%dma_wait3A_1723, %add3A_785] : memref<16x2560xf32, #tpu.memory_space<vmem>> -> memref<8x128xf32, #tpu.memory_space<vmem>>
      %dma_wait3A_1725 = arith.constant 0 : i32
      %dma_wait3A_1726 = arith.constant 0 : i32
      %dma_wait3A_1727 = tpu.memref_slice %arg3[%add3A_602, %dma_wait3A_1721, %dma_wait3A_1722, %dma_wait3A_1725, %dma_wait3A_1726] : memref<2048x2x16x8x128xf32, #tpu.memory_space<hbm>> -> memref<1x1x1x8x128xf32, #tpu.memory_space<hbm>>
      %dma_wait3A_1728 = tpu.memref_squeeze %dma_wait3A_1727 : memref<1x1x1x8x128xf32, #tpu.memory_space<hbm>> -> memref<8x128xf32, #tpu.memory_space<hbm>>
      %dma_wait3A_1729 = arith.constant 0 : i32
      %dma_wait3A_1730 = arith.constant 0 : i32
      %dma_wait3A_1731 = tpu.memref_slice %arg3[%add3A_602, %dma_wait3A_1721, %dma_wait3A_1722, %dma_wait3A_1729, %dma_wait3A_1730] : memref<2048x2x16x8x128xf32, #tpu.memory_space<hbm>> -> memref<1x1x1x8x128xf32, #tpu.memory_space<hbm>>
      %dma_wait3A_1732 = tpu.memref_squeeze %dma_wait3A_1731 : memref<1x1x1x8x128xf32, #tpu.memory_space<hbm>> -> memref<8x128xf32, #tpu.memory_space<hbm>>
      %dma_wait3A_1733 = arith.constant 0 : i32
      %dma_wait3A_1734 = tpu.memref_slice %arg4[%dma_wait3A_1733, %add3A_785] : memref<16x2560xf32, #tpu.memory_space<vmem>> -> memref<8x128xf32, #tpu.memory_space<vmem>>
      tpu.wait_dma2 semaphore(%arg5 : memref<!tpu.dma_semaphore, #tpu.memory_space<semaphore_mem>>) src(%dma_wait3A_1734 : memref<8x128xf32, #tpu.memory_space<vmem>>) dst(%dma_wait3A_1732 : memref<8x128xf32, #tpu.memory_space<hbm>>)
      %dma_wait3A_1735 = arith.constant 0 : i32
      %dma_wait3A_1736 = arith.constant 12 : i32
      %dma_wait3A_1737 = arith.constant 0 : i32
      %dma_wait3A_1738 = tpu.memref_slice %arg4[%dma_wait3A_1737, %add3A_801] : memref<16x2560xf32, #tpu.memory_space<vmem>> -> memref<8x128xf32, #tpu.memory_space<vmem>>
      %dma_wait3A_1739 = arith.constant 0 : i32
      %dma_wait3A_1740 = arith.constant 0 : i32
      %dma_wait3A_1741 = tpu.memref_slice %arg3[%add3A_602, %dma_wait3A_1735, %dma_wait3A_1736, %dma_wait3A_1739, %dma_wait3A_1740] : memref<2048x2x16x8x128xf32, #tpu.memory_space<hbm>> -> memref<1x1x1x8x128xf32, #tpu.memory_space<hbm>>
      %dma_wait3A_1742 = tpu.memref_squeeze %dma_wait3A_1741 : memref<1x1x1x8x128xf32, #tpu.memory_space<hbm>> -> memref<8x128xf32, #tpu.memory_space<hbm>>
      %dma_wait3A_1743 = arith.constant 0 : i32
      %dma_wait3A_1744 = arith.constant 0 : i32
      %dma_wait3A_1745 = tpu.memref_slice %arg3[%add3A_602, %dma_wait3A_1735, %dma_wait3A_1736, %dma_wait3A_1743, %dma_wait3A_1744] : memref<2048x2x16x8x128xf32, #tpu.memory_space<hbm>> -> memref<1x1x1x8x128xf32, #tpu.memory_space<hbm>>
      %dma_wait3A_1746 = tpu.memref_squeeze %dma_wait3A_1745 : memref<1x1x1x8x128xf32, #tpu.memory_space<hbm>> -> memref<8x128xf32, #tpu.memory_space<hbm>>
      %dma_wait3A_1747 = arith.constant 0 : i32
      %dma_wait3A_1748 = tpu.memref_slice %arg4[%dma_wait3A_1747, %add3A_801] : memref<16x2560xf32, #tpu.memory_space<vmem>> -> memref<8x128xf32, #tpu.memory_space<vmem>>
      tpu.wait_dma2 semaphore(%arg5 : memref<!tpu.dma_semaphore, #tpu.memory_space<semaphore_mem>>) src(%dma_wait3A_1748 : memref<8x128xf32, #tpu.memory_space<vmem>>) dst(%dma_wait3A_1746 : memref<8x128xf32, #tpu.memory_space<hbm>>)
      %dma_wait3A_1749 = arith.constant 0 : i32
      %dma_wait3A_1750 = arith.constant 13 : i32
      %dma_wait3A_1751 = arith.constant 0 : i32
      %dma_wait3A_1752 = tpu.memref_slice %arg4[%dma_wait3A_1751, %add3A_817] : memref<16x2560xf32, #tpu.memory_space<vmem>> -> memref<8x128xf32, #tpu.memory_space<vmem>>
      %dma_wait3A_1753 = arith.constant 0 : i32
      %dma_wait3A_1754 = arith.constant 0 : i32
      %dma_wait3A_1755 = tpu.memref_slice %arg3[%add3A_602, %dma_wait3A_1749, %dma_wait3A_1750, %dma_wait3A_1753, %dma_wait3A_1754] : memref<2048x2x16x8x128xf32, #tpu.memory_space<hbm>> -> memref<1x1x1x8x128xf32, #tpu.memory_space<hbm>>
      %dma_wait3A_1756 = tpu.memref_squeeze %dma_wait3A_1755 : memref<1x1x1x8x128xf32, #tpu.memory_space<hbm>> -> memref<8x128xf32, #tpu.memory_space<hbm>>
      %dma_wait3A_1757 = arith.constant 0 : i32
      %dma_wait3A_1758 = arith.constant 0 : i32
      %dma_wait3A_1759 = tpu.memref_slice %arg3[%add3A_602, %dma_wait3A_1749, %dma_wait3A_1750, %dma_wait3A_1757, %dma_wait3A_1758] : memref<2048x2x16x8x128xf32, #tpu.memory_space<hbm>> -> memref<1x1x1x8x128xf32, #tpu.memory_space<hbm>>
      %dma_wait3A_1760 = tpu.memref_squeeze %dma_wait3A_1759 : memref<1x1x1x8x128xf32, #tpu.memory_space<hbm>> -> memref<8x128xf32, #tpu.memory_space<hbm>>
      %dma_wait3A_1761 = arith.constant 0 : i32
      %dma_wait3A_1762 = tpu.memref_slice %arg4[%dma_wait3A_1761, %add3A_817] : memref<16x2560xf32, #tpu.memory_space<vmem>> -> memref<8x128xf32, #tpu.memory_space<vmem>>
      tpu.wait_dma2 semaphore(%arg5 : memref<!tpu.dma_semaphore, #tpu.memory_space<semaphore_mem>>) src(%dma_wait3A_1762 : memref<8x128xf32, #tpu.memory_space<vmem>>) dst(%dma_wait3A_1760 : memref<8x128xf32, #tpu.memory_space<hbm>>)
      %dma_wait3A_1763 = arith.constant 0 : i32
      %dma_wait3A_1764 = arith.constant 14 : i32
      %dma_wait3A_1765 = arith.constant 0 : i32
      %dma_wait3A_1766 = tpu.memref_slice %arg4[%dma_wait3A_1765, %add3A_833] : memref<16x2560xf32, #tpu.memory_space<vmem>> -> memref<8x128xf32, #tpu.memory_space<vmem>>
      %dma_wait3A_1767 = arith.constant 0 : i32
      %dma_wait3A_1768 = arith.constant 0 : i32
      %dma_wait3A_1769 = tpu.memref_slice %arg3[%add3A_602, %dma_wait3A_1763, %dma_wait3A_1764, %dma_wait3A_1767, %dma_wait3A_1768] : memref<2048x2x16x8x128xf32, #tpu.memory_space<hbm>> -> memref<1x1x1x8x128xf32, #tpu.memory_space<hbm>>
      %dma_wait3A_1770 = tpu.memref_squeeze %dma_wait3A_1769 : memref<1x1x1x8x128xf32, #tpu.memory_space<hbm>> -> memref<8x128xf32, #tpu.memory_space<hbm>>
      %dma_wait3A_1771 = arith.constant 0 : i32
      %dma_wait3A_1772 = arith.constant 0 : i32
      %dma_wait3A_1773 = tpu.memref_slice %arg3[%add3A_602, %dma_wait3A_1763, %dma_wait3A_1764, %dma_wait3A_1771, %dma_wait3A_1772] : memref<2048x2x16x8x128xf32, #tpu.memory_space<hbm>> -> memref<1x1x1x8x128xf32, #tpu.memory_space<hbm>>
      %dma_wait3A_1774 = tpu.memref_squeeze %dma_wait3A_1773 : memref<1x1x1x8x128xf32, #tpu.memory_space<hbm>> -> memref<8x128xf32, #tpu.memory_space<hbm>>
      %dma_wait3A_1775 = arith.constant 0 : i32
      %dma_wait3A_1776 = tpu.memref_slice %arg4[%dma_wait3A_1775, %add3A_833] : memref<16x2560xf32, #tpu.memory_space<vmem>> -> memref<8x128xf32, #tpu.memory_space<vmem>>
      tpu.wait_dma2 semaphore(%arg5 : memref<!tpu.dma_semaphore, #tpu.memory_space<semaphore_mem>>) src(%dma_wait3A_1776 : memref<8x128xf32, #tpu.memory_space<vmem>>) dst(%dma_wait3A_1774 : memref<8x128xf32, #tpu.memory_space<hbm>>)
      %dma_wait3A_1777 = arith.constant 0 : i32
      %dma_wait3A_1778 = arith.constant 15 : i32
      %dma_wait3A_1779 = arith.constant 0 : i32
      %dma_wait3A_1780 = tpu.memref_slice %arg4[%dma_wait3A_1779, %add3A_849] : memref<16x2560xf32, #tpu.memory_space<vmem>> -> memref<8x128xf32, #tpu.memory_space<vmem>>
      %dma_wait3A_1781 = arith.constant 0 : i32
      %dma_wait3A_1782 = arith.constant 0 : i32
      %dma_wait3A_1783 = tpu.memref_slice %arg3[%add3A_602, %dma_wait3A_1777, %dma_wait3A_1778, %dma_wait3A_1781, %dma_wait3A_1782] : memref<2048x2x16x8x128xf32, #tpu.memory_space<hbm>> -> memref<1x1x1x8x128xf32, #tpu.memory_space<hbm>>
      %dma_wait3A_1784 = tpu.memref_squeeze %dma_wait3A_1783 : memref<1x1x1x8x128xf32, #tpu.memory_space<hbm>> -> memref<8x128xf32, #tpu.memory_space<hbm>>
      %dma_wait3A_1785 = arith.constant 0 : i32
      %dma_wait3A_1786 = arith.constant 0 : i32
      %dma_wait3A_1787 = tpu.memref_slice %arg3[%add3A_602, %dma_wait3A_1777, %dma_wait3A_1778, %dma_wait3A_1785, %dma_wait3A_1786] : memref<2048x2x16x8x128xf32, #tpu.memory_space<hbm>> -> memref<1x1x1x8x128xf32, #tpu.memory_space<hbm>>
      %dma_wait3A_1788 = tpu.memref_squeeze %dma_wait3A_1787 : memref<1x1x1x8x128xf32, #tpu.memory_space<hbm>> -> memref<8x128xf32, #tpu.memory_space<hbm>>
      %dma_wait3A_1789 = arith.constant 0 : i32
      %dma_wait3A_1790 = tpu.memref_slice %arg4[%dma_wait3A_1789, %add3A_849] : memref<16x2560xf32, #tpu.memory_space<vmem>> -> memref<8x128xf32, #tpu.memory_space<vmem>>
      tpu.wait_dma2 semaphore(%arg5 : memref<!tpu.dma_semaphore, #tpu.memory_space<semaphore_mem>>) src(%dma_wait3A_1790 : memref<8x128xf32, #tpu.memory_space<vmem>>) dst(%dma_wait3A_1788 : memref<8x128xf32, #tpu.memory_space<hbm>>)
      %dma_wait3A_1791 = arith.constant 1 : i32
      %dma_wait3A_1792 = arith.constant 0 : i32
      %dma_wait3A_1793 = arith.constant 8 : i32
      %dma_wait3A_1794 = tpu.memref_slice %arg4[%dma_wait3A_1793, %add3A_865] : memref<16x2560xf32, #tpu.memory_space<vmem>> -> memref<8x128xf32, #tpu.memory_space<vmem>>
      %dma_wait3A_1795 = arith.constant 0 : i32
      %dma_wait3A_1796 = arith.constant 0 : i32
      %dma_wait3A_1797 = tpu.memref_slice %arg3[%add3A_602, %dma_wait3A_1791, %dma_wait3A_1792, %dma_wait3A_1795, %dma_wait3A_1796] : memref<2048x2x16x8x128xf32, #tpu.memory_space<hbm>> -> memref<1x1x1x8x128xf32, #tpu.memory_space<hbm>>
      %dma_wait3A_1798 = tpu.memref_squeeze %dma_wait3A_1797 : memref<1x1x1x8x128xf32, #tpu.memory_space<hbm>> -> memref<8x128xf32, #tpu.memory_space<hbm>>
      %dma_wait3A_1799 = arith.constant 0 : i32
      %dma_wait3A_1800 = arith.constant 0 : i32
      %dma_wait3A_1801 = tpu.memref_slice %arg3[%add3A_602, %dma_wait3A_1791, %dma_wait3A_1792, %dma_wait3A_1799, %dma_wait3A_1800] : memref<2048x2x16x8x128xf32, #tpu.memory_space<hbm>> -> memref<1x1x1x8x128xf32, #tpu.memory_space<hbm>>
      %dma_wait3A_1802 = tpu.memref_squeeze %dma_wait3A_1801 : memref<1x1x1x8x128xf32, #tpu.memory_space<hbm>> -> memref<8x128xf32, #tpu.memory_space<hbm>>
      %dma_wait3A_1803 = arith.constant 8 : i32
      %dma_wait3A_1804 = tpu.memref_slice %arg4[%dma_wait3A_1803, %add3A_865] : memref<16x2560xf32, #tpu.memory_space<vmem>> -> memref<8x128xf32, #tpu.memory_space<vmem>>
      tpu.wait_dma2 semaphore(%arg5 : memref<!tpu.dma_semaphore, #tpu.memory_space<semaphore_mem>>) src(%dma_wait3A_1804 : memref<8x128xf32, #tpu.memory_space<vmem>>) dst(%dma_wait3A_1802 : memref<8x128xf32, #tpu.memory_space<hbm>>)
      %dma_wait3A_1805 = arith.constant 1 : i32
      %dma_wait3A_1806 = arith.constant 1 : i32
      %dma_wait3A_1807 = arith.constant 8 : i32
      %dma_wait3A_1808 = tpu.memref_slice %arg4[%dma_wait3A_1807, %add3A_881] : memref<16x2560xf32, #tpu.memory_space<vmem>> -> memref<8x128xf32, #tpu.memory_space<vmem>>
      %dma_wait3A_1809 = arith.constant 0 : i32
      %dma_wait3A_1810 = arith.constant 0 : i32
      %dma_wait3A_1811 = tpu.memref_slice %arg3[%add3A_602, %dma_wait3A_1805, %dma_wait3A_1806, %dma_wait3A_1809, %dma_wait3A_1810] : memref<2048x2x16x8x128xf32, #tpu.memory_space<hbm>> -> memref<1x1x1x8x128xf32, #tpu.memory_space<hbm>>
      %dma_wait3A_1812 = tpu.memref_squeeze %dma_wait3A_1811 : memref<1x1x1x8x128xf32, #tpu.memory_space<hbm>> -> memref<8x128xf32, #tpu.memory_space<hbm>>
      %dma_wait3A_1813 = arith.constant 0 : i32
      %dma_wait3A_1814 = arith.constant 0 : i32
      %dma_wait3A_1815 = tpu.memref_slice %arg3[%add3A_602, %dma_wait3A_1805, %dma_wait3A_1806, %dma_wait3A_1813, %dma_wait3A_1814] : memref<2048x2x16x8x128xf32, #tpu.memory_space<hbm>> -> memref<1x1x1x8x128xf32, #tpu.memory_space<hbm>>
      %dma_wait3A_1816 = tpu.memref_squeeze %dma_wait3A_1815 : memref<1x1x1x8x128xf32, #tpu.memory_space<hbm>> -> memref<8x128xf32, #tpu.memory_space<hbm>>
      %dma_wait3A_1817 = arith.constant 8 : i32
      %dma_wait3A_1818 = tpu.memref_slice %arg4[%dma_wait3A_1817, %add3A_881] : memref<16x2560xf32, #tpu.memory_space<vmem>> -> memref<8x128xf32, #tpu.memory_space<vmem>>
      tpu.wait_dma2 semaphore(%arg5 : memref<!tpu.dma_semaphore, #tpu.memory_space<semaphore_mem>>) src(%dma_wait3A_1818 : memref<8x128xf32, #tpu.memory_space<vmem>>) dst(%dma_wait3A_1816 : memref<8x128xf32, #tpu.memory_space<hbm>>)
      %dma_wait3A_1819 = arith.constant 1 : i32
      %dma_wait3A_1820 = arith.constant 2 : i32
      %dma_wait3A_1821 = arith.constant 8 : i32
      %dma_wait3A_1822 = tpu.memref_slice %arg4[%dma_wait3A_1821, %add3A_897] : memref<16x2560xf32, #tpu.memory_space<vmem>> -> memref<8x128xf32, #tpu.memory_space<vmem>>
      %dma_wait3A_1823 = arith.constant 0 : i32
      %dma_wait3A_1824 = arith.constant 0 : i32
      %dma_wait3A_1825 = tpu.memref_slice %arg3[%add3A_602, %dma_wait3A_1819, %dma_wait3A_1820, %dma_wait3A_1823, %dma_wait3A_1824] : memref<2048x2x16x8x128xf32, #tpu.memory_space<hbm>> -> memref<1x1x1x8x128xf32, #tpu.memory_space<hbm>>
      %dma_wait3A_1826 = tpu.memref_squeeze %dma_wait3A_1825 : memref<1x1x1x8x128xf32, #tpu.memory_space<hbm>> -> memref<8x128xf32, #tpu.memory_space<hbm>>
      %dma_wait3A_1827 = arith.constant 0 : i32
      %dma_wait3A_1828 = arith.constant 0 : i32
      %dma_wait3A_1829 = tpu.memref_slice %arg3[%add3A_602, %dma_wait3A_1819, %dma_wait3A_1820, %dma_wait3A_1827, %dma_wait3A_1828] : memref<2048x2x16x8x128xf32, #tpu.memory_space<hbm>> -> memref<1x1x1x8x128xf32, #tpu.memory_space<hbm>>
      %dma_wait3A_1830 = tpu.memref_squeeze %dma_wait3A_1829 : memref<1x1x1x8x128xf32, #tpu.memory_space<hbm>> -> memref<8x128xf32, #tpu.memory_space<hbm>>
      %dma_wait3A_1831 = arith.constant 8 : i32
      %dma_wait3A_1832 = tpu.memref_slice %arg4[%dma_wait3A_1831, %add3A_897] : memref<16x2560xf32, #tpu.memory_space<vmem>> -> memref<8x128xf32, #tpu.memory_space<vmem>>
      tpu.wait_dma2 semaphore(%arg5 : memref<!tpu.dma_semaphore, #tpu.memory_space<semaphore_mem>>) src(%dma_wait3A_1832 : memref<8x128xf32, #tpu.memory_space<vmem>>) dst(%dma_wait3A_1830 : memref<8x128xf32, #tpu.memory_space<hbm>>)
      %dma_wait3A_1833 = arith.constant 1 : i32
      %dma_wait3A_1834 = arith.constant 3 : i32
      %dma_wait3A_1835 = arith.constant 8 : i32
      %dma_wait3A_1836 = tpu.memref_slice %arg4[%dma_wait3A_1835, %add3A_913] : memref<16x2560xf32, #tpu.memory_space<vmem>> -> memref<8x128xf32, #tpu.memory_space<vmem>>
      %dma_wait3A_1837 = arith.constant 0 : i32
      %dma_wait3A_1838 = arith.constant 0 : i32
      %dma_wait3A_1839 = tpu.memref_slice %arg3[%add3A_602, %dma_wait3A_1833, %dma_wait3A_1834, %dma_wait3A_1837, %dma_wait3A_1838] : memref<2048x2x16x8x128xf32, #tpu.memory_space<hbm>> -> memref<1x1x1x8x128xf32, #tpu.memory_space<hbm>>
      %dma_wait3A_1840 = tpu.memref_squeeze %dma_wait3A_1839 : memref<1x1x1x8x128xf32, #tpu.memory_space<hbm>> -> memref<8x128xf32, #tpu.memory_space<hbm>>
      %dma_wait3A_1841 = arith.constant 0 : i32
      %dma_wait3A_1842 = arith.constant 0 : i32
      %dma_wait3A_1843 = tpu.memref_slice %arg3[%add3A_602, %dma_wait3A_1833, %dma_wait3A_1834, %dma_wait3A_1841, %dma_wait3A_1842] : memref<2048x2x16x8x128xf32, #tpu.memory_space<hbm>> -> memref<1x1x1x8x128xf32, #tpu.memory_space<hbm>>
      %dma_wait3A_1844 = tpu.memref_squeeze %dma_wait3A_1843 : memref<1x1x1x8x128xf32, #tpu.memory_space<hbm>> -> memref<8x128xf32, #tpu.memory_space<hbm>>
      %dma_wait3A_1845 = arith.constant 8 : i32
      %dma_wait3A_1846 = tpu.memref_slice %arg4[%dma_wait3A_1845, %add3A_913] : memref<16x2560xf32, #tpu.memory_space<vmem>> -> memref<8x128xf32, #tpu.memory_space<vmem>>
      tpu.wait_dma2 semaphore(%arg5 : memref<!tpu.dma_semaphore, #tpu.memory_space<semaphore_mem>>) src(%dma_wait3A_1846 : memref<8x128xf32, #tpu.memory_space<vmem>>) dst(%dma_wait3A_1844 : memref<8x128xf32, #tpu.memory_space<hbm>>)
      %dma_wait3A_1847 = arith.constant 1 : i32
      %dma_wait3A_1848 = arith.constant 4 : i32
      %dma_wait3A_1849 = arith.constant 8 : i32
      %dma_wait3A_1850 = tpu.memref_slice %arg4[%dma_wait3A_1849, %add3A_929] : memref<16x2560xf32, #tpu.memory_space<vmem>> -> memref<8x128xf32, #tpu.memory_space<vmem>>
      %dma_wait3A_1851 = arith.constant 0 : i32
      %dma_wait3A_1852 = arith.constant 0 : i32
      %dma_wait3A_1853 = tpu.memref_slice %arg3[%add3A_602, %dma_wait3A_1847, %dma_wait3A_1848, %dma_wait3A_1851, %dma_wait3A_1852] : memref<2048x2x16x8x128xf32, #tpu.memory_space<hbm>> -> memref<1x1x1x8x128xf32, #tpu.memory_space<hbm>>
      %dma_wait3A_1854 = tpu.memref_squeeze %dma_wait3A_1853 : memref<1x1x1x8x128xf32, #tpu.memory_space<hbm>> -> memref<8x128xf32, #tpu.memory_space<hbm>>
      %dma_wait3A_1855 = arith.constant 0 : i32
      %dma_wait3A_1856 = arith.constant 0 : i32
      %dma_wait3A_1857 = tpu.memref_slice %arg3[%add3A_602, %dma_wait3A_1847, %dma_wait3A_1848, %dma_wait3A_1855, %dma_wait3A_1856] : memref<2048x2x16x8x128xf32, #tpu.memory_space<hbm>> -> memref<1x1x1x8x128xf32, #tpu.memory_space<hbm>>
      %dma_wait3A_1858 = tpu.memref_squeeze %dma_wait3A_1857 : memref<1x1x1x8x128xf32, #tpu.memory_space<hbm>> -> memref<8x128xf32, #tpu.memory_space<hbm>>
      %dma_wait3A_1859 = arith.constant 8 : i32
      %dma_wait3A_1860 = tpu.memref_slice %arg4[%dma_wait3A_1859, %add3A_929] : memref<16x2560xf32, #tpu.memory_space<vmem>> -> memref<8x128xf32, #tpu.memory_space<vmem>>
      tpu.wait_dma2 semaphore(%arg5 : memref<!tpu.dma_semaphore, #tpu.memory_space<semaphore_mem>>) src(%dma_wait3A_1860 : memref<8x128xf32, #tpu.memory_space<vmem>>) dst(%dma_wait3A_1858 : memref<8x128xf32, #tpu.memory_space<hbm>>)
      %dma_wait3A_1861 = arith.constant 1 : i32
      %dma_wait3A_1862 = arith.constant 5 : i32
      %dma_wait3A_1863 = arith.constant 8 : i32
      %dma_wait3A_1864 = tpu.memref_slice %arg4[%dma_wait3A_1863, %add3A_945] : memref<16x2560xf32, #tpu.memory_space<vmem>> -> memref<8x128xf32, #tpu.memory_space<vmem>>
      %dma_wait3A_1865 = arith.constant 0 : i32
      %dma_wait3A_1866 = arith.constant 0 : i32
      %dma_wait3A_1867 = tpu.memref_slice %arg3[%add3A_602, %dma_wait3A_1861, %dma_wait3A_1862, %dma_wait3A_1865, %dma_wait3A_1866] : memref<2048x2x16x8x128xf32, #tpu.memory_space<hbm>> -> memref<1x1x1x8x128xf32, #tpu.memory_space<hbm>>
      %dma_wait3A_1868 = tpu.memref_squeeze %dma_wait3A_1867 : memref<1x1x1x8x128xf32, #tpu.memory_space<hbm>> -> memref<8x128xf32, #tpu.memory_space<hbm>>
      %dma_wait3A_1869 = arith.constant 0 : i32
      %dma_wait3A_1870 = arith.constant 0 : i32
      %dma_wait3A_1871 = tpu.memref_slice %arg3[%add3A_602, %dma_wait3A_1861, %dma_wait3A_1862, %dma_wait3A_1869, %dma_wait3A_1870] : memref<2048x2x16x8x128xf32, #tpu.memory_space<hbm>> -> memref<1x1x1x8x128xf32, #tpu.memory_space<hbm>>
      %dma_wait3A_1872 = tpu.memref_squeeze %dma_wait3A_1871 : memref<1x1x1x8x128xf32, #tpu.memory_space<hbm>> -> memref<8x128xf32, #tpu.memory_space<hbm>>
      %dma_wait3A_1873 = arith.constant 8 : i32
      %dma_wait3A_1874 = tpu.memref_slice %arg4[%dma_wait3A_1873, %add3A_945] : memref<16x2560xf32, #tpu.memory_space<vmem>> -> memref<8x128xf32, #tpu.memory_space<vmem>>
      tpu.wait_dma2 semaphore(%arg5 : memref<!tpu.dma_semaphore, #tpu.memory_space<semaphore_mem>>) src(%dma_wait3A_1874 : memref<8x128xf32, #tpu.memory_space<vmem>>) dst(%dma_wait3A_1872 : memref<8x128xf32, #tpu.memory_space<hbm>>)
      %dma_wait3A_1875 = arith.constant 1 : i32
      %dma_wait3A_1876 = arith.constant 6 : i32
      %dma_wait3A_1877 = arith.constant 8 : i32
      %dma_wait3A_1878 = tpu.memref_slice %arg4[%dma_wait3A_1877, %add3A_961] : memref<16x2560xf32, #tpu.memory_space<vmem>> -> memref<8x128xf32, #tpu.memory_space<vmem>>
      %dma_wait3A_1879 = arith.constant 0 : i32
      %dma_wait3A_1880 = arith.constant 0 : i32
      %dma_wait3A_1881 = tpu.memref_slice %arg3[%add3A_602, %dma_wait3A_1875, %dma_wait3A_1876, %dma_wait3A_1879, %dma_wait3A_1880] : memref<2048x2x16x8x128xf32, #tpu.memory_space<hbm>> -> memref<1x1x1x8x128xf32, #tpu.memory_space<hbm>>
      %dma_wait3A_1882 = tpu.memref_squeeze %dma_wait3A_1881 : memref<1x1x1x8x128xf32, #tpu.memory_space<hbm>> -> memref<8x128xf32, #tpu.memory_space<hbm>>
      %dma_wait3A_1883 = arith.constant 0 : i32
      %dma_wait3A_1884 = arith.constant 0 : i32
      %dma_wait3A_1885 = tpu.memref_slice %arg3[%add3A_602, %dma_wait3A_1875, %dma_wait3A_1876, %dma_wait3A_1883, %dma_wait3A_1884] : memref<2048x2x16x8x128xf32, #tpu.memory_space<hbm>> -> memref<1x1x1x8x128xf32, #tpu.memory_space<hbm>>
      %dma_wait3A_1886 = tpu.memref_squeeze %dma_wait3A_1885 : memref<1x1x1x8x128xf32, #tpu.memory_space<hbm>> -> memref<8x128xf32, #tpu.memory_space<hbm>>
      %dma_wait3A_1887 = arith.constant 8 : i32
      %dma_wait3A_1888 = tpu.memref_slice %arg4[%dma_wait3A_1887, %add3A_961] : memref<16x2560xf32, #tpu.memory_space<vmem>> -> memref<8x128xf32, #tpu.memory_space<vmem>>
      tpu.wait_dma2 semaphore(%arg5 : memref<!tpu.dma_semaphore, #tpu.memory_space<semaphore_mem>>) src(%dma_wait3A_1888 : memref<8x128xf32, #tpu.memory_space<vmem>>) dst(%dma_wait3A_1886 : memref<8x128xf32, #tpu.memory_space<hbm>>)
      %dma_wait3A_1889 = arith.constant 1 : i32
      %dma_wait3A_1890 = arith.constant 7 : i32
      %dma_wait3A_1891 = arith.constant 8 : i32
      %dma_wait3A_1892 = tpu.memref_slice %arg4[%dma_wait3A_1891, %add3A_977] : memref<16x2560xf32, #tpu.memory_space<vmem>> -> memref<8x128xf32, #tpu.memory_space<vmem>>
      %dma_wait3A_1893 = arith.constant 0 : i32
      %dma_wait3A_1894 = arith.constant 0 : i32
      %dma_wait3A_1895 = tpu.memref_slice %arg3[%add3A_602, %dma_wait3A_1889, %dma_wait3A_1890, %dma_wait3A_1893, %dma_wait3A_1894] : memref<2048x2x16x8x128xf32, #tpu.memory_space<hbm>> -> memref<1x1x1x8x128xf32, #tpu.memory_space<hbm>>
      %dma_wait3A_1896 = tpu.memref_squeeze %dma_wait3A_1895 : memref<1x1x1x8x128xf32, #tpu.memory_space<hbm>> -> memref<8x128xf32, #tpu.memory_space<hbm>>
      %dma_wait3A_1897 = arith.constant 0 : i32
      %dma_wait3A_1898 = arith.constant 0 : i32
      %dma_wait3A_1899 = tpu.memref_slice %arg3[%add3A_602, %dma_wait3A_1889, %dma_wait3A_1890, %dma_wait3A_1897, %dma_wait3A_1898] : memref<2048x2x16x8x128xf32, #tpu.memory_space<hbm>> -> memref<1x1x1x8x128xf32, #tpu.memory_space<hbm>>
      %dma_wait3A_1900 = tpu.memref_squeeze %dma_wait3A_1899 : memref<1x1x1x8x128xf32, #tpu.memory_space<hbm>> -> memref<8x128xf32, #tpu.memory_space<hbm>>
      %dma_wait3A_1901 = arith.constant 8 : i32
      %dma_wait3A_1902 = tpu.memref_slice %arg4[%dma_wait3A_1901, %add3A_977] : memref<16x2560xf32, #tpu.memory_space<vmem>> -> memref<8x128xf32, #tpu.memory_space<vmem>>
      tpu.wait_dma2 semaphore(%arg5 : memref<!tpu.dma_semaphore, #tpu.memory_space<semaphore_mem>>) src(%dma_wait3A_1902 : memref<8x128xf32, #tpu.memory_space<vmem>>) dst(%dma_wait3A_1900 : memref<8x128xf32, #tpu.memory_space<hbm>>)
      %dma_wait3A_1903 = arith.constant 1 : i32
      %dma_wait3A_1904 = arith.constant 8 : i32
      %dma_wait3A_1905 = arith.constant 8 : i32
      %dma_wait3A_1906 = tpu.memref_slice %arg4[%dma_wait3A_1905, %add3A_993] : memref<16x2560xf32, #tpu.memory_space<vmem>> -> memref<8x128xf32, #tpu.memory_space<vmem>>
      %dma_wait3A_1907 = arith.constant 0 : i32
      %dma_wait3A_1908 = arith.constant 0 : i32
      %dma_wait3A_1909 = tpu.memref_slice %arg3[%add3A_602, %dma_wait3A_1903, %dma_wait3A_1904, %dma_wait3A_1907, %dma_wait3A_1908] : memref<2048x2x16x8x128xf32, #tpu.memory_space<hbm>> -> memref<1x1x1x8x128xf32, #tpu.memory_space<hbm>>
      %dma_wait3A_1910 = tpu.memref_squeeze %dma_wait3A_1909 : memref<1x1x1x8x128xf32, #tpu.memory_space<hbm>> -> memref<8x128xf32, #tpu.memory_space<hbm>>
      %dma_wait3A_1911 = arith.constant 0 : i32
      %dma_wait3A_1912 = arith.constant 0 : i32
      %dma_wait3A_1913 = tpu.memref_slice %arg3[%add3A_602, %dma_wait3A_1903, %dma_wait3A_1904, %dma_wait3A_1911, %dma_wait3A_1912] : memref<2048x2x16x8x128xf32, #tpu.memory_space<hbm>> -> memref<1x1x1x8x128xf32, #tpu.memory_space<hbm>>
      %dma_wait3A_1914 = tpu.memref_squeeze %dma_wait3A_1913 : memref<1x1x1x8x128xf32, #tpu.memory_space<hbm>> -> memref<8x128xf32, #tpu.memory_space<hbm>>
      %dma_wait3A_1915 = arith.constant 8 : i32
      %dma_wait3A_1916 = tpu.memref_slice %arg4[%dma_wait3A_1915, %add3A_993] : memref<16x2560xf32, #tpu.memory_space<vmem>> -> memref<8x128xf32, #tpu.memory_space<vmem>>
      tpu.wait_dma2 semaphore(%arg5 : memref<!tpu.dma_semaphore, #tpu.memory_space<semaphore_mem>>) src(%dma_wait3A_1916 : memref<8x128xf32, #tpu.memory_space<vmem>>) dst(%dma_wait3A_1914 : memref<8x128xf32, #tpu.memory_space<hbm>>)
      %dma_wait3A_1917 = arith.constant 1 : i32
      %dma_wait3A_1918 = arith.constant 9 : i32
      %dma_wait3A_1919 = arith.constant 8 : i32
      %dma_wait3A_1920 = tpu.memref_slice %arg4[%dma_wait3A_1919, %add3A_1009] : memref<16x2560xf32, #tpu.memory_space<vmem>> -> memref<8x128xf32, #tpu.memory_space<vmem>>
      %dma_wait3A_1921 = arith.constant 0 : i32
      %dma_wait3A_1922 = arith.constant 0 : i32
      %dma_wait3A_1923 = tpu.memref_slice %arg3[%add3A_602, %dma_wait3A_1917, %dma_wait3A_1918, %dma_wait3A_1921, %dma_wait3A_1922] : memref<2048x2x16x8x128xf32, #tpu.memory_space<hbm>> -> memref<1x1x1x8x128xf32, #tpu.memory_space<hbm>>
      %dma_wait3A_1924 = tpu.memref_squeeze %dma_wait3A_1923 : memref<1x1x1x8x128xf32, #tpu.memory_space<hbm>> -> memref<8x128xf32, #tpu.memory_space<hbm>>
      %dma_wait3A_1925 = arith.constant 0 : i32
      %dma_wait3A_1926 = arith.constant 0 : i32
      %dma_wait3A_1927 = tpu.memref_slice %arg3[%add3A_602, %dma_wait3A_1917, %dma_wait3A_1918, %dma_wait3A_1925, %dma_wait3A_1926] : memref<2048x2x16x8x128xf32, #tpu.memory_space<hbm>> -> memref<1x1x1x8x128xf32, #tpu.memory_space<hbm>>
      %dma_wait3A_1928 = tpu.memref_squeeze %dma_wait3A_1927 : memref<1x1x1x8x128xf32, #tpu.memory_space<hbm>> -> memref<8x128xf32, #tpu.memory_space<hbm>>
      %dma_wait3A_1929 = arith.constant 8 : i32
      %dma_wait3A_1930 = tpu.memref_slice %arg4[%dma_wait3A_1929, %add3A_1009] : memref<16x2560xf32, #tpu.memory_space<vmem>> -> memref<8x128xf32, #tpu.memory_space<vmem>>
      tpu.wait_dma2 semaphore(%arg5 : memref<!tpu.dma_semaphore, #tpu.memory_space<semaphore_mem>>) src(%dma_wait3A_1930 : memref<8x128xf32, #tpu.memory_space<vmem>>) dst(%dma_wait3A_1928 : memref<8x128xf32, #tpu.memory_space<hbm>>)
      %dma_wait3A_1931 = arith.constant 1 : i32
      %dma_wait3A_1932 = arith.constant 10 : i32
      %dma_wait3A_1933 = arith.constant 8 : i32
      %dma_wait3A_1934 = tpu.memref_slice %arg4[%dma_wait3A_1933, %add3A_1025] : memref<16x2560xf32, #tpu.memory_space<vmem>> -> memref<8x128xf32, #tpu.memory_space<vmem>>
      %dma_wait3A_1935 = arith.constant 0 : i32
      %dma_wait3A_1936 = arith.constant 0 : i32
      %dma_wait3A_1937 = tpu.memref_slice %arg3[%add3A_602, %dma_wait3A_1931, %dma_wait3A_1932, %dma_wait3A_1935, %dma_wait3A_1936] : memref<2048x2x16x8x128xf32, #tpu.memory_space<hbm>> -> memref<1x1x1x8x128xf32, #tpu.memory_space<hbm>>
      %dma_wait3A_1938 = tpu.memref_squeeze %dma_wait3A_1937 : memref<1x1x1x8x128xf32, #tpu.memory_space<hbm>> -> memref<8x128xf32, #tpu.memory_space<hbm>>
      %dma_wait3A_1939 = arith.constant 0 : i32
      %dma_wait3A_1940 = arith.constant 0 : i32
      %dma_wait3A_1941 = tpu.memref_slice %arg3[%add3A_602, %dma_wait3A_1931, %dma_wait3A_1932, %dma_wait3A_1939, %dma_wait3A_1940] : memref<2048x2x16x8x128xf32, #tpu.memory_space<hbm>> -> memref<1x1x1x8x128xf32, #tpu.memory_space<hbm>>
      %dma_wait3A_1942 = tpu.memref_squeeze %dma_wait3A_1941 : memref<1x1x1x8x128xf32, #tpu.memory_space<hbm>> -> memref<8x128xf32, #tpu.memory_space<hbm>>
      %dma_wait3A_1943 = arith.constant 8 : i32
      %dma_wait3A_1944 = tpu.memref_slice %arg4[%dma_wait3A_1943, %add3A_1025] : memref<16x2560xf32, #tpu.memory_space<vmem>> -> memref<8x128xf32, #tpu.memory_space<vmem>>
      tpu.wait_dma2 semaphore(%arg5 : memref<!tpu.dma_semaphore, #tpu.memory_space<semaphore_mem>>) src(%dma_wait3A_1944 : memref<8x128xf32, #tpu.memory_space<vmem>>) dst(%dma_wait3A_1942 : memref<8x128xf32, #tpu.memory_space<hbm>>)
      %dma_wait3A_1945 = arith.constant 1 : i32
      %dma_wait3A_1946 = arith.constant 11 : i32
      %dma_wait3A_1947 = arith.constant 8 : i32
      %dma_wait3A_1948 = tpu.memref_slice %arg4[%dma_wait3A_1947, %add3A_1041] : memref<16x2560xf32, #tpu.memory_space<vmem>> -> memref<8x128xf32, #tpu.memory_space<vmem>>
      %dma_wait3A_1949 = arith.constant 0 : i32
      %dma_wait3A_1950 = arith.constant 0 : i32
      %dma_wait3A_1951 = tpu.memref_slice %arg3[%add3A_602, %dma_wait3A_1945, %dma_wait3A_1946, %dma_wait3A_1949, %dma_wait3A_1950] : memref<2048x2x16x8x128xf32, #tpu.memory_space<hbm>> -> memref<1x1x1x8x128xf32, #tpu.memory_space<hbm>>
      %dma_wait3A_1952 = tpu.memref_squeeze %dma_wait3A_1951 : memref<1x1x1x8x128xf32, #tpu.memory_space<hbm>> -> memref<8x128xf32, #tpu.memory_space<hbm>>
      %dma_wait3A_1953 = arith.constant 0 : i32
      %dma_wait3A_1954 = arith.constant 0 : i32
      %dma_wait3A_1955 = tpu.memref_slice %arg3[%add3A_602, %dma_wait3A_1945, %dma_wait3A_1946, %dma_wait3A_1953, %dma_wait3A_1954] : memref<2048x2x16x8x128xf32, #tpu.memory_space<hbm>> -> memref<1x1x1x8x128xf32, #tpu.memory_space<hbm>>
      %dma_wait3A_1956 = tpu.memref_squeeze %dma_wait3A_1955 : memref<1x1x1x8x128xf32, #tpu.memory_space<hbm>> -> memref<8x128xf32, #tpu.memory_space<hbm>>
      %dma_wait3A_1957 = arith.constant 8 : i32
      %dma_wait3A_1958 = tpu.memref_slice %arg4[%dma_wait3A_1957, %add3A_1041] : memref<16x2560xf32, #tpu.memory_space<vmem>> -> memref<8x128xf32, #tpu.memory_space<vmem>>
      tpu.wait_dma2 semaphore(%arg5 : memref<!tpu.dma_semaphore, #tpu.memory_space<semaphore_mem>>) src(%dma_wait3A_1958 : memref<8x128xf32, #tpu.memory_space<vmem>>) dst(%dma_wait3A_1956 : memref<8x128xf32, #tpu.memory_space<hbm>>)
      %dma_wait3A_1959 = arith.constant 1 : i32
      %dma_wait3A_1960 = arith.constant 12 : i32
      %dma_wait3A_1961 = arith.constant 8 : i32
      %dma_wait3A_1962 = tpu.memref_slice %arg4[%dma_wait3A_1961, %add3A_1057] : memref<16x2560xf32, #tpu.memory_space<vmem>> -> memref<8x128xf32, #tpu.memory_space<vmem>>
      %dma_wait3A_1963 = arith.constant 0 : i32
      %dma_wait3A_1964 = arith.constant 0 : i32
      %dma_wait3A_1965 = tpu.memref_slice %arg3[%add3A_602, %dma_wait3A_1959, %dma_wait3A_1960, %dma_wait3A_1963, %dma_wait3A_1964] : memref<2048x2x16x8x128xf32, #tpu.memory_space<hbm>> -> memref<1x1x1x8x128xf32, #tpu.memory_space<hbm>>
      %dma_wait3A_1966 = tpu.memref_squeeze %dma_wait3A_1965 : memref<1x1x1x8x128xf32, #tpu.memory_space<hbm>> -> memref<8x128xf32, #tpu.memory_space<hbm>>
      %dma_wait3A_1967 = arith.constant 0 : i32
      %dma_wait3A_1968 = arith.constant 0 : i32
      %dma_wait3A_1969 = tpu.memref_slice %arg3[%add3A_602, %dma_wait3A_1959, %dma_wait3A_1960, %dma_wait3A_1967, %dma_wait3A_1968] : memref<2048x2x16x8x128xf32, #tpu.memory_space<hbm>> -> memref<1x1x1x8x128xf32, #tpu.memory_space<hbm>>
      %dma_wait3A_1970 = tpu.memref_squeeze %dma_wait3A_1969 : memref<1x1x1x8x128xf32, #tpu.memory_space<hbm>> -> memref<8x128xf32, #tpu.memory_space<hbm>>
      %dma_wait3A_1971 = arith.constant 8 : i32
      %dma_wait3A_1972 = tpu.memref_slice %arg4[%dma_wait3A_1971, %add3A_1057] : memref<16x2560xf32, #tpu.memory_space<vmem>> -> memref<8x128xf32, #tpu.memory_space<vmem>>
      tpu.wait_dma2 semaphore(%arg5 : memref<!tpu.dma_semaphore, #tpu.memory_space<semaphore_mem>>) src(%dma_wait3A_1972 : memref<8x128xf32, #tpu.memory_space<vmem>>) dst(%dma_wait3A_1970 : memref<8x128xf32, #tpu.memory_space<hbm>>)
      %dma_wait3A_1973 = arith.constant 1 : i32
      %dma_wait3A_1974 = arith.constant 13 : i32
      %dma_wait3A_1975 = arith.constant 8 : i32
      %dma_wait3A_1976 = tpu.memref_slice %arg4[%dma_wait3A_1975, %add3A_1073] : memref<16x2560xf32, #tpu.memory_space<vmem>> -> memref<8x128xf32, #tpu.memory_space<vmem>>
      %dma_wait3A_1977 = arith.constant 0 : i32
      %dma_wait3A_1978 = arith.constant 0 : i32
      %dma_wait3A_1979 = tpu.memref_slice %arg3[%add3A_602, %dma_wait3A_1973, %dma_wait3A_1974, %dma_wait3A_1977, %dma_wait3A_1978] : memref<2048x2x16x8x128xf32, #tpu.memory_space<hbm>> -> memref<1x1x1x8x128xf32, #tpu.memory_space<hbm>>
      %dma_wait3A_1980 = tpu.memref_squeeze %dma_wait3A_1979 : memref<1x1x1x8x128xf32, #tpu.memory_space<hbm>> -> memref<8x128xf32, #tpu.memory_space<hbm>>
      %dma_wait3A_1981 = arith.constant 0 : i32
      %dma_wait3A_1982 = arith.constant 0 : i32
      %dma_wait3A_1983 = tpu.memref_slice %arg3[%add3A_602, %dma_wait3A_1973, %dma_wait3A_1974, %dma_wait3A_1981, %dma_wait3A_1982] : memref<2048x2x16x8x128xf32, #tpu.memory_space<hbm>> -> memref<1x1x1x8x128xf32, #tpu.memory_space<hbm>>
      %dma_wait3A_1984 = tpu.memref_squeeze %dma_wait3A_1983 : memref<1x1x1x8x128xf32, #tpu.memory_space<hbm>> -> memref<8x128xf32, #tpu.memory_space<hbm>>
      %dma_wait3A_1985 = arith.constant 8 : i32
      %dma_wait3A_1986 = tpu.memref_slice %arg4[%dma_wait3A_1985, %add3A_1073] : memref<16x2560xf32, #tpu.memory_space<vmem>> -> memref<8x128xf32, #tpu.memory_space<vmem>>
      tpu.wait_dma2 semaphore(%arg5 : memref<!tpu.dma_semaphore, #tpu.memory_space<semaphore_mem>>) src(%dma_wait3A_1986 : memref<8x128xf32, #tpu.memory_space<vmem>>) dst(%dma_wait3A_1984 : memref<8x128xf32, #tpu.memory_space<hbm>>)
      %dma_wait3A_1987 = arith.constant 1 : i32
      %dma_wait3A_1988 = arith.constant 14 : i32
      %dma_wait3A_1989 = arith.constant 8 : i32
      %dma_wait3A_1990 = tpu.memref_slice %arg4[%dma_wait3A_1989, %add3A_1089] : memref<16x2560xf32, #tpu.memory_space<vmem>> -> memref<8x128xf32, #tpu.memory_space<vmem>>
      %dma_wait3A_1991 = arith.constant 0 : i32
      %dma_wait3A_1992 = arith.constant 0 : i32
      %dma_wait3A_1993 = tpu.memref_slice %arg3[%add3A_602, %dma_wait3A_1987, %dma_wait3A_1988, %dma_wait3A_1991, %dma_wait3A_1992] : memref<2048x2x16x8x128xf32, #tpu.memory_space<hbm>> -> memref<1x1x1x8x128xf32, #tpu.memory_space<hbm>>
      %dma_wait3A_1994 = tpu.memref_squeeze %dma_wait3A_1993 : memref<1x1x1x8x128xf32, #tpu.memory_space<hbm>> -> memref<8x128xf32, #tpu.memory_space<hbm>>
      %dma_wait3A_1995 = arith.constant 0 : i32
      %dma_wait3A_1996 = arith.constant 0 : i32
      %dma_wait3A_1997 = tpu.memref_slice %arg3[%add3A_602, %dma_wait3A_1987, %dma_wait3A_1988, %dma_wait3A_1995, %dma_wait3A_1996] : memref<2048x2x16x8x128xf32, #tpu.memory_space<hbm>> -> memref<1x1x1x8x128xf32, #tpu.memory_space<hbm>>
      %dma_wait3A_1998 = tpu.memref_squeeze %dma_wait3A_1997 : memref<1x1x1x8x128xf32, #tpu.memory_space<hbm>> -> memref<8x128xf32, #tpu.memory_space<hbm>>
      %dma_wait3A_1999 = arith.constant 8 : i32
      %dma_wait3A_2000 = tpu.memref_slice %arg4[%dma_wait3A_1999, %add3A_1089] : memref<16x2560xf32, #tpu.memory_space<vmem>> -> memref<8x128xf32, #tpu.memory_space<vmem>>
      tpu.wait_dma2 semaphore(%arg5 : memref<!tpu.dma_semaphore, #tpu.memory_space<semaphore_mem>>) src(%dma_wait3A_2000 : memref<8x128xf32, #tpu.memory_space<vmem>>) dst(%dma_wait3A_1998 : memref<8x128xf32, #tpu.memory_space<hbm>>)
      %dma_wait3A_2001 = arith.constant 1 : i32
      %dma_wait3A_2002 = arith.constant 15 : i32
      %dma_wait3A_2003 = arith.constant 8 : i32
      %dma_wait3A_2004 = tpu.memref_slice %arg4[%dma_wait3A_2003, %add3A_1105] : memref<16x2560xf32, #tpu.memory_space<vmem>> -> memref<8x128xf32, #tpu.memory_space<vmem>>
      %dma_wait3A_2005 = arith.constant 0 : i32
      %dma_wait3A_2006 = arith.constant 0 : i32
      %dma_wait3A_2007 = tpu.memref_slice %arg3[%add3A_602, %dma_wait3A_2001, %dma_wait3A_2002, %dma_wait3A_2005, %dma_wait3A_2006] : memref<2048x2x16x8x128xf32, #tpu.memory_space<hbm>> -> memref<1x1x1x8x128xf32, #tpu.memory_space<hbm>>
      %dma_wait3A_2008 = tpu.memref_squeeze %dma_wait3A_2007 : memref<1x1x1x8x128xf32, #tpu.memory_space<hbm>> -> memref<8x128xf32, #tpu.memory_space<hbm>>
      %dma_wait3A_2009 = arith.constant 0 : i32
      %dma_wait3A_2010 = arith.constant 0 : i32
      %dma_wait3A_2011 = tpu.memref_slice %arg3[%add3A_602, %dma_wait3A_2001, %dma_wait3A_2002, %dma_wait3A_2009, %dma_wait3A_2010] : memref<2048x2x16x8x128xf32, #tpu.memory_space<hbm>> -> memref<1x1x1x8x128xf32, #tpu.memory_space<hbm>>
      %dma_wait3A_2012 = tpu.memref_squeeze %dma_wait3A_2011 : memref<1x1x1x8x128xf32, #tpu.memory_space<hbm>> -> memref<8x128xf32, #tpu.memory_space<hbm>>
      %dma_wait3A_2013 = arith.constant 8 : i32
      %dma_wait3A_2014 = tpu.memref_slice %arg4[%dma_wait3A_2013, %add3A_1105] : memref<16x2560xf32, #tpu.memory_space<vmem>> -> memref<8x128xf32, #tpu.memory_space<vmem>>
      tpu.wait_dma2 semaphore(%arg5 : memref<!tpu.dma_semaphore, #tpu.memory_space<semaphore_mem>>) src(%dma_wait3A_2014 : memref<8x128xf32, #tpu.memory_space<vmem>>) dst(%dma_wait3A_2012 : memref<8x128xf32, #tpu.memory_space<hbm>>)
    }
    %scan3A_65 = arith.constant 32 : i32
    return
  }
}

module attributes {stable_mosaic.version = 14 : i64} {
  func.func @_table8_body(%arg0: memref<16x32xf32, #tpu.memory_space<vmem>>, %arg1: memref<8x16x4224xf32, #tpu.memory_space<vmem>>, %arg2: memref<16x4352xf32, #tpu.memory_space<vmem>>) attributes {dimension_semantics = [], scalar_prefetch = 0 : i64, scratch_operands = 1 : i64, tpu.core_type = #tpu.core_type<tc>} {
    %iota3A = tpu.iota {dimensions = array<i32: 1>} : vector<16x4352xi32>
    %sub3A = arith.constant 2047 : i32
    %sub3A_0 = vector.broadcast %sub3A : i32 to vector<16x4352xi32>
    %sub3A_1 = arith.subi %sub3A_0, %iota3A : vector<16x4352xi32>
    %lt3A = arith.constant 0 : i32
    %lt3A_2 = vector.broadcast %lt3A : i32 to vector<16x4352xi32>
    %lt3A_3 = arith.cmpi slt, %sub3A_1, %lt3A_2 : vector<16x4352xi32>
    %jit3A = arith.constant 16 : i32
    %jit3A_4 = arith.constant 0 : i32
    %broadcast_in_dim3A = vector.broadcast %jit3A : i32 to vector<16x4352xi32>
    %broadcast_in_dim3A_5 = vector.broadcast %jit3A_4 : i32 to vector<16x4352xi32>
    %select_n3A = arith.select %lt3A_3, %broadcast_in_dim3A, %broadcast_in_dim3A_5 : vector<16x4352xi1>, vector<16x4352xi32>
    %abs3A = math.absi %sub3A_1 : vector<16x4352xi32>
    %lt3A_6 = arith.constant 8 : i32
    %lt3A_7 = vector.broadcast %lt3A_6 : i32 to vector<16x4352xi32>
    %lt3A_8 = arith.cmpi slt, %abs3A, %lt3A_7 : vector<16x4352xi32>
    %convert_element_type3A = arith.sitofp %abs3A : vector<16x4352xi32> to vector<16x4352xf32>
    %div3A = arith.constant 8.000000e+00 : f32
    %div3A_9 = vector.broadcast %div3A : f32 to vector<16x4352xf32>
    %div3A_10 = arith.divf %convert_element_type3A, %div3A_9 : vector<16x4352xf32>
    %log3A = math.log %div3A_10 : vector<16x4352xf32>
    %div3A_11 = arith.constant 2.77258873 : f32
    %div3A_12 = vector.broadcast %div3A_11 : f32 to vector<16x4352xf32>
    %div3A_13 = arith.divf %log3A, %div3A_12 : vector<16x4352xf32>
    %mul3A = arith.constant 8.000000e+00 : f32
    %mul3A_14 = vector.broadcast %mul3A : f32 to vector<16x4352xf32>
    %mul3A_15 = arith.mulf %div3A_13, %mul3A_14 : vector<16x4352xf32>
    %convert_element_type3A_16 = arith.fptosi %mul3A_15 : vector<16x4352xf32> to vector<16x4352xi32>
    %add3A = arith.constant 8 : i32
    %add3A_17 = vector.broadcast %add3A : i32 to vector<16x4352xi32>
    %add3A_18 = arith.addi %add3A_17, %convert_element_type3A_16 : vector<16x4352xi32>
    %min3A = arith.constant 15 : i32
    %min3A_19 = vector.broadcast %min3A : i32 to vector<16x4352xi32>
    %min3A_20 = arith.minsi %add3A_18, %min3A_19 : vector<16x4352xi32>
    %select_n3A_21 = arith.select %lt3A_8, %abs3A, %min3A_20 : vector<16x4352xi1>, vector<16x4352xi32>
    %add3A_22 = arith.addi %select_n3A, %select_n3A_21 : vector<16x4352xi32>
    %broadcast_in_dim3A_23 = arith.constant 0.000000e+00 : f32
    %broadcast_in_dim3A_24 = vector.broadcast %broadcast_in_dim3A_23 : f32 to vector<16x4352xf32>
    %eq3A = arith.constant 0 : i32
    %eq3A_25 = vector.broadcast %eq3A : i32 to vector<16x4352xi32>
    %eq3A_26 = arith.cmpi eq, %add3A_22, %eq3A_25 : vector<16x4352xi32>
    %get3A = arith.constant 0 : index
    %get3A_27 = arith.constant 0 : index
    %get3A_28 = vector.load %arg0[%get3A, %get3A_27] : memref<16x32xf32, #tpu.memory_space<vmem>>, vector<16x1xf32>
    %broadcast_in_dim3A_29 = vector.shape_cast %get3A_28 : vector<16x1xf32> to vector<16x1xf32>
    %broadcast_in_dim3A_30 = vector.broadcast %broadcast_in_dim3A_29 : vector<16x1xf32> to vector<16x4352xf32>
    %select_n3A_31 = arith.select %eq3A_26, %broadcast_in_dim3A_30, %broadcast_in_dim3A_24 : vector<16x4352xi1>, vector<16x4352xf32>
    %eq3A_32 = arith.constant 1 : i32
    %eq3A_33 = vector.broadcast %eq3A_32 : i32 to vector<16x4352xi32>
    %eq3A_34 = arith.cmpi eq, %add3A_22, %eq3A_33 : vector<16x4352xi32>
    %get3A_35 = arith.constant 0 : index
    %get3A_36 = arith.constant 1 : index
    %get3A_37 = vector.load %arg0[%get3A_35, %get3A_36] : memref<16x32xf32, #tpu.memory_space<vmem>>, vector<16x1xf32>
    %broadcast_in_dim3A_38 = vector.shape_cast %get3A_37 : vector<16x1xf32> to vector<16x1xf32>
    %broadcast_in_dim3A_39 = vector.broadcast %broadcast_in_dim3A_38 : vector<16x1xf32> to vector<16x4352xf32>
    %select_n3A_40 = arith.select %eq3A_34, %broadcast_in_dim3A_39, %select_n3A_31 : vector<16x4352xi1>, vector<16x4352xf32>
    %eq3A_41 = arith.constant 2 : i32
    %eq3A_42 = vector.broadcast %eq3A_41 : i32 to vector<16x4352xi32>
    %eq3A_43 = arith.cmpi eq, %add3A_22, %eq3A_42 : vector<16x4352xi32>
    %get3A_44 = arith.constant 0 : index
    %get3A_45 = arith.constant 2 : index
    %get3A_46 = vector.load %arg0[%get3A_44, %get3A_45] : memref<16x32xf32, #tpu.memory_space<vmem>>, vector<16x1xf32>
    %broadcast_in_dim3A_47 = vector.shape_cast %get3A_46 : vector<16x1xf32> to vector<16x1xf32>
    %broadcast_in_dim3A_48 = vector.broadcast %broadcast_in_dim3A_47 : vector<16x1xf32> to vector<16x4352xf32>
    %select_n3A_49 = arith.select %eq3A_43, %broadcast_in_dim3A_48, %select_n3A_40 : vector<16x4352xi1>, vector<16x4352xf32>
    %eq3A_50 = arith.constant 3 : i32
    %eq3A_51 = vector.broadcast %eq3A_50 : i32 to vector<16x4352xi32>
    %eq3A_52 = arith.cmpi eq, %add3A_22, %eq3A_51 : vector<16x4352xi32>
    %get3A_53 = arith.constant 0 : index
    %get3A_54 = arith.constant 3 : index
    %get3A_55 = vector.load %arg0[%get3A_53, %get3A_54] : memref<16x32xf32, #tpu.memory_space<vmem>>, vector<16x1xf32>
    %broadcast_in_dim3A_56 = vector.shape_cast %get3A_55 : vector<16x1xf32> to vector<16x1xf32>
    %broadcast_in_dim3A_57 = vector.broadcast %broadcast_in_dim3A_56 : vector<16x1xf32> to vector<16x4352xf32>
    %select_n3A_58 = arith.select %eq3A_52, %broadcast_in_dim3A_57, %select_n3A_49 : vector<16x4352xi1>, vector<16x4352xf32>
    %eq3A_59 = arith.constant 4 : i32
    %eq3A_60 = vector.broadcast %eq3A_59 : i32 to vector<16x4352xi32>
    %eq3A_61 = arith.cmpi eq, %add3A_22, %eq3A_60 : vector<16x4352xi32>
    %get3A_62 = arith.constant 0 : index
    %get3A_63 = arith.constant 4 : index
    %get3A_64 = vector.load %arg0[%get3A_62, %get3A_63] : memref<16x32xf32, #tpu.memory_space<vmem>>, vector<16x1xf32>
    %broadcast_in_dim3A_65 = vector.shape_cast %get3A_64 : vector<16x1xf32> to vector<16x1xf32>
    %broadcast_in_dim3A_66 = vector.broadcast %broadcast_in_dim3A_65 : vector<16x1xf32> to vector<16x4352xf32>
    %select_n3A_67 = arith.select %eq3A_61, %broadcast_in_dim3A_66, %select_n3A_58 : vector<16x4352xi1>, vector<16x4352xf32>
    %eq3A_68 = arith.constant 5 : i32
    %eq3A_69 = vector.broadcast %eq3A_68 : i32 to vector<16x4352xi32>
    %eq3A_70 = arith.cmpi eq, %add3A_22, %eq3A_69 : vector<16x4352xi32>
    %get3A_71 = arith.constant 0 : index
    %get3A_72 = arith.constant 5 : index
    %get3A_73 = vector.load %arg0[%get3A_71, %get3A_72] : memref<16x32xf32, #tpu.memory_space<vmem>>, vector<16x1xf32>
    %broadcast_in_dim3A_74 = vector.shape_cast %get3A_73 : vector<16x1xf32> to vector<16x1xf32>
    %broadcast_in_dim3A_75 = vector.broadcast %broadcast_in_dim3A_74 : vector<16x1xf32> to vector<16x4352xf32>
    %select_n3A_76 = arith.select %eq3A_70, %broadcast_in_dim3A_75, %select_n3A_67 : vector<16x4352xi1>, vector<16x4352xf32>
    %eq3A_77 = arith.constant 6 : i32
    %eq3A_78 = vector.broadcast %eq3A_77 : i32 to vector<16x4352xi32>
    %eq3A_79 = arith.cmpi eq, %add3A_22, %eq3A_78 : vector<16x4352xi32>
    %get3A_80 = arith.constant 0 : index
    %get3A_81 = arith.constant 6 : index
    %get3A_82 = vector.load %arg0[%get3A_80, %get3A_81] : memref<16x32xf32, #tpu.memory_space<vmem>>, vector<16x1xf32>
    %broadcast_in_dim3A_83 = vector.shape_cast %get3A_82 : vector<16x1xf32> to vector<16x1xf32>
    %broadcast_in_dim3A_84 = vector.broadcast %broadcast_in_dim3A_83 : vector<16x1xf32> to vector<16x4352xf32>
    %select_n3A_85 = arith.select %eq3A_79, %broadcast_in_dim3A_84, %select_n3A_76 : vector<16x4352xi1>, vector<16x4352xf32>
    %eq3A_86 = arith.constant 7 : i32
    %eq3A_87 = vector.broadcast %eq3A_86 : i32 to vector<16x4352xi32>
    %eq3A_88 = arith.cmpi eq, %add3A_22, %eq3A_87 : vector<16x4352xi32>
    %get3A_89 = arith.constant 0 : index
    %get3A_90 = arith.constant 7 : index
    %get3A_91 = vector.load %arg0[%get3A_89, %get3A_90] : memref<16x32xf32, #tpu.memory_space<vmem>>, vector<16x1xf32>
    %broadcast_in_dim3A_92 = vector.shape_cast %get3A_91 : vector<16x1xf32> to vector<16x1xf32>
    %broadcast_in_dim3A_93 = vector.broadcast %broadcast_in_dim3A_92 : vector<16x1xf32> to vector<16x4352xf32>
    %select_n3A_94 = arith.select %eq3A_88, %broadcast_in_dim3A_93, %select_n3A_85 : vector<16x4352xi1>, vector<16x4352xf32>
    %eq3A_95 = arith.constant 8 : i32
    %eq3A_96 = vector.broadcast %eq3A_95 : i32 to vector<16x4352xi32>
    %eq3A_97 = arith.cmpi eq, %add3A_22, %eq3A_96 : vector<16x4352xi32>
    %get3A_98 = arith.constant 0 : index
    %get3A_99 = arith.constant 8 : index
    %get3A_100 = vector.load %arg0[%get3A_98, %get3A_99] : memref<16x32xf32, #tpu.memory_space<vmem>>, vector<16x1xf32>
    %broadcast_in_dim3A_101 = vector.shape_cast %get3A_100 : vector<16x1xf32> to vector<16x1xf32>
    %broadcast_in_dim3A_102 = vector.broadcast %broadcast_in_dim3A_101 : vector<16x1xf32> to vector<16x4352xf32>
    %select_n3A_103 = arith.select %eq3A_97, %broadcast_in_dim3A_102, %select_n3A_94 : vector<16x4352xi1>, vector<16x4352xf32>
    %eq3A_104 = arith.constant 9 : i32
    %eq3A_105 = vector.broadcast %eq3A_104 : i32 to vector<16x4352xi32>
    %eq3A_106 = arith.cmpi eq, %add3A_22, %eq3A_105 : vector<16x4352xi32>
    %get3A_107 = arith.constant 0 : index
    %get3A_108 = arith.constant 9 : index
    %get3A_109 = vector.load %arg0[%get3A_107, %get3A_108] : memref<16x32xf32, #tpu.memory_space<vmem>>, vector<16x1xf32>
    %broadcast_in_dim3A_110 = vector.shape_cast %get3A_109 : vector<16x1xf32> to vector<16x1xf32>
    %broadcast_in_dim3A_111 = vector.broadcast %broadcast_in_dim3A_110 : vector<16x1xf32> to vector<16x4352xf32>
    %select_n3A_112 = arith.select %eq3A_106, %broadcast_in_dim3A_111, %select_n3A_103 : vector<16x4352xi1>, vector<16x4352xf32>
    %eq3A_113 = arith.constant 10 : i32
    %eq3A_114 = vector.broadcast %eq3A_113 : i32 to vector<16x4352xi32>
    %eq3A_115 = arith.cmpi eq, %add3A_22, %eq3A_114 : vector<16x4352xi32>
    %get3A_116 = arith.constant 0 : index
    %get3A_117 = arith.constant 10 : index
    %get3A_118 = vector.load %arg0[%get3A_116, %get3A_117] : memref<16x32xf32, #tpu.memory_space<vmem>>, vector<16x1xf32>
    %broadcast_in_dim3A_119 = vector.shape_cast %get3A_118 : vector<16x1xf32> to vector<16x1xf32>
    %broadcast_in_dim3A_120 = vector.broadcast %broadcast_in_dim3A_119 : vector<16x1xf32> to vector<16x4352xf32>
    %select_n3A_121 = arith.select %eq3A_115, %broadcast_in_dim3A_120, %select_n3A_112 : vector<16x4352xi1>, vector<16x4352xf32>
    %eq3A_122 = arith.constant 11 : i32
    %eq3A_123 = vector.broadcast %eq3A_122 : i32 to vector<16x4352xi32>
    %eq3A_124 = arith.cmpi eq, %add3A_22, %eq3A_123 : vector<16x4352xi32>
    %get3A_125 = arith.constant 0 : index
    %get3A_126 = arith.constant 11 : index
    %get3A_127 = vector.load %arg0[%get3A_125, %get3A_126] : memref<16x32xf32, #tpu.memory_space<vmem>>, vector<16x1xf32>
    %broadcast_in_dim3A_128 = vector.shape_cast %get3A_127 : vector<16x1xf32> to vector<16x1xf32>
    %broadcast_in_dim3A_129 = vector.broadcast %broadcast_in_dim3A_128 : vector<16x1xf32> to vector<16x4352xf32>
    %select_n3A_130 = arith.select %eq3A_124, %broadcast_in_dim3A_129, %select_n3A_121 : vector<16x4352xi1>, vector<16x4352xf32>
    %eq3A_131 = arith.constant 12 : i32
    %eq3A_132 = vector.broadcast %eq3A_131 : i32 to vector<16x4352xi32>
    %eq3A_133 = arith.cmpi eq, %add3A_22, %eq3A_132 : vector<16x4352xi32>
    %get3A_134 = arith.constant 0 : index
    %get3A_135 = arith.constant 12 : index
    %get3A_136 = vector.load %arg0[%get3A_134, %get3A_135] : memref<16x32xf32, #tpu.memory_space<vmem>>, vector<16x1xf32>
    %broadcast_in_dim3A_137 = vector.shape_cast %get3A_136 : vector<16x1xf32> to vector<16x1xf32>
    %broadcast_in_dim3A_138 = vector.broadcast %broadcast_in_dim3A_137 : vector<16x1xf32> to vector<16x4352xf32>
    %select_n3A_139 = arith.select %eq3A_133, %broadcast_in_dim3A_138, %select_n3A_130 : vector<16x4352xi1>, vector<16x4352xf32>
    %eq3A_140 = arith.constant 13 : i32
    %eq3A_141 = vector.broadcast %eq3A_140 : i32 to vector<16x4352xi32>
    %eq3A_142 = arith.cmpi eq, %add3A_22, %eq3A_141 : vector<16x4352xi32>
    %get3A_143 = arith.constant 0 : index
    %get3A_144 = arith.constant 13 : index
    %get3A_145 = vector.load %arg0[%get3A_143, %get3A_144] : memref<16x32xf32, #tpu.memory_space<vmem>>, vector<16x1xf32>
    %broadcast_in_dim3A_146 = vector.shape_cast %get3A_145 : vector<16x1xf32> to vector<16x1xf32>
    %broadcast_in_dim3A_147 = vector.broadcast %broadcast_in_dim3A_146 : vector<16x1xf32> to vector<16x4352xf32>
    %select_n3A_148 = arith.select %eq3A_142, %broadcast_in_dim3A_147, %select_n3A_139 : vector<16x4352xi1>, vector<16x4352xf32>
    %eq3A_149 = arith.constant 14 : i32
    %eq3A_150 = vector.broadcast %eq3A_149 : i32 to vector<16x4352xi32>
    %eq3A_151 = arith.cmpi eq, %add3A_22, %eq3A_150 : vector<16x4352xi32>
    %get3A_152 = arith.constant 0 : index
    %get3A_153 = arith.constant 14 : index
    %get3A_154 = vector.load %arg0[%get3A_152, %get3A_153] : memref<16x32xf32, #tpu.memory_space<vmem>>, vector<16x1xf32>
    %broadcast_in_dim3A_155 = vector.shape_cast %get3A_154 : vector<16x1xf32> to vector<16x1xf32>
    %broadcast_in_dim3A_156 = vector.broadcast %broadcast_in_dim3A_155 : vector<16x1xf32> to vector<16x4352xf32>
    %select_n3A_157 = arith.select %eq3A_151, %broadcast_in_dim3A_156, %select_n3A_148 : vector<16x4352xi1>, vector<16x4352xf32>
    %eq3A_158 = arith.constant 15 : i32
    %eq3A_159 = vector.broadcast %eq3A_158 : i32 to vector<16x4352xi32>
    %eq3A_160 = arith.cmpi eq, %add3A_22, %eq3A_159 : vector<16x4352xi32>
    %get3A_161 = arith.constant 0 : index
    %get3A_162 = arith.constant 15 : index
    %get3A_163 = vector.load %arg0[%get3A_161, %get3A_162] : memref<16x32xf32, #tpu.memory_space<vmem>>, vector<16x1xf32>
    %broadcast_in_dim3A_164 = vector.shape_cast %get3A_163 : vector<16x1xf32> to vector<16x1xf32>
    %broadcast_in_dim3A_165 = vector.broadcast %broadcast_in_dim3A_164 : vector<16x1xf32> to vector<16x4352xf32>
    %select_n3A_166 = arith.select %eq3A_160, %broadcast_in_dim3A_165, %select_n3A_157 : vector<16x4352xi1>, vector<16x4352xf32>
    %eq3A_167 = arith.constant 16 : i32
    %eq3A_168 = vector.broadcast %eq3A_167 : i32 to vector<16x4352xi32>
    %eq3A_169 = arith.cmpi eq, %add3A_22, %eq3A_168 : vector<16x4352xi32>
    %get3A_170 = arith.constant 0 : index
    %get3A_171 = arith.constant 16 : index
    %get3A_172 = vector.load %arg0[%get3A_170, %get3A_171] : memref<16x32xf32, #tpu.memory_space<vmem>>, vector<16x1xf32>
    %broadcast_in_dim3A_173 = vector.shape_cast %get3A_172 : vector<16x1xf32> to vector<16x1xf32>
    %broadcast_in_dim3A_174 = vector.broadcast %broadcast_in_dim3A_173 : vector<16x1xf32> to vector<16x4352xf32>
    %select_n3A_175 = arith.select %eq3A_169, %broadcast_in_dim3A_174, %select_n3A_166 : vector<16x4352xi1>, vector<16x4352xf32>
    %eq3A_176 = arith.constant 17 : i32
    %eq3A_177 = vector.broadcast %eq3A_176 : i32 to vector<16x4352xi32>
    %eq3A_178 = arith.cmpi eq, %add3A_22, %eq3A_177 : vector<16x4352xi32>
    %get3A_179 = arith.constant 0 : index
    %get3A_180 = arith.constant 17 : index
    %get3A_181 = vector.load %arg0[%get3A_179, %get3A_180] : memref<16x32xf32, #tpu.memory_space<vmem>>, vector<16x1xf32>
    %broadcast_in_dim3A_182 = vector.shape_cast %get3A_181 : vector<16x1xf32> to vector<16x1xf32>
    %broadcast_in_dim3A_183 = vector.broadcast %broadcast_in_dim3A_182 : vector<16x1xf32> to vector<16x4352xf32>
    %select_n3A_184 = arith.select %eq3A_178, %broadcast_in_dim3A_183, %select_n3A_175 : vector<16x4352xi1>, vector<16x4352xf32>
    %eq3A_185 = arith.constant 18 : i32
    %eq3A_186 = vector.broadcast %eq3A_185 : i32 to vector<16x4352xi32>
    %eq3A_187 = arith.cmpi eq, %add3A_22, %eq3A_186 : vector<16x4352xi32>
    %get3A_188 = arith.constant 0 : index
    %get3A_189 = arith.constant 18 : index
    %get3A_190 = vector.load %arg0[%get3A_188, %get3A_189] : memref<16x32xf32, #tpu.memory_space<vmem>>, vector<16x1xf32>
    %broadcast_in_dim3A_191 = vector.shape_cast %get3A_190 : vector<16x1xf32> to vector<16x1xf32>
    %broadcast_in_dim3A_192 = vector.broadcast %broadcast_in_dim3A_191 : vector<16x1xf32> to vector<16x4352xf32>
    %select_n3A_193 = arith.select %eq3A_187, %broadcast_in_dim3A_192, %select_n3A_184 : vector<16x4352xi1>, vector<16x4352xf32>
    %eq3A_194 = arith.constant 19 : i32
    %eq3A_195 = vector.broadcast %eq3A_194 : i32 to vector<16x4352xi32>
    %eq3A_196 = arith.cmpi eq, %add3A_22, %eq3A_195 : vector<16x4352xi32>
    %get3A_197 = arith.constant 0 : index
    %get3A_198 = arith.constant 19 : index
    %get3A_199 = vector.load %arg0[%get3A_197, %get3A_198] : memref<16x32xf32, #tpu.memory_space<vmem>>, vector<16x1xf32>
    %broadcast_in_dim3A_200 = vector.shape_cast %get3A_199 : vector<16x1xf32> to vector<16x1xf32>
    %broadcast_in_dim3A_201 = vector.broadcast %broadcast_in_dim3A_200 : vector<16x1xf32> to vector<16x4352xf32>
    %select_n3A_202 = arith.select %eq3A_196, %broadcast_in_dim3A_201, %select_n3A_193 : vector<16x4352xi1>, vector<16x4352xf32>
    %eq3A_203 = arith.constant 20 : i32
    %eq3A_204 = vector.broadcast %eq3A_203 : i32 to vector<16x4352xi32>
    %eq3A_205 = arith.cmpi eq, %add3A_22, %eq3A_204 : vector<16x4352xi32>
    %get3A_206 = arith.constant 0 : index
    %get3A_207 = arith.constant 20 : index
    %get3A_208 = vector.load %arg0[%get3A_206, %get3A_207] : memref<16x32xf32, #tpu.memory_space<vmem>>, vector<16x1xf32>
    %broadcast_in_dim3A_209 = vector.shape_cast %get3A_208 : vector<16x1xf32> to vector<16x1xf32>
    %broadcast_in_dim3A_210 = vector.broadcast %broadcast_in_dim3A_209 : vector<16x1xf32> to vector<16x4352xf32>
    %select_n3A_211 = arith.select %eq3A_205, %broadcast_in_dim3A_210, %select_n3A_202 : vector<16x4352xi1>, vector<16x4352xf32>
    %eq3A_212 = arith.constant 21 : i32
    %eq3A_213 = vector.broadcast %eq3A_212 : i32 to vector<16x4352xi32>
    %eq3A_214 = arith.cmpi eq, %add3A_22, %eq3A_213 : vector<16x4352xi32>
    %get3A_215 = arith.constant 0 : index
    %get3A_216 = arith.constant 21 : index
    %get3A_217 = vector.load %arg0[%get3A_215, %get3A_216] : memref<16x32xf32, #tpu.memory_space<vmem>>, vector<16x1xf32>
    %broadcast_in_dim3A_218 = vector.shape_cast %get3A_217 : vector<16x1xf32> to vector<16x1xf32>
    %broadcast_in_dim3A_219 = vector.broadcast %broadcast_in_dim3A_218 : vector<16x1xf32> to vector<16x4352xf32>
    %select_n3A_220 = arith.select %eq3A_214, %broadcast_in_dim3A_219, %select_n3A_211 : vector<16x4352xi1>, vector<16x4352xf32>
    %eq3A_221 = arith.constant 22 : i32
    %eq3A_222 = vector.broadcast %eq3A_221 : i32 to vector<16x4352xi32>
    %eq3A_223 = arith.cmpi eq, %add3A_22, %eq3A_222 : vector<16x4352xi32>
    %get3A_224 = arith.constant 0 : index
    %get3A_225 = arith.constant 22 : index
    %get3A_226 = vector.load %arg0[%get3A_224, %get3A_225] : memref<16x32xf32, #tpu.memory_space<vmem>>, vector<16x1xf32>
    %broadcast_in_dim3A_227 = vector.shape_cast %get3A_226 : vector<16x1xf32> to vector<16x1xf32>
    %broadcast_in_dim3A_228 = vector.broadcast %broadcast_in_dim3A_227 : vector<16x1xf32> to vector<16x4352xf32>
    %select_n3A_229 = arith.select %eq3A_223, %broadcast_in_dim3A_228, %select_n3A_220 : vector<16x4352xi1>, vector<16x4352xf32>
    %eq3A_230 = arith.constant 23 : i32
    %eq3A_231 = vector.broadcast %eq3A_230 : i32 to vector<16x4352xi32>
    %eq3A_232 = arith.cmpi eq, %add3A_22, %eq3A_231 : vector<16x4352xi32>
    %get3A_233 = arith.constant 0 : index
    %get3A_234 = arith.constant 23 : index
    %get3A_235 = vector.load %arg0[%get3A_233, %get3A_234] : memref<16x32xf32, #tpu.memory_space<vmem>>, vector<16x1xf32>
    %broadcast_in_dim3A_236 = vector.shape_cast %get3A_235 : vector<16x1xf32> to vector<16x1xf32>
    %broadcast_in_dim3A_237 = vector.broadcast %broadcast_in_dim3A_236 : vector<16x1xf32> to vector<16x4352xf32>
    %select_n3A_238 = arith.select %eq3A_232, %broadcast_in_dim3A_237, %select_n3A_229 : vector<16x4352xi1>, vector<16x4352xf32>
    %eq3A_239 = arith.constant 24 : i32
    %eq3A_240 = vector.broadcast %eq3A_239 : i32 to vector<16x4352xi32>
    %eq3A_241 = arith.cmpi eq, %add3A_22, %eq3A_240 : vector<16x4352xi32>
    %get3A_242 = arith.constant 0 : index
    %get3A_243 = arith.constant 24 : index
    %get3A_244 = vector.load %arg0[%get3A_242, %get3A_243] : memref<16x32xf32, #tpu.memory_space<vmem>>, vector<16x1xf32>
    %broadcast_in_dim3A_245 = vector.shape_cast %get3A_244 : vector<16x1xf32> to vector<16x1xf32>
    %broadcast_in_dim3A_246 = vector.broadcast %broadcast_in_dim3A_245 : vector<16x1xf32> to vector<16x4352xf32>
    %select_n3A_247 = arith.select %eq3A_241, %broadcast_in_dim3A_246, %select_n3A_238 : vector<16x4352xi1>, vector<16x4352xf32>
    %eq3A_248 = arith.constant 25 : i32
    %eq3A_249 = vector.broadcast %eq3A_248 : i32 to vector<16x4352xi32>
    %eq3A_250 = arith.cmpi eq, %add3A_22, %eq3A_249 : vector<16x4352xi32>
    %get3A_251 = arith.constant 0 : index
    %get3A_252 = arith.constant 25 : index
    %get3A_253 = vector.load %arg0[%get3A_251, %get3A_252] : memref<16x32xf32, #tpu.memory_space<vmem>>, vector<16x1xf32>
    %broadcast_in_dim3A_254 = vector.shape_cast %get3A_253 : vector<16x1xf32> to vector<16x1xf32>
    %broadcast_in_dim3A_255 = vector.broadcast %broadcast_in_dim3A_254 : vector<16x1xf32> to vector<16x4352xf32>
    %select_n3A_256 = arith.select %eq3A_250, %broadcast_in_dim3A_255, %select_n3A_247 : vector<16x4352xi1>, vector<16x4352xf32>
    %eq3A_257 = arith.constant 26 : i32
    %eq3A_258 = vector.broadcast %eq3A_257 : i32 to vector<16x4352xi32>
    %eq3A_259 = arith.cmpi eq, %add3A_22, %eq3A_258 : vector<16x4352xi32>
    %get3A_260 = arith.constant 0 : index
    %get3A_261 = arith.constant 26 : index
    %get3A_262 = vector.load %arg0[%get3A_260, %get3A_261] : memref<16x32xf32, #tpu.memory_space<vmem>>, vector<16x1xf32>
    %broadcast_in_dim3A_263 = vector.shape_cast %get3A_262 : vector<16x1xf32> to vector<16x1xf32>
    %broadcast_in_dim3A_264 = vector.broadcast %broadcast_in_dim3A_263 : vector<16x1xf32> to vector<16x4352xf32>
    %select_n3A_265 = arith.select %eq3A_259, %broadcast_in_dim3A_264, %select_n3A_256 : vector<16x4352xi1>, vector<16x4352xf32>
    %eq3A_266 = arith.constant 27 : i32
    %eq3A_267 = vector.broadcast %eq3A_266 : i32 to vector<16x4352xi32>
    %eq3A_268 = arith.cmpi eq, %add3A_22, %eq3A_267 : vector<16x4352xi32>
    %get3A_269 = arith.constant 0 : index
    %get3A_270 = arith.constant 27 : index
    %get3A_271 = vector.load %arg0[%get3A_269, %get3A_270] : memref<16x32xf32, #tpu.memory_space<vmem>>, vector<16x1xf32>
    %broadcast_in_dim3A_272 = vector.shape_cast %get3A_271 : vector<16x1xf32> to vector<16x1xf32>
    %broadcast_in_dim3A_273 = vector.broadcast %broadcast_in_dim3A_272 : vector<16x1xf32> to vector<16x4352xf32>
    %select_n3A_274 = arith.select %eq3A_268, %broadcast_in_dim3A_273, %select_n3A_265 : vector<16x4352xi1>, vector<16x4352xf32>
    %eq3A_275 = arith.constant 28 : i32
    %eq3A_276 = vector.broadcast %eq3A_275 : i32 to vector<16x4352xi32>
    %eq3A_277 = arith.cmpi eq, %add3A_22, %eq3A_276 : vector<16x4352xi32>
    %get3A_278 = arith.constant 0 : index
    %get3A_279 = arith.constant 28 : index
    %get3A_280 = vector.load %arg0[%get3A_278, %get3A_279] : memref<16x32xf32, #tpu.memory_space<vmem>>, vector<16x1xf32>
    %broadcast_in_dim3A_281 = vector.shape_cast %get3A_280 : vector<16x1xf32> to vector<16x1xf32>
    %broadcast_in_dim3A_282 = vector.broadcast %broadcast_in_dim3A_281 : vector<16x1xf32> to vector<16x4352xf32>
    %select_n3A_283 = arith.select %eq3A_277, %broadcast_in_dim3A_282, %select_n3A_274 : vector<16x4352xi1>, vector<16x4352xf32>
    %eq3A_284 = arith.constant 29 : i32
    %eq3A_285 = vector.broadcast %eq3A_284 : i32 to vector<16x4352xi32>
    %eq3A_286 = arith.cmpi eq, %add3A_22, %eq3A_285 : vector<16x4352xi32>
    %get3A_287 = arith.constant 0 : index
    %get3A_288 = arith.constant 29 : index
    %get3A_289 = vector.load %arg0[%get3A_287, %get3A_288] : memref<16x32xf32, #tpu.memory_space<vmem>>, vector<16x1xf32>
    %broadcast_in_dim3A_290 = vector.shape_cast %get3A_289 : vector<16x1xf32> to vector<16x1xf32>
    %broadcast_in_dim3A_291 = vector.broadcast %broadcast_in_dim3A_290 : vector<16x1xf32> to vector<16x4352xf32>
    %select_n3A_292 = arith.select %eq3A_286, %broadcast_in_dim3A_291, %select_n3A_283 : vector<16x4352xi1>, vector<16x4352xf32>
    %eq3A_293 = arith.constant 30 : i32
    %eq3A_294 = vector.broadcast %eq3A_293 : i32 to vector<16x4352xi32>
    %eq3A_295 = arith.cmpi eq, %add3A_22, %eq3A_294 : vector<16x4352xi32>
    %get3A_296 = arith.constant 0 : index
    %get3A_297 = arith.constant 30 : index
    %get3A_298 = vector.load %arg0[%get3A_296, %get3A_297] : memref<16x32xf32, #tpu.memory_space<vmem>>, vector<16x1xf32>
    %broadcast_in_dim3A_299 = vector.shape_cast %get3A_298 : vector<16x1xf32> to vector<16x1xf32>
    %broadcast_in_dim3A_300 = vector.broadcast %broadcast_in_dim3A_299 : vector<16x1xf32> to vector<16x4352xf32>
    %select_n3A_301 = arith.select %eq3A_295, %broadcast_in_dim3A_300, %select_n3A_292 : vector<16x4352xi1>, vector<16x4352xf32>
    %eq3A_302 = arith.constant 31 : i32
    %eq3A_303 = vector.broadcast %eq3A_302 : i32 to vector<16x4352xi32>
    %eq3A_304 = arith.cmpi eq, %add3A_22, %eq3A_303 : vector<16x4352xi32>
    %get3A_305 = arith.constant 0 : index
    %get3A_306 = arith.constant 31 : index
    %get3A_307 = vector.load %arg0[%get3A_305, %get3A_306] : memref<16x32xf32, #tpu.memory_space<vmem>>, vector<16x1xf32>
    %broadcast_in_dim3A_308 = vector.shape_cast %get3A_307 : vector<16x1xf32> to vector<16x1xf32>
    %broadcast_in_dim3A_309 = vector.broadcast %broadcast_in_dim3A_308 : vector<16x1xf32> to vector<16x4352xf32>
    %select_n3A_310 = arith.select %eq3A_304, %broadcast_in_dim3A_309, %select_n3A_301 : vector<16x4352xi1>, vector<16x4352xf32>
    %swap3A = arith.constant 0 : index
    %swap3A_311 = arith.constant 0 : index
    %swap3A_312 = vector.load %arg2[%swap3A, %swap3A_311] : memref<16x4352xf32, #tpu.memory_space<vmem>>, vector<16x4352xf32>
    tpu.vector_store %arg2[%swap3A, %swap3A_311], %select_n3A_310 {strides = array<i32>} : memref<16x4352xf32, #tpu.memory_space<vmem>>, vector<16x4352xf32>,
    %get3A_313 = arith.constant 0 : index
    %get3A_314 = arith.constant 0 : index
    %get3A_315 = vector.load %arg2[%get3A_313, %get3A_314] : memref<16x4352xf32, #tpu.memory_space<vmem>>, vector<16x4224xf32>
    %swap3A_316 = arith.constant 0 : index
    %swap3A_317 = arith.constant 0 : index
    %swap3A_318 = arith.constant 0 : index
    %swap3A_319 = vector.load %arg1[%swap3A_316, %swap3A_317, %swap3A_318] : memref<8x16x4224xf32, #tpu.memory_space<vmem>>, vector<1x16x4224xf32>
    %swap3A_320 = vector.shape_cast %swap3A_319 : vector<1x16x4224xf32> to vector<16x4224xf32>
    %swap3A_321 = vector.shape_cast %get3A_315 : vector<16x4224xf32> to vector<1x16x4224xf32>
    tpu.vector_store %arg1[%swap3A_316, %swap3A_317, %swap3A_318], %swap3A_321 {strides = array<i32>} : memref<8x16x4224xf32, #tpu.memory_space<vmem>>, vector<1x16x4224xf32>,
    %get3A_322 = arith.constant 0 : index
    %get3A_323 = arith.constant 1 : index
    %get3A_324 = vector.load %arg2[%get3A_322, %get3A_323] : memref<16x4352xf32, #tpu.memory_space<vmem>>, vector<16x4224xf32>
    %swap3A_325 = arith.constant 1 : index
    %swap3A_326 = arith.constant 0 : index
    %swap3A_327 = arith.constant 0 : index
    %swap3A_328 = vector.load %arg1[%swap3A_325, %swap3A_326, %swap3A_327] : memref<8x16x4224xf32, #tpu.memory_space<vmem>>, vector<1x16x4224xf32>
    %swap3A_329 = vector.shape_cast %swap3A_328 : vector<1x16x4224xf32> to vector<16x4224xf32>
    %swap3A_330 = vector.shape_cast %get3A_324 : vector<16x4224xf32> to vector<1x16x4224xf32>
    tpu.vector_store %arg1[%swap3A_325, %swap3A_326, %swap3A_327], %swap3A_330 {strides = array<i32>} : memref<8x16x4224xf32, #tpu.memory_space<vmem>>, vector<1x16x4224xf32>,
    %get3A_331 = arith.constant 0 : index
    %get3A_332 = arith.constant 2 : index
    %get3A_333 = vector.load %arg2[%get3A_331, %get3A_332] : memref<16x4352xf32, #tpu.memory_space<vmem>>, vector<16x4224xf32>
    %swap3A_334 = arith.constant 2 : index
    %swap3A_335 = arith.constant 0 : index
    %swap3A_336 = arith.constant 0 : index
    %swap3A_337 = vector.load %arg1[%swap3A_334, %swap3A_335, %swap3A_336] : memref<8x16x4224xf32, #tpu.memory_space<vmem>>, vector<1x16x4224xf32>
    %swap3A_338 = vector.shape_cast %swap3A_337 : vector<1x16x4224xf32> to vector<16x4224xf32>
    %swap3A_339 = vector.shape_cast %get3A_333 : vector<16x4224xf32> to vector<1x16x4224xf32>
    tpu.vector_store %arg1[%swap3A_334, %swap3A_335, %swap3A_336], %swap3A_339 {strides = array<i32>} : memref<8x16x4224xf32, #tpu.memory_space<vmem>>, vector<1x16x4224xf32>,
    %get3A_340 = arith.constant 0 : index
    %get3A_341 = arith.constant 3 : index
    %get3A_342 = vector.load %arg2[%get3A_340, %get3A_341] : memref<16x4352xf32, #tpu.memory_space<vmem>>, vector<16x4224xf32>
    %swap3A_343 = arith.constant 3 : index
    %swap3A_344 = arith.constant 0 : index
    %swap3A_345 = arith.constant 0 : index
    %swap3A_346 = vector.load %arg1[%swap3A_343, %swap3A_344, %swap3A_345] : memref<8x16x4224xf32, #tpu.memory_space<vmem>>, vector<1x16x4224xf32>
    %swap3A_347 = vector.shape_cast %swap3A_346 : vector<1x16x4224xf32> to vector<16x4224xf32>
    %swap3A_348 = vector.shape_cast %get3A_342 : vector<16x4224xf32> to vector<1x16x4224xf32>
    tpu.vector_store %arg1[%swap3A_343, %swap3A_344, %swap3A_345], %swap3A_348 {strides = array<i32>} : memref<8x16x4224xf32, #tpu.memory_space<vmem>>, vector<1x16x4224xf32>,
    %get3A_349 = arith.constant 0 : index
    %get3A_350 = arith.constant 4 : index
    %get3A_351 = vector.load %arg2[%get3A_349, %get3A_350] : memref<16x4352xf32, #tpu.memory_space<vmem>>, vector<16x4224xf32>
    %swap3A_352 = arith.constant 4 : index
    %swap3A_353 = arith.constant 0 : index
    %swap3A_354 = arith.constant 0 : index
    %swap3A_355 = vector.load %arg1[%swap3A_352, %swap3A_353, %swap3A_354] : memref<8x16x4224xf32, #tpu.memory_space<vmem>>, vector<1x16x4224xf32>
    %swap3A_356 = vector.shape_cast %swap3A_355 : vector<1x16x4224xf32> to vector<16x4224xf32>
    %swap3A_357 = vector.shape_cast %get3A_351 : vector<16x4224xf32> to vector<1x16x4224xf32>
    tpu.vector_store %arg1[%swap3A_352, %swap3A_353, %swap3A_354], %swap3A_357 {strides = array<i32>} : memref<8x16x4224xf32, #tpu.memory_space<vmem>>, vector<1x16x4224xf32>,
    %get3A_358 = arith.constant 0 : index
    %get3A_359 = arith.constant 5 : index
    %get3A_360 = vector.load %arg2[%get3A_358, %get3A_359] : memref<16x4352xf32, #tpu.memory_space<vmem>>, vector<16x4224xf32>
    %swap3A_361 = arith.constant 5 : index
    %swap3A_362 = arith.constant 0 : index
    %swap3A_363 = arith.constant 0 : index
    %swap3A_364 = vector.load %arg1[%swap3A_361, %swap3A_362, %swap3A_363] : memref<8x16x4224xf32, #tpu.memory_space<vmem>>, vector<1x16x4224xf32>
    %swap3A_365 = vector.shape_cast %swap3A_364 : vector<1x16x4224xf32> to vector<16x4224xf32>
    %swap3A_366 = vector.shape_cast %get3A_360 : vector<16x4224xf32> to vector<1x16x4224xf32>
    tpu.vector_store %arg1[%swap3A_361, %swap3A_362, %swap3A_363], %swap3A_366 {strides = array<i32>} : memref<8x16x4224xf32, #tpu.memory_space<vmem>>, vector<1x16x4224xf32>,
    %get3A_367 = arith.constant 0 : index
    %get3A_368 = arith.constant 6 : index
    %get3A_369 = vector.load %arg2[%get3A_367, %get3A_368] : memref<16x4352xf32, #tpu.memory_space<vmem>>, vector<16x4224xf32>
    %swap3A_370 = arith.constant 6 : index
    %swap3A_371 = arith.constant 0 : index
    %swap3A_372 = arith.constant 0 : index
    %swap3A_373 = vector.load %arg1[%swap3A_370, %swap3A_371, %swap3A_372] : memref<8x16x4224xf32, #tpu.memory_space<vmem>>, vector<1x16x4224xf32>
    %swap3A_374 = vector.shape_cast %swap3A_373 : vector<1x16x4224xf32> to vector<16x4224xf32>
    %swap3A_375 = vector.shape_cast %get3A_369 : vector<16x4224xf32> to vector<1x16x4224xf32>
    tpu.vector_store %arg1[%swap3A_370, %swap3A_371, %swap3A_372], %swap3A_375 {strides = array<i32>} : memref<8x16x4224xf32, #tpu.memory_space<vmem>>, vector<1x16x4224xf32>,
    %get3A_376 = arith.constant 0 : index
    %get3A_377 = arith.constant 7 : index
    %get3A_378 = vector.load %arg2[%get3A_376, %get3A_377] : memref<16x4352xf32, #tpu.memory_space<vmem>>, vector<16x4224xf32>
    %swap3A_379 = arith.constant 7 : index
    %swap3A_380 = arith.constant 0 : index
    %swap3A_381 = arith.constant 0 : index
    %swap3A_382 = vector.load %arg1[%swap3A_379, %swap3A_380, %swap3A_381] : memref<8x16x4224xf32, #tpu.memory_space<vmem>>, vector<1x16x4224xf32>
    %swap3A_383 = vector.shape_cast %swap3A_382 : vector<1x16x4224xf32> to vector<16x4224xf32>
    %swap3A_384 = vector.shape_cast %get3A_378 : vector<16x4224xf32> to vector<1x16x4224xf32>
    tpu.vector_store %arg1[%swap3A_379, %swap3A_380, %swap3A_381], %swap3A_384 {strides = array<i32>} : memref<8x16x4224xf32, #tpu.memory_space<vmem>>, vector<1x16x4224xf32>,
    return
  }
}

</mosaic_0001>

<sc_bundles>
// kernel: kernel.4.cloned.1.call-start
scs
__scs_entry_jumppad:
0x0: {  	(pc) =	sbr.rel $0x88, $3  }
0x1: {  	(tag) =	ssettag $0x0;
	lr =	simm.s32 $0x1  }
0x2: {  	[smem:$0x3FA0] =	sst lr;
	_ =	strace $0xD0000000  }
0x3: {  	_ = 	snop  }
0x4: {  	_ = 	snop  }
0x5: {  	_ = 	snop  }
0x6: {  	_ = 	snop  }
0x7: {  	_ = 	snop  }
__scs_overlays_trampoline_lowered:
0x8: {  	[smem:$0x3FAF] =	sst s0  }
0x9: {  	[smem:$0x3FB0] =	sst s1  }
0xa: {  	[smem:$0x3FB1] =	sst s2  }
0xb: {  	[smem:$0x3FB2] =	sst s3  }
0xc: {  	[smem:$0x3FB3] =	sst s4  }
0xd: {  	[smem:$0x3FB4] =	sst s5  }
0xe: {  	[smem:$0x3FB5] =	sst s6  }
0xf: {  	[smem:$0x3FB6] =	sst s7  }
0x10: {  	[smem:$0x3FB7] =	sst s8  }
0x11: {  	[smem:$0x3FB8] =	sst s9;
	s0 =	simm.s32 @!p0 $0x0  }
0x12: {  	s1 =	sld [smem:$0x3F9E];
	s0 =	simm.s32 @p0 $0x1  }
0x13: {  	[smem:$0x3FB9] =	sst s0;
	s0 =	simm.s32 @!p1 $0x0  }
0x14: {  	s2 =	sld [smem:$0x3F9D];
	s0 =	simm.s32 @p1 $0x1  }
0x15: {  	[smem:$0x3FBA] =	sst s0;
	s0 =	simm.s32 @!p2 $0x0  }
0x16: {  	s3 =	sld [smem:$0x3FDB];
	s0 =	simm.s32 @p2 $0x1  }
0x17: {  	s4 =	simm.s32 $0x1BF5;
	[smem:$0x3FBC] =	sst s0  }
0x18: {  	s0 =	sld [smem:$0x3F9F];
	_ =	swait.ge [sflag:s4], $0x0  }
0x19: {  	s7 =	sld [smem:$0x3FA0]  }
0x1a: {  	s8 =	sadd.s32 $0xFFFFE003, lr  }
0x1b: {  	s9 =	sadd.s32 $0xFFFFFEF7, lr;
	s5 =	simm.s32 $0xFFFFFFFF;
	p2 =	slt.u32 s8, $0xFFFFF086  }
0x1c: {  	p1 =	slt.u32 s9, $0xF7A;
	s5 =	simm.s32 @!p2 $0x0  }
0x1d: {  	s5 =	simm.s32 @p1 $0x1;
	p0 =	seq.s32 s7, s2  }
0x1e: {  	s7 =	smul.u32 @!p0 $0xF7A, s2;
	p2 =	seq.s32 @!p0 s5, $0x0  }
0x1f: {  	s9 =	smul.u32 $0xF7A, s1;
	s8 =	simm.s32 @!p0 $0x1BF5;
	p2 =	por !p2, p0  }
0x20: {  	[sflag:s8] =	ssyncset.s32 @!p0 $0xFFFFF086;
	s6 =	sadd.s32 @!p0 s3, s7;
	s7 =	simm.s32 @!p0 $0x108  }
0x21: {  	s3 =	sadd.s32 s3, s9;
	s6 =	sadd.s32 @!p0 $0x88, s6;
	s7 =	simm.s32 @p2 $0x1082  }
0x22: {  	[simem:s7], [sflag:s8] =	dma.local @!p0 [hbm:s6], $0xF7A  }
0x23: {  	s9 =	sor.u32 $0xD0000000, s2;
	s6 =	simm.s32 $0x108;
	_ =	swait.ge @!p0 [sflag:s8], $0x0  }
0x24: {  	s3 =	sadd.s32 $0x88, s3;
	s6 =	simm.s32 @!p1 $0x1082;
	[sflag:s4] =	ssyncset.s32 $0xFFFFF086  }
0x25: {  	[simem:s6], [sflag:s4] =	dma.local [hbm:s3], $0xF7A  }
0x26: {  	[smem:$0x3FA0] =	sst s1;
	(tag) =	ssettag s2;
	_ =	strace s9  }
0x27: {  	s1 =	sld [smem:$0x3FB0]  }
0x28: {  	s2 =	sld [smem:$0x3FB1]  }
0x29: {  	s4 =	sld [smem:$0x3FB3]  }
0x2a: {  	p0 =	seq.s32 s5, $0x0;
	s5 =	sld [smem:$0x3FB4]  }
0x2b: {  	s6 =	sld [smem:$0x3FB5]  }
0x2c: {  	s7 =	sld [smem:$0x3FB6]  }
0x2d: {  	s3 =	simm.s32 $0x108;
	s8 =	sld [smem:$0x3FB7]  }
0x2e: {  	s3 =	simm.s32 @!p0 $0x1082;
	s9 =	sld [smem:$0x3FB8]  }
0x2f: {  	lr =	sadd.s32 s0, s3;
	s0 =	sld [smem:$0x3FAF]  }
0x30: {  	s3 =	sld [smem:$0x3FB2]  }
0x31: {  	[smem:$0x3FBB] =	sst s10  }
0x32: {  	s10 =	sld [smem:$0x3FB9];
	_ =	sdelay $0x3  }
0x33: {  	p0 =	seq.s32 s10, $0x1;
	s10 =	sld [smem:$0x3FBB];
	_ =	sdelay $0x3  }
0x34: {  	[smem:$0x3FBB] =	sst s10  }
0x35: {  	s10 =	sld [smem:$0x3FBA];
	_ =	sdelay $0x3  }
0x36: {  	p1 =	seq.s32 s10, $0x1;
	s10 =	sld [smem:$0x3FBB];
	_ =	sdelay $0x3  }
0x37: {  	[smem:$0x3FBB] =	sst s10  }
0x38: {  	s10 =	sld [smem:$0x3FBC]  }
0x39: {  	_ = 	snop;
	(pc) =	sbr.ind lr, $3  }
0x3a: {  	_ = 	snop  }
0x3b: {  	_ = 	snop  }
0x3c: {  	p2 =	seq.s32 s10, $0x1;
	s10 =	sld [smem:$0x3FBB]  }
0x3d: {  	_ =	shalt  }
0x3e: {  	_ =	shalt  }
0x3f: {  	_ =	shalt  }
0x40: {  	_ =	shalt  }
0x41: {  	_ =	shalt  }
0x42: {  	_ =	shalt  }
0x43: {  	_ =	shalt  }
0x44: {  	_ =	shalt  }
0x45: {  	_ =	shalt  }
0x46: {  	_ =	shalt  }
0x47: {  	_ =	shalt  }
0x48: {  	_ =	shalt  }
0x49: {  	_ =	shalt  }
0x4a: {  	_ =	shalt  }
0x4b: {  	_ =	shalt  }
0x4c: {  	_ =	shalt  }
0x4d: {  	_ =	shalt  }
0x4e: {  	_ =	shalt  }
0x4f: {  	_ =	shalt  }
0x50: {  	_ =	shalt  }
0x51: {  	_ =	shalt  }
0x52: {  	_ =	shalt  }
0x53: {  	_ =	shalt  }
0x54: {  	_ =	shalt  }
0x55: {  	_ =	shalt  }
0x56: {  	_ =	shalt  }
0x57: {  	_ =	shalt  }
0x58: {  	_ =	shalt  }
0x59: {  	_ =	shalt  }
0x5a: {  	_ =	shalt  }
0x5b: {  	_ =	shalt  }
0x5c: {  	_ =	shalt  }
0x5d: {  	_ =	shalt  }
0x5e: {  	_ =	shalt  }
0x5f: {  	_ =	shalt  }
0x60: {  	_ =	shalt  }
0x61: {  	_ =	shalt  }
0x62: {  	_ =	shalt  }
0x63: {  	_ =	shalt  }
0x64: {  	_ =	shalt  }
0x65: {  	_ =	shalt  }
0x66: {  	_ =	shalt  }
0x67: {  	_ =	shalt  }
0x68: {  	_ =	shalt  }
0x69: {  	_ =	shalt  }
0x6a: {  	_ =	shalt  }
0x6b: {  	_ =	shalt  }
0x6c: {  	_ =	shalt  }
0x6d: {  	_ =	shalt  }
0x6e: {  	_ =	shalt  }
0x6f: {  	_ =	shalt  }
0x70: {  	_ =	shalt  }
0x71: {  	_ =	shalt  }
0x72: {  	_ =	shalt  }
0x73: {  	_ =	shalt  }
0x74: {  	_ =	shalt  }
0x75: {  	_ =	shalt  }
0x76: {  	_ =	shalt  }
0x77: {  	_ =	shalt  }
0x78: {  	_ =	shalt  }
0x79: {  	_ =	shalt  }
0x7a: {  	_ =	shalt  }
0x7b: {  	_ =	shalt  }
0x7c: {  	_ =	shalt  }
0x7d: {  	_ =	shalt  }
0x7e: {  	_ =	shalt  }
0x7f: {  	_ =	shalt  }
0x80: {  	_ =	shalt  }
0x81: {  	_ =	shalt  }
0x82: {  	_ =	shalt  }
0x83: {  	_ =	shalt  }
0x84: {  	_ =	shalt  }
0x85: {  	_ =	shalt  }
0x86: {  	_ =	shalt  }
0x87: {  	_ =	shalt  }
.Lfunc_end0:
.L_simem_size_0:
called_computation_lowered:
.L_overlay_start_0:
0x88: {  	s2 =	sld [smem:$0x3FD9]  }
0x89: {  	s3 =	sld [smem:$0x3FFE];
	_ =	sdelay $0x1  }
0x8a: {  	s1 =	srdreg.scid  }
0x8b: {  	s0 =	sand.u32 $0x1, s1  }
0x8c: {  	s17 =	sshll.u32 s0, $0xA;
	s2 =	sadd.s32 s3, s2  }
0x8d: {  	s2 =	sadd.s32 s2, s17  }
0x8e: {  	[smem:$0x3FC7] =	sst s2  }
0x8f: {  	_ = 	snop  }
0x90: {  	s2 =	sld [smem:$0x3FD0];
	(tm) =	ssettm $0x1  }
0x91: {  	s18 =	sld [smem:$0x3FFB];
	_ =	sdelay $0x3  }
0x92: {  	_ =	strace s18  }
0x93: {  	s3 =	sld [smem:$0x3FFC];
	_ =	sdelay $0x3  }
0x94: {  	_ =	strace s3  }
0x95: {  	s3 =	sld [smem:$0x3FFD];
	_ =	sdelay $0x3  }
0x96: {  	_ =	strace s3  }
0x97: {  	_ =	strace $0x8FFFFFFF  }
0x98: {  	s19 =	sld [smem:$0x3FDB];
	_ =	sdelay $0x1  }
0x99: {  	s4 =	simm.s32 $_scs_section_size  }
0x9a: {  	s5 =	simm.s32 $_size__tile_overlayer_lowered;
	s6 =	simm.s32 $_tile_overlayer_lowered  }
0x9b: {  	s22 =	simm.s32 $0x1BFF;
	s21 =	sshll.u32 s6, $0x1;
	s3 =	sadd.s32 s4, s19  }
0x9c: {  	s7 =	simm.s32 $0x0;
	s20 =	sshll.u32 s5, $0x1;
	s5 =	sadd.s32 s21, s3  }
0x9d: {  	[timem:s7], [sflag:s22] =	dma.local [hbm:s5], s20  }
0x9e: {  	_ =	swait.ge [sflag:s22], s20  }
0x9f: {  	s4 =	ssub.s32 $0x0, s20;
	[sflag:s22] =	ssyncset.done $0x0  }
0xa0: {  	[sflag:s22] =	ssyncadd.s32 s4;
	_ =	sdelay $0x1  }
0xa1: {  	s23 =	simm.s32 $0x1B8B  }
0xa2: {  	_ =	swait.ge [sflag:s23], $0x1  }
0xa3: {  	[sflag:s23] =	ssyncset.done $0x0  }
0xa4: {  	s25 =	simm.s32 $0x1B8E;
	s24 =	sld [smem:$0x3FFE];
	[sflag:s23] =	ssyncadd.s32 $0xFFFFFFFF  }
0xa5: {  	s26 =	simm.s32 $execute0_lowered;
	[smem:$0x3FD2] =	sst s25  }
0xa6: {  	s5 =	sshll.u32 s26, $0x1;
	_ =	strace $0x80000046;
	[dreg:$0x1] =	wrdreg $0xFFFFFFFF  }
0xa7: {  	s28 =	simm.s32 $_size_execute0_lowered;
	s3 =	sadd.s32 s3, s5;
	[dreg:$0x0] =	wrdreg $0x0  }
0xa8: {  	s5 =	sshll.u32 s28, $0x1;
	[dreg:$0x2] =	wrdreg s3  }
0xa9: {  	[dreg:$0x3] =	wrdreg s5  }
0xaa: {  	[dreg:$0x4] =	wrdreg $0xC0  }
0xab: {  	_ =	task [dreg:s7], $0x5FFFF  }
0xac: {  	[dreg:$0x1] =	wrdreg $0xFFFFFFFF  }
0xad: {  	[dreg:$0x0] =	wrdreg $0x60  }
0xae: {  	[dreg:$0x2] =	wrdreg s24  }
0xaf: {  	[dreg:$0x3] =	wrdreg s2  }
0xb0: {  	[dreg:$0x4] =	wrdreg $0x9  }
0xb1: {  	_ =	task.clear_ibuf [dreg:s7], $0x5FFFF;
	_ =	strace $0x90000046  }
0xb2: {  	s29 =	simm.s32 $0x9;
	_ =	strace $0x80000048  }
0xb3: {  	_ =	swait.ge [sflag:s29], $0x1  }
0xb4: {  	[sflag:s29] =	ssyncadd.s32 $0xFFFFFFFF  }
0xb5: {  	_ =	strace $0x90000048  }
0xb6: {  	_ =	sfence  }
0xb7: {  	s30 =	sld [smem:$0x0];
	_ =	sdelay $0x2  }
0xb8: {  	s31 =	sshll.u32 s1, $0xD;
	s1 =	sshrl.u32 s1, $0x2  }
0xb9: {  	s3 =	sand.u32 $0x4000, s31;
	s1 =	sadd.s32 s1, s30  }
0xba: {  	s0 =	sor.u32 s3, s0;
	s1 =	sshll.u32 s1, $0x11  }
0xbb: {  	s0 =	sor.u32 s1, s0  }
0xbc: {  	s0 =	sadd.s32 $0x8F2B, s0  }
0xbd: {  	[sflag:s0] =	ssyncadd.remote.s32 $0x1  }
0xbe: {  	_ =	sfence.sel $0xFFFF  }
0xbf: {  	[dreg:$0x0] =	wrdreg $0xFFFFFFFF;
	(pc) =	sbr.abs _section_cstart, $3  }
0xc0: {  	[dreg:$0x1] =	wrdreg $0xFFFFFFFF  }
0xc1: {  	_ =	task.clear_ibuf [dreg:s7], $0x2FFFF;
	_ =	strace $0x9FFFFFFF  }
0xc2: {  	(tm) =	ssettm $0x7FFFFFFF  }
0xc3: {  	_ =	shalt  }
tec
execute0_lowered:
.L_overlay_start_1:
0x0: {  	(tag) =	ssettag $0x1  }
0x1: {  	s3 =	rddreg [dreg:$0x0]  }
0x2: {  	s19 =	rddreg [dreg:$0x1];
	s6 =	simm.s32 $0x0  }
0x3: {  	[smem:$0x7FF] =	sst s6;
	s13 =	sadd.s32 $0x600, s19  }
0x4: {  	s14 =	sadd.s32 $0x680, s19;
	_ =	strace $0x80000047;
	[dreg:$0x4] =	wrdreg s13  }
0x5: {  	s2 =	stileid.u32;
	s15 =	sadd.s32 $0x700, s19;
	[dreg:$0x5] =	wrdreg s14  }
0x6: {  	s0 =	srdreg.scid;
	s17 =	sadd.s32 $0x780, s19;
	[dreg:$0x6] =	wrdreg s15  }
0x7: {  	s1 =	sshll.u32 s2, $0x1;
	s18 =	sadd.s32 $0x800, s19;
	[dreg:$0x7] =	wrdreg s17  }
0x8: {  	s0 =	sand.u32 $0x1, s0;
	s25 =	sadd.s32 $0x880, s19;
	[dreg:$0x8] =	wrdreg s18  }
0x9: {  	s2 =	sshll.u32 s2, $0x7;
	s5 =	sadd.s32 $0xA00, s19;
	[dreg:$0x9] =	wrdreg s25  }
0xa: {  	s20 =	sadd.s32 $0x80, s19;
	s8 =	sadd.s32 $0xA80, s19;
	[dreg:$0xd] =	wrdreg s5  }
0xb: {  	s21 =	sadd.s32 $0x100, s19;
	s9 =	sadd.s32 $0xB00, s19;
	[dreg:$0xe] =	wrdreg s8  }
0xc: {  	s22 =	sadd.s32 $0x180, s19;
	s10 =	sadd.s32 $0xB80, s19;
	[dreg:$0xf] =	wrdreg s9  }
0xd: {  	s23 =	sadd.s32 $0x200, s19;
	[dreg:$0x10] =	wrdreg s10;
	s13 =	sadd.s32 $0xD00, s19  }
0xe: {  	s24 =	sadd.s32 $0x280, s19;
	s14 =	sadd.s32 $0xD80, s19;
	[dreg:$0x13] =	wrdreg s13  }
0xf: {  	s26 =	sadd.s32 $0x300, s19;
	s15 =	sadd.s32 $0xE00, s19;
	[dreg:$0x14] =	wrdreg s14  }
0x10: {  	s28 =	sadd.s32 $0x380, s19;
	s17 =	sadd.s32 $0xE80, s19;
	[dreg:$0x15] =	wrdreg s15  }
0x11: {  	s29 =	sadd.s32 $0x400, s19;
	s18 =	sadd.s32 $0xF00, s19;
	[dreg:$0x16] =	wrdreg s17  }
0x12: {  	s30 =	sadd.s32 $0x480, s19;
	s7 =	sand.u32 $0x600, s2;
	[dreg:$0x17] =	wrdreg s18  }
0x13: {  	s1 =	sand.u32 $0x6, s1;
	s25 =	sadd.s32 $0xF80, s19;
	[dreg:$0x1a] =	wrdreg s7  }
0x14: {  	s4 =	sor.u32 s0, s1;
	s0 =	ssub.s32 $0x2, s0;
	[dreg:$0x1b] =	wrdreg s25  }
0x15: {  	s1 =	sxor.u32 $0x7, s4;
	s2 =	sor.u32 s4, s7;
	s12 =	sshrl.u32 s0, $0x1  }
0x16: {  	[dreg:$0x19] =	wrdreg s4;
	s16 =	sxor.u32 $0x607, s2;
	s11 =	smul.u32 $0x10800, s1  }
0x17: {  	s0 =	ssub.s32 s0, s12;
	s2 =	sadd.s32 $0x980, s19;
	s1 =	ssub.s32 s16, s1  }
0x18: {  	s12 =	sadd.s32 $0xC80, s19;
	[dreg:$0xc] =	wrdreg s2;
	s1 =	sadd.s32 s11, s1  }
0x19: {  	s0 =	smax.u32 s0, $0x1;
	[dreg:$0x12] =	wrdreg s12;
	s1 =	sshrl.u32 s1, $0x3  }
0x1a: {  	[dreg:$0xa] =	wrdreg s0;
	s11 =	sadd.s32 $0xC00, s19;
	s1 =	sadd.s32 s1, s3  }
0x1b: {  	s31 =	sadd.s32 $0x500, s19;
	[dreg:$0x11] =	wrdreg s11;
	s1 =	sadd.s32 $0x600, s1  }
0x1c: {  	s9 =	simm.s32 $0x1;
	[dreg:$0x3] =	wrdreg s1;
	s1 =	sadd.s32 $0x900, s19  }
0x1d: {  	s3 =	sadd.s32 $0x580, s19;
	[dreg:$0xb] =	wrdreg s1;
	s1 =	simm.s32 $0x0  }
.LBB2_1:
0x1e: {  	[dreg:$0x18] =	wrdreg s1  }
0x1f: {  	s10 =	rddreg [dreg:$0x3]  }
0x20: {  	s0 =	simm.s32 $0xA00;
	s18 =	simm.s32 $0x1080;
	s25 =	simm.s32 $0x2  }
0x21: {  	[tilespmem:s6], [sflag:$0x2] =	stream.strided.gather [hbm4b:s10+s0], $0xA000, s18, s0, $0x38;
	[tilespmem:$0xA000] =	vst v63  }
0x22: {  	_ =	swait.ge [sflag:s25], $0xA000  }
0x23: {  	[sflag:s25] =	ssyncset.done $0x0  }
0x24: {  	s10 =	simm.s32 $0x0;
	[sflag:s25] =	ssyncadd.s32 $0xFFFF6000  }
.LBB2_2:
0x25: {  	s11 =	sshll.u32 s10, $0x4  }
0x26: {  	s11 =	sadd.s32 s7, s11  }
0x27: {  	s11 =	sor.u32 s4, s11  }
0x28: {  	s12 =	sadd.s32 s11, s16;
	s13 =	sshll.u32 s11, $0xC  }
0x29: {  	s14 =	sxor.u32 $0x7FF, s12;
	s15 =	sadd.s32 s19, s13  }
0x2a: {  	[hbm4b:s15+s6] =	stream.linear.scatter [tilespmem:s14], [sflag:$0x1], $0x80, $0x38;
	[tilespmem:$0xA000] =	vst v63  }
0x2b: {  	s17 =	ssub.s32 $0x11FF, s12;
	s18 =	sadd.s32 $0x10, s15  }
0x2c: {  	[hbm4b:s18+s6] =	stream.linear.scatter [tilespmem:s17], [sflag:$0x1], $0x80, $0x38;
	[tilespmem:$0xA000] =	vst v63  }
0x2d: {  	s25 =	ssub.s32 $0x1BFF, s12;
	s0 =	sadd.s32 $0x20, s15  }
0x2e: {  	[hbm4b:s0+s6] =	stream.linear.scatter [tilespmem:s25], [sflag:$0x1], $0x80, $0x38;
	[tilespmem:$0xA000] =	vst v63  }
0x2f: {  	s1 =	ssub.s32 $0x25FF, s12;
	s2 =	sadd.s32 $0x30, s15  }
0x30: {  	[hbm4b:s2+s6] =	stream.linear.scatter [tilespmem:s1], [sflag:$0x1], $0x80, $0x38;
	[tilespmem:$0xA000] =	vst v63  }
0x31: {  	s4 =	ssub.s32 $0x2FFF, s12;
	s5 =	sadd.s32 $0x40, s15  }
0x32: {  	[hbm4b:s5+s6] =	stream.linear.scatter [tilespmem:s4], [sflag:$0x1], $0x80, $0x38;
	[tilespmem:$0xA000] =	vst v63  }
0x33: {  	s7 =	ssub.s32 $0x39FF, s12;
	s8 =	sadd.s32 $0x50, s15  }
0x34: {  	[hbm4b:s8+s6] =	stream.linear.scatter [tilespmem:s7], [sflag:$0x1], $0x80, $0x38;
	[tilespmem:$0xA000] =	vst v63  }
0x35: {  	s17 =	ssub.s32 $0x43FF, s12;
	s18 =	sadd.s32 $0x60, s15  }
0x36: {  	[hbm4b:s18+s6] =	stream.linear.scatter [tilespmem:s17], [sflag:$0x1], $0x80, $0x38;
	[tilespmem:$0xA000] =	vst v63  }
0x37: {  	s15 =	sadd.s32 $0x70, s15;
	s25 =	ssub.s32 $0x4DFF, s12  }
0x38: {  	[hbm4b:s15+s6] =	stream.linear.scatter [tilespmem:s25], [sflag:$0x1], $0x80, $0x38;
	[tilespmem:$0xA000] =	vst v63  }
0x39: {  	s0 =	ssub.s32 $0x87F, s12;
	s15 =	sadd.s32 s13, s20  }
0x3a: {  	[hbm4b:s15+s6] =	stream.linear.scatter [tilespmem:s0], [sflag:$0x1], $0x80, $0x38;
	[tilespmem:$0xA000] =	vst v63  }
0x3b: {  	s1 =	ssub.s32 $0x127F, s12;
	s2 =	sadd.s32 $0x10, s15  }
0x3c: {  	[hbm4b:s2+s6] =	stream.linear.scatter [tilespmem:s1], [sflag:$0x1], $0x80, $0x38;
	[tilespmem:$0xA000] =	vst v63  }
0x3d: {  	s4 =	ssub.s32 $0x1C7F, s12;
	s5 =	sadd.s32 $0x20, s15  }
0x3e: {  	[hbm4b:s5+s6] =	stream.linear.scatter [tilespmem:s4], [sflag:$0x1], $0x80, $0x38;
	[tilespmem:$0xA000] =	vst v63  }
0x3f: {  	s7 =	ssub.s32 $0x267F, s12;
	s8 =	sadd.s32 $0x30, s15  }
0x40: {  	[hbm4b:s8+s6] =	stream.linear.scatter [tilespmem:s7], [sflag:$0x1], $0x80, $0x38;
	[tilespmem:$0xA000] =	vst v63  }
0x41: {  	s17 =	ssub.s32 $0x307F, s12;
	s18 =	sadd.s32 $0x40, s15  }
0x42: {  	[hbm4b:s18+s6] =	stream.linear.scatter [tilespmem:s17], [sflag:$0x1], $0x80, $0x38;
	[tilespmem:$0xA000] =	vst v63  }
0x43: {  	s25 =	ssub.s32 $0x3A7F, s12;
	s0 =	sadd.s32 $0x50, s15  }
0x44: {  	[hbm4b:s0+s6] =	stream.linear.scatter [tilespmem:s25], [sflag:$0x1], $0x80, $0x38;
	[tilespmem:$0xA000] =	vst v63  }
0x45: {  	s1 =	ssub.s32 $0x447F, s12;
	s2 =	sadd.s32 $0x60, s15  }
0x46: {  	[hbm4b:s2+s6] =	stream.linear.scatter [tilespmem:s1], [sflag:$0x1], $0x80, $0x38;
	[tilespmem:$0xA000] =	vst v63  }
0x47: {  	s15 =	sadd.s32 $0x70, s15;
	s4 =	ssub.s32 $0x4E7F, s12  }
0x48: {  	[hbm4b:s15+s6] =	stream.linear.scatter [tilespmem:s4], [sflag:$0x1], $0x80, $0x38;
	[tilespmem:$0xA000] =	vst v63  }
0x49: {  	s5 =	ssub.s32 $0x8FF, s12;
	s15 =	sadd.s32 s13, s21  }
0x4a: {  	[hbm4b:s15+s6] =	stream.linear.scatter [tilespmem:s5], [sflag:$0x1], $0x80, $0x38;
	[tilespmem:$0xA000] =	vst v63  }
0x4b: {  	s7 =	ssub.s32 $0x12FF, s12;
	s8 =	sadd.s32 $0x10, s15  }
0x4c: {  	[hbm4b:s8+s6] =	stream.linear.scatter [tilespmem:s7], [sflag:$0x1], $0x80, $0x38;
	[tilespmem:$0xA000] =	vst v63  }
0x4d: {  	s19 =	smov.u32 s16;
	s16 =	ssub.s32 $0x1CFF, s12;
	s17 =	sadd.s32 $0x20, s15  }
0x4e: {  	[hbm4b:s17+s6] =	stream.linear.scatter [tilespmem:s16], [sflag:$0x1], $0x80, $0x38;
	[tilespmem:$0xA000] =	vst v63  }
0x4f: {  	s18 =	ssub.s32 $0x26FF, s12;
	s25 =	sadd.s32 $0x30, s15  }
0x50: {  	[hbm4b:s25+s6] =	stream.linear.scatter [tilespmem:s18], [sflag:$0x1], $0x80, $0x38;
	[tilespmem:$0xA000] =	vst v63  }
0x51: {  	s0 =	ssub.s32 $0x30FF, s12;
	s1 =	sadd.s32 $0x40, s15  }
0x52: {  	[hbm4b:s1+s6] =	stream.linear.scatter [tilespmem:s0], [sflag:$0x1], $0x80, $0x38;
	[tilespmem:$0xA000] =	vst v63  }
0x53: {  	s2 =	ssub.s32 $0x3AFF, s12;
	s4 =	sadd.s32 $0x50, s15  }
0x54: {  	[hbm4b:s4+s6] =	stream.linear.scatter [tilespmem:s2], [sflag:$0x1], $0x80, $0x38;
	[tilespmem:$0xA000] =	vst v63  }
0x55: {  	s5 =	ssub.s32 $0x44FF, s12;
	s7 =	sadd.s32 $0x60, s15  }
0x56: {  	[hbm4b:s7+s6] =	stream.linear.scatter [tilespmem:s5], [sflag:$0x1], $0x80, $0x38;
	[tilespmem:$0xA000] =	vst v63  }
0x57: {  	s8 =	ssub.s32 $0x4EFF, s12;
	s15 =	sadd.s32 $0x70, s15  }
0x58: {  	[hbm4b:s15+s6] =	stream.linear.scatter [tilespmem:s8], [sflag:$0x1], $0x80, $0x38;
	[tilespmem:$0xA000] =	vst v63  }
0x59: {  	s16 =	ssub.s32 $0x97F, s12;
	s15 =	sadd.s32 s13, s22  }
0x5a: {  	[hbm4b:s15+s6] =	stream.linear.scatter [tilespmem:s16], [sflag:$0x1], $0x80, $0x38;
	[tilespmem:$0xA000] =	vst v63  }
0x5b: {  	s17 =	ssub.s32 $0x137F, s12;
	s18 =	sadd.s32 $0x10, s15  }
0x5c: {  	[hbm4b:s18+s6] =	stream.linear.scatter [tilespmem:s17], [sflag:$0x1], $0x80, $0x38;
	[tilespmem:$0xA000] =	vst v63  }
0x5d: {  	s25 =	ssub.s32 $0x1D7F, s12;
	s0 =	sadd.s32 $0x20, s15  }
0x5e: {  	[hbm4b:s0+s6] =	stream.linear.scatter [tilespmem:s25], [sflag:$0x1], $0x80, $0x38;
	[tilespmem:$0xA000] =	vst v63  }
0x5f: {  	s1 =	ssub.s32 $0x277F, s12;
	s2 =	sadd.s32 $0x30, s15  }
0x60: {  	[hbm4b:s2+s6] =	stream.linear.scatter [tilespmem:s1], [sflag:$0x1], $0x80, $0x38;
	[tilespmem:$0xA000] =	vst v63  }
0x61: {  	s4 =	ssub.s32 $0x317F, s12;
	s5 =	sadd.s32 $0x40, s15  }
0x62: {  	[hbm4b:s5+s6] =	stream.linear.scatter [tilespmem:s4], [sflag:$0x1], $0x80, $0x38;
	[tilespmem:$0xA000] =	vst v63  }
0x63: {  	s7 =	ssub.s32 $0x3B7F, s12;
	s8 =	sadd.s32 $0x50, s15  }
0x64: {  	[hbm4b:s8+s6] =	stream.linear.scatter [tilespmem:s7], [sflag:$0x1], $0x80, $0x38;
	[tilespmem:$0xA000] =	vst v63  }
0x65: {  	s17 =	ssub.s32 $0x457F, s12;
	s18 =	sadd.s32 $0x60, s15  }
0x66: {  	[hbm4b:s18+s6] =	stream.linear.scatter [tilespmem:s17], [sflag:$0x1], $0x80, $0x38;
	[tilespmem:$0xA000] =	vst v63  }
0x67: {  	s15 =	sadd.s32 $0x70, s15;
	s25 =	ssub.s32 $0x4F7F, s12  }
0x68: {  	[hbm4b:s15+s6] =	stream.linear.scatter [tilespmem:s25], [sflag:$0x1], $0x80, $0x38;
	[tilespmem:$0xA000] =	vst v63  }
0x69: {  	s0 =	ssub.s32 $0x9FF, s12;
	s15 =	sadd.s32 s13, s23  }
0x6a: {  	[hbm4b:s15+s6] =	stream.linear.scatter [tilespmem:s0], [sflag:$0x1], $0x80, $0x38;
	[tilespmem:$0xA000] =	vst v63  }
0x6b: {  	s1 =	ssub.s32 $0x13FF, s12;
	s2 =	sadd.s32 $0x10, s15  }
0x6c: {  	[hbm4b:s2+s6] =	stream.linear.scatter [tilespmem:s1], [sflag:$0x1], $0x80, $0x38;
	[tilespmem:$0xA000] =	vst v63  }
0x6d: {  	s4 =	ssub.s32 $0x1DFF, s12;
	s5 =	sadd.s32 $0x20, s15  }
0x6e: {  	[hbm4b:s5+s6] =	stream.linear.scatter [tilespmem:s4], [sflag:$0x1], $0x80, $0x38;
	[tilespmem:$0xA000] =	vst v63  }
0x6f: {  	s7 =	ssub.s32 $0x27FF, s12;
	s8 =	sadd.s32 $0x30, s15  }
0x70: {  	[hbm4b:s8+s6] =	stream.linear.scatter [tilespmem:s7], [sflag:$0x1], $0x80, $0x38;
	[tilespmem:$0xA000] =	vst v63  }
0x71: {  	s17 =	ssub.s32 $0x31FF, s12;
	s18 =	sadd.s32 $0x40, s15  }
0x72: {  	[hbm4b:s18+s6] =	stream.linear.scatter [tilespmem:s17], [sflag:$0x1], $0x80, $0x38;
	[tilespmem:$0xA000] =	vst v63  }
0x73: {  	s25 =	ssub.s32 $0x3BFF, s12;
	s0 =	sadd.s32 $0x50, s15  }
0x74: {  	[hbm4b:s0+s6] =	stream.linear.scatter [tilespmem:s25], [sflag:$0x1], $0x80, $0x38;
	[tilespmem:$0xA000] =	vst v63  }
0x75: {  	s1 =	ssub.s32 $0x45FF, s12;
	s2 =	sadd.s32 $0x60, s15  }
0x76: {  	[hbm4b:s2+s6] =	stream.linear.scatter [tilespmem:s1], [sflag:$0x1], $0x80, $0x38;
	[tilespmem:$0xA000] =	vst v63  }
0x77: {  	s15 =	sadd.s32 $0x70, s15;
	s4 =	ssub.s32 $0x4FFF, s12  }
0x78: {  	[hbm4b:s15+s6] =	stream.linear.scatter [tilespmem:s4], [sflag:$0x1], $0x80, $0x38;
	[tilespmem:$0xA000] =	vst v63  }
0x79: {  	s5 =	ssub.s32 $0xA7F, s12;
	s15 =	sadd.s32 s13, s24  }
0x7a: {  	[hbm4b:s15+s6] =	stream.linear.scatter [tilespmem:s5], [sflag:$0x1], $0x80, $0x38;
	[tilespmem:$0xA000] =	vst v63  }
0x7b: {  	s7 =	ssub.s32 $0x147F, s12;
	s8 =	sadd.s32 $0x10, s15  }
0x7c: {  	[hbm4b:s8+s6] =	stream.linear.scatter [tilespmem:s7], [sflag:$0x1], $0x80, $0x38;
	[tilespmem:$0xA000] =	vst v63  }
0x7d: {  	s16 =	ssub.s32 $0x1E7F, s12;
	s17 =	sadd.s32 $0x20, s15  }
0x7e: {  	[hbm4b:s17+s6] =	stream.linear.scatter [tilespmem:s16], [sflag:$0x1], $0x80, $0x38;
	[tilespmem:$0xA000] =	vst v63  }
0x7f: {  	s18 =	ssub.s32 $0x287F, s12;
	s25 =	sadd.s32 $0x30, s15  }
0x80: {  	[hbm4b:s25+s6] =	stream.linear.scatter [tilespmem:s18], [sflag:$0x1], $0x80, $0x38;
	[tilespmem:$0xA000] =	vst v63  }
0x81: {  	s0 =	ssub.s32 $0x327F, s12;
	s1 =	sadd.s32 $0x40, s15  }
0x82: {  	[hbm4b:s1+s6] =	stream.linear.scatter [tilespmem:s0], [sflag:$0x1], $0x80, $0x38;
	[tilespmem:$0xA000] =	vst v63  }
0x83: {  	s2 =	ssub.s32 $0x3C7F, s12;
	s4 =	sadd.s32 $0x50, s15  }
0x84: {  	[hbm4b:s4+s6] =	stream.linear.scatter [tilespmem:s2], [sflag:$0x1], $0x80, $0x38;
	[tilespmem:$0xA000] =	vst v63  }
0x85: {  	s5 =	ssub.s32 $0x467F, s12;
	s7 =	sadd.s32 $0x60, s15  }
0x86: {  	[hbm4b:s7+s6] =	stream.linear.scatter [tilespmem:s5], [sflag:$0x1], $0x80, $0x38;
	[tilespmem:$0xA000] =	vst v63  }
0x87: {  	s8 =	ssub.s32 $0x507F, s12;
	s15 =	sadd.s32 $0x70, s15  }
0x88: {  	[hbm4b:s15+s6] =	stream.linear.scatter [tilespmem:s8], [sflag:$0x1], $0x80, $0x38;
	[tilespmem:$0xA000] =	vst v63  }
0x89: {  	s16 =	ssub.s32 $0xAFF, s12;
	s15 =	sadd.s32 s13, s26  }
0x8a: {  	[hbm4b:s15+s6] =	stream.linear.scatter [tilespmem:s16], [sflag:$0x1], $0x80, $0x38;
	[tilespmem:$0xA000] =	vst v63  }
0x8b: {  	s17 =	ssub.s32 $0x14FF, s12;
	s18 =	sadd.s32 $0x10, s15  }
0x8c: {  	[hbm4b:s18+s6] =	stream.linear.scatter [tilespmem:s17], [sflag:$0x1], $0x80, $0x38;
	[tilespmem:$0xA000] =	vst v63  }
0x8d: {  	s25 =	ssub.s32 $0x1EFF, s12;
	s0 =	sadd.s32 $0x20, s15  }
0x8e: {  	[hbm4b:s0+s6] =	stream.linear.scatter [tilespmem:s25], [sflag:$0x1], $0x80, $0x38;
	[tilespmem:$0xA000] =	vst v63  }
0x8f: {  	s1 =	ssub.s32 $0x28FF, s12;
	s2 =	sadd.s32 $0x30, s15  }
0x90: {  	[hbm4b:s2+s6] =	stream.linear.scatter [tilespmem:s1], [sflag:$0x1], $0x80, $0x38;
	[tilespmem:$0xA000] =	vst v63  }
0x91: {  	s4 =	ssub.s32 $0x32FF, s12;
	s5 =	sadd.s32 $0x40, s15  }
0x92: {  	[hbm4b:s5+s6] =	stream.linear.scatter [tilespmem:s4], [sflag:$0x1], $0x80, $0x38;
	[tilespmem:$0xA000] =	vst v63  }
0x93: {  	s7 =	ssub.s32 $0x3CFF, s12;
	s8 =	sadd.s32 $0x50, s15  }
0x94: {  	[hbm4b:s8+s6] =	stream.linear.scatter [tilespmem:s7], [sflag:$0x1], $0x80, $0x38;
	[tilespmem:$0xA000] =	vst v63  }
0x95: {  	s17 =	ssub.s32 $0x46FF, s12;
	s18 =	sadd.s32 $0x60, s15  }
0x96: {  	[hbm4b:s18+s6] =	stream.linear.scatter [tilespmem:s17], [sflag:$0x1], $0x80, $0x38;
	[tilespmem:$0xA000] =	vst v63  }
0x97: {  	s15 =	sadd.s32 $0x70, s15;
	s25 =	ssub.s32 $0x50FF, s12  }
0x98: {  	[hbm4b:s15+s6] =	stream.linear.scatter [tilespmem:s25], [sflag:$0x1], $0x80, $0x38;
	[tilespmem:$0xA000] =	vst v63  }
0x99: {  	s0 =	ssub.s32 $0xB7F, s12;
	s15 =	sadd.s32 s13, s28  }
0x9a: {  	[hbm4b:s15+s6] =	stream.linear.scatter [tilespmem:s0], [sflag:$0x1], $0x80, $0x38;
	[tilespmem:$0xA000] =	vst v63  }
0x9b: {  	s1 =	ssub.s32 $0x157F, s12;
	s2 =	sadd.s32 $0x10, s15  }
0x9c: {  	[hbm4b:s2+s6] =	stream.linear.scatter [tilespmem:s1], [sflag:$0x1], $0x80, $0x38;
	[tilespmem:$0xA000] =	vst v63  }
0x9d: {  	s4 =	ssub.s32 $0x1F7F, s12;
	s5 =	sadd.s32 $0x20, s15  }
0x9e: {  	[hbm4b:s5+s6] =	stream.linear.scatter [tilespmem:s4], [sflag:$0x1], $0x80, $0x38;
	[tilespmem:$0xA000] =	vst v63  }
0x9f: {  	s7 =	ssub.s32 $0x297F, s12;
	s8 =	sadd.s32 $0x30, s15  }
0xa0: {  	[hbm4b:s8+s6] =	stream.linear.scatter [tilespmem:s7], [sflag:$0x1], $0x80, $0x38;
	[tilespmem:$0xA000] =	vst v63  }
0xa1: {  	s17 =	ssub.s32 $0x337F, s12;
	s18 =	sadd.s32 $0x40, s15  }
0xa2: {  	[hbm4b:s18+s6] =	stream.linear.scatter [tilespmem:s17], [sflag:$0x1], $0x80, $0x38;
	[tilespmem:$0xA000] =	vst v63  }
0xa3: {  	s25 =	ssub.s32 $0x3D7F, s12;
	s0 =	sadd.s32 $0x50, s15  }
0xa4: {  	[hbm4b:s0+s6] =	stream.linear.scatter [tilespmem:s25], [sflag:$0x1], $0x80, $0x38;
	[tilespmem:$0xA000] =	vst v63  }
0xa5: {  	s1 =	ssub.s32 $0x477F, s12;
	s2 =	sadd.s32 $0x60, s15  }
0xa6: {  	[hbm4b:s2+s6] =	stream.linear.scatter [tilespmem:s1], [sflag:$0x1], $0x80, $0x38;
	[tilespmem:$0xA000] =	vst v63  }
0xa7: {  	s15 =	sadd.s32 $0x70, s15;
	s4 =	ssub.s32 $0x517F, s12  }
0xa8: {  	[hbm4b:s15+s6] =	stream.linear.scatter [tilespmem:s4], [sflag:$0x1], $0x80, $0x38;
	[tilespmem:$0xA000] =	vst v63  }
0xa9: {  	s5 =	ssub.s32 $0xBFF, s12;
	s15 =	sadd.s32 s13, s29  }
0xaa: {  	[hbm4b:s15+s6] =	stream.linear.scatter [tilespmem:s5], [sflag:$0x1], $0x80, $0x38;
	[tilespmem:$0xA000] =	vst v63  }
0xab: {  	s7 =	ssub.s32 $0x15FF, s12;
	s8 =	sadd.s32 $0x10, s15  }
0xac: {  	[hbm4b:s8+s6] =	stream.linear.scatter [tilespmem:s7], [sflag:$0x1], $0x80, $0x38;
	[tilespmem:$0xA000] =	vst v63  }
0xad: {  	s16 =	ssub.s32 $0x1FFF, s12;
	s17 =	sadd.s32 $0x20, s15  }
0xae: {  	[hbm4b:s17+s6] =	stream.linear.scatter [tilespmem:s16], [sflag:$0x1], $0x80, $0x38;
	[tilespmem:$0xA000] =	vst v63  }
0xaf: {  	s18 =	ssub.s32 $0x29FF, s12;
	s25 =	sadd.s32 $0x30, s15  }
0xb0: {  	[hbm4b:s25+s6] =	stream.linear.scatter [tilespmem:s18], [sflag:$0x1], $0x80, $0x38;
	[tilespmem:$0xA000] =	vst v63  }
0xb1: {  	s0 =	ssub.s32 $0x33FF, s12;
	s1 =	sadd.s32 $0x40, s15  }
0xb2: {  	[hbm4b:s1+s6] =	stream.linear.scatter [tilespmem:s0], [sflag:$0x1], $0x80, $0x38;
	[tilespmem:$0xA000] =	vst v63  }
0xb3: {  	s2 =	ssub.s32 $0x3DFF, s12;
	s4 =	sadd.s32 $0x50, s15  }
0xb4: {  	[hbm4b:s4+s6] =	stream.linear.scatter [tilespmem:s2], [sflag:$0x1], $0x80, $0x38;
	[tilespmem:$0xA000] =	vst v63  }
0xb5: {  	s5 =	ssub.s32 $0x47FF, s12;
	s7 =	sadd.s32 $0x60, s15  }
0xb6: {  	[hbm4b:s7+s6] =	stream.linear.scatter [tilespmem:s5], [sflag:$0x1], $0x80, $0x38;
	[tilespmem:$0xA000] =	vst v63  }
0xb7: {  	s8 =	ssub.s32 $0x51FF, s12;
	s15 =	sadd.s32 $0x70, s15  }
0xb8: {  	[hbm4b:s15+s6] =	stream.linear.scatter [tilespmem:s8], [sflag:$0x1], $0x80, $0x38;
	[tilespmem:$0xA000] =	vst v63  }
0xb9: {  	s16 =	ssub.s32 $0xC7F, s12;
	s15 =	sadd.s32 s13, s30  }
0xba: {  	[hbm4b:s15+s6] =	stream.linear.scatter [tilespmem:s16], [sflag:$0x1], $0x80, $0x38;
	[tilespmem:$0xA000] =	vst v63  }
0xbb: {  	s17 =	ssub.s32 $0x167F, s12;
	s18 =	sadd.s32 $0x10, s15  }
0xbc: {  	[hbm4b:s18+s6] =	stream.linear.scatter [tilespmem:s17], [sflag:$0x1], $0x80, $0x38;
	[tilespmem:$0xA000] =	vst v63  }
0xbd: {  	s25 =	ssub.s32 $0x207F, s12;
	s0 =	sadd.s32 $0x20, s15  }
0xbe: {  	[hbm4b:s0+s6] =	stream.linear.scatter [tilespmem:s25], [sflag:$0x1], $0x80, $0x38;
	[tilespmem:$0xA000] =	vst v63  }
0xbf: {  	s1 =	ssub.s32 $0x2A7F, s12;
	s2 =	sadd.s32 $0x30, s15  }
0xc0: {  	[hbm4b:s2+s6] =	stream.linear.scatter [tilespmem:s1], [sflag:$0x1], $0x80, $0x38;
	[tilespmem:$0xA000] =	vst v63  }
0xc1: {  	s4 =	ssub.s32 $0x347F, s12;
	s5 =	sadd.s32 $0x40, s15  }
0xc2: {  	[hbm4b:s5+s6] =	stream.linear.scatter [tilespmem:s4], [sflag:$0x1], $0x80, $0x38;
	[tilespmem:$0xA000] =	vst v63  }
0xc3: {  	s7 =	ssub.s32 $0x3E7F, s12;
	s8 =	sadd.s32 $0x50, s15  }
0xc4: {  	[hbm4b:s8+s6] =	stream.linear.scatter [tilespmem:s7], [sflag:$0x1], $0x80, $0x38;
	[tilespmem:$0xA000] =	vst v63  }
0xc5: {  	s17 =	ssub.s32 $0x487F, s12;
	s18 =	sadd.s32 $0x60, s15  }
0xc6: {  	[hbm4b:s18+s6] =	stream.linear.scatter [tilespmem:s17], [sflag:$0x1], $0x80, $0x38;
	[tilespmem:$0xA000] =	vst v63  }
0xc7: {  	s15 =	sadd.s32 $0x70, s15;
	s25 =	ssub.s32 $0x527F, s12  }
0xc8: {  	[hbm4b:s15+s6] =	stream.linear.scatter [tilespmem:s25], [sflag:$0x1], $0x80, $0x38;
	[tilespmem:$0xA000] =	vst v63  }
0xc9: {  	s0 =	ssub.s32 $0xCFF, s12;
	s15 =	sadd.s32 s13, s31  }
0xca: {  	[hbm4b:s15+s6] =	stream.linear.scatter [tilespmem:s0], [sflag:$0x1], $0x80, $0x38;
	[tilespmem:$0xA000] =	vst v63  }
0xcb: {  	s1 =	ssub.s32 $0x16FF, s12;
	s2 =	sadd.s32 $0x10, s15  }
0xcc: {  	[hbm4b:s2+s6] =	stream.linear.scatter [tilespmem:s1], [sflag:$0x1], $0x80, $0x38;
	[tilespmem:$0xA000] =	vst v63  }
0xcd: {  	s4 =	ssub.s32 $0x20FF, s12;
	s5 =	sadd.s32 $0x20, s15  }
0xce: {  	[hbm4b:s5+s6] =	stream.linear.scatter [tilespmem:s4], [sflag:$0x1], $0x80, $0x38;
	[tilespmem:$0xA000] =	vst v63  }
0xcf: {  	s7 =	ssub.s32 $0x2AFF, s12;
	s8 =	sadd.s32 $0x30, s15  }
0xd0: {  	[hbm4b:s8+s6] =	stream.linear.scatter [tilespmem:s7], [sflag:$0x1], $0x80, $0x38;
	[tilespmem:$0xA000] =	vst v63  }
0xd1: {  	s17 =	ssub.s32 $0x34FF, s12;
	s18 =	sadd.s32 $0x40, s15  }
0xd2: {  	[hbm4b:s18+s6] =	stream.linear.scatter [tilespmem:s17], [sflag:$0x1], $0x80, $0x38;
	[tilespmem:$0xA000] =	vst v63  }
0xd3: {  	s25 =	ssub.s32 $0x3EFF, s12;
	s0 =	sadd.s32 $0x50, s15  }
0xd4: {  	[hbm4b:s0+s6] =	stream.linear.scatter [tilespmem:s25], [sflag:$0x1], $0x80, $0x38;
	[tilespmem:$0xA000] =	vst v63  }
0xd5: {  	s1 =	ssub.s32 $0x48FF, s12;
	s2 =	sadd.s32 $0x60, s15  }
0xd6: {  	[hbm4b:s2+s6] =	stream.linear.scatter [tilespmem:s1], [sflag:$0x1], $0x80, $0x38;
	[tilespmem:$0xA000] =	vst v63  }
0xd7: {  	s15 =	sadd.s32 $0x70, s15;
	s4 =	ssub.s32 $0x52FF, s12  }
0xd8: {  	[hbm4b:s15+s6] =	stream.linear.scatter [tilespmem:s4], [sflag:$0x1], $0x80, $0x38;
	[tilespmem:$0xA000] =	vst v63  }
0xd9: {  	s5 =	ssub.s32 $0xD7F, s12;
	s15 =	sadd.s32 s13, s3  }
0xda: {  	[hbm4b:s15+s6] =	stream.linear.scatter [tilespmem:s5], [sflag:$0x1], $0x80, $0x38;
	[tilespmem:$0xA000] =	vst v63  }
0xdb: {  	s7 =	ssub.s32 $0x177F, s12;
	s8 =	sadd.s32 $0x10, s15  }
0xdc: {  	[hbm4b:s8+s6] =	stream.linear.scatter [tilespmem:s7], [sflag:$0x1], $0x80, $0x38;
	[tilespmem:$0xA000] =	vst v63  }
0xdd: {  	s17 =	ssub.s32 $0x217F, s12;
	s18 =	sadd.s32 $0x20, s15  }
0xde: {  	[hbm4b:s18+s6] =	stream.linear.scatter [tilespmem:s17], [sflag:$0x1], $0x80, $0x38;
	[tilespmem:$0xA000] =	vst v63  }
0xdf: {  	s25 =	ssub.s32 $0x2B7F, s12;
	s0 =	sadd.s32 $0x30, s15  }
0xe0: {  	[hbm4b:s0+s6] =	stream.linear.scatter [tilespmem:s25], [sflag:$0x1], $0x80, $0x38;
	[tilespmem:$0xA000] =	vst v63  }
0xe1: {  	s1 =	ssub.s32 $0x357F, s12;
	s2 =	sadd.s32 $0x40, s15  }
0xe2: {  	[hbm4b:s2+s6] =	stream.linear.scatter [tilespmem:s1], [sflag:$0x1], $0x80, $0x38;
	[tilespmem:$0xA000] =	vst v63  }
0xe3: {  	s4 =	ssub.s32 $0x3F7F, s12;
	s5 =	sadd.s32 $0x50, s15  }
0xe4: {  	[hbm4b:s5+s6] =	stream.linear.scatter [tilespmem:s4], [sflag:$0x1], $0x80, $0x38;
	[tilespmem:$0xA000] =	vst v63  }
0xe5: {  	s7 =	ssub.s32 $0x497F, s12;
	s8 =	sadd.s32 $0x60, s15  }
0xe6: {  	[hbm4b:s8+s6] =	stream.linear.scatter [tilespmem:s7], [sflag:$0x1], $0x80, $0x38;
	[tilespmem:$0xA000] =	vst v63  }
0xe7: {  	s16 =	ssub.s32 $0x537F, s12;
	s15 =	sadd.s32 $0x70, s15;
	s8 =	rddreg [dreg:$0x4]  }
0xe8: {  	[hbm4b:s15+s6] =	stream.linear.scatter [tilespmem:s16], [sflag:$0x1], $0x80, $0x38;
	[tilespmem:$0xA000] =	vst v63  }
0xe9: {  	s17 =	ssub.s32 $0xDFF, s12;
	s15 =	sadd.s32 s13, s8  }
0xea: {  	[hbm4b:s15+s6] =	stream.linear.scatter [tilespmem:s17], [sflag:$0x1], $0x80, $0x38;
	[tilespmem:$0xA000] =	vst v63  }
0xeb: {  	s18 =	ssub.s32 $0x17FF, s12;
	s25 =	sadd.s32 $0x10, s15  }
0xec: {  	[hbm4b:s25+s6] =	stream.linear.scatter [tilespmem:s18], [sflag:$0x1], $0x80, $0x38;
	[tilespmem:$0xA000] =	vst v63  }
0xed: {  	s0 =	ssub.s32 $0x21FF, s12;
	s1 =	sadd.s32 $0x20, s15  }
0xee: {  	[hbm4b:s1+s6] =	stream.linear.scatter [tilespmem:s0], [sflag:$0x1], $0x80, $0x38;
	[tilespmem:$0xA000] =	vst v63  }
0xef: {  	s2 =	ssub.s32 $0x2BFF, s12;
	s4 =	sadd.s32 $0x30, s15  }
0xf0: {  	[hbm4b:s4+s6] =	stream.linear.scatter [tilespmem:s2], [sflag:$0x1], $0x80, $0x38;
	[tilespmem:$0xA000] =	vst v63  }
0xf1: {  	s5 =	ssub.s32 $0x35FF, s12;
	s7 =	sadd.s32 $0x40, s15  }
0xf2: {  	[hbm4b:s7+s6] =	stream.linear.scatter [tilespmem:s5], [sflag:$0x1], $0x80, $0x38;
	[tilespmem:$0xA000] =	vst v63  }
0xf3: {  	s17 =	ssub.s32 $0x3FFF, s12;
	s18 =	sadd.s32 $0x50, s15  }
0xf4: {  	[hbm4b:s18+s6] =	stream.linear.scatter [tilespmem:s17], [sflag:$0x1], $0x80, $0x38;
	[tilespmem:$0xA000] =	vst v63  }
0xf5: {  	s25 =	ssub.s32 $0x49FF, s12;
	s0 =	sadd.s32 $0x60, s15  }
0xf6: {  	[hbm4b:s0+s6] =	stream.linear.scatter [tilespmem:s25], [sflag:$0x1], $0x80, $0x38;
	[tilespmem:$0xA000] =	vst v63  }
0xf7: {  	s1 =	ssub.s32 $0x53FF, s12;
	s15 =	sadd.s32 $0x70, s15;
	s7 =	rddreg [dreg:$0x5]  }
0xf8: {  	[hbm4b:s15+s6] =	stream.linear.scatter [tilespmem:s1], [sflag:$0x1], $0x80, $0x38;
	[tilespmem:$0xA000] =	vst v63  }
0xf9: {  	s2 =	ssub.s32 $0xE7F, s12;
	s15 =	sadd.s32 s13, s7  }
0xfa: {  	[hbm4b:s15+s6] =	stream.linear.scatter [tilespmem:s2], [sflag:$0x1], $0x80, $0x38;
	[tilespmem:$0xA000] =	vst v63  }
0xfb: {  	s4 =	ssub.s32 $0x187F, s12;
	s5 =	sadd.s32 $0x10, s15  }
0xfc: {  	[hbm4b:s5+s6] =	stream.linear.scatter [tilespmem:s4], [sflag:$0x1], $0x80, $0x38;
	[tilespmem:$0xA000] =	vst v63  }
0xfd: {  	s17 =	ssub.s32 $0x227F, s12;
	s18 =	sadd.s32 $0x20, s15  }
0xfe: {  	[hbm4b:s18+s6] =	stream.linear.scatter [tilespmem:s17], [sflag:$0x1], $0x80, $0x38;
	[tilespmem:$0xA000] =	vst v63  }
0xff: {  	s25 =	ssub.s32 $0x2C7F, s12;
	s0 =	sadd.s32 $0x30, s15  }
0x100: {  	[hbm4b:s0+s6] =	stream.linear.scatter [tilespmem:s25], [sflag:$0x1], $0x80, $0x38;
	[tilespmem:$0xA000] =	vst v63  }
0x101: {  	s1 =	ssub.s32 $0x367F, s12;
	s2 =	sadd.s32 $0x40, s15  }
0x102: {  	[hbm4b:s2+s6] =	stream.linear.scatter [tilespmem:s1], [sflag:$0x1], $0x80, $0x38;
	[tilespmem:$0xA000] =	vst v63  }
0x103: {  	s4 =	ssub.s32 $0x407F, s12;
	s5 =	sadd.s32 $0x50, s15  }
0x104: {  	[hbm4b:s5+s6] =	stream.linear.scatter [tilespmem:s4], [sflag:$0x1], $0x80, $0x38;
	[tilespmem:$0xA000] =	vst v63  }
0x105: {  	s17 =	ssub.s32 $0x4A7F, s12;
	s18 =	sadd.s32 $0x60, s15  }
0x106: {  	[hbm4b:s18+s6] =	stream.linear.scatter [tilespmem:s17], [sflag:$0x1], $0x80, $0x38;
	[tilespmem:$0xA000] =	vst v63  }
0x107: {  	s15 =	sadd.s32 $0x70, s15;
	s25 =	ssub.s32 $0x547F, s12  }
0x108: {  	[hbm4b:s15+s6] =	stream.linear.scatter [tilespmem:s25], [sflag:$0x1], $0x80, $0x38;
	[tilespmem:$0xA000] =	vst v63  }
0x109: {  	s25 =	rddreg [dreg:$0x6]  }
0x10a: {  	s0 =	ssub.s32 $0xEFF, s12;
	s15 =	sadd.s32 s13, s25  }
0x10b: {  	[hbm4b:s15+s6] =	stream.linear.scatter [tilespmem:s0], [sflag:$0x1], $0x80, $0x38;
	[tilespmem:$0xA000] =	vst v63  }
0x10c: {  	s1 =	ssub.s32 $0x18FF, s12;
	s2 =	sadd.s32 $0x10, s15  }
0x10d: {  	[hbm4b:s2+s6] =	stream.linear.scatter [tilespmem:s1], [sflag:$0x1], $0x80, $0x38;
	[tilespmem:$0xA000] =	vst v63  }
0x10e: {  	s4 =	ssub.s32 $0x22FF, s12;
	s5 =	sadd.s32 $0x20, s15  }
0x10f: {  	[hbm4b:s5+s6] =	stream.linear.scatter [tilespmem:s4], [sflag:$0x1], $0x80, $0x38;
	[tilespmem:$0xA000] =	vst v63  }
0x110: {  	s16 =	ssub.s32 $0x2CFF, s12;
	s17 =	sadd.s32 $0x30, s15  }
0x111: {  	[hbm4b:s17+s6] =	stream.linear.scatter [tilespmem:s16], [sflag:$0x1], $0x80, $0x38;
	[tilespmem:$0xA000] =	vst v63  }
0x112: {  	s18 =	ssub.s32 $0x36FF, s12;
	s0 =	sadd.s32 $0x40, s15  }
0x113: {  	[hbm4b:s0+s6] =	stream.linear.scatter [tilespmem:s18], [sflag:$0x1], $0x80, $0x38;
	[tilespmem:$0xA000] =	vst v63  }
0x114: {  	s1 =	ssub.s32 $0x40FF, s12;
	s2 =	sadd.s32 $0x50, s15  }
0x115: {  	[hbm4b:s2+s6] =	stream.linear.scatter [tilespmem:s1], [sflag:$0x1], $0x80, $0x38;
	[tilespmem:$0xA000] =	vst v63  }
0x116: {  	s4 =	ssub.s32 $0x4AFF, s12;
	s5 =	sadd.s32 $0x60, s15  }
0x117: {  	[hbm4b:s5+s6] =	stream.linear.scatter [tilespmem:s4], [sflag:$0x1], $0x80, $0x38;
	[tilespmem:$0xA000] =	vst v63  }
0x118: {  	s15 =	sadd.s32 $0x70, s15;
	s17 =	ssub.s32 $0x54FF, s12;
	s2 =	rddreg [dreg:$0x7]  }
0x119: {  	[hbm4b:s15+s6] =	stream.linear.scatter [tilespmem:s17], [sflag:$0x1], $0x80, $0x38;
	[tilespmem:$0xA000] =	vst v63  }
0x11a: {  	s18 =	ssub.s32 $0xF7F, s12;
	s15 =	sadd.s32 s13, s2  }
0x11b: {  	[hbm4b:s15+s6] =	stream.linear.scatter [tilespmem:s18], [sflag:$0x1], $0x80, $0x38;
	[tilespmem:$0xA000] =	vst v63  }
0x11c: {  	s0 =	ssub.s32 $0x197F, s12;
	s1 =	sadd.s32 $0x10, s15  }
0x11d: {  	[hbm4b:s1+s6] =	stream.linear.scatter [tilespmem:s0], [sflag:$0x1], $0x80, $0x38;
	[tilespmem:$0xA000] =	vst v63  }
0x11e: {  	s4 =	ssub.s32 $0x237F, s12;
	s5 =	sadd.s32 $0x20, s15  }
0x11f: {  	[hbm4b:s5+s6] =	stream.linear.scatter [tilespmem:s4], [sflag:$0x1], $0x80, $0x38;
	[tilespmem:$0xA000] =	vst v63  }
0x120: {  	s17 =	ssub.s32 $0x2D7F, s12;
	s18 =	sadd.s32 $0x30, s15  }
0x121: {  	[hbm4b:s18+s6] =	stream.linear.scatter [tilespmem:s17], [sflag:$0x1], $0x80, $0x38;
	[tilespmem:$0xA000] =	vst v63  }
0x122: {  	s0 =	ssub.s32 $0x377F, s12;
	s1 =	sadd.s32 $0x40, s15  }
0x123: {  	[hbm4b:s1+s6] =	stream.linear.scatter [tilespmem:s0], [sflag:$0x1], $0x80, $0x38;
	[tilespmem:$0xA000] =	vst v63  }
0x124: {  	s4 =	ssub.s32 $0x417F, s12;
	s5 =	sadd.s32 $0x50, s15  }
0x125: {  	[hbm4b:s5+s6] =	stream.linear.scatter [tilespmem:s4], [sflag:$0x1], $0x80, $0x38;
	[tilespmem:$0xA000] =	vst v63  }
0x126: {  	s16 =	ssub.s32 $0x4B7F, s12;
	s17 =	sadd.s32 $0x60, s15  }
0x127: {  	[hbm4b:s17+s6] =	stream.linear.scatter [tilespmem:s16], [sflag:$0x1], $0x80, $0x38;
	[tilespmem:$0xA000] =	vst v63  }
0x128: {  	s18 =	ssub.s32 $0x557F, s12;
	s15 =	sadd.s32 $0x70, s15;
	s1 =	rddreg [dreg:$0x8]  }
0x129: {  	[hbm4b:s15+s6] =	stream.linear.scatter [tilespmem:s18], [sflag:$0x1], $0x80, $0x38;
	[tilespmem:$0xA000] =	vst v63  }
0x12a: {  	s0 =	ssub.s32 $0x57FF, s12;
	s14 =	sadd.s32 s13, s1  }
0x12b: {  	[hbm4b:s14+s6] =	stream.linear.scatter [tilespmem:s0], [sflag:$0x1], $0x80, $0x38;
	[tilespmem:$0xA000] =	vst v63  }
0x12c: {  	s4 =	ssub.s32 $0x61FF, s12;
	s5 =	sadd.s32 $0x10, s14  }
0x12d: {  	[hbm4b:s5+s6] =	stream.linear.scatter [tilespmem:s4], [sflag:$0x1], $0x80, $0x38;
	[tilespmem:$0xA000] =	vst v63  }
0x12e: {  	s16 =	ssub.s32 $0x6BFF, s12;
	s17 =	sadd.s32 $0x20, s14  }
0x12f: {  	[hbm4b:s17+s6] =	stream.linear.scatter [tilespmem:s16], [sflag:$0x1], $0x80, $0x38;
	[tilespmem:$0xA000] =	vst v63  }
0x130: {  	s18 =	ssub.s32 $0x75FF, s12;
	s0 =	sadd.s32 $0x30, s14  }
0x131: {  	[hbm4b:s0+s6] =	stream.linear.scatter [tilespmem:s18], [sflag:$0x1], $0x80, $0x38;
	[tilespmem:$0xA000] =	vst v63  }
0x132: {  	s4 =	ssub.s32 $0x7FFF, s12;
	s5 =	sadd.s32 $0x40, s14  }
0x133: {  	[hbm4b:s5+s6] =	stream.linear.scatter [tilespmem:s4], [sflag:$0x1], $0x80, $0x38;
	[tilespmem:$0xA000] =	vst v63  }
0x134: {  	s17 =	ssub.s32 $0x89FF, s12;
	s18 =	sadd.s32 $0x50, s14  }
0x135: {  	[hbm4b:s18+s6] =	stream.linear.scatter [tilespmem:s17], [sflag:$0x1], $0x80, $0x38;
	[tilespmem:$0xA000] =	vst v63  }
0x136: {  	s0 =	ssub.s32 $0x93FF, s12;
	s4 =	sadd.s32 $0x60, s14  }
0x137: {  	[hbm4b:s4+s6] =	stream.linear.scatter [tilespmem:s0], [sflag:$0x1], $0x80, $0x38;
	[tilespmem:$0xA000] =	vst v63  }
0x138: {  	s5 =	ssub.s32 $0x9DFF, s12;
	s14 =	sadd.s32 $0x70, s14;
	s4 =	rddreg [dreg:$0x9]  }
0x139: {  	[hbm4b:s14+s6] =	stream.linear.scatter [tilespmem:s5], [sflag:$0x1], $0x80, $0x38;
	[tilespmem:$0xA000] =	vst v63  }
0x13a: {  	s16 =	ssub.s32 $0x587F, s12;
	s14 =	sadd.s32 s13, s4  }
0x13b: {  	[hbm4b:s14+s6] =	stream.linear.scatter [tilespmem:s16], [sflag:$0x1], $0x80, $0x38;
	[tilespmem:$0xA000] =	vst v63  }
0x13c: {  	s17 =	ssub.s32 $0x627F, s12;
	s18 =	sadd.s32 $0x10, s14  }
0x13d: {  	[hbm4b:s18+s6] =	stream.linear.scatter [tilespmem:s17], [sflag:$0x1], $0x80, $0x38;
	[tilespmem:$0xA000] =	vst v63  }
0x13e: {  	s0 =	ssub.s32 $0x6C7F, s12;
	s5 =	sadd.s32 $0x20, s14  }
0x13f: {  	[hbm4b:s5+s6] =	stream.linear.scatter [tilespmem:s0], [sflag:$0x1], $0x80, $0x38;
	[tilespmem:$0xA000] =	vst v63  }
0x140: {  	s17 =	ssub.s32 $0x767F, s12;
	s18 =	sadd.s32 $0x30, s14  }
0x141: {  	[hbm4b:s18+s6] =	stream.linear.scatter [tilespmem:s17], [sflag:$0x1], $0x80, $0x38;
	[tilespmem:$0xA000] =	vst v63  }
0x142: {  	s0 =	ssub.s32 $0x807F, s12;
	s5 =	sadd.s32 $0x40, s14  }
0x143: {  	[hbm4b:s5+s6] =	stream.linear.scatter [tilespmem:s0], [sflag:$0x1], $0x80, $0x38;
	[tilespmem:$0xA000] =	vst v63  }
0x144: {  	s17 =	ssub.s32 $0x8A7F, s12;
	s18 =	sadd.s32 $0x50, s14  }
0x145: {  	[hbm4b:s18+s6] =	stream.linear.scatter [tilespmem:s17], [sflag:$0x1], $0x80, $0x38;
	[tilespmem:$0xA000] =	vst v63  }
0x146: {  	s0 =	ssub.s32 $0x947F, s12;
	s5 =	sadd.s32 $0x60, s14  }
0x147: {  	[hbm4b:s5+s6] =	stream.linear.scatter [tilespmem:s0], [sflag:$0x1], $0x80, $0x38;
	[tilespmem:$0xA000] =	vst v63  }
0x148: {  	s16 =	ssub.s32 $0x9E7F, s12;
	s14 =	sadd.s32 $0x70, s14;
	s0 =	rddreg [dreg:$0xb]  }
0x149: {  	[hbm4b:s14+s6] =	stream.linear.scatter [tilespmem:s16], [sflag:$0x1], $0x80, $0x38;
	[tilespmem:$0xA000] =	vst v63  }
0x14a: {  	s17 =	ssub.s32 $0x58FF, s12;
	s14 =	sadd.s32 s13, s0  }
0x14b: {  	[hbm4b:s14+s6] =	stream.linear.scatter [tilespmem:s17], [sflag:$0x1], $0x80, $0x38;
	[tilespmem:$0xA000] =	vst v63  }
0x14c: {  	s18 =	ssub.s32 $0x62FF, s12;
	s5 =	sadd.s32 $0x10, s14  }
0x14d: {  	[hbm4b:s5+s6] =	stream.linear.scatter [tilespmem:s18], [sflag:$0x1], $0x80, $0x38;
	[tilespmem:$0xA000] =	vst v63  }
0x14e: {  	s16 =	ssub.s32 $0x6CFF, s12;
	s17 =	sadd.s32 $0x20, s14  }
0x14f: {  	[hbm4b:s17+s6] =	stream.linear.scatter [tilespmem:s16], [sflag:$0x1], $0x80, $0x38;
	[tilespmem:$0xA000] =	vst v63  }
0x150: {  	s18 =	ssub.s32 $0x76FF, s12;
	s5 =	sadd.s32 $0x30, s14  }
0x151: {  	[hbm4b:s5+s6] =	stream.linear.scatter [tilespmem:s18], [sflag:$0x1], $0x80, $0x38;
	[tilespmem:$0xA000] =	vst v63  }
0x152: {  	s16 =	ssub.s32 $0x80FF, s12;
	s17 =	sadd.s32 $0x40, s14  }
0x153: {  	[hbm4b:s17+s6] =	stream.linear.scatter [tilespmem:s16], [sflag:$0x1], $0x80, $0x38;
	[tilespmem:$0xA000] =	vst v63  }
0x154: {  	s18 =	ssub.s32 $0x8AFF, s12;
	s5 =	sadd.s32 $0x50, s14  }
0x155: {  	[hbm4b:s5+s6] =	stream.linear.scatter [tilespmem:s18], [sflag:$0x1], $0x80, $0x38;
	[tilespmem:$0xA000] =	vst v63  }
0x156: {  	s17 =	ssub.s32 $0x94FF, s12;
	s18 =	sadd.s32 $0x60, s14  }
0x157: {  	[hbm4b:s18+s6] =	stream.linear.scatter [tilespmem:s17], [sflag:$0x1], $0x80, $0x38;
	[tilespmem:$0xA000] =	vst v63  }
0x158: {  	s5 =	ssub.s32 $0x9EFF, s12;
	s14 =	sadd.s32 $0x70, s14  }
0x159: {  	[hbm4b:s14+s6] =	stream.linear.scatter [tilespmem:s5], [sflag:$0x1], $0x80, $0x38;
	[tilespmem:$0xA000] =	vst v63  }
0x15a: {  	s5 =	rddreg [dreg:$0xc]  }
0x15b: {  	s16 =	ssub.s32 $0x597F, s12;
	s14 =	sadd.s32 s13, s5  }
0x15c: {  	[hbm4b:s14+s6] =	stream.linear.scatter [tilespmem:s16], [sflag:$0x1], $0x80, $0x38;
	[tilespmem:$0xA000] =	vst v63  }
0x15d: {  	s17 =	ssub.s32 $0x637F, s12;
	s18 =	sadd.s32 $0x10, s14  }
0x15e: {  	[hbm4b:s18+s6] =	stream.linear.scatter [tilespmem:s17], [sflag:$0x1], $0x80, $0x38;
	[tilespmem:$0xA000] =	vst v63  }
0x15f: {  	s17 =	ssub.s32 $0x6D7F, s12;
	s18 =	sadd.s32 $0x20, s14  }
0x160: {  	[hbm4b:s18+s6] =	stream.linear.scatter [tilespmem:s17], [sflag:$0x1], $0x80, $0x38;
	[tilespmem:$0xA000] =	vst v63  }
0x161: {  	s17 =	ssub.s32 $0x777F, s12;
	s18 =	sadd.s32 $0x30, s14  }
0x162: {  	[hbm4b:s18+s6] =	stream.linear.scatter [tilespmem:s17], [sflag:$0x1], $0x80, $0x38;
	[tilespmem:$0xA000] =	vst v63  }
0x163: {  	s17 =	ssub.s32 $0x817F, s12;
	s18 =	sadd.s32 $0x40, s14  }
0x164: {  	[hbm4b:s18+s6] =	stream.linear.scatter [tilespmem:s17], [sflag:$0x1], $0x80, $0x38;
	[tilespmem:$0xA000] =	vst v63  }
0x165: {  	s17 =	ssub.s32 $0x8B7F, s12;
	s18 =	sadd.s32 $0x50, s14  }
0x166: {  	[hbm4b:s18+s6] =	stream.linear.scatter [tilespmem:s17], [sflag:$0x1], $0x80, $0x38;
	[tilespmem:$0xA000] =	vst v63  }
0x167: {  	s17 =	ssub.s32 $0x957F, s12;
	s18 =	sadd.s32 $0x60, s14  }
0x168: {  	[hbm4b:s18+s6] =	stream.linear.scatter [tilespmem:s17], [sflag:$0x1], $0x80, $0x38;
	[tilespmem:$0xA000] =	vst v63  }
0x169: {  	s14 =	sadd.s32 $0x70, s14;
	s17 =	ssub.s32 $0x9F7F, s12  }
0x16a: {  	[hbm4b:s14+s6] =	stream.linear.scatter [tilespmem:s17], [sflag:$0x1], $0x80, $0x38;
	[tilespmem:$0xA000] =	vst v63  }
0x16b: {  	s17 =	rddreg [dreg:$0xd]  }
0x16c: {  	s18 =	ssub.s32 $0x59FF, s12;
	s14 =	sadd.s32 s13, s17  }
0x16d: {  	[hbm4b:s14+s6] =	stream.linear.scatter [tilespmem:s18], [sflag:$0x1], $0x80, $0x38;
	[tilespmem:$0xA000] =	vst v63  }
0x16e: {  	s16 =	ssub.s32 $0x63FF, s12;
	s18 =	sadd.s32 $0x10, s14  }
0x16f: {  	[hbm4b:s18+s6] =	stream.linear.scatter [tilespmem:s16], [sflag:$0x1], $0x80, $0x38;
	[tilespmem:$0xA000] =	vst v63  }
0x170: {  	s16 =	ssub.s32 $0x6DFF, s12;
	s18 =	sadd.s32 $0x20, s14  }
0x171: {  	[hbm4b:s18+s6] =	stream.linear.scatter [tilespmem:s16], [sflag:$0x1], $0x80, $0x38;
	[tilespmem:$0xA000] =	vst v63  }
0x172: {  	s16 =	ssub.s32 $0x77FF, s12;
	s18 =	sadd.s32 $0x30, s14  }
0x173: {  	[hbm4b:s18+s6] =	stream.linear.scatter [tilespmem:s16], [sflag:$0x1], $0x80, $0x38;
	[tilespmem:$0xA000] =	vst v63  }
0x174: {  	s16 =	ssub.s32 $0x81FF, s12;
	s18 =	sadd.s32 $0x40, s14  }
0x175: {  	[hbm4b:s18+s6] =	stream.linear.scatter [tilespmem:s16], [sflag:$0x1], $0x80, $0x38;
	[tilespmem:$0xA000] =	vst v63  }
0x176: {  	s16 =	ssub.s32 $0x8BFF, s12;
	s18 =	sadd.s32 $0x50, s14  }
0x177: {  	[hbm4b:s18+s6] =	stream.linear.scatter [tilespmem:s16], [sflag:$0x1], $0x80, $0x38;
	[tilespmem:$0xA000] =	vst v63  }
0x178: {  	s16 =	ssub.s32 $0x95FF, s12;
	s18 =	sadd.s32 $0x60, s14  }
0x179: {  	[hbm4b:s18+s6] =	stream.linear.scatter [tilespmem:s16], [sflag:$0x1], $0x80, $0x38;
	[tilespmem:$0xA000] =	vst v63  }
0x17a: {  	s14 =	sadd.s32 $0x70, s14;
	s18 =	ssub.s32 $0x9FFF, s12  }
0x17b: {  	[hbm4b:s14+s6] =	stream.linear.scatter [tilespmem:s18], [sflag:$0x1], $0x80, $0x38;
	[tilespmem:$0xA000] =	vst v63  }
0x17c: {  	s18 =	rddreg [dreg:$0xe]  }
0x17d: {  	s16 =	ssub.s32 $0x5A7F, s12;
	s14 =	sadd.s32 s13, s18  }
0x17e: {  	[hbm4b:s14+s6] =	stream.linear.scatter [tilespmem:s16], [sflag:$0x1], $0x80, $0x38;
	[tilespmem:$0xA000] =	vst v63  }
0x17f: {  	s15 =	ssub.s32 $0x647F, s12;
	s16 =	sadd.s32 $0x10, s14  }
0x180: {  	[hbm4b:s16+s6] =	stream.linear.scatter [tilespmem:s15], [sflag:$0x1], $0x80, $0x38;
	[tilespmem:$0xA000] =	vst v63  }
0x181: {  	s15 =	ssub.s32 $0x6E7F, s12;
	s16 =	sadd.s32 $0x20, s14  }
0x182: {  	[hbm4b:s16+s6] =	stream.linear.scatter [tilespmem:s15], [sflag:$0x1], $0x80, $0x38;
	[tilespmem:$0xA000] =	vst v63  }
0x183: {  	s15 =	ssub.s32 $0x787F, s12;
	s16 =	sadd.s32 $0x30, s14  }
0x184: {  	[hbm4b:s16+s6] =	stream.linear.scatter [tilespmem:s15], [sflag:$0x1], $0x80, $0x38;
	[tilespmem:$0xA000] =	vst v63  }
0x185: {  	s15 =	ssub.s32 $0x827F, s12;
	s16 =	sadd.s32 $0x40, s14  }
0x186: {  	[hbm4b:s16+s6] =	stream.linear.scatter [tilespmem:s15], [sflag:$0x1], $0x80, $0x38;
	[tilespmem:$0xA000] =	vst v63  }
0x187: {  	s15 =	ssub.s32 $0x8C7F, s12;
	s16 =	sadd.s32 $0x50, s14  }
0x188: {  	[hbm4b:s16+s6] =	stream.linear.scatter [tilespmem:s15], [sflag:$0x1], $0x80, $0x38;
	[tilespmem:$0xA000] =	vst v63  }
0x189: {  	s15 =	ssub.s32 $0x967F, s12;
	s16 =	sadd.s32 $0x60, s14  }
0x18a: {  	[hbm4b:s16+s6] =	stream.linear.scatter [tilespmem:s15], [sflag:$0x1], $0x80, $0x38;
	[tilespmem:$0xA000] =	vst v63  }
0x18b: {  	s14 =	sadd.s32 $0x70, s14;
	s16 =	ssub.s32 $0xA07F, s12;
	s15 =	rddreg [dreg:$0xf]  }
0x18c: {  	[hbm4b:s14+s6] =	stream.linear.scatter [tilespmem:s16], [sflag:$0x1], $0x80, $0x38;
	[tilespmem:$0xA000] =	vst v63  }
0x18d: {  	s14 =	sadd.s32 s13, s15;
	s16 =	ssub.s32 $0x5AFF, s12  }
0x18e: {  	[hbm4b:s14+s6] =	stream.linear.scatter [tilespmem:s16], [sflag:$0x1], $0x80, $0x38;
	[tilespmem:$0xA000] =	vst v63  }
0x18f: {  	s15 =	ssub.s32 $0x64FF, s12;
	s16 =	sadd.s32 $0x10, s14  }
0x190: {  	[hbm4b:s16+s6] =	stream.linear.scatter [tilespmem:s15], [sflag:$0x1], $0x80, $0x38;
	[tilespmem:$0xA000] =	vst v63  }
0x191: {  	s15 =	ssub.s32 $0x6EFF, s12;
	s16 =	sadd.s32 $0x20, s14  }
0x192: {  	[hbm4b:s16+s6] =	stream.linear.scatter [tilespmem:s15], [sflag:$0x1], $0x80, $0x38;
	[tilespmem:$0xA000] =	vst v63  }
0x193: {  	s15 =	ssub.s32 $0x78FF, s12;
	s16 =	sadd.s32 $0x30, s14  }
0x194: {  	[hbm4b:s16+s6] =	stream.linear.scatter [tilespmem:s15], [sflag:$0x1], $0x80, $0x38;
	[tilespmem:$0xA000] =	vst v63  }
0x195: {  	s15 =	ssub.s32 $0x82FF, s12;
	s16 =	sadd.s32 $0x40, s14  }
0x196: {  	[hbm4b:s16+s6] =	stream.linear.scatter [tilespmem:s15], [sflag:$0x1], $0x80, $0x38;
	[tilespmem:$0xA000] =	vst v63  }
0x197: {  	s15 =	ssub.s32 $0x8CFF, s12;
	s16 =	sadd.s32 $0x50, s14  }
0x198: {  	[hbm4b:s16+s6] =	stream.linear.scatter [tilespmem:s15], [sflag:$0x1], $0x80, $0x38;
	[tilespmem:$0xA000] =	vst v63  }
0x199: {  	s15 =	ssub.s32 $0x96FF, s12;
	s16 =	sadd.s32 $0x60, s14  }
0x19a: {  	[hbm4b:s16+s6] =	stream.linear.scatter [tilespmem:s15], [sflag:$0x1], $0x80, $0x38;
	[tilespmem:$0xA000] =	vst v63  }
0x19b: {  	s14 =	sadd.s32 $0x70, s14;
	s16 =	ssub.s32 $0xA0FF, s12;
	s15 =	rddreg [dreg:$0x10]  }
0x19c: {  	[hbm4b:s14+s6] =	stream.linear.scatter [tilespmem:s16], [sflag:$0x1], $0x80, $0x38;
	[tilespmem:$0xA000] =	vst v63  }
0x19d: {  	s14 =	sadd.s32 s13, s15;
	s16 =	ssub.s32 $0x5B7F, s12  }
0x19e: {  	[hbm4b:s14+s6] =	stream.linear.scatter [tilespmem:s16], [sflag:$0x1], $0x80, $0x38;
	[tilespmem:$0xA000] =	vst v63  }
0x19f: {  	s15 =	ssub.s32 $0x657F, s12;
	s16 =	sadd.s32 $0x10, s14  }
0x1a0: {  	[hbm4b:s16+s6] =	stream.linear.scatter [tilespmem:s15], [sflag:$0x1], $0x80, $0x38;
	[tilespmem:$0xA000] =	vst v63  }
0x1a1: {  	s15 =	ssub.s32 $0x6F7F, s12;
	s16 =	sadd.s32 $0x20, s14  }
0x1a2: {  	[hbm4b:s16+s6] =	stream.linear.scatter [tilespmem:s15], [sflag:$0x1], $0x80, $0x38;
	[tilespmem:$0xA000] =	vst v63  }
0x1a3: {  	s15 =	ssub.s32 $0x797F, s12;
	s16 =	sadd.s32 $0x30, s14  }
0x1a4: {  	[hbm4b:s16+s6] =	stream.linear.scatter [tilespmem:s15], [sflag:$0x1], $0x80, $0x38;
	[tilespmem:$0xA000] =	vst v63  }
0x1a5: {  	s15 =	ssub.s32 $0x837F, s12;
	s16 =	sadd.s32 $0x40, s14  }
0x1a6: {  	[hbm4b:s16+s6] =	stream.linear.scatter [tilespmem:s15], [sflag:$0x1], $0x80, $0x38;
	[tilespmem:$0xA000] =	vst v63  }
0x1a7: {  	s15 =	ssub.s32 $0x8D7F, s12;
	s16 =	sadd.s32 $0x50, s14  }
0x1a8: {  	[hbm4b:s16+s6] =	stream.linear.scatter [tilespmem:s15], [sflag:$0x1], $0x80, $0x38;
	[tilespmem:$0xA000] =	vst v63  }
0x1a9: {  	s15 =	ssub.s32 $0x977F, s12;
	s16 =	sadd.s32 $0x60, s14  }
0x1aa: {  	[hbm4b:s16+s6] =	stream.linear.scatter [tilespmem:s15], [sflag:$0x1], $0x80, $0x38;
	[tilespmem:$0xA000] =	vst v63  }
0x1ab: {  	s14 =	sadd.s32 $0x70, s14;
	s16 =	ssub.s32 $0xA17F, s12;
	s15 =	rddreg [dreg:$0x11]  }
0x1ac: {  	[hbm4b:s14+s6] =	stream.linear.scatter [tilespmem:s16], [sflag:$0x1], $0x80, $0x38;
	[tilespmem:$0xA000] =	vst v63  }
0x1ad: {  	s14 =	sadd.s32 s13, s15;
	s16 =	ssub.s32 $0x5BFF, s12  }
0x1ae: {  	[hbm4b:s14+s6] =	stream.linear.scatter [tilespmem:s16], [sflag:$0x1], $0x80, $0x38;
	[tilespmem:$0xA000] =	vst v63  }
0x1af: {  	s15 =	ssub.s32 $0x65FF, s12;
	s16 =	sadd.s32 $0x10, s14  }
0x1b0: {  	[hbm4b:s16+s6] =	stream.linear.scatter [tilespmem:s15], [sflag:$0x1], $0x80, $0x38;
	[tilespmem:$0xA000] =	vst v63  }
0x1b1: {  	s15 =	ssub.s32 $0x6FFF, s12;
	s16 =	sadd.s32 $0x20, s14  }
0x1b2: {  	[hbm4b:s16+s6] =	stream.linear.scatter [tilespmem:s15], [sflag:$0x1], $0x80, $0x38;
	[tilespmem:$0xA000] =	vst v63  }
0x1b3: {  	s15 =	ssub.s32 $0x79FF, s12;
	s16 =	sadd.s32 $0x30, s14  }
0x1b4: {  	[hbm4b:s16+s6] =	stream.linear.scatter [tilespmem:s15], [sflag:$0x1], $0x80, $0x38;
	[tilespmem:$0xA000] =	vst v63  }
0x1b5: {  	s15 =	ssub.s32 $0x83FF, s12;
	s16 =	sadd.s32 $0x40, s14  }
0x1b6: {  	[hbm4b:s16+s6] =	stream.linear.scatter [tilespmem:s15], [sflag:$0x1], $0x80, $0x38;
	[tilespmem:$0xA000] =	vst v63  }
0x1b7: {  	s15 =	ssub.s32 $0x8DFF, s12;
	s16 =	sadd.s32 $0x50, s14  }
0x1b8: {  	[hbm4b:s16+s6] =	stream.linear.scatter [tilespmem:s15], [sflag:$0x1], $0x80, $0x38;
	[tilespmem:$0xA000] =	vst v63  }
0x1b9: {  	s15 =	ssub.s32 $0x97FF, s12;
	s16 =	sadd.s32 $0x60, s14  }
0x1ba: {  	[hbm4b:s16+s6] =	stream.linear.scatter [tilespmem:s15], [sflag:$0x1], $0x80, $0x38;
	[tilespmem:$0xA000] =	vst v63  }
0x1bb: {  	s14 =	sadd.s32 $0x70, s14;
	s16 =	ssub.s32 $0xA1FF, s12;
	s15 =	rddreg [dreg:$0x12]  }
0x1bc: {  	[hbm4b:s14+s6] =	stream.linear.scatter [tilespmem:s16], [sflag:$0x1], $0x80, $0x38;
	[tilespmem:$0xA000] =	vst v63  }
0x1bd: {  	s14 =	sadd.s32 s13, s15;
	s16 =	ssub.s32 $0x5C7F, s12  }
0x1be: {  	[hbm4b:s14+s6] =	stream.linear.scatter [tilespmem:s16], [sflag:$0x1], $0x80, $0x38;
	[tilespmem:$0xA000] =	vst v63  }
0x1bf: {  	s15 =	ssub.s32 $0x667F, s12;
	s16 =	sadd.s32 $0x10, s14  }
0x1c0: {  	[hbm4b:s16+s6] =	stream.linear.scatter [tilespmem:s15], [sflag:$0x1], $0x80, $0x38;
	[tilespmem:$0xA000] =	vst v63  }
0x1c1: {  	s15 =	ssub.s32 $0x707F, s12;
	s16 =	sadd.s32 $0x20, s14  }
0x1c2: {  	[hbm4b:s16+s6] =	stream.linear.scatter [tilespmem:s15], [sflag:$0x1], $0x80, $0x38;
	[tilespmem:$0xA000] =	vst v63  }
0x1c3: {  	s15 =	ssub.s32 $0x7A7F, s12;
	s16 =	sadd.s32 $0x30, s14  }
0x1c4: {  	[hbm4b:s16+s6] =	stream.linear.scatter [tilespmem:s15], [sflag:$0x1], $0x80, $0x38;
	[tilespmem:$0xA000] =	vst v63  }
0x1c5: {  	s15 =	ssub.s32 $0x847F, s12;
	s16 =	sadd.s32 $0x40, s14  }
0x1c6: {  	[hbm4b:s16+s6] =	stream.linear.scatter [tilespmem:s15], [sflag:$0x1], $0x80, $0x38;
	[tilespmem:$0xA000] =	vst v63  }
0x1c7: {  	s15 =	ssub.s32 $0x8E7F, s12;
	s16 =	sadd.s32 $0x50, s14  }
0x1c8: {  	[hbm4b:s16+s6] =	stream.linear.scatter [tilespmem:s15], [sflag:$0x1], $0x80, $0x38;
	[tilespmem:$0xA000] =	vst v63  }
0x1c9: {  	s15 =	ssub.s32 $0x987F, s12;
	s16 =	sadd.s32 $0x60, s14  }
0x1ca: {  	[hbm4b:s16+s6] =	stream.linear.scatter [tilespmem:s15], [sflag:$0x1], $0x80, $0x38;
	[tilespmem:$0xA000] =	vst v63  }
0x1cb: {  	s14 =	sadd.s32 $0x70, s14;
	s16 =	ssub.s32 $0xA27F, s12;
	s15 =	rddreg [dreg:$0x13]  }
0x1cc: {  	[hbm4b:s14+s6] =	stream.linear.scatter [tilespmem:s16], [sflag:$0x1], $0x80, $0x38;
	[tilespmem:$0xA000] =	vst v63  }
0x1cd: {  	s14 =	sadd.s32 s13, s15;
	s16 =	ssub.s32 $0x5CFF, s12  }
0x1ce: {  	[hbm4b:s14+s6] =	stream.linear.scatter [tilespmem:s16], [sflag:$0x1], $0x80, $0x38;
	[tilespmem:$0xA000] =	vst v63  }
0x1cf: {  	s15 =	ssub.s32 $0x66FF, s12;
	s16 =	sadd.s32 $0x10, s14  }
0x1d0: {  	[hbm4b:s16+s6] =	stream.linear.scatter [tilespmem:s15], [sflag:$0x1], $0x80, $0x38;
	[tilespmem:$0xA000] =	vst v63  }
0x1d1: {  	s15 =	ssub.s32 $0x70FF, s12;
	s16 =	sadd.s32 $0x20, s14  }
0x1d2: {  	[hbm4b:s16+s6] =	stream.linear.scatter [tilespmem:s15], [sflag:$0x1], $0x80, $0x38;
	[tilespmem:$0xA000] =	vst v63  }
0x1d3: {  	s15 =	ssub.s32 $0x7AFF, s12;
	s16 =	sadd.s32 $0x30, s14  }
0x1d4: {  	[hbm4b:s16+s6] =	stream.linear.scatter [tilespmem:s15], [sflag:$0x1], $0x80, $0x38;
	[tilespmem:$0xA000] =	vst v63  }
0x1d5: {  	s15 =	ssub.s32 $0x84FF, s12;
	s16 =	sadd.s32 $0x40, s14  }
0x1d6: {  	[hbm4b:s16+s6] =	stream.linear.scatter [tilespmem:s15], [sflag:$0x1], $0x80, $0x38;
	[tilespmem:$0xA000] =	vst v63  }
0x1d7: {  	s15 =	ssub.s32 $0x8EFF, s12;
	s16 =	sadd.s32 $0x50, s14  }
0x1d8: {  	[hbm4b:s16+s6] =	stream.linear.scatter [tilespmem:s15], [sflag:$0x1], $0x80, $0x38;
	[tilespmem:$0xA000] =	vst v63  }
0x1d9: {  	s15 =	ssub.s32 $0x98FF, s12;
	s16 =	sadd.s32 $0x60, s14  }
0x1da: {  	[hbm4b:s16+s6] =	stream.linear.scatter [tilespmem:s15], [sflag:$0x1], $0x80, $0x38;
	[tilespmem:$0xA000] =	vst v63  }
0x1db: {  	s14 =	sadd.s32 $0x70, s14;
	s16 =	ssub.s32 $0xA2FF, s12;
	s15 =	rddreg [dreg:$0x14]  }
0x1dc: {  	[hbm4b:s14+s6] =	stream.linear.scatter [tilespmem:s16], [sflag:$0x1], $0x80, $0x38;
	[tilespmem:$0xA000] =	vst v63  }
0x1dd: {  	s14 =	sadd.s32 s13, s15;
	s16 =	ssub.s32 $0x5D7F, s12  }
0x1de: {  	[hbm4b:s14+s6] =	stream.linear.scatter [tilespmem:s16], [sflag:$0x1], $0x80, $0x38;
	[tilespmem:$0xA000] =	vst v63  }
0x1df: {  	s15 =	ssub.s32 $0x677F, s12;
	s16 =	sadd.s32 $0x10, s14  }
0x1e0: {  	[hbm4b:s16+s6] =	stream.linear.scatter [tilespmem:s15], [sflag:$0x1], $0x80, $0x38;
	[tilespmem:$0xA000] =	vst v63  }
0x1e1: {  	s15 =	ssub.s32 $0x717F, s12;
	s16 =	sadd.s32 $0x20, s14  }
0x1e2: {  	[hbm4b:s16+s6] =	stream.linear.scatter [tilespmem:s15], [sflag:$0x1], $0x80, $0x38;
	[tilespmem:$0xA000] =	vst v63  }
0x1e3: {  	s15 =	ssub.s32 $0x7B7F, s12;
	s16 =	sadd.s32 $0x30, s14  }
0x1e4: {  	[hbm4b:s16+s6] =	stream.linear.scatter [tilespmem:s15], [sflag:$0x1], $0x80, $0x38;
	[tilespmem:$0xA000] =	vst v63  }
0x1e5: {  	s15 =	ssub.s32 $0x857F, s12;
	s16 =	sadd.s32 $0x40, s14  }
0x1e6: {  	[hbm4b:s16+s6] =	stream.linear.scatter [tilespmem:s15], [sflag:$0x1], $0x80, $0x38;
	[tilespmem:$0xA000] =	vst v63  }
0x1e7: {  	s15 =	ssub.s32 $0x8F7F, s12;
	s16 =	sadd.s32 $0x50, s14  }
0x1e8: {  	[hbm4b:s16+s6] =	stream.linear.scatter [tilespmem:s15], [sflag:$0x1], $0x80, $0x38;
	[tilespmem:$0xA000] =	vst v63  }
0x1e9: {  	s15 =	ssub.s32 $0x997F, s12;
	s16 =	sadd.s32 $0x60, s14  }
0x1ea: {  	[hbm4b:s16+s6] =	stream.linear.scatter [tilespmem:s15], [sflag:$0x1], $0x80, $0x38;
	[tilespmem:$0xA000] =	vst v63  }
0x1eb: {  	s14 =	sadd.s32 $0x70, s14;
	s16 =	ssub.s32 $0xA37F, s12;
	s15 =	rddreg [dreg:$0x15]  }
0x1ec: {  	[hbm4b:s14+s6] =	stream.linear.scatter [tilespmem:s16], [sflag:$0x1], $0x80, $0x38;
	[tilespmem:$0xA000] =	vst v63  }
0x1ed: {  	s14 =	sadd.s32 s13, s15;
	s16 =	ssub.s32 $0x5DFF, s12  }
0x1ee: {  	[hbm4b:s14+s6] =	stream.linear.scatter [tilespmem:s16], [sflag:$0x1], $0x80, $0x38;
	[tilespmem:$0xA000] =	vst v63  }
0x1ef: {  	s15 =	ssub.s32 $0x67FF, s12;
	s16 =	sadd.s32 $0x10, s14  }
0x1f0: {  	[hbm4b:s16+s6] =	stream.linear.scatter [tilespmem:s15], [sflag:$0x1], $0x80, $0x38;
	[tilespmem:$0xA000] =	vst v63  }
0x1f1: {  	s15 =	ssub.s32 $0x71FF, s12;
	s16 =	sadd.s32 $0x20, s14  }
0x1f2: {  	[hbm4b:s16+s6] =	stream.linear.scatter [tilespmem:s15], [sflag:$0x1], $0x80, $0x38;
	[tilespmem:$0xA000] =	vst v63  }
0x1f3: {  	s15 =	ssub.s32 $0x7BFF, s12;
	s16 =	sadd.s32 $0x30, s14  }
0x1f4: {  	[hbm4b:s16+s6] =	stream.linear.scatter [tilespmem:s15], [sflag:$0x1], $0x80, $0x38;
	[tilespmem:$0xA000] =	vst v63  }
0x1f5: {  	s15 =	ssub.s32 $0x85FF, s12;
	s16 =	sadd.s32 $0x40, s14  }
0x1f6: {  	[hbm4b:s16+s6] =	stream.linear.scatter [tilespmem:s15], [sflag:$0x1], $0x80, $0x38;
	[tilespmem:$0xA000] =	vst v63  }
0x1f7: {  	s15 =	ssub.s32 $0x8FFF, s12;
	s16 =	sadd.s32 $0x50, s14  }
0x1f8: {  	[hbm4b:s16+s6] =	stream.linear.scatter [tilespmem:s15], [sflag:$0x1], $0x80, $0x38;
	[tilespmem:$0xA000] =	vst v63  }
0x1f9: {  	s15 =	ssub.s32 $0x99FF, s12;
	s16 =	sadd.s32 $0x60, s14  }
0x1fa: {  	[hbm4b:s16+s6] =	stream.linear.scatter [tilespmem:s15], [sflag:$0x1], $0x80, $0x38;
	[tilespmem:$0xA000] =	vst v63  }
0x1fb: {  	s14 =	sadd.s32 $0x70, s14;
	s16 =	ssub.s32 $0xA3FF, s12;
	s15 =	rddreg [dreg:$0x16]  }
0x1fc: {  	[hbm4b:s14+s6] =	stream.linear.scatter [tilespmem:s16], [sflag:$0x1], $0x80, $0x38;
	[tilespmem:$0xA000] =	vst v63  }
0x1fd: {  	s14 =	sadd.s32 s13, s15;
	s16 =	ssub.s32 $0x5E7F, s12  }
0x1fe: {  	[hbm4b:s14+s6] =	stream.linear.scatter [tilespmem:s16], [sflag:$0x1], $0x80, $0x38;
	[tilespmem:$0xA000] =	vst v63  }
0x1ff: {  	s15 =	ssub.s32 $0x687F, s12;
	s16 =	sadd.s32 $0x10, s14  }
0x200: {  	[hbm4b:s16+s6] =	stream.linear.scatter [tilespmem:s15], [sflag:$0x1], $0x80, $0x38;
	[tilespmem:$0xA000] =	vst v63  }
0x201: {  	s15 =	ssub.s32 $0x727F, s12;
	s16 =	sadd.s32 $0x20, s14  }
0x202: {  	[hbm4b:s16+s6] =	stream.linear.scatter [tilespmem:s15], [sflag:$0x1], $0x80, $0x38;
	[tilespmem:$0xA000] =	vst v63  }
0x203: {  	s15 =	ssub.s32 $0x7C7F, s12;
	s16 =	sadd.s32 $0x30, s14  }
0x204: {  	[hbm4b:s16+s6] =	stream.linear.scatter [tilespmem:s15], [sflag:$0x1], $0x80, $0x38;
	[tilespmem:$0xA000] =	vst v63  }
0x205: {  	s15 =	ssub.s32 $0x867F, s12;
	s16 =	sadd.s32 $0x40, s14  }
0x206: {  	[hbm4b:s16+s6] =	stream.linear.scatter [tilespmem:s15], [sflag:$0x1], $0x80, $0x38;
	[tilespmem:$0xA000] =	vst v63  }
0x207: {  	s15 =	ssub.s32 $0x907F, s12;
	s16 =	sadd.s32 $0x50, s14  }
0x208: {  	[hbm4b:s16+s6] =	stream.linear.scatter [tilespmem:s15], [sflag:$0x1], $0x80, $0x38;
	[tilespmem:$0xA000] =	vst v63  }
0x209: {  	s15 =	ssub.s32 $0x9A7F, s12;
	s16 =	sadd.s32 $0x60, s14  }
0x20a: {  	[hbm4b:s16+s6] =	stream.linear.scatter [tilespmem:s15], [sflag:$0x1], $0x80, $0x38;
	[tilespmem:$0xA000] =	vst v63  }
0x20b: {  	s14 =	sadd.s32 $0x70, s14;
	s16 =	ssub.s32 $0xA47F, s12;
	s15 =	rddreg [dreg:$0x17]  }
0x20c: {  	[hbm4b:s14+s6] =	stream.linear.scatter [tilespmem:s16], [sflag:$0x1], $0x80, $0x38;
	[tilespmem:$0xA000] =	vst v63  }
0x20d: {  	s14 =	sadd.s32 s13, s15;
	s16 =	ssub.s32 $0x5EFF, s12  }
0x20e: {  	[hbm4b:s14+s6] =	stream.linear.scatter [tilespmem:s16], [sflag:$0x1], $0x80, $0x38;
	[tilespmem:$0xA000] =	vst v63  }
0x20f: {  	s15 =	ssub.s32 $0x68FF, s12;
	s16 =	sadd.s32 $0x10, s14  }
0x210: {  	[hbm4b:s16+s6] =	stream.linear.scatter [tilespmem:s15], [sflag:$0x1], $0x80, $0x38;
	[tilespmem:$0xA000] =	vst v63  }
0x211: {  	s15 =	ssub.s32 $0x72FF, s12;
	s16 =	sadd.s32 $0x20, s14  }
0x212: {  	[hbm4b:s16+s6] =	stream.linear.scatter [tilespmem:s15], [sflag:$0x1], $0x80, $0x38;
	[tilespmem:$0xA000] =	vst v63  }
0x213: {  	s15 =	ssub.s32 $0x7CFF, s12;
	s16 =	sadd.s32 $0x30, s14  }
0x214: {  	[hbm4b:s16+s6] =	stream.linear.scatter [tilespmem:s15], [sflag:$0x1], $0x80, $0x38;
	[tilespmem:$0xA000] =	vst v63  }
0x215: {  	s15 =	ssub.s32 $0x86FF, s12;
	s16 =	sadd.s32 $0x40, s14  }
0x216: {  	[hbm4b:s16+s6] =	stream.linear.scatter [tilespmem:s15], [sflag:$0x1], $0x80, $0x38;
	[tilespmem:$0xA000] =	vst v63  }
0x217: {  	s15 =	ssub.s32 $0x90FF, s12;
	s16 =	sadd.s32 $0x50, s14  }
0x218: {  	[hbm4b:s16+s6] =	stream.linear.scatter [tilespmem:s15], [sflag:$0x1], $0x80, $0x38;
	[tilespmem:$0xA000] =	vst v63  }
0x219: {  	s15 =	ssub.s32 $0x9AFF, s12;
	s16 =	sadd.s32 $0x60, s14  }
0x21a: {  	[hbm4b:s16+s6] =	stream.linear.scatter [tilespmem:s15], [sflag:$0x1], $0x80, $0x38;
	[tilespmem:$0xA000] =	vst v63  }
0x21b: {  	s14 =	sadd.s32 $0x70, s14;
	s15 =	ssub.s32 $0xA4FF, s12  }
0x21c: {  	[hbm4b:s14+s6] =	stream.linear.scatter [tilespmem:s15], [sflag:$0x1], $0x80, $0x38;
	[tilespmem:$0xA000] =	vst v63  }
0x21d: {  	s15 =	rddreg [dreg:$0x1b]  }
0x21e: {  	s13 =	sadd.s32 s13, s15;
	s15 =	ssub.s32 $0x5F7F, s12  }
0x21f: {  	[hbm4b:s13+s6] =	stream.linear.scatter [tilespmem:s15], [sflag:$0x1], $0x80, $0x38;
	[tilespmem:$0xA000] =	vst v63  }
0x220: {  	s14 =	ssub.s32 $0x697F, s12;
	s15 =	sadd.s32 $0x10, s13  }
0x221: {  	[hbm4b:s15+s6] =	stream.linear.scatter [tilespmem:s14], [sflag:$0x1], $0x80, $0x38;
	[tilespmem:$0xA000] =	vst v63  }
0x222: {  	s14 =	ssub.s32 $0x737F, s12;
	s15 =	sadd.s32 $0x20, s13  }
0x223: {  	[hbm4b:s15+s6] =	stream.linear.scatter [tilespmem:s14], [sflag:$0x1], $0x80, $0x38;
	[tilespmem:$0xA000] =	vst v63  }
0x224: {  	s14 =	ssub.s32 $0x7D7F, s12;
	s15 =	sadd.s32 $0x30, s13  }
0x225: {  	[hbm4b:s15+s6] =	stream.linear.scatter [tilespmem:s14], [sflag:$0x1], $0x80, $0x38;
	[tilespmem:$0xA000] =	vst v63  }
0x226: {  	s14 =	ssub.s32 $0x877F, s12;
	s15 =	sadd.s32 $0x40, s13  }
0x227: {  	[hbm4b:s15+s6] =	stream.linear.scatter [tilespmem:s14], [sflag:$0x1], $0x80, $0x38;
	[tilespmem:$0xA000] =	vst v63  }
0x228: {  	s14 =	ssub.s32 $0x917F, s12;
	s15 =	sadd.s32 $0x50, s13  }
0x229: {  	[hbm4b:s15+s6] =	stream.linear.scatter [tilespmem:s14], [sflag:$0x1], $0x80, $0x38;
	[tilespmem:$0xA000] =	vst v63  }
0x22a: {  	s16 =	smov.u32 s19;
	s14 =	ssub.s32 $0x9B7F, s12;
	s15 =	sadd.s32 $0x60, s13  }
0x22b: {  	[hbm4b:s15+s6] =	stream.linear.scatter [tilespmem:s14], [sflag:$0x1], $0x80, $0x38;
	[tilespmem:$0xA000] =	vst v63  }
0x22c: {  	s12 =	ssub.s32 $0xA57F, s12;
	s13 =	sadd.s32 $0x70, s13;
	s14 =	sor.u32 $0x8, s11  }
0x22d: {  	[hbm4b:s13+s6] =	stream.linear.scatter [tilespmem:s12], [sflag:$0x1], $0x80, $0x38;
	[tilespmem:$0xA000] =	vst v63  }
0x22e: {  	s19 =	rddreg [dreg:$0x1];
	s11 =	sadd.s32 s14, s16;
	s12 =	sshll.u32 s14, $0xC  }
0x22f: {  	s15 =	sxor.u32 $0x7FF, s11;
	s14 =	sadd.s32 s19, s12  }
0x230: {  	[hbm4b:s14+s6] =	stream.linear.scatter [tilespmem:s15], [sflag:$0x1], $0x80, $0x38;
	[tilespmem:$0xA000] =	vst v63  }
0x231: {  	s13 =	ssub.s32 $0x11FF, s11;
	s15 =	sadd.s32 $0x10, s14  }
0x232: {  	[hbm4b:s15+s6] =	stream.linear.scatter [tilespmem:s13], [sflag:$0x1], $0x80, $0x38;
	[tilespmem:$0xA000] =	vst v63  }
0x233: {  	s13 =	ssub.s32 $0x1BFF, s11;
	s15 =	sadd.s32 $0x20, s14  }
0x234: {  	[hbm4b:s15+s6] =	stream.linear.scatter [tilespmem:s13], [sflag:$0x1], $0x80, $0x38;
	[tilespmem:$0xA000] =	vst v63  }
0x235: {  	s13 =	ssub.s32 $0x25FF, s11;
	s15 =	sadd.s32 $0x30, s14  }
0x236: {  	[hbm4b:s15+s6] =	stream.linear.scatter [tilespmem:s13], [sflag:$0x1], $0x80, $0x38;
	[tilespmem:$0xA000] =	vst v63  }
0x237: {  	s13 =	ssub.s32 $0x2FFF, s11;
	s15 =	sadd.s32 $0x40, s14  }
0x238: {  	[hbm4b:s15+s6] =	stream.linear.scatter [tilespmem:s13], [sflag:$0x1], $0x80, $0x38;
	[tilespmem:$0xA000] =	vst v63  }
0x239: {  	s13 =	ssub.s32 $0x39FF, s11;
	s15 =	sadd.s32 $0x50, s14  }
0x23a: {  	[hbm4b:s15+s6] =	stream.linear.scatter [tilespmem:s13], [sflag:$0x1], $0x80, $0x38;
	[tilespmem:$0xA000] =	vst v63  }
0x23b: {  	s13 =	ssub.s32 $0x43FF, s11;
	s15 =	sadd.s32 $0x60, s14  }
0x23c: {  	[hbm4b:s15+s6] =	stream.linear.scatter [tilespmem:s13], [sflag:$0x1], $0x80, $0x38;
	[tilespmem:$0xA000] =	vst v63  }
0x23d: {  	s14 =	sadd.s32 $0x70, s14;
	s15 =	ssub.s32 $0x4DFF, s11  }
0x23e: {  	[hbm4b:s14+s6] =	stream.linear.scatter [tilespmem:s15], [sflag:$0x1], $0x80, $0x38;
	[tilespmem:$0xA000] =	vst v63  }
0x23f: {  	s15 =	ssub.s32 $0x87F, s11;
	s14 =	sadd.s32 s12, s20  }
0x240: {  	[hbm4b:s14+s6] =	stream.linear.scatter [tilespmem:s15], [sflag:$0x1], $0x80, $0x38;
	[tilespmem:$0xA000] =	vst v63  }
0x241: {  	s13 =	ssub.s32 $0x127F, s11;
	s15 =	sadd.s32 $0x10, s14  }
0x242: {  	[hbm4b:s15+s6] =	stream.linear.scatter [tilespmem:s13], [sflag:$0x1], $0x80, $0x38;
	[tilespmem:$0xA000] =	vst v63  }
0x243: {  	s13 =	ssub.s32 $0x1C7F, s11;
	s15 =	sadd.s32 $0x20, s14  }
0x244: {  	[hbm4b:s15+s6] =	stream.linear.scatter [tilespmem:s13], [sflag:$0x1], $0x80, $0x38;
	[tilespmem:$0xA000] =	vst v63  }
0x245: {  	s13 =	ssub.s32 $0x267F, s11;
	s15 =	sadd.s32 $0x30, s14  }
0x246: {  	[hbm4b:s15+s6] =	stream.linear.scatter [tilespmem:s13], [sflag:$0x1], $0x80, $0x38;
	[tilespmem:$0xA000] =	vst v63  }
0x247: {  	s13 =	ssub.s32 $0x307F, s11;
	s15 =	sadd.s32 $0x40, s14  }
0x248: {  	[hbm4b:s15+s6] =	stream.linear.scatter [tilespmem:s13], [sflag:$0x1], $0x80, $0x38;
	[tilespmem:$0xA000] =	vst v63  }
0x249: {  	s13 =	ssub.s32 $0x3A7F, s11;
	s15 =	sadd.s32 $0x50, s14  }
0x24a: {  	[hbm4b:s15+s6] =	stream.linear.scatter [tilespmem:s13], [sflag:$0x1], $0x80, $0x38;
	[tilespmem:$0xA000] =	vst v63  }
0x24b: {  	s13 =	ssub.s32 $0x447F, s11;
	s15 =	sadd.s32 $0x60, s14  }
0x24c: {  	[hbm4b:s15+s6] =	stream.linear.scatter [tilespmem:s13], [sflag:$0x1], $0x80, $0x38;
	[tilespmem:$0xA000] =	vst v63  }
0x24d: {  	s14 =	sadd.s32 $0x70, s14;
	s15 =	ssub.s32 $0x4E7F, s11  }
0x24e: {  	[hbm4b:s14+s6] =	stream.linear.scatter [tilespmem:s15], [sflag:$0x1], $0x80, $0x38;
	[tilespmem:$0xA000] =	vst v63  }
0x24f: {  	s15 =	ssub.s32 $0x8FF, s11;
	s14 =	sadd.s32 s12, s21  }
0x250: {  	[hbm4b:s14+s6] =	stream.linear.scatter [tilespmem:s15], [sflag:$0x1], $0x80, $0x38;
	[tilespmem:$0xA000] =	vst v63  }
0x251: {  	s13 =	ssub.s32 $0x12FF, s11;
	s15 =	sadd.s32 $0x10, s14  }
0x252: {  	[hbm4b:s15+s6] =	stream.linear.scatter [tilespmem:s13], [sflag:$0x1], $0x80, $0x38;
	[tilespmem:$0xA000] =	vst v63  }
0x253: {  	s13 =	ssub.s32 $0x1CFF, s11;
	s15 =	sadd.s32 $0x20, s14  }
0x254: {  	[hbm4b:s15+s6] =	stream.linear.scatter [tilespmem:s13], [sflag:$0x1], $0x80, $0x38;
	[tilespmem:$0xA000] =	vst v63  }
0x255: {  	s13 =	ssub.s32 $0x26FF, s11;
	s15 =	sadd.s32 $0x30, s14  }
0x256: {  	[hbm4b:s15+s6] =	stream.linear.scatter [tilespmem:s13], [sflag:$0x1], $0x80, $0x38;
	[tilespmem:$0xA000] =	vst v63  }
0x257: {  	s13 =	ssub.s32 $0x30FF, s11;
	s15 =	sadd.s32 $0x40, s14  }
0x258: {  	[hbm4b:s15+s6] =	stream.linear.scatter [tilespmem:s13], [sflag:$0x1], $0x80, $0x38;
	[tilespmem:$0xA000] =	vst v63  }
0x259: {  	s13 =	ssub.s32 $0x3AFF, s11;
	s15 =	sadd.s32 $0x50, s14  }
0x25a: {  	[hbm4b:s15+s6] =	stream.linear.scatter [tilespmem:s13], [sflag:$0x1], $0x80, $0x38;
	[tilespmem:$0xA000] =	vst v63  }
0x25b: {  	s13 =	ssub.s32 $0x44FF, s11;
	s15 =	sadd.s32 $0x60, s14  }
0x25c: {  	[hbm4b:s15+s6] =	stream.linear.scatter [tilespmem:s13], [sflag:$0x1], $0x80, $0x38;
	[tilespmem:$0xA000] =	vst v63  }
0x25d: {  	s14 =	sadd.s32 $0x70, s14;
	s15 =	ssub.s32 $0x4EFF, s11  }
0x25e: {  	[hbm4b:s14+s6] =	stream.linear.scatter [tilespmem:s15], [sflag:$0x1], $0x80, $0x38;
	[tilespmem:$0xA000] =	vst v63  }
0x25f: {  	s15 =	ssub.s32 $0x97F, s11;
	s14 =	sadd.s32 s12, s22  }
0x260: {  	[hbm4b:s14+s6] =	stream.linear.scatter [tilespmem:s15], [sflag:$0x1], $0x80, $0x38;
	[tilespmem:$0xA000] =	vst v63  }
0x261: {  	s13 =	ssub.s32 $0x137F, s11;
	s15 =	sadd.s32 $0x10, s14  }
0x262: {  	[hbm4b:s15+s6] =	stream.linear.scatter [tilespmem:s13], [sflag:$0x1], $0x80, $0x38;
	[tilespmem:$0xA000] =	vst v63  }
0x263: {  	s13 =	ssub.s32 $0x1D7F, s11;
	s15 =	sadd.s32 $0x20, s14  }
0x264: {  	[hbm4b:s15+s6] =	stream.linear.scatter [tilespmem:s13], [sflag:$0x1], $0x80, $0x38;
	[tilespmem:$0xA000] =	vst v63  }
0x265: {  	s13 =	ssub.s32 $0x277F, s11;
	s15 =	sadd.s32 $0x30, s14  }
0x266: {  	[hbm4b:s15+s6] =	stream.linear.scatter [tilespmem:s13], [sflag:$0x1], $0x80, $0x38;
	[tilespmem:$0xA000] =	vst v63  }
0x267: {  	s13 =	ssub.s32 $0x317F, s11;
	s15 =	sadd.s32 $0x40, s14  }
0x268: {  	[hbm4b:s15+s6] =	stream.linear.scatter [tilespmem:s13], [sflag:$0x1], $0x80, $0x38;
	[tilespmem:$0xA000] =	vst v63  }
0x269: {  	s13 =	ssub.s32 $0x3B7F, s11;
	s15 =	sadd.s32 $0x50, s14  }
0x26a: {  	[hbm4b:s15+s6] =	stream.linear.scatter [tilespmem:s13], [sflag:$0x1], $0x80, $0x38;
	[tilespmem:$0xA000] =	vst v63  }
0x26b: {  	s13 =	ssub.s32 $0x457F, s11;
	s15 =	sadd.s32 $0x60, s14  }
0x26c: {  	[hbm4b:s15+s6] =	stream.linear.scatter [tilespmem:s13], [sflag:$0x1], $0x80, $0x38;
	[tilespmem:$0xA000] =	vst v63  }
0x26d: {  	s14 =	sadd.s32 $0x70, s14;
	s15 =	ssub.s32 $0x4F7F, s11  }
0x26e: {  	[hbm4b:s14+s6] =	stream.linear.scatter [tilespmem:s15], [sflag:$0x1], $0x80, $0x38;
	[tilespmem:$0xA000] =	vst v63  }
0x26f: {  	s15 =	ssub.s32 $0x9FF, s11;
	s14 =	sadd.s32 s12, s23  }
0x270: {  	[hbm4b:s14+s6] =	stream.linear.scatter [tilespmem:s15], [sflag:$0x1], $0x80, $0x38;
	[tilespmem:$0xA000] =	vst v63  }
0x271: {  	s13 =	ssub.s32 $0x13FF, s11;
	s15 =	sadd.s32 $0x10, s14  }
0x272: {  	[hbm4b:s15+s6] =	stream.linear.scatter [tilespmem:s13], [sflag:$0x1], $0x80, $0x38;
	[tilespmem:$0xA000] =	vst v63  }
0x273: {  	s13 =	ssub.s32 $0x1DFF, s11;
	s15 =	sadd.s32 $0x20, s14  }
0x274: {  	[hbm4b:s15+s6] =	stream.linear.scatter [tilespmem:s13], [sflag:$0x1], $0x80, $0x38;
	[tilespmem:$0xA000] =	vst v63  }
0x275: {  	s13 =	ssub.s32 $0x27FF, s11;
	s15 =	sadd.s32 $0x30, s14  }
0x276: {  	[hbm4b:s15+s6] =	stream.linear.scatter [tilespmem:s13], [sflag:$0x1], $0x80, $0x38;
	[tilespmem:$0xA000] =	vst v63  }
0x277: {  	s13 =	ssub.s32 $0x31FF, s11;
	s15 =	sadd.s32 $0x40, s14  }
0x278: {  	[hbm4b:s15+s6] =	stream.linear.scatter [tilespmem:s13], [sflag:$0x1], $0x80, $0x38;
	[tilespmem:$0xA000] =	vst v63  }
0x279: {  	s13 =	ssub.s32 $0x3BFF, s11;
	s15 =	sadd.s32 $0x50, s14  }
0x27a: {  	[hbm4b:s15+s6] =	stream.linear.scatter [tilespmem:s13], [sflag:$0x1], $0x80, $0x38;
	[tilespmem:$0xA000] =	vst v63  }
0x27b: {  	s13 =	ssub.s32 $0x45FF, s11;
	s15 =	sadd.s32 $0x60, s14  }
0x27c: {  	[hbm4b:s15+s6] =	stream.linear.scatter [tilespmem:s13], [sflag:$0x1], $0x80, $0x38;
	[tilespmem:$0xA000] =	vst v63  }
0x27d: {  	s14 =	sadd.s32 $0x70, s14;
	s15 =	ssub.s32 $0x4FFF, s11  }
0x27e: {  	[hbm4b:s14+s6] =	stream.linear.scatter [tilespmem:s15], [sflag:$0x1], $0x80, $0x38;
	[tilespmem:$0xA000] =	vst v63  }
0x27f: {  	s15 =	ssub.s32 $0xA7F, s11;
	s14 =	sadd.s32 s12, s24  }
0x280: {  	[hbm4b:s14+s6] =	stream.linear.scatter [tilespmem:s15], [sflag:$0x1], $0x80, $0x38;
	[tilespmem:$0xA000] =	vst v63  }
0x281: {  	s13 =	ssub.s32 $0x147F, s11;
	s15 =	sadd.s32 $0x10, s14  }
0x282: {  	[hbm4b:s15+s6] =	stream.linear.scatter [tilespmem:s13], [sflag:$0x1], $0x80, $0x38;
	[tilespmem:$0xA000] =	vst v63  }
0x283: {  	s13 =	ssub.s32 $0x1E7F, s11;
	s15 =	sadd.s32 $0x20, s14  }
0x284: {  	[hbm4b:s15+s6] =	stream.linear.scatter [tilespmem:s13], [sflag:$0x1], $0x80, $0x38;
	[tilespmem:$0xA000] =	vst v63  }
0x285: {  	s13 =	ssub.s32 $0x287F, s11;
	s15 =	sadd.s32 $0x30, s14  }
0x286: {  	[hbm4b:s15+s6] =	stream.linear.scatter [tilespmem:s13], [sflag:$0x1], $0x80, $0x38;
	[tilespmem:$0xA000] =	vst v63  }
0x287: {  	s13 =	ssub.s32 $0x327F, s11;
	s15 =	sadd.s32 $0x40, s14  }
0x288: {  	[hbm4b:s15+s6] =	stream.linear.scatter [tilespmem:s13], [sflag:$0x1], $0x80, $0x38;
	[tilespmem:$0xA000] =	vst v63  }
0x289: {  	s13 =	ssub.s32 $0x3C7F, s11;
	s15 =	sadd.s32 $0x50, s14  }
0x28a: {  	[hbm4b:s15+s6] =	stream.linear.scatter [tilespmem:s13], [sflag:$0x1], $0x80, $0x38;
	[tilespmem:$0xA000] =	vst v63  }
0x28b: {  	s13 =	ssub.s32 $0x467F, s11;
	s15 =	sadd.s32 $0x60, s14  }
0x28c: {  	[hbm4b:s15+s6] =	stream.linear.scatter [tilespmem:s13], [sflag:$0x1], $0x80, $0x38;
	[tilespmem:$0xA000] =	vst v63  }
0x28d: {  	s14 =	sadd.s32 $0x70, s14;
	s15 =	ssub.s32 $0x507F, s11  }
0x28e: {  	[hbm4b:s14+s6] =	stream.linear.scatter [tilespmem:s15], [sflag:$0x1], $0x80, $0x38;
	[tilespmem:$0xA000] =	vst v63  }
0x28f: {  	s15 =	ssub.s32 $0xAFF, s11;
	s14 =	sadd.s32 s12, s26  }
0x290: {  	[hbm4b:s14+s6] =	stream.linear.scatter [tilespmem:s15], [sflag:$0x1], $0x80, $0x38;
	[tilespmem:$0xA000] =	vst v63  }
0x291: {  	s13 =	ssub.s32 $0x14FF, s11;
	s15 =	sadd.s32 $0x10, s14  }
0x292: {  	[hbm4b:s15+s6] =	stream.linear.scatter [tilespmem:s13], [sflag:$0x1], $0x80, $0x38;
	[tilespmem:$0xA000] =	vst v63  }
0x293: {  	s13 =	ssub.s32 $0x1EFF, s11;
	s15 =	sadd.s32 $0x20, s14  }
0x294: {  	[hbm4b:s15+s6] =	stream.linear.scatter [tilespmem:s13], [sflag:$0x1], $0x80, $0x38;
	[tilespmem:$0xA000] =	vst v63  }
0x295: {  	s13 =	ssub.s32 $0x28FF, s11;
	s15 =	sadd.s32 $0x30, s14  }
0x296: {  	[hbm4b:s15+s6] =	stream.linear.scatter [tilespmem:s13], [sflag:$0x1], $0x80, $0x38;
	[tilespmem:$0xA000] =	vst v63  }
0x297: {  	s13 =	ssub.s32 $0x32FF, s11;
	s15 =	sadd.s32 $0x40, s14  }
0x298: {  	[hbm4b:s15+s6] =	stream.linear.scatter [tilespmem:s13], [sflag:$0x1], $0x80, $0x38;
	[tilespmem:$0xA000] =	vst v63  }
0x299: {  	s13 =	ssub.s32 $0x3CFF, s11;
	s15 =	sadd.s32 $0x50, s14  }
0x29a: {  	[hbm4b:s15+s6] =	stream.linear.scatter [tilespmem:s13], [sflag:$0x1], $0x80, $0x38;
	[tilespmem:$0xA000] =	vst v63  }
0x29b: {  	s13 =	ssub.s32 $0x46FF, s11;
	s15 =	sadd.s32 $0x60, s14  }
0x29c: {  	[hbm4b:s15+s6] =	stream.linear.scatter [tilespmem:s13], [sflag:$0x1], $0x80, $0x38;
	[tilespmem:$0xA000] =	vst v63  }
0x29d: {  	s14 =	sadd.s32 $0x70, s14;
	s15 =	ssub.s32 $0x50FF, s11  }
0x29e: {  	[hbm4b:s14+s6] =	stream.linear.scatter [tilespmem:s15], [sflag:$0x1], $0x80, $0x38;
	[tilespmem:$0xA000] =	vst v63  }
0x29f: {  	s15 =	ssub.s32 $0xB7F, s11;
	s14 =	sadd.s32 s12, s28  }
0x2a0: {  	[hbm4b:s14+s6] =	stream.linear.scatter [tilespmem:s15], [sflag:$0x1], $0x80, $0x38;
	[tilespmem:$0xA000] =	vst v63  }
0x2a1: {  	s13 =	ssub.s32 $0x157F, s11;
	s15 =	sadd.s32 $0x10, s14  }
0x2a2: {  	[hbm4b:s15+s6] =	stream.linear.scatter [tilespmem:s13], [sflag:$0x1], $0x80, $0x38;
	[tilespmem:$0xA000] =	vst v63  }
0x2a3: {  	s13 =	ssub.s32 $0x1F7F, s11;
	s15 =	sadd.s32 $0x20, s14  }
0x2a4: {  	[hbm4b:s15+s6] =	stream.linear.scatter [tilespmem:s13], [sflag:$0x1], $0x80, $0x38;
	[tilespmem:$0xA000] =	vst v63  }
0x2a5: {  	s13 =	ssub.s32 $0x297F, s11;
	s15 =	sadd.s32 $0x30, s14  }
0x2a6: {  	[hbm4b:s15+s6] =	stream.linear.scatter [tilespmem:s13], [sflag:$0x1], $0x80, $0x38;
	[tilespmem:$0xA000] =	vst v63  }
0x2a7: {  	s13 =	ssub.s32 $0x337F, s11;
	s15 =	sadd.s32 $0x40, s14  }
0x2a8: {  	[hbm4b:s15+s6] =	stream.linear.scatter [tilespmem:s13], [sflag:$0x1], $0x80, $0x38;
	[tilespmem:$0xA000] =	vst v63  }
0x2a9: {  	s13 =	ssub.s32 $0x3D7F, s11;
	s15 =	sadd.s32 $0x50, s14  }
0x2aa: {  	[hbm4b:s15+s6] =	stream.linear.scatter [tilespmem:s13], [sflag:$0x1], $0x80, $0x38;
	[tilespmem:$0xA000] =	vst v63  }
0x2ab: {  	s13 =	ssub.s32 $0x477F, s11;
	s15 =	sadd.s32 $0x60, s14  }
0x2ac: {  	[hbm4b:s15+s6] =	stream.linear.scatter [tilespmem:s13], [sflag:$0x1], $0x80, $0x38;
	[tilespmem:$0xA000] =	vst v63  }
0x2ad: {  	s14 =	sadd.s32 $0x70, s14;
	s15 =	ssub.s32 $0x517F, s11  }
0x2ae: {  	[hbm4b:s14+s6] =	stream.linear.scatter [tilespmem:s15], [sflag:$0x1], $0x80, $0x38;
	[tilespmem:$0xA000] =	vst v63  }
0x2af: {  	s15 =	ssub.s32 $0xBFF, s11;
	s14 =	sadd.s32 s12, s29  }
0x2b0: {  	[hbm4b:s14+s6] =	stream.linear.scatter [tilespmem:s15], [sflag:$0x1], $0x80, $0x38;
	[tilespmem:$0xA000] =	vst v63  }
0x2b1: {  	s13 =	ssub.s32 $0x15FF, s11;
	s15 =	sadd.s32 $0x10, s14  }
0x2b2: {  	[hbm4b:s15+s6] =	stream.linear.scatter [tilespmem:s13], [sflag:$0x1], $0x80, $0x38;
	[tilespmem:$0xA000] =	vst v63  }
0x2b3: {  	s13 =	ssub.s32 $0x1FFF, s11;
	s15 =	sadd.s32 $0x20, s14  }
0x2b4: {  	[hbm4b:s15+s6] =	stream.linear.scatter [tilespmem:s13], [sflag:$0x1], $0x80, $0x38;
	[tilespmem:$0xA000] =	vst v63  }
0x2b5: {  	s13 =	ssub.s32 $0x29FF, s11;
	s15 =	sadd.s32 $0x30, s14  }
0x2b6: {  	[hbm4b:s15+s6] =	stream.linear.scatter [tilespmem:s13], [sflag:$0x1], $0x80, $0x38;
	[tilespmem:$0xA000] =	vst v63  }
0x2b7: {  	s13 =	ssub.s32 $0x33FF, s11;
	s15 =	sadd.s32 $0x40, s14  }
0x2b8: {  	[hbm4b:s15+s6] =	stream.linear.scatter [tilespmem:s13], [sflag:$0x1], $0x80, $0x38;
	[tilespmem:$0xA000] =	vst v63  }
0x2b9: {  	s13 =	ssub.s32 $0x3DFF, s11;
	s15 =	sadd.s32 $0x50, s14  }
0x2ba: {  	[hbm4b:s15+s6] =	stream.linear.scatter [tilespmem:s13], [sflag:$0x1], $0x80, $0x38;
	[tilespmem:$0xA000] =	vst v63  }
0x2bb: {  	s13 =	ssub.s32 $0x47FF, s11;
	s15 =	sadd.s32 $0x60, s14  }
0x2bc: {  	[hbm4b:s15+s6] =	stream.linear.scatter [tilespmem:s13], [sflag:$0x1], $0x80, $0x38;
	[tilespmem:$0xA000] =	vst v63  }
0x2bd: {  	s14 =	sadd.s32 $0x70, s14;
	s15 =	ssub.s32 $0x51FF, s11  }
0x2be: {  	[hbm4b:s14+s6] =	stream.linear.scatter [tilespmem:s15], [sflag:$0x1], $0x80, $0x38;
	[tilespmem:$0xA000] =	vst v63  }
0x2bf: {  	s15 =	ssub.s32 $0xC7F, s11;
	s14 =	sadd.s32 s12, s30  }
0x2c0: {  	[hbm4b:s14+s6] =	stream.linear.scatter [tilespmem:s15], [sflag:$0x1], $0x80, $0x38;
	[tilespmem:$0xA000] =	vst v63  }
0x2c1: {  	s13 =	ssub.s32 $0x167F, s11;
	s15 =	sadd.s32 $0x10, s14  }
0x2c2: {  	[hbm4b:s15+s6] =	stream.linear.scatter [tilespmem:s13], [sflag:$0x1], $0x80, $0x38;
	[tilespmem:$0xA000] =	vst v63  }
0x2c3: {  	s13 =	ssub.s32 $0x207F, s11;
	s15 =	sadd.s32 $0x20, s14  }
0x2c4: {  	[hbm4b:s15+s6] =	stream.linear.scatter [tilespmem:s13], [sflag:$0x1], $0x80, $0x38;
	[tilespmem:$0xA000] =	vst v63  }
0x2c5: {  	s13 =	ssub.s32 $0x2A7F, s11;
	s15 =	sadd.s32 $0x30, s14  }
0x2c6: {  	[hbm4b:s15+s6] =	stream.linear.scatter [tilespmem:s13], [sflag:$0x1], $0x80, $0x38;
	[tilespmem:$0xA000] =	vst v63  }
0x2c7: {  	s13 =	ssub.s32 $0x347F, s11;
	s15 =	sadd.s32 $0x40, s14  }
0x2c8: {  	[hbm4b:s15+s6] =	stream.linear.scatter [tilespmem:s13], [sflag:$0x1], $0x80, $0x38;
	[tilespmem:$0xA000] =	vst v63  }
0x2c9: {  	s13 =	ssub.s32 $0x3E7F, s11;
	s15 =	sadd.s32 $0x50, s14  }
0x2ca: {  	[hbm4b:s15+s6] =	stream.linear.scatter [tilespmem:s13], [sflag:$0x1], $0x80, $0x38;
	[tilespmem:$0xA000] =	vst v63  }
0x2cb: {  	s13 =	ssub.s32 $0x487F, s11;
	s15 =	sadd.s32 $0x60, s14  }
0x2cc: {  	[hbm4b:s15+s6] =	stream.linear.scatter [tilespmem:s13], [sflag:$0x1], $0x80, $0x38;
	[tilespmem:$0xA000] =	vst v63  }
0x2cd: {  	s14 =	sadd.s32 $0x70, s14;
	s15 =	ssub.s32 $0x527F, s11  }
0x2ce: {  	[hbm4b:s14+s6] =	stream.linear.scatter [tilespmem:s15], [sflag:$0x1], $0x80, $0x38;
	[tilespmem:$0xA000] =	vst v63  }
0x2cf: {  	s15 =	ssub.s32 $0xCFF, s11;
	s14 =	sadd.s32 s12, s31  }
0x2d0: {  	[hbm4b:s14+s6] =	stream.linear.scatter [tilespmem:s15], [sflag:$0x1], $0x80, $0x38;
	[tilespmem:$0xA000] =	vst v63  }
0x2d1: {  	s13 =	ssub.s32 $0x16FF, s11;
	s15 =	sadd.s32 $0x10, s14  }
0x2d2: {  	[hbm4b:s15+s6] =	stream.linear.scatter [tilespmem:s13], [sflag:$0x1], $0x80, $0x38;
	[tilespmem:$0xA000] =	vst v63  }
0x2d3: {  	s13 =	ssub.s32 $0x20FF, s11;
	s15 =	sadd.s32 $0x20, s14  }
0x2d4: {  	[hbm4b:s15+s6] =	stream.linear.scatter [tilespmem:s13], [sflag:$0x1], $0x80, $0x38;
	[tilespmem:$0xA000] =	vst v63  }
0x2d5: {  	s13 =	ssub.s32 $0x2AFF, s11;
	s15 =	sadd.s32 $0x30, s14  }
0x2d6: {  	[hbm4b:s15+s6] =	stream.linear.scatter [tilespmem:s13], [sflag:$0x1], $0x80, $0x38;
	[tilespmem:$0xA000] =	vst v63  }
0x2d7: {  	s13 =	ssub.s32 $0x34FF, s11;
	s15 =	sadd.s32 $0x40, s14  }
0x2d8: {  	[hbm4b:s15+s6] =	stream.linear.scatter [tilespmem:s13], [sflag:$0x1], $0x80, $0x38;
	[tilespmem:$0xA000] =	vst v63  }
0x2d9: {  	s13 =	ssub.s32 $0x3EFF, s11;
	s15 =	sadd.s32 $0x50, s14  }
0x2da: {  	[hbm4b:s15+s6] =	stream.linear.scatter [tilespmem:s13], [sflag:$0x1], $0x80, $0x38;
	[tilespmem:$0xA000] =	vst v63  }
0x2db: {  	s13 =	ssub.s32 $0x48FF, s11;
	s15 =	sadd.s32 $0x60, s14  }
0x2dc: {  	[hbm4b:s15+s6] =	stream.linear.scatter [tilespmem:s13], [sflag:$0x1], $0x80, $0x38;
	[tilespmem:$0xA000] =	vst v63  }
0x2dd: {  	s14 =	sadd.s32 $0x70, s14;
	s15 =	ssub.s32 $0x52FF, s11  }
0x2de: {  	[hbm4b:s14+s6] =	stream.linear.scatter [tilespmem:s15], [sflag:$0x1], $0x80, $0x38;
	[tilespmem:$0xA000] =	vst v63  }
0x2df: {  	s15 =	ssub.s32 $0xD7F, s11;
	s14 =	sadd.s32 s12, s3  }
0x2e0: {  	[hbm4b:s14+s6] =	stream.linear.scatter [tilespmem:s15], [sflag:$0x1], $0x80, $0x38;
	[tilespmem:$0xA000] =	vst v63  }
0x2e1: {  	s13 =	ssub.s32 $0x177F, s11;
	s15 =	sadd.s32 $0x10, s14  }
0x2e2: {  	[hbm4b:s15+s6] =	stream.linear.scatter [tilespmem:s13], [sflag:$0x1], $0x80, $0x38;
	[tilespmem:$0xA000] =	vst v63  }
0x2e3: {  	s13 =	ssub.s32 $0x217F, s11;
	s15 =	sadd.s32 $0x20, s14  }
0x2e4: {  	[hbm4b:s15+s6] =	stream.linear.scatter [tilespmem:s13], [sflag:$0x1], $0x80, $0x38;
	[tilespmem:$0xA000] =	vst v63  }
0x2e5: {  	s13 =	ssub.s32 $0x2B7F, s11;
	s15 =	sadd.s32 $0x30, s14  }
0x2e6: {  	[hbm4b:s15+s6] =	stream.linear.scatter [tilespmem:s13], [sflag:$0x1], $0x80, $0x38;
	[tilespmem:$0xA000] =	vst v63  }
0x2e7: {  	s13 =	ssub.s32 $0x357F, s11;
	s15 =	sadd.s32 $0x40, s14  }
0x2e8: {  	[hbm4b:s15+s6] =	stream.linear.scatter [tilespmem:s13], [sflag:$0x1], $0x80, $0x38;
	[tilespmem:$0xA000] =	vst v63  }
0x2e9: {  	s13 =	ssub.s32 $0x3F7F, s11;
	s15 =	sadd.s32 $0x50, s14  }
0x2ea: {  	[hbm4b:s15+s6] =	stream.linear.scatter [tilespmem:s13], [sflag:$0x1], $0x80, $0x38;
	[tilespmem:$0xA000] =	vst v63  }
0x2eb: {  	s13 =	ssub.s32 $0x497F, s11;
	s15 =	sadd.s32 $0x60, s14  }
0x2ec: {  	[hbm4b:s15+s6] =	stream.linear.scatter [tilespmem:s13], [sflag:$0x1], $0x80, $0x38;
	[tilespmem:$0xA000] =	vst v63  }
0x2ed: {  	s14 =	sadd.s32 $0x70, s14;
	s15 =	ssub.s32 $0x537F, s11  }
0x2ee: {  	[hbm4b:s14+s6] =	stream.linear.scatter [tilespmem:s15], [sflag:$0x1], $0x80, $0x38;
	[tilespmem:$0xA000] =	vst v63  }
0x2ef: {  	s15 =	ssub.s32 $0xDFF, s11;
	s14 =	sadd.s32 s12, s8  }
0x2f0: {  	[hbm4b:s14+s6] =	stream.linear.scatter [tilespmem:s15], [sflag:$0x1], $0x80, $0x38;
	[tilespmem:$0xA000] =	vst v63  }
0x2f1: {  	s8 =	sadd.s32 $0x10, s14;
	s15 =	ssub.s32 $0x17FF, s11  }
0x2f2: {  	[hbm4b:s8+s6] =	stream.linear.scatter [tilespmem:s15], [sflag:$0x1], $0x80, $0x38;
	[tilespmem:$0xA000] =	vst v63  }
0x2f3: {  	s15 =	ssub.s32 $0x21FF, s11;
	s8 =	sadd.s32 $0x20, s14  }
0x2f4: {  	[hbm4b:s8+s6] =	stream.linear.scatter [tilespmem:s15], [sflag:$0x1], $0x80, $0x38;
	[tilespmem:$0xA000] =	vst v63  }
0x2f5: {  	s15 =	ssub.s32 $0x2BFF, s11;
	s8 =	sadd.s32 $0x30, s14  }
0x2f6: {  	[hbm4b:s8+s6] =	stream.linear.scatter [tilespmem:s15], [sflag:$0x1], $0x80, $0x38;
	[tilespmem:$0xA000] =	vst v63  }
0x2f7: {  	s15 =	ssub.s32 $0x35FF, s11;
	s8 =	sadd.s32 $0x40, s14  }
0x2f8: {  	[hbm4b:s8+s6] =	stream.linear.scatter [tilespmem:s15], [sflag:$0x1], $0x80, $0x38;
	[tilespmem:$0xA000] =	vst v63  }
0x2f9: {  	s15 =	ssub.s32 $0x3FFF, s11;
	s8 =	sadd.s32 $0x50, s14  }
0x2fa: {  	[hbm4b:s8+s6] =	stream.linear.scatter [tilespmem:s15], [sflag:$0x1], $0x80, $0x38;
	[tilespmem:$0xA000] =	vst v63  }
0x2fb: {  	s15 =	ssub.s32 $0x49FF, s11;
	s8 =	sadd.s32 $0x60, s14  }
0x2fc: {  	[hbm4b:s8+s6] =	stream.linear.scatter [tilespmem:s15], [sflag:$0x1], $0x80, $0x38;
	[tilespmem:$0xA000] =	vst v63  }
0x2fd: {  	s14 =	sadd.s32 $0x70, s14;
	s8 =	ssub.s32 $0x53FF, s11  }
0x2fe: {  	[hbm4b:s14+s6] =	stream.linear.scatter [tilespmem:s8], [sflag:$0x1], $0x80, $0x38;
	[tilespmem:$0xA000] =	vst v63  }
0x2ff: {  	s15 =	ssub.s32 $0xE7F, s11;
	s14 =	sadd.s32 s12, s7  }
0x300: {  	[hbm4b:s14+s6] =	stream.linear.scatter [tilespmem:s15], [sflag:$0x1], $0x80, $0x38;
	[tilespmem:$0xA000] =	vst v63  }
0x301: {  	s7 =	ssub.s32 $0x187F, s11;
	s8 =	sadd.s32 $0x10, s14  }
0x302: {  	[hbm4b:s8+s6] =	stream.linear.scatter [tilespmem:s7], [sflag:$0x1], $0x80, $0x38;
	[tilespmem:$0xA000] =	vst v63  }
0x303: {  	s7 =	ssub.s32 $0x227F, s11;
	s8 =	sadd.s32 $0x20, s14  }
0x304: {  	[hbm4b:s8+s6] =	stream.linear.scatter [tilespmem:s7], [sflag:$0x1], $0x80, $0x38;
	[tilespmem:$0xA000] =	vst v63  }
0x305: {  	s7 =	ssub.s32 $0x2C7F, s11;
	s8 =	sadd.s32 $0x30, s14  }
0x306: {  	[hbm4b:s8+s6] =	stream.linear.scatter [tilespmem:s7], [sflag:$0x1], $0x80, $0x38;
	[tilespmem:$0xA000] =	vst v63  }
0x307: {  	s7 =	ssub.s32 $0x367F, s11;
	s8 =	sadd.s32 $0x40, s14  }
0x308: {  	[hbm4b:s8+s6] =	stream.linear.scatter [tilespmem:s7], [sflag:$0x1], $0x80, $0x38;
	[tilespmem:$0xA000] =	vst v63  }
0x309: {  	s7 =	ssub.s32 $0x407F, s11;
	s8 =	sadd.s32 $0x50, s14  }
0x30a: {  	[hbm4b:s8+s6] =	stream.linear.scatter [tilespmem:s7], [sflag:$0x1], $0x80, $0x38;
	[tilespmem:$0xA000] =	vst v63  }
0x30b: {  	s7 =	ssub.s32 $0x4A7F, s11;
	s8 =	sadd.s32 $0x60, s14  }
0x30c: {  	[hbm4b:s8+s6] =	stream.linear.scatter [tilespmem:s7], [sflag:$0x1], $0x80, $0x38;
	[tilespmem:$0xA000] =	vst v63  }
0x30d: {  	s14 =	sadd.s32 $0x70, s14;
	s7 =	ssub.s32 $0x547F, s11  }
0x30e: {  	[hbm4b:s14+s6] =	stream.linear.scatter [tilespmem:s7], [sflag:$0x1], $0x80, $0x38;
	[tilespmem:$0xA000] =	vst v63  }
0x30f: {  	s8 =	ssub.s32 $0xEFF, s11;
	s14 =	sadd.s32 s12, s25  }
0x310: {  	[hbm4b:s14+s6] =	stream.linear.scatter [tilespmem:s8], [sflag:$0x1], $0x80, $0x38;
	[tilespmem:$0xA000] =	vst v63  }
0x311: {  	s15 =	ssub.s32 $0x18FF, s11;
	s25 =	sadd.s32 $0x10, s14  }
0x312: {  	[hbm4b:s25+s6] =	stream.linear.scatter [tilespmem:s15], [sflag:$0x1], $0x80, $0x38;
	[tilespmem:$0xA000] =	vst v63  }
0x313: {  	s7 =	ssub.s32 $0x22FF, s11;
	s8 =	sadd.s32 $0x20, s14  }
0x314: {  	[hbm4b:s8+s6] =	stream.linear.scatter [tilespmem:s7], [sflag:$0x1], $0x80, $0x38;
	[tilespmem:$0xA000] =	vst v63  }
0x315: {  	s15 =	ssub.s32 $0x2CFF, s11;
	s25 =	sadd.s32 $0x30, s14  }
0x316: {  	[hbm4b:s25+s6] =	stream.linear.scatter [tilespmem:s15], [sflag:$0x1], $0x80, $0x38;
	[tilespmem:$0xA000] =	vst v63  }
0x317: {  	s7 =	ssub.s32 $0x36FF, s11;
	s8 =	sadd.s32 $0x40, s14  }
0x318: {  	[hbm4b:s8+s6] =	stream.linear.scatter [tilespmem:s7], [sflag:$0x1], $0x80, $0x38;
	[tilespmem:$0xA000] =	vst v63  }
0x319: {  	s15 =	ssub.s32 $0x40FF, s11;
	s25 =	sadd.s32 $0x50, s14  }
0x31a: {  	[hbm4b:s25+s6] =	stream.linear.scatter [tilespmem:s15], [sflag:$0x1], $0x80, $0x38;
	[tilespmem:$0xA000] =	vst v63  }
0x31b: {  	s7 =	ssub.s32 $0x4AFF, s11;
	s8 =	sadd.s32 $0x60, s14  }
0x31c: {  	[hbm4b:s8+s6] =	stream.linear.scatter [tilespmem:s7], [sflag:$0x1], $0x80, $0x38;
	[tilespmem:$0xA000] =	vst v63  }
0x31d: {  	s14 =	sadd.s32 $0x70, s14;
	s15 =	ssub.s32 $0x54FF, s11  }
0x31e: {  	[hbm4b:s14+s6] =	stream.linear.scatter [tilespmem:s15], [sflag:$0x1], $0x80, $0x38;
	[tilespmem:$0xA000] =	vst v63  }
0x31f: {  	s25 =	ssub.s32 $0xF7F, s11;
	s14 =	sadd.s32 s12, s2  }
0x320: {  	[hbm4b:s14+s6] =	stream.linear.scatter [tilespmem:s25], [sflag:$0x1], $0x80, $0x38;
	[tilespmem:$0xA000] =	vst v63  }
0x321: {  	s7 =	ssub.s32 $0x197F, s11;
	s8 =	sadd.s32 $0x10, s14  }
0x322: {  	[hbm4b:s8+s6] =	stream.linear.scatter [tilespmem:s7], [sflag:$0x1], $0x80, $0x38;
	[tilespmem:$0xA000] =	vst v63  }
0x323: {  	s2 =	sadd.s32 $0x20, s14;
	s25 =	ssub.s32 $0x237F, s11  }
0x324: {  	[hbm4b:s2+s6] =	stream.linear.scatter [tilespmem:s25], [sflag:$0x1], $0x80, $0x38;
	[tilespmem:$0xA000] =	vst v63  }
0x325: {  	s7 =	ssub.s32 $0x2D7F, s11;
	s8 =	sadd.s32 $0x30, s14  }
0x326: {  	[hbm4b:s8+s6] =	stream.linear.scatter [tilespmem:s7], [sflag:$0x1], $0x80, $0x38;
	[tilespmem:$0xA000] =	vst v63  }
0x327: {  	s25 =	ssub.s32 $0x377F, s11;
	s2 =	sadd.s32 $0x40, s14  }
0x328: {  	[hbm4b:s2+s6] =	stream.linear.scatter [tilespmem:s25], [sflag:$0x1], $0x80, $0x38;
	[tilespmem:$0xA000] =	vst v63  }
0x329: {  	s7 =	ssub.s32 $0x417F, s11;
	s8 =	sadd.s32 $0x50, s14  }
0x32a: {  	[hbm4b:s8+s6] =	stream.linear.scatter [tilespmem:s7], [sflag:$0x1], $0x80, $0x38;
	[tilespmem:$0xA000] =	vst v63  }
0x32b: {  	s25 =	ssub.s32 $0x4B7F, s11;
	s2 =	sadd.s32 $0x60, s14  }
0x32c: {  	[hbm4b:s2+s6] =	stream.linear.scatter [tilespmem:s25], [sflag:$0x1], $0x80, $0x38;
	[tilespmem:$0xA000] =	vst v63  }
0x32d: {  	s14 =	sadd.s32 $0x70, s14;
	s7 =	ssub.s32 $0x557F, s11  }
0x32e: {  	[hbm4b:s14+s6] =	stream.linear.scatter [tilespmem:s7], [sflag:$0x1], $0x80, $0x38;
	[tilespmem:$0xA000] =	vst v63  }
0x32f: {  	s13 =	sadd.s32 s12, s1;
	s8 =	ssub.s32 $0x57FF, s11  }
0x330: {  	[hbm4b:s13+s6] =	stream.linear.scatter [tilespmem:s8], [sflag:$0x1], $0x80, $0x38;
	[tilespmem:$0xA000] =	vst v63  }
0x331: {  	s15 =	ssub.s32 $0x61FF, s11;
	s25 =	sadd.s32 $0x10, s13  }
0x332: {  	[hbm4b:s25+s6] =	stream.linear.scatter [tilespmem:s15], [sflag:$0x1], $0x80, $0x38;
	[tilespmem:$0xA000] =	vst v63  }
0x333: {  	s1 =	ssub.s32 $0x6BFF, s11;
	s2 =	sadd.s32 $0x20, s13  }
0x334: {  	[hbm4b:s2+s6] =	stream.linear.scatter [tilespmem:s1], [sflag:$0x1], $0x80, $0x38;
	[tilespmem:$0xA000] =	vst v63  }
0x335: {  	s7 =	ssub.s32 $0x75FF, s11;
	s8 =	sadd.s32 $0x30, s13  }
0x336: {  	[hbm4b:s8+s6] =	stream.linear.scatter [tilespmem:s7], [sflag:$0x1], $0x80, $0x38;
	[tilespmem:$0xA000] =	vst v63  }
0x337: {  	s15 =	ssub.s32 $0x7FFF, s11;
	s25 =	sadd.s32 $0x40, s13  }
0x338: {  	[hbm4b:s25+s6] =	stream.linear.scatter [tilespmem:s15], [sflag:$0x1], $0x80, $0x38;
	[tilespmem:$0xA000] =	vst v63  }
0x339: {  	s1 =	ssub.s32 $0x89FF, s11;
	s2 =	sadd.s32 $0x50, s13  }
0x33a: {  	[hbm4b:s2+s6] =	stream.linear.scatter [tilespmem:s1], [sflag:$0x1], $0x80, $0x38;
	[tilespmem:$0xA000] =	vst v63  }
0x33b: {  	s7 =	ssub.s32 $0x93FF, s11;
	s8 =	sadd.s32 $0x60, s13  }
0x33c: {  	[hbm4b:s8+s6] =	stream.linear.scatter [tilespmem:s7], [sflag:$0x1], $0x80, $0x38;
	[tilespmem:$0xA000] =	vst v63  }
0x33d: {  	s13 =	sadd.s32 $0x70, s13;
	s25 =	ssub.s32 $0x9DFF, s11  }
0x33e: {  	[hbm4b:s13+s6] =	stream.linear.scatter [tilespmem:s25], [sflag:$0x1], $0x80, $0x38;
	[tilespmem:$0xA000] =	vst v63  }
0x33f: {  	s1 =	ssub.s32 $0x587F, s11;
	s13 =	sadd.s32 s12, s4  }
0x340: {  	[hbm4b:s13+s6] =	stream.linear.scatter [tilespmem:s1], [sflag:$0x1], $0x80, $0x38;
	[tilespmem:$0xA000] =	vst v63  }
0x341: {  	s2 =	ssub.s32 $0x627F, s11;
	s4 =	sadd.s32 $0x10, s13  }
0x342: {  	[hbm4b:s4+s6] =	stream.linear.scatter [tilespmem:s2], [sflag:$0x1], $0x80, $0x38;
	[tilespmem:$0xA000] =	vst v63  }
0x343: {  	s7 =	ssub.s32 $0x6C7F, s11;
	s8 =	sadd.s32 $0x20, s13  }
0x344: {  	[hbm4b:s8+s6] =	stream.linear.scatter [tilespmem:s7], [sflag:$0x1], $0x80, $0x38;
	[tilespmem:$0xA000] =	vst v63  }
0x345: {  	s25 =	ssub.s32 $0x767F, s11;
	s1 =	sadd.s32 $0x30, s13  }
0x346: {  	[hbm4b:s1+s6] =	stream.linear.scatter [tilespmem:s25], [sflag:$0x1], $0x80, $0x38;
	[tilespmem:$0xA000] =	vst v63  }
0x347: {  	s2 =	ssub.s32 $0x807F, s11;
	s4 =	sadd.s32 $0x40, s13  }
0x348: {  	[hbm4b:s4+s6] =	stream.linear.scatter [tilespmem:s2], [sflag:$0x1], $0x80, $0x38;
	[tilespmem:$0xA000] =	vst v63  }
0x349: {  	s7 =	ssub.s32 $0x8A7F, s11;
	s8 =	sadd.s32 $0x50, s13  }
0x34a: {  	[hbm4b:s8+s6] =	stream.linear.scatter [tilespmem:s7], [sflag:$0x1], $0x80, $0x38;
	[tilespmem:$0xA000] =	vst v63  }
0x34b: {  	s25 =	ssub.s32 $0x947F, s11;
	s1 =	sadd.s32 $0x60, s13  }
0x34c: {  	[hbm4b:s1+s6] =	stream.linear.scatter [tilespmem:s25], [sflag:$0x1], $0x80, $0x38;
	[tilespmem:$0xA000] =	vst v63  }
0x34d: {  	s13 =	sadd.s32 $0x70, s13;
	s2 =	ssub.s32 $0x9E7F, s11  }
0x34e: {  	[hbm4b:s13+s6] =	stream.linear.scatter [tilespmem:s2], [sflag:$0x1], $0x80, $0x38;
	[tilespmem:$0xA000] =	vst v63  }
0x34f: {  	s4 =	ssub.s32 $0x58FF, s11;
	s13 =	sadd.s32 s12, s0  }
0x350: {  	[hbm4b:s13+s6] =	stream.linear.scatter [tilespmem:s4], [sflag:$0x1], $0x80, $0x38;
	[tilespmem:$0xA000] =	vst v63  }
0x351: {  	s7 =	ssub.s32 $0x62FF, s11;
	s8 =	sadd.s32 $0x10, s13  }
0x352: {  	[hbm4b:s8+s6] =	stream.linear.scatter [tilespmem:s7], [sflag:$0x1], $0x80, $0x38;
	[tilespmem:$0xA000] =	vst v63  }
0x353: {  	s15 =	ssub.s32 $0x6CFF, s11;
	s25 =	sadd.s32 $0x20, s13  }
0x354: {  	[hbm4b:s25+s6] =	stream.linear.scatter [tilespmem:s15], [sflag:$0x1], $0x80, $0x38;
	[tilespmem:$0xA000] =	vst v63  }
0x355: {  	s0 =	ssub.s32 $0x76FF, s11;
	s1 =	sadd.s32 $0x30, s13  }
0x356: {  	[hbm4b:s1+s6] =	stream.linear.scatter [tilespmem:s0], [sflag:$0x1], $0x80, $0x38;
	[tilespmem:$0xA000] =	vst v63  }
0x357: {  	s2 =	ssub.s32 $0x80FF, s11;
	s4 =	sadd.s32 $0x40, s13  }
0x358: {  	[hbm4b:s4+s6] =	stream.linear.scatter [tilespmem:s2], [sflag:$0x1], $0x80, $0x38;
	[tilespmem:$0xA000] =	vst v63  }
0x359: {  	s7 =	ssub.s32 $0x8AFF, s11;
	s8 =	sadd.s32 $0x50, s13  }
0x35a: {  	[hbm4b:s8+s6] =	stream.linear.scatter [tilespmem:s7], [sflag:$0x1], $0x80, $0x38;
	[tilespmem:$0xA000] =	vst v63  }
0x35b: {  	s25 =	ssub.s32 $0x94FF, s11;
	s0 =	sadd.s32 $0x60, s13  }
0x35c: {  	[hbm4b:s0+s6] =	stream.linear.scatter [tilespmem:s25], [sflag:$0x1], $0x80, $0x38;
	[tilespmem:$0xA000] =	vst v63  }
0x35d: {  	s1 =	ssub.s32 $0x9EFF, s11;
	s13 =	sadd.s32 $0x70, s13  }
0x35e: {  	[hbm4b:s13+s6] =	stream.linear.scatter [tilespmem:s1], [sflag:$0x1], $0x80, $0x38;
	[tilespmem:$0xA000] =	vst v63  }
0x35f: {  	s2 =	ssub.s32 $0x597F, s11;
	s13 =	sadd.s32 s12, s5  }
0x360: {  	[hbm4b:s13+s6] =	stream.linear.scatter [tilespmem:s2], [sflag:$0x1], $0x80, $0x38;
	[tilespmem:$0xA000] =	vst v63  }
0x361: {  	s4 =	ssub.s32 $0x637F, s11;
	s5 =	sadd.s32 $0x10, s13  }
0x362: {  	[hbm4b:s5+s6] =	stream.linear.scatter [tilespmem:s4], [sflag:$0x1], $0x80, $0x38;
	[tilespmem:$0xA000] =	vst v63  }
0x363: {  	s7 =	ssub.s32 $0x6D7F, s11;
	s8 =	sadd.s32 $0x20, s13  }
0x364: {  	[hbm4b:s8+s6] =	stream.linear.scatter [tilespmem:s7], [sflag:$0x1], $0x80, $0x38;
	[tilespmem:$0xA000] =	vst v63  }
0x365: {  	s25 =	ssub.s32 $0x777F, s11;
	s0 =	sadd.s32 $0x30, s13  }
0x366: {  	[hbm4b:s0+s6] =	stream.linear.scatter [tilespmem:s25], [sflag:$0x1], $0x80, $0x38;
	[tilespmem:$0xA000] =	vst v63  }
0x367: {  	s1 =	ssub.s32 $0x817F, s11;
	s2 =	sadd.s32 $0x40, s13  }
0x368: {  	[hbm4b:s2+s6] =	stream.linear.scatter [tilespmem:s1], [sflag:$0x1], $0x80, $0x38;
	[tilespmem:$0xA000] =	vst v63  }
0x369: {  	s4 =	ssub.s32 $0x8B7F, s11;
	s5 =	sadd.s32 $0x50, s13  }
0x36a: {  	[hbm4b:s5+s6] =	stream.linear.scatter [tilespmem:s4], [sflag:$0x1], $0x80, $0x38;
	[tilespmem:$0xA000] =	vst v63  }
0x36b: {  	s7 =	ssub.s32 $0x957F, s11;
	s8 =	sadd.s32 $0x60, s13  }
0x36c: {  	[hbm4b:s8+s6] =	stream.linear.scatter [tilespmem:s7], [sflag:$0x1], $0x80, $0x38;
	[tilespmem:$0xA000] =	vst v63  }
0x36d: {  	s13 =	sadd.s32 $0x70, s13;
	s25 =	ssub.s32 $0x9F7F, s11  }
0x36e: {  	[hbm4b:s13+s6] =	stream.linear.scatter [tilespmem:s25], [sflag:$0x1], $0x80, $0x38;
	[tilespmem:$0xA000] =	vst v63  }
0x36f: {  	s0 =	ssub.s32 $0x59FF, s11;
	s13 =	sadd.s32 s12, s17  }
0x370: {  	[hbm4b:s13+s6] =	stream.linear.scatter [tilespmem:s0], [sflag:$0x1], $0x80, $0x38;
	[tilespmem:$0xA000] =	vst v63  }
0x371: {  	s1 =	ssub.s32 $0x63FF, s11;
	s2 =	sadd.s32 $0x10, s13  }
0x372: {  	[hbm4b:s2+s6] =	stream.linear.scatter [tilespmem:s1], [sflag:$0x1], $0x80, $0x38;
	[tilespmem:$0xA000] =	vst v63  }
0x373: {  	s4 =	ssub.s32 $0x6DFF, s11;
	s5 =	sadd.s32 $0x20, s13  }
0x374: {  	[hbm4b:s5+s6] =	stream.linear.scatter [tilespmem:s4], [sflag:$0x1], $0x80, $0x38;
	[tilespmem:$0xA000] =	vst v63  }
0x375: {  	s7 =	ssub.s32 $0x77FF, s11;
	s8 =	sadd.s32 $0x30, s13  }
0x376: {  	[hbm4b:s8+s6] =	stream.linear.scatter [tilespmem:s7], [sflag:$0x1], $0x80, $0x38;
	[tilespmem:$0xA000] =	vst v63  }
0x377: {  	s15 =	ssub.s32 $0x81FF, s11;
	s17 =	sadd.s32 $0x40, s13  }
0x378: {  	[hbm4b:s17+s6] =	stream.linear.scatter [tilespmem:s15], [sflag:$0x1], $0x80, $0x38;
	[tilespmem:$0xA000] =	vst v63  }
0x379: {  	s25 =	ssub.s32 $0x8BFF, s11;
	s0 =	sadd.s32 $0x50, s13  }
0x37a: {  	[hbm4b:s0+s6] =	stream.linear.scatter [tilespmem:s25], [sflag:$0x1], $0x80, $0x38;
	[tilespmem:$0xA000] =	vst v63  }
0x37b: {  	s1 =	ssub.s32 $0x95FF, s11;
	s2 =	sadd.s32 $0x60, s13  }
0x37c: {  	[hbm4b:s2+s6] =	stream.linear.scatter [tilespmem:s1], [sflag:$0x1], $0x80, $0x38;
	[tilespmem:$0xA000] =	vst v63  }
0x37d: {  	s13 =	sadd.s32 $0x70, s13;
	s4 =	ssub.s32 $0x9FFF, s11  }
0x37e: {  	[hbm4b:s13+s6] =	stream.linear.scatter [tilespmem:s4], [sflag:$0x1], $0x80, $0x38;
	[tilespmem:$0xA000] =	vst v63  }
0x37f: {  	s5 =	ssub.s32 $0x5A7F, s11;
	s13 =	sadd.s32 s12, s18  }
0x380: {  	[hbm4b:s13+s6] =	stream.linear.scatter [tilespmem:s5], [sflag:$0x1], $0x80, $0x38;
	[tilespmem:$0xA000] =	vst v63  }
0x381: {  	s7 =	ssub.s32 $0x647F, s11;
	s8 =	sadd.s32 $0x10, s13  }
0x382: {  	[hbm4b:s8+s6] =	stream.linear.scatter [tilespmem:s7], [sflag:$0x1], $0x80, $0x38;
	[tilespmem:$0xA000] =	vst v63  }
0x383: {  	s15 =	ssub.s32 $0x6E7F, s11;
	s17 =	sadd.s32 $0x20, s13  }
0x384: {  	[hbm4b:s17+s6] =	stream.linear.scatter [tilespmem:s15], [sflag:$0x1], $0x80, $0x38;
	[tilespmem:$0xA000] =	vst v63  }
0x385: {  	s18 =	ssub.s32 $0x787F, s11;
	s25 =	sadd.s32 $0x30, s13  }
0x386: {  	[hbm4b:s25+s6] =	stream.linear.scatter [tilespmem:s18], [sflag:$0x1], $0x80, $0x38;
	[tilespmem:$0xA000] =	vst v63  }
0x387: {  	s0 =	ssub.s32 $0x827F, s11;
	s1 =	sadd.s32 $0x40, s13  }
0x388: {  	[hbm4b:s1+s6] =	stream.linear.scatter [tilespmem:s0], [sflag:$0x1], $0x80, $0x38;
	[tilespmem:$0xA000] =	vst v63  }
0x389: {  	s2 =	ssub.s32 $0x8C7F, s11;
	s4 =	sadd.s32 $0x50, s13  }
0x38a: {  	[hbm4b:s4+s6] =	stream.linear.scatter [tilespmem:s2], [sflag:$0x1], $0x80, $0x38;
	[tilespmem:$0xA000] =	vst v63  }
0x38b: {  	s5 =	ssub.s32 $0x967F, s11;
	s7 =	sadd.s32 $0x60, s13  }
0x38c: {  	[hbm4b:s7+s6] =	stream.linear.scatter [tilespmem:s5], [sflag:$0x1], $0x80, $0x38;
	[tilespmem:$0xA000] =	vst v63  }
0x38d: {  	s14 =	rddreg [dreg:$0xf];
	s8 =	ssub.s32 $0xA07F, s11;
	s13 =	sadd.s32 $0x70, s13  }
0x38e: {  	[hbm4b:s13+s6] =	stream.linear.scatter [tilespmem:s8], [sflag:$0x1], $0x80, $0x38;
	[tilespmem:$0xA000] =	vst v63  }
0x38f: {  	s15 =	ssub.s32 $0x5AFF, s11;
	s13 =	sadd.s32 s12, s14  }
0x390: {  	[hbm4b:s13+s6] =	stream.linear.scatter [tilespmem:s15], [sflag:$0x1], $0x80, $0x38;
	[tilespmem:$0xA000] =	vst v63  }
0x391: {  	s17 =	ssub.s32 $0x64FF, s11;
	s18 =	sadd.s32 $0x10, s13  }
0x392: {  	[hbm4b:s18+s6] =	stream.linear.scatter [tilespmem:s17], [sflag:$0x1], $0x80, $0x38;
	[tilespmem:$0xA000] =	vst v63  }
0x393: {  	s25 =	ssub.s32 $0x6EFF, s11;
	s0 =	sadd.s32 $0x20, s13  }
0x394: {  	[hbm4b:s0+s6] =	stream.linear.scatter [tilespmem:s25], [sflag:$0x1], $0x80, $0x38;
	[tilespmem:$0xA000] =	vst v63  }
0x395: {  	s1 =	ssub.s32 $0x78FF, s11;
	s2 =	sadd.s32 $0x30, s13  }
0x396: {  	[hbm4b:s2+s6] =	stream.linear.scatter [tilespmem:s1], [sflag:$0x1], $0x80, $0x38;
	[tilespmem:$0xA000] =	vst v63  }
0x397: {  	s4 =	ssub.s32 $0x82FF, s11;
	s5 =	sadd.s32 $0x40, s13  }
0x398: {  	[hbm4b:s5+s6] =	stream.linear.scatter [tilespmem:s4], [sflag:$0x1], $0x80, $0x38;
	[tilespmem:$0xA000] =	vst v63  }
0x399: {  	s7 =	ssub.s32 $0x8CFF, s11;
	s8 =	sadd.s32 $0x50, s13  }
0x39a: {  	[hbm4b:s8+s6] =	stream.linear.scatter [tilespmem:s7], [sflag:$0x1], $0x80, $0x38;
	[tilespmem:$0xA000] =	vst v63  }
0x39b: {  	s15 =	ssub.s32 $0x96FF, s11;
	s17 =	sadd.s32 $0x60, s13  }
0x39c: {  	[hbm4b:s17+s6] =	stream.linear.scatter [tilespmem:s15], [sflag:$0x1], $0x80, $0x38;
	[tilespmem:$0xA000] =	vst v63  }
0x39d: {  	s18 =	ssub.s32 $0xA0FF, s11;
	s13 =	sadd.s32 $0x70, s13;
	s25 =	rddreg [dreg:$0x10]  }
0x39e: {  	[hbm4b:s13+s6] =	stream.linear.scatter [tilespmem:s18], [sflag:$0x1], $0x80, $0x38;
	[tilespmem:$0xA000] =	vst v63  }
0x39f: {  	s0 =	ssub.s32 $0x5B7F, s11;
	s13 =	sadd.s32 s12, s25  }
0x3a0: {  	[hbm4b:s13+s6] =	stream.linear.scatter [tilespmem:s0], [sflag:$0x1], $0x80, $0x38;
	[tilespmem:$0xA000] =	vst v63  }
0x3a1: {  	s1 =	ssub.s32 $0x657F, s11;
	s2 =	sadd.s32 $0x10, s13  }
0x3a2: {  	[hbm4b:s2+s6] =	stream.linear.scatter [tilespmem:s1], [sflag:$0x1], $0x80, $0x38;
	[tilespmem:$0xA000] =	vst v63  }
0x3a3: {  	s4 =	ssub.s32 $0x6F7F, s11;
	s5 =	sadd.s32 $0x20, s13  }
0x3a4: {  	[hbm4b:s5+s6] =	stream.linear.scatter [tilespmem:s4], [sflag:$0x1], $0x80, $0x38;
	[tilespmem:$0xA000] =	vst v63  }
0x3a5: {  	s7 =	ssub.s32 $0x797F, s11;
	s8 =	sadd.s32 $0x30, s13  }
0x3a6: {  	[hbm4b:s8+s6] =	stream.linear.scatter [tilespmem:s7], [sflag:$0x1], $0x80, $0x38;
	[tilespmem:$0xA000] =	vst v63  }
0x3a7: {  	s15 =	ssub.s32 $0x837F, s11;
	s17 =	sadd.s32 $0x40, s13  }
0x3a8: {  	[hbm4b:s17+s6] =	stream.linear.scatter [tilespmem:s15], [sflag:$0x1], $0x80, $0x38;
	[tilespmem:$0xA000] =	vst v63  }
0x3a9: {  	s18 =	ssub.s32 $0x8D7F, s11;
	s25 =	sadd.s32 $0x50, s13  }
0x3aa: {  	[hbm4b:s25+s6] =	stream.linear.scatter [tilespmem:s18], [sflag:$0x1], $0x80, $0x38;
	[tilespmem:$0xA000] =	vst v63  }
0x3ab: {  	s0 =	ssub.s32 $0x977F, s11;
	s1 =	sadd.s32 $0x60, s13  }
0x3ac: {  	[hbm4b:s1+s6] =	stream.linear.scatter [tilespmem:s0], [sflag:$0x1], $0x80, $0x38;
	[tilespmem:$0xA000] =	vst v63  }
0x3ad: {  	s2 =	ssub.s32 $0xA17F, s11;
	s13 =	sadd.s32 $0x70, s13;
	s4 =	rddreg [dreg:$0x11]  }
0x3ae: {  	[hbm4b:s13+s6] =	stream.linear.scatter [tilespmem:s2], [sflag:$0x1], $0x80, $0x38;
	[tilespmem:$0xA000] =	vst v63  }
0x3af: {  	s5 =	ssub.s32 $0x5BFF, s11;
	s13 =	sadd.s32 s12, s4  }
0x3b0: {  	[hbm4b:s13+s6] =	stream.linear.scatter [tilespmem:s5], [sflag:$0x1], $0x80, $0x38;
	[tilespmem:$0xA000] =	vst v63  }
0x3b1: {  	s7 =	ssub.s32 $0x65FF, s11;
	s8 =	sadd.s32 $0x10, s13  }
0x3b2: {  	[hbm4b:s8+s6] =	stream.linear.scatter [tilespmem:s7], [sflag:$0x1], $0x80, $0x38;
	[tilespmem:$0xA000] =	vst v63  }
0x3b3: {  	s15 =	ssub.s32 $0x6FFF, s11;
	s17 =	sadd.s32 $0x20, s13  }
0x3b4: {  	[hbm4b:s17+s6] =	stream.linear.scatter [tilespmem:s15], [sflag:$0x1], $0x80, $0x38;
	[tilespmem:$0xA000] =	vst v63  }
0x3b5: {  	s18 =	ssub.s32 $0x79FF, s11;
	s25 =	sadd.s32 $0x30, s13  }
0x3b6: {  	[hbm4b:s25+s6] =	stream.linear.scatter [tilespmem:s18], [sflag:$0x1], $0x80, $0x38;
	[tilespmem:$0xA000] =	vst v63  }
0x3b7: {  	s0 =	ssub.s32 $0x83FF, s11;
	s1 =	sadd.s32 $0x40, s13  }
0x3b8: {  	[hbm4b:s1+s6] =	stream.linear.scatter [tilespmem:s0], [sflag:$0x1], $0x80, $0x38;
	[tilespmem:$0xA000] =	vst v63  }
0x3b9: {  	s2 =	ssub.s32 $0x8DFF, s11;
	s4 =	sadd.s32 $0x50, s13  }
0x3ba: {  	[hbm4b:s4+s6] =	stream.linear.scatter [tilespmem:s2], [sflag:$0x1], $0x80, $0x38;
	[tilespmem:$0xA000] =	vst v63  }
0x3bb: {  	s5 =	ssub.s32 $0x97FF, s11;
	s7 =	sadd.s32 $0x60, s13  }
0x3bc: {  	[hbm4b:s7+s6] =	stream.linear.scatter [tilespmem:s5], [sflag:$0x1], $0x80, $0x38;
	[tilespmem:$0xA000] =	vst v63  }
0x3bd: {  	s14 =	rddreg [dreg:$0x12];
	s8 =	ssub.s32 $0xA1FF, s11;
	s13 =	sadd.s32 $0x70, s13  }
0x3be: {  	[hbm4b:s13+s6] =	stream.linear.scatter [tilespmem:s8], [sflag:$0x1], $0x80, $0x38;
	[tilespmem:$0xA000] =	vst v63  }
0x3bf: {  	s15 =	ssub.s32 $0x5C7F, s11;
	s13 =	sadd.s32 s12, s14  }
0x3c0: {  	[hbm4b:s13+s6] =	stream.linear.scatter [tilespmem:s15], [sflag:$0x1], $0x80, $0x38;
	[tilespmem:$0xA000] =	vst v63  }
0x3c1: {  	s17 =	ssub.s32 $0x667F, s11;
	s18 =	sadd.s32 $0x10, s13  }
0x3c2: {  	[hbm4b:s18+s6] =	stream.linear.scatter [tilespmem:s17], [sflag:$0x1], $0x80, $0x38;
	[tilespmem:$0xA000] =	vst v63  }
0x3c3: {  	s25 =	ssub.s32 $0x707F, s11;
	s0 =	sadd.s32 $0x20, s13  }
0x3c4: {  	[hbm4b:s0+s6] =	stream.linear.scatter [tilespmem:s25], [sflag:$0x1], $0x80, $0x38;
	[tilespmem:$0xA000] =	vst v63  }
0x3c5: {  	s1 =	ssub.s32 $0x7A7F, s11;
	s2 =	sadd.s32 $0x30, s13  }
0x3c6: {  	[hbm4b:s2+s6] =	stream.linear.scatter [tilespmem:s1], [sflag:$0x1], $0x80, $0x38;
	[tilespmem:$0xA000] =	vst v63  }
0x3c7: {  	s4 =	ssub.s32 $0x847F, s11;
	s5 =	sadd.s32 $0x40, s13  }
0x3c8: {  	[hbm4b:s5+s6] =	stream.linear.scatter [tilespmem:s4], [sflag:$0x1], $0x80, $0x38;
	[tilespmem:$0xA000] =	vst v63  }
0x3c9: {  	s7 =	ssub.s32 $0x8E7F, s11;
	s8 =	sadd.s32 $0x50, s13  }
0x3ca: {  	[hbm4b:s8+s6] =	stream.linear.scatter [tilespmem:s7], [sflag:$0x1], $0x80, $0x38;
	[tilespmem:$0xA000] =	vst v63  }
0x3cb: {  	s15 =	ssub.s32 $0x987F, s11;
	s17 =	sadd.s32 $0x60, s13  }
0x3cc: {  	[hbm4b:s17+s6] =	stream.linear.scatter [tilespmem:s15], [sflag:$0x1], $0x80, $0x38;
	[tilespmem:$0xA000] =	vst v63  }
0x3cd: {  	s18 =	ssub.s32 $0xA27F, s11;
	s13 =	sadd.s32 $0x70, s13;
	s25 =	rddreg [dreg:$0x13]  }
0x3ce: {  	[hbm4b:s13+s6] =	stream.linear.scatter [tilespmem:s18], [sflag:$0x1], $0x80, $0x38;
	[tilespmem:$0xA000] =	vst v63  }
0x3cf: {  	s0 =	ssub.s32 $0x5CFF, s11;
	s13 =	sadd.s32 s12, s25  }
0x3d0: {  	[hbm4b:s13+s6] =	stream.linear.scatter [tilespmem:s0], [sflag:$0x1], $0x80, $0x38;
	[tilespmem:$0xA000] =	vst v63  }
0x3d1: {  	s1 =	ssub.s32 $0x66FF, s11;
	s2 =	sadd.s32 $0x10, s13  }
0x3d2: {  	[hbm4b:s2+s6] =	stream.linear.scatter [tilespmem:s1], [sflag:$0x1], $0x80, $0x38;
	[tilespmem:$0xA000] =	vst v63  }
0x3d3: {  	s4 =	ssub.s32 $0x70FF, s11;
	s5 =	sadd.s32 $0x20, s13  }
0x3d4: {  	[hbm4b:s5+s6] =	stream.linear.scatter [tilespmem:s4], [sflag:$0x1], $0x80, $0x38;
	[tilespmem:$0xA000] =	vst v63  }
0x3d5: {  	s7 =	ssub.s32 $0x7AFF, s11;
	s8 =	sadd.s32 $0x30, s13  }
0x3d6: {  	[hbm4b:s8+s6] =	stream.linear.scatter [tilespmem:s7], [sflag:$0x1], $0x80, $0x38;
	[tilespmem:$0xA000] =	vst v63  }
0x3d7: {  	s15 =	ssub.s32 $0x84FF, s11;
	s17 =	sadd.s32 $0x40, s13  }
0x3d8: {  	[hbm4b:s17+s6] =	stream.linear.scatter [tilespmem:s15], [sflag:$0x1], $0x80, $0x38;
	[tilespmem:$0xA000] =	vst v63  }
0x3d9: {  	s18 =	ssub.s32 $0x8EFF, s11;
	s25 =	sadd.s32 $0x50, s13  }
0x3da: {  	[hbm4b:s25+s6] =	stream.linear.scatter [tilespmem:s18], [sflag:$0x1], $0x80, $0x38;
	[tilespmem:$0xA000] =	vst v63  }
0x3db: {  	s0 =	ssub.s32 $0x98FF, s11;
	s1 =	sadd.s32 $0x60, s13  }
0x3dc: {  	[hbm4b:s1+s6] =	stream.linear.scatter [tilespmem:s0], [sflag:$0x1], $0x80, $0x38;
	[tilespmem:$0xA000] =	vst v63  }
0x3dd: {  	s2 =	ssub.s32 $0xA2FF, s11;
	s13 =	sadd.s32 $0x70, s13;
	s4 =	rddreg [dreg:$0x14]  }
0x3de: {  	[hbm4b:s13+s6] =	stream.linear.scatter [tilespmem:s2], [sflag:$0x1], $0x80, $0x38;
	[tilespmem:$0xA000] =	vst v63  }
0x3df: {  	s5 =	ssub.s32 $0x5D7F, s11;
	s13 =	sadd.s32 s12, s4  }
0x3e0: {  	[hbm4b:s13+s6] =	stream.linear.scatter [tilespmem:s5], [sflag:$0x1], $0x80, $0x38;
	[tilespmem:$0xA000] =	vst v63  }
0x3e1: {  	s7 =	ssub.s32 $0x677F, s11;
	s8 =	sadd.s32 $0x10, s13  }
0x3e2: {  	[hbm4b:s8+s6] =	stream.linear.scatter [tilespmem:s7], [sflag:$0x1], $0x80, $0x38;
	[tilespmem:$0xA000] =	vst v63  }
0x3e3: {  	s15 =	ssub.s32 $0x717F, s11;
	s17 =	sadd.s32 $0x20, s13  }
0x3e4: {  	[hbm4b:s17+s6] =	stream.linear.scatter [tilespmem:s15], [sflag:$0x1], $0x80, $0x38;
	[tilespmem:$0xA000] =	vst v63  }
0x3e5: {  	s18 =	ssub.s32 $0x7B7F, s11;
	s25 =	sadd.s32 $0x30, s13  }
0x3e6: {  	[hbm4b:s25+s6] =	stream.linear.scatter [tilespmem:s18], [sflag:$0x1], $0x80, $0x38;
	[tilespmem:$0xA000] =	vst v63  }
0x3e7: {  	s0 =	ssub.s32 $0x857F, s11;
	s1 =	sadd.s32 $0x40, s13  }
0x3e8: {  	[hbm4b:s1+s6] =	stream.linear.scatter [tilespmem:s0], [sflag:$0x1], $0x80, $0x38;
	[tilespmem:$0xA000] =	vst v63  }
0x3e9: {  	s2 =	ssub.s32 $0x8F7F, s11;
	s4 =	sadd.s32 $0x50, s13  }
0x3ea: {  	[hbm4b:s4+s6] =	stream.linear.scatter [tilespmem:s2], [sflag:$0x1], $0x80, $0x38;
	[tilespmem:$0xA000] =	vst v63  }
0x3eb: {  	s5 =	ssub.s32 $0x997F, s11;
	s7 =	sadd.s32 $0x60, s13  }
0x3ec: {  	[hbm4b:s7+s6] =	stream.linear.scatter [tilespmem:s5], [sflag:$0x1], $0x80, $0x38;
	[tilespmem:$0xA000] =	vst v63  }
0x3ed: {  	s14 =	rddreg [dreg:$0x15];
	s8 =	ssub.s32 $0xA37F, s11;
	s13 =	sadd.s32 $0x70, s13  }
0x3ee: {  	[hbm4b:s13+s6] =	stream.linear.scatter [tilespmem:s8], [sflag:$0x1], $0x80, $0x38;
	[tilespmem:$0xA000] =	vst v63  }
0x3ef: {  	s15 =	ssub.s32 $0x5DFF, s11;
	s13 =	sadd.s32 s12, s14  }
0x3f0: {  	[hbm4b:s13+s6] =	stream.linear.scatter [tilespmem:s15], [sflag:$0x1], $0x80, $0x38;
	[tilespmem:$0xA000] =	vst v63  }
0x3f1: {  	s17 =	ssub.s32 $0x67FF, s11;
	s18 =	sadd.s32 $0x10, s13  }
0x3f2: {  	[hbm4b:s18+s6] =	stream.linear.scatter [tilespmem:s17], [sflag:$0x1], $0x80, $0x38;
	[tilespmem:$0xA000] =	vst v63  }
0x3f3: {  	s25 =	ssub.s32 $0x71FF, s11;
	s0 =	sadd.s32 $0x20, s13  }
0x3f4: {  	[hbm4b:s0+s6] =	stream.linear.scatter [tilespmem:s25], [sflag:$0x1], $0x80, $0x38;
	[tilespmem:$0xA000] =	vst v63  }
0x3f5: {  	s1 =	ssub.s32 $0x7BFF, s11;
	s2 =	sadd.s32 $0x30, s13  }
0x3f6: {  	[hbm4b:s2+s6] =	stream.linear.scatter [tilespmem:s1], [sflag:$0x1], $0x80, $0x38;
	[tilespmem:$0xA000] =	vst v63  }
0x3f7: {  	s4 =	ssub.s32 $0x85FF, s11;
	s5 =	sadd.s32 $0x40, s13  }
0x3f8: {  	[hbm4b:s5+s6] =	stream.linear.scatter [tilespmem:s4], [sflag:$0x1], $0x80, $0x38;
	[tilespmem:$0xA000] =	vst v63  }
0x3f9: {  	s7 =	ssub.s32 $0x8FFF, s11;
	s8 =	sadd.s32 $0x50, s13  }
0x3fa: {  	[hbm4b:s8+s6] =	stream.linear.scatter [tilespmem:s7], [sflag:$0x1], $0x80, $0x38;
	[tilespmem:$0xA000] =	vst v63  }
0x3fb: {  	s15 =	ssub.s32 $0x99FF, s11;
	s17 =	sadd.s32 $0x60, s13  }
0x3fc: {  	[hbm4b:s17+s6] =	stream.linear.scatter [tilespmem:s15], [sflag:$0x1], $0x80, $0x38;
	[tilespmem:$0xA000] =	vst v63  }
0x3fd: {  	s18 =	ssub.s32 $0xA3FF, s11;
	s13 =	sadd.s32 $0x70, s13;
	s25 =	rddreg [dreg:$0x16]  }
0x3fe: {  	[hbm4b:s13+s6] =	stream.linear.scatter [tilespmem:s18], [sflag:$0x1], $0x80, $0x38;
	[tilespmem:$0xA000] =	vst v63  }
0x3ff: {  	s0 =	ssub.s32 $0x5E7F, s11;
	s13 =	sadd.s32 s12, s25  }
0x400: {  	[hbm4b:s13+s6] =	stream.linear.scatter [tilespmem:s0], [sflag:$0x1], $0x80, $0x38;
	[tilespmem:$0xA000] =	vst v63  }
0x401: {  	s1 =	ssub.s32 $0x687F, s11;
	s2 =	sadd.s32 $0x10, s13  }
0x402: {  	[hbm4b:s2+s6] =	stream.linear.scatter [tilespmem:s1], [sflag:$0x1], $0x80, $0x38;
	[tilespmem:$0xA000] =	vst v63  }
0x403: {  	s4 =	ssub.s32 $0x727F, s11;
	s5 =	sadd.s32 $0x20, s13  }
0x404: {  	[hbm4b:s5+s6] =	stream.linear.scatter [tilespmem:s4], [sflag:$0x1], $0x80, $0x38;
	[tilespmem:$0xA000] =	vst v63  }
0x405: {  	s7 =	ssub.s32 $0x7C7F, s11;
	s8 =	sadd.s32 $0x30, s13  }
0x406: {  	[hbm4b:s8+s6] =	stream.linear.scatter [tilespmem:s7], [sflag:$0x1], $0x80, $0x38;
	[tilespmem:$0xA000] =	vst v63  }
0x407: {  	s15 =	ssub.s32 $0x867F, s11;
	s17 =	sadd.s32 $0x40, s13  }
0x408: {  	[hbm4b:s17+s6] =	stream.linear.scatter [tilespmem:s15], [sflag:$0x1], $0x80, $0x38;
	[tilespmem:$0xA000] =	vst v63  }
0x409: {  	s18 =	ssub.s32 $0x907F, s11;
	s25 =	sadd.s32 $0x50, s13  }
0x40a: {  	[hbm4b:s25+s6] =	stream.linear.scatter [tilespmem:s18], [sflag:$0x1], $0x80, $0x38;
	[tilespmem:$0xA000] =	vst v63  }
0x40b: {  	s0 =	ssub.s32 $0x9A7F, s11;
	s1 =	sadd.s32 $0x60, s13  }
0x40c: {  	[hbm4b:s1+s6] =	stream.linear.scatter [tilespmem:s0], [sflag:$0x1], $0x80, $0x38;
	[tilespmem:$0xA000] =	vst v63  }
0x40d: {  	s2 =	ssub.s32 $0xA47F, s11;
	s13 =	sadd.s32 $0x70, s13;
	s4 =	rddreg [dreg:$0x17]  }
0x40e: {  	[hbm4b:s13+s6] =	stream.linear.scatter [tilespmem:s2], [sflag:$0x1], $0x80, $0x38;
	[tilespmem:$0xA000] =	vst v63  }
0x40f: {  	s5 =	ssub.s32 $0x5EFF, s11;
	s13 =	sadd.s32 s12, s4  }
0x410: {  	[hbm4b:s13+s6] =	stream.linear.scatter [tilespmem:s5], [sflag:$0x1], $0x80, $0x38;
	[tilespmem:$0xA000] =	vst v63  }
0x411: {  	s7 =	ssub.s32 $0x68FF, s11;
	s8 =	sadd.s32 $0x10, s13  }
0x412: {  	[hbm4b:s8+s6] =	stream.linear.scatter [tilespmem:s7], [sflag:$0x1], $0x80, $0x38;
	[tilespmem:$0xA000] =	vst v63  }
0x413: {  	s17 =	ssub.s32 $0x72FF, s11;
	s18 =	sadd.s32 $0x20, s13  }
0x414: {  	[hbm4b:s18+s6] =	stream.linear.scatter [tilespmem:s17], [sflag:$0x1], $0x80, $0x38;
	[tilespmem:$0xA000] =	vst v63  }
0x415: {  	s25 =	ssub.s32 $0x7CFF, s11;
	s0 =	sadd.s32 $0x30, s13  }
0x416: {  	[hbm4b:s0+s6] =	stream.linear.scatter [tilespmem:s25], [sflag:$0x1], $0x80, $0x38;
	[tilespmem:$0xA000] =	vst v63  }
0x417: {  	s1 =	ssub.s32 $0x86FF, s11;
	s2 =	sadd.s32 $0x40, s13  }
0x418: {  	[hbm4b:s2+s6] =	stream.linear.scatter [tilespmem:s1], [sflag:$0x1], $0x80, $0x38;
	[tilespmem:$0xA000] =	vst v63  }
0x419: {  	s4 =	ssub.s32 $0x90FF, s11;
	s5 =	sadd.s32 $0x50, s13  }
0x41a: {  	[hbm4b:s5+s6] =	stream.linear.scatter [tilespmem:s4], [sflag:$0x1], $0x80, $0x38;
	[tilespmem:$0xA000] =	vst v63  }
0x41b: {  	s7 =	ssub.s32 $0x9AFF, s11;
	s8 =	sadd.s32 $0x60, s13  }
0x41c: {  	[hbm4b:s8+s6] =	stream.linear.scatter [tilespmem:s7], [sflag:$0x1], $0x80, $0x38;
	[tilespmem:$0xA000] =	vst v63  }
0x41d: {  	s15 =	rddreg [dreg:$0x1b];
	s13 =	sadd.s32 $0x70, s13;
	s17 =	ssub.s32 $0xA4FF, s11  }
0x41e: {  	[hbm4b:s13+s6] =	stream.linear.scatter [tilespmem:s17], [sflag:$0x1], $0x80, $0x38;
	[tilespmem:$0xA000] =	vst v63  }
0x41f: {  	s12 =	sadd.s32 s12, s15;
	s18 =	ssub.s32 $0x5F7F, s11  }
0x420: {  	[hbm4b:s12+s6] =	stream.linear.scatter [tilespmem:s18], [sflag:$0x1], $0x80, $0x38;
	[tilespmem:$0xA000] =	vst v63  }
0x421: {  	s25 =	ssub.s32 $0x697F, s11;
	s0 =	sadd.s32 $0x10, s12  }
0x422: {  	[hbm4b:s0+s6] =	stream.linear.scatter [tilespmem:s25], [sflag:$0x1], $0x80, $0x38;
	[tilespmem:$0xA000] =	vst v63  }
0x423: {  	s1 =	ssub.s32 $0x737F, s11;
	s2 =	sadd.s32 $0x20, s12  }
0x424: {  	[hbm4b:s2+s6] =	stream.linear.scatter [tilespmem:s1], [sflag:$0x1], $0x80, $0x38;
	[tilespmem:$0xA000] =	vst v63  }
0x425: {  	s4 =	ssub.s32 $0x7D7F, s11;
	s5 =	sadd.s32 $0x30, s12  }
0x426: {  	[hbm4b:s5+s6] =	stream.linear.scatter [tilespmem:s4], [sflag:$0x1], $0x80, $0x38;
	[tilespmem:$0xA000] =	vst v63  }
0x427: {  	s7 =	ssub.s32 $0x877F, s11;
	s8 =	sadd.s32 $0x40, s12  }
0x428: {  	[hbm4b:s8+s6] =	stream.linear.scatter [tilespmem:s7], [sflag:$0x1], $0x80, $0x38;
	[tilespmem:$0xA000] =	vst v63  }
0x429: {  	s15 =	ssub.s32 $0x917F, s11;
	s17 =	sadd.s32 $0x50, s12  }
0x42a: {  	[hbm4b:s17+s6] =	stream.linear.scatter [tilespmem:s15], [sflag:$0x1], $0x80, $0x38;
	[tilespmem:$0xA000] =	vst v63  }
0x42b: {  	s18 =	ssub.s32 $0x9B7F, s11;
	s25 =	sadd.s32 $0x60, s12  }
0x42c: {  	[hbm4b:s25+s6] =	stream.linear.scatter [tilespmem:s18], [sflag:$0x1], $0x80, $0x38;
	[tilespmem:$0xA000] =	vst v63  }
0x42d: {  	s11 =	ssub.s32 $0xA57F, s11;
	s12 =	sadd.s32 $0x70, s12;
	s4 =	rddreg [dreg:$0x19]  }
0x42e: {  	[hbm4b:s12+s6] =	stream.linear.scatter [tilespmem:s11], [sflag:$0x1], $0x80, $0x38;
	[tilespmem:$0xA000] =	vst v63  }
0x42f: {  	s7 =	rddreg [dreg:$0x1a];
	_ =	swait.ge [sflag:s9], $0x400  }
0x430: {  	[sflag:s9] =	ssyncset.done $0x0  }
0x431: {  	[sflag:s9] =	ssyncadd.s32 $0xFFFFFC00  }
0x432: {  	_ =	swait.ge [sflag:s9], $0x400  }
0x433: {  	[sflag:s9] =	ssyncset.done $0x0  }
0x434: {  	[sflag:s9] =	ssyncadd.s32 $0xFFFFFC00  }
0x435: {  	_ =	swait.ge [sflag:s9], $0x400  }
0x436: {  	[sflag:s9] =	ssyncset.done $0x0  }
0x437: {  	[sflag:s9] =	ssyncadd.s32 $0xFFFFFC00  }
0x438: {  	_ =	swait.ge [sflag:s9], $0x400  }
0x439: {  	[sflag:s9] =	ssyncset.done $0x0  }
0x43a: {  	[sflag:s9] =	ssyncadd.s32 $0xFFFFFC00  }
0x43b: {  	_ =	swait.ge [sflag:s9], $0x400  }
0x43c: {  	[sflag:s9] =	ssyncset.done $0x0  }
0x43d: {  	[sflag:s9] =	ssyncadd.s32 $0xFFFFFC00  }
0x43e: {  	_ =	swait.ge [sflag:s9], $0x400  }
0x43f: {  	[sflag:s9] =	ssyncset.done $0x0  }
0x440: {  	[sflag:s9] =	ssyncadd.s32 $0xFFFFFC00  }
0x441: {  	_ =	swait.ge [sflag:s9], $0x400  }
0x442: {  	[sflag:s9] =	ssyncset.done $0x0  }
0x443: {  	[sflag:s9] =	ssyncadd.s32 $0xFFFFFC00  }
0x444: {  	_ =	swait.ge [sflag:s9], $0x400  }
0x445: {  	[sflag:s9] =	ssyncset.done $0x0  }
0x446: {  	[sflag:s9] =	ssyncadd.s32 $0xFFFFFC00  }
0x447: {  	_ =	swait.ge [sflag:s9], $0x400  }
0x448: {  	[sflag:s9] =	ssyncset.done $0x0  }
0x449: {  	[sflag:s9] =	ssyncadd.s32 $0xFFFFFC00  }
0x44a: {  	_ =	swait.ge [sflag:s9], $0x400  }
0x44b: {  	[sflag:s9] =	ssyncset.done $0x0  }
0x44c: {  	[sflag:s9] =	ssyncadd.s32 $0xFFFFFC00  }
0x44d: {  	_ =	swait.ge [sflag:s9], $0x400  }
0x44e: {  	[sflag:s9] =	ssyncset.done $0x0  }
0x44f: {  	[sflag:s9] =	ssyncadd.s32 $0xFFFFFC00  }
0x450: {  	_ =	swait.ge [sflag:s9], $0x400  }
0x451: {  	[sflag:s9] =	ssyncset.done $0x0  }
0x452: {  	[sflag:s9] =	ssyncadd.s32 $0xFFFFFC00  }
0x453: {  	_ =	swait.ge [sflag:s9], $0x400  }
0x454: {  	[sflag:s9] =	ssyncset.done $0x0  }
0x455: {  	[sflag:s9] =	ssyncadd.s32 $0xFFFFFC00  }
0x456: {  	_ =	swait.ge [sflag:s9], $0x400  }
0x457: {  	[sflag:s9] =	ssyncset.done $0x0  }
0x458: {  	[sflag:s9] =	ssyncadd.s32 $0xFFFFFC00  }
0x459: {  	_ =	swait.ge [sflag:s9], $0x400  }
0x45a: {  	[sflag:s9] =	ssyncset.done $0x0  }
0x45b: {  	[sflag:s9] =	ssyncadd.s32 $0xFFFFFC00  }
0x45c: {  	_ =	swait.ge [sflag:s9], $0x400  }
0x45d: {  	[sflag:s9] =	ssyncset.done $0x0  }
0x45e: {  	[sflag:s9] =	ssyncadd.s32 $0xFFFFFC00  }
0x45f: {  	_ =	swait.ge [sflag:s9], $0x400  }
0x460: {  	[sflag:s9] =	ssyncset.done $0x0  }
0x461: {  	[sflag:s9] =	ssyncadd.s32 $0xFFFFFC00  }
0x462: {  	_ =	swait.ge [sflag:s9], $0x400  }
0x463: {  	[sflag:s9] =	ssyncset.done $0x0  }
0x464: {  	[sflag:s9] =	ssyncadd.s32 $0xFFFFFC00  }
0x465: {  	_ =	swait.ge [sflag:s9], $0x400  }
0x466: {  	[sflag:s9] =	ssyncset.done $0x0  }
0x467: {  	[sflag:s9] =	ssyncadd.s32 $0xFFFFFC00  }
0x468: {  	_ =	swait.ge [sflag:s9], $0x400  }
0x469: {  	[sflag:s9] =	ssyncset.done $0x0  }
0x46a: {  	[sflag:s9] =	ssyncadd.s32 $0xFFFFFC00  }
0x46b: {  	_ =	swait.ge [sflag:s9], $0x400  }
0x46c: {  	[sflag:s9] =	ssyncset.done $0x0  }
0x46d: {  	[sflag:s9] =	ssyncadd.s32 $0xFFFFFC00  }
0x46e: {  	_ =	swait.ge [sflag:s9], $0x400  }
0x46f: {  	[sflag:s9] =	ssyncset.done $0x0  }
0x470: {  	[sflag:s9] =	ssyncadd.s32 $0xFFFFFC00  }
0x471: {  	_ =	swait.ge [sflag:s9], $0x400  }
0x472: {  	[sflag:s9] =	ssyncset.done $0x0  }
0x473: {  	[sflag:s9] =	ssyncadd.s32 $0xFFFFFC00  }
0x474: {  	_ =	swait.ge [sflag:s9], $0x400  }
0x475: {  	[sflag:s9] =	ssyncset.done $0x0  }
0x476: {  	[sflag:s9] =	ssyncadd.s32 $0xFFFFFC00  }
0x477: {  	_ =	swait.ge [sflag:s9], $0x400  }
0x478: {  	[sflag:s9] =	ssyncset.done $0x0  }
0x479: {  	[sflag:s9] =	ssyncadd.s32 $0xFFFFFC00  }
0x47a: {  	_ =	swait.ge [sflag:s9], $0x400  }
0x47b: {  	[sflag:s9] =	ssyncset.done $0x0  }
0x47c: {  	[sflag:s9] =	ssyncadd.s32 $0xFFFFFC00  }
0x47d: {  	_ =	swait.ge [sflag:s9], $0x400  }
0x47e: {  	[sflag:s9] =	ssyncset.done $0x0  }
0x47f: {  	[sflag:s9] =	ssyncadd.s32 $0xFFFFFC00  }
0x480: {  	_ =	swait.ge [sflag:s9], $0x400  }
0x481: {  	[sflag:s9] =	ssyncset.done $0x0  }
0x482: {  	[sflag:s9] =	ssyncadd.s32 $0xFFFFFC00  }
0x483: {  	_ =	swait.ge [sflag:s9], $0x400  }
0x484: {  	[sflag:s9] =	ssyncset.done $0x0  }
0x485: {  	[sflag:s9] =	ssyncadd.s32 $0xFFFFFC00  }
0x486: {  	_ =	swait.ge [sflag:s9], $0x400  }
0x487: {  	[sflag:s9] =	ssyncset.done $0x0  }
0x488: {  	[sflag:s9] =	ssyncadd.s32 $0xFFFFFC00  }
0x489: {  	_ =	swait.ge [sflag:s9], $0x400  }
0x48a: {  	[sflag:s9] =	ssyncset.done $0x0  }
0x48b: {  	[sflag:s9] =	ssyncadd.s32 $0xFFFFFC00  }
0x48c: {  	_ =	swait.ge [sflag:s9], $0x400  }
0x48d: {  	[sflag:s9] =	ssyncset.done $0x0  }
0x48e: {  	[sflag:s9] =	ssyncadd.s32 $0xFFFFFC00  }
0x48f: {  	_ =	swait.ge [sflag:s9], $0x400  }
0x490: {  	[sflag:s9] =	ssyncset.done $0x0  }
0x491: {  	[sflag:s9] =	ssyncadd.s32 $0xFFFFFC00  }
0x492: {  	_ =	swait.ge [sflag:s9], $0x400  }
0x493: {  	[sflag:s9] =	ssyncset.done $0x0  }
0x494: {  	[sflag:s9] =	ssyncadd.s32 $0xFFFFFC00  }
0x495: {  	_ =	swait.ge [sflag:s9], $0x400  }
0x496: {  	[sflag:s9] =	ssyncset.done $0x0  }
0x497: {  	[sflag:s9] =	ssyncadd.s32 $0xFFFFFC00  }
0x498: {  	_ =	swait.ge [sflag:s9], $0x400  }
0x499: {  	[sflag:s9] =	ssyncset.done $0x0  }
0x49a: {  	[sflag:s9] =	ssyncadd.s32 $0xFFFFFC00  }
0x49b: {  	_ =	swait.ge [sflag:s9], $0x400  }
0x49c: {  	[sflag:s9] =	ssyncset.done $0x0  }
0x49d: {  	[sflag:s9] =	ssyncadd.s32 $0xFFFFFC00  }
0x49e: {  	_ =	swait.ge [sflag:s9], $0x400  }
0x49f: {  	[sflag:s9] =	ssyncset.done $0x0  }
0x4a0: {  	[sflag:s9] =	ssyncadd.s32 $0xFFFFFC00  }
0x4a1: {  	_ =	swait.ge [sflag:s9], $0x400  }
0x4a2: {  	[sflag:s9] =	ssyncset.done $0x0  }
0x4a3: {  	[sflag:s9] =	ssyncadd.s32 $0xFFFFFC00  }
0x4a4: {  	_ =	swait.ge [sflag:s9], $0x400  }
0x4a5: {  	[sflag:s9] =	ssyncset.done $0x0  }
0x4a6: {  	[sflag:s9] =	ssyncadd.s32 $0xFFFFFC00  }
0x4a7: {  	_ =	swait.ge [sflag:s9], $0x400  }
0x4a8: {  	[sflag:s9] =	ssyncset.done $0x0  }
0x4a9: {  	[sflag:s9] =	ssyncadd.s32 $0xFFFFFC00  }
0x4aa: {  	_ =	swait.ge [sflag:s9], $0x400  }
0x4ab: {  	[sflag:s9] =	ssyncset.done $0x0  }
0x4ac: {  	[sflag:s9] =	ssyncadd.s32 $0xFFFFFC00  }
0x4ad: {  	_ =	swait.ge [sflag:s9], $0x400  }
0x4ae: {  	[sflag:s9] =	ssyncset.done $0x0  }
0x4af: {  	[sflag:s9] =	ssyncadd.s32 $0xFFFFFC00  }
0x4b0: {  	_ =	swait.ge [sflag:s9], $0x400  }
0x4b1: {  	[sflag:s9] =	ssyncset.done $0x0  }
0x4b2: {  	[sflag:s9] =	ssyncadd.s32 $0xFFFFFC00  }
0x4b3: {  	_ =	swait.ge [sflag:s9], $0x400  }
0x4b4: {  	[sflag:s9] =	ssyncset.done $0x0  }
0x4b5: {  	[sflag:s9] =	ssyncadd.s32 $0xFFFFFC00  }
0x4b6: {  	_ =	swait.ge [sflag:s9], $0x400  }
0x4b7: {  	[sflag:s9] =	ssyncset.done $0x0  }
0x4b8: {  	[sflag:s9] =	ssyncadd.s32 $0xFFFFFC00  }
0x4b9: {  	_ =	swait.ge [sflag:s9], $0x400  }
0x4ba: {  	[sflag:s9] =	ssyncset.done $0x0  }
0x4bb: {  	[sflag:s9] =	ssyncadd.s32 $0xFFFFFC00  }
0x4bc: {  	_ =	swait.ge [sflag:s9], $0x400  }
0x4bd: {  	[sflag:s9] =	ssyncset.done $0x0  }
0x4be: {  	[sflag:s9] =	ssyncadd.s32 $0xFFFFFC00  }
0x4bf: {  	_ =	swait.ge [sflag:s9], $0x400  }
0x4c0: {  	[sflag:s9] =	ssyncset.done $0x0  }
0x4c1: {  	[sflag:s9] =	ssyncadd.s32 $0xFFFFFC00  }
0x4c2: {  	_ =	swait.ge [sflag:s9], $0x400  }
0x4c3: {  	[sflag:s9] =	ssyncset.done $0x0  }
0x4c4: {  	[sflag:s9] =	ssyncadd.s32 $0xFFFFFC00  }
0x4c5: {  	_ =	swait.ge [sflag:s9], $0x400  }
0x4c6: {  	[sflag:s9] =	ssyncset.done $0x0  }
0x4c7: {  	[sflag:s9] =	ssyncadd.s32 $0xFFFFFC00  }
0x4c8: {  	_ =	swait.ge [sflag:s9], $0x400  }
0x4c9: {  	[sflag:s9] =	ssyncset.done $0x0  }
0x4ca: {  	[sflag:s9] =	ssyncadd.s32 $0xFFFFFC00  }
0x4cb: {  	_ =	swait.ge [sflag:s9], $0x400  }
0x4cc: {  	[sflag:s9] =	ssyncset.done $0x0  }
0x4cd: {  	[sflag:s9] =	ssyncadd.s32 $0xFFFFFC00  }
0x4ce: {  	_ =	swait.ge [sflag:s9], $0x400  }
0x4cf: {  	[sflag:s9] =	ssyncset.done $0x0  }
0x4d0: {  	[sflag:s9] =	ssyncadd.s32 $0xFFFFFC00  }
0x4d1: {  	_ =	swait.ge [sflag:s9], $0x400  }
0x4d2: {  	[sflag:s9] =	ssyncset.done $0x0  }
0x4d3: {  	[sflag:s9] =	ssyncadd.s32 $0xFFFFFC00  }
0x4d4: {  	_ =	swait.ge [sflag:s9], $0x400  }
0x4d5: {  	[sflag:s9] =	ssyncset.done $0x0  }
0x4d6: {  	[sflag:s9] =	ssyncadd.s32 $0xFFFFFC00  }
0x4d7: {  	_ =	swait.ge [sflag:s9], $0x400  }
0x4d8: {  	[sflag:s9] =	ssyncset.done $0x0  }
0x4d9: {  	[sflag:s9] =	ssyncadd.s32 $0xFFFFFC00  }
0x4da: {  	_ =	swait.ge [sflag:s9], $0x400  }
0x4db: {  	[sflag:s9] =	ssyncset.done $0x0  }
0x4dc: {  	[sflag:s9] =	ssyncadd.s32 $0xFFFFFC00  }
0x4dd: {  	_ =	swait.ge [sflag:s9], $0x400  }
0x4de: {  	[sflag:s9] =	ssyncset.done $0x0  }
0x4df: {  	[sflag:s9] =	ssyncadd.s32 $0xFFFFFC00  }
0x4e0: {  	_ =	swait.ge [sflag:s9], $0x400  }
0x4e1: {  	[sflag:s9] =	ssyncset.done $0x0  }
0x4e2: {  	[sflag:s9] =	ssyncadd.s32 $0xFFFFFC00  }
0x4e3: {  	_ =	swait.ge [sflag:s9], $0x400  }
0x4e4: {  	[sflag:s9] =	ssyncset.done $0x0  }
0x4e5: {  	[sflag:s9] =	ssyncadd.s32 $0xFFFFFC00  }
0x4e6: {  	_ =	swait.ge [sflag:s9], $0x400  }
0x4e7: {  	[sflag:s9] =	ssyncset.done $0x0  }
0x4e8: {  	[sflag:s9] =	ssyncadd.s32 $0xFFFFFC00  }
0x4e9: {  	p0 =	sne.s32 s10, $0x1F;
	_ =	swait.ge [sflag:s9], $0x400  }
.Ltmp0:
0x4ea: {  	[sflag:s9] =	ssyncset.done $0x0;
	(pc) =	sbr.rel @p0 .LBB2_2-.Ltmp0, $4  }
0x4eb: {  	[sflag:s9] =	ssyncadd.s32 $0xFFFFFC00  }
0x4ec: {  	_ =	swait.ge [sflag:s9], $0x400  }
0x4ed: {  	[sflag:s9] =	ssyncset.done $0x0  }
0x4ee: {  	s10 =	sadd.s32 $0x1, s10;
	[sflag:s9] =	ssyncadd.s32 $0xFFFFFC00  }
0x4ef: {  	s1 =	rddreg [dreg:$0x18]  }
0x4f0: {  	s0 =	rddreg [dreg:$0xa];
	s1 =	sadd.s32 $0x1, s1  }
0x4f1: {  	p0 =	sne.s32 s1, s0  }
.Ltmp1:
0x4f2: {  	_ = 	snop;
	(pc) =	sbr.rel @p0 .LBB2_1-.Ltmp1, $1  }
0x4f3: {  	_ =	sdelay $0x3  }
0x4f4: {  	_ =	sfence.sel $0x180000  }
0x4f5: {  	[bflag:$0x0] =	sbarrier.arrive $0xFFFF  }
0x4f6: {  	_ =	strace $0x90000047  }
0x4f7: {  	s0 =	stileid.u32;
	[bflag:$0x2] =	sbarrier.arrive $0xFFFF  }
0x4f8: {  	p0 =	sne.s32 s0, $0x0;
	s0 =	rddreg [dreg:$0x2]  }
0x4f9: {  	s0 =	sadd.s32 @!p0 $0x100000, s0  }
0x4fa: {  	[sflag:s0] =	ssyncadd.tile.s32 @!p0 $0x1;
	_ =	shalt  }
.Lfunc_end2:
_tile_overlayer_lowered:
.L_overlay_start_2:
0x4fb: {  	(tag) =	ssettag $0x2  }
0x4fc: {  	s0 =	rddreg [dreg:$0x0];
	s2 =	stileid.u32  }
0x4fd: {  	s1 =	rddreg [dreg:$0x1];
	p0 =	sne.s32 s2, $0x0  }
0x4fe: {  	s3 =	rddreg [dreg:$0x2];
	[bflag:$0x3] =	sbarrier.arrive $0xFFFF;
	s2 =	simm.s32 @!p0 $0x1C02  }
0x4ff: {  	[timem:s3], [sflag:s2] =	dma.local @!p0 [hbm:s0], s1  }
0x500: {  	s0 =	simm.s32 @!p0 $0x2  }
0x501: {  	_ =	swait.ge @!p0 [sflag:s0], s1  }
0x502: {  	s1 =	ssub.s32 @!p0 $0x0, s1;
	[sflag:s0] =	ssyncset.done @!p0 $0x0  }
0x503: {  	[sflag:s0] =	ssyncadd.s32 @!p0 s1  }
0x504: {  	[bflag:$0x3] =	sbarrier.arrive $0xFFFF  }
0x505: {  	_ =	shalt  }

</sc_bundles>
